<compile_context>
chip_gen: v7x
topology: tpu7x:2x2x1
jax: 0.10.2.dev20260603
libtpu: 0.0.44.dev20260713+nightly
codegen_flags: <defaults>
</compile_context>

<pallas_src>
import functools

import jax
import jax.numpy as jnp
from jax import lax
from jax.experimental import pallas as pl
from jax.experimental.pallas import tpu as pltpu
from jax.experimental.pallas import tpu_sc as plsc

L = 16
NW = 32
B = 16384
D = 64
BPW = B // NW
V = 1000000
BLK = 128
NBLK = (V + BLK - 1) // BLK
PHYS_COLS = NBLK * BLK
RB = 2
RW = RB * BLK
RSH = 8
NR = 123
NRP = 128
NBUF = 4
LAST_BASE = PHYS_COLS - RW
SR = 16
WLSZ = B + L
SENT = 1 << 29

_mesh = plsc.VectorSubcoreMesh(core_axis_name="c", subcore_axis_name="s")


def _iota():
    return lax.broadcasted_iota(jnp.int32, (L,), 0)


def _lane(vec, lane):
    idx = jnp.full((L,), lane, jnp.int32)
    dnums = lax.GatherDimensionNumbers(
        offset_dims=(), collapsed_slice_dims=(0,), start_index_map=(0,))
    g = lax.gather(vec, idx[:, None], dnums, (1,),
                   mode=lax.GatherScatterMode.PROMISE_IN_BOUNDS)
    return g[0]


@functools.partial(
    pl.kernel,
    out_type=(
        jax.ShapeDtypeStruct((B * D,), jnp.float32),
        jax.ShapeDtypeStruct((B * D,), jnp.float32),
    ),
    mesh=_mesh,
    compiler_params=pltpu.CompilerParams(needs_layout_passes=False),
    scratch_types=[
        pltpu.VMEM((2048,), jnp.int32),
        pltpu.VMEM((WLSZ,), jnp.int32),
        pltpu.VMEM((WLSZ,), jnp.int32),
        pltpu.VMEM((NRP,), jnp.int32),
        pltpu.VMEM((NRP,), jnp.int32),
        pltpu.VMEM((NRP,), jnp.int32),
        pltpu.VMEM((D, RW), jnp.float32),
        pltpu.VMEM((D, RW), jnp.float32),
        pltpu.VMEM((D, RW), jnp.float32),
        pltpu.VMEM((D, RW), jnp.float32),
        pltpu.VMEM((SR, D), jnp.float32),
        pltpu.SemaphoreType.DMA,
        pltpu.SemaphoreType.DMA,
        pltpu.SemaphoreType.DMA,
        pltpu.SemaphoreType.DMA,
        pltpu.SemaphoreType.DMA,
        pltpu.SemaphoreType.DMA,
    ],
)
def _mf_stream_extract(users_hbm, items_hbm, utT_hbm, itT_hbm,
                       uflat_hbm, iflat_hbm,
                       chunk, wl, wl2, counts, starts, cur,
                       buf0, buf1, buf2, buf3, stage,
                       sem0, sem1, sem2, sem3, semX, semC):
    bufs = (buf0, buf1, buf2, buf3)
    sems = (sem0, sem1, sem2, sem3)

    def drain_one(i, carry):
        pltpu.make_async_copy(
            uflat_hbm.at[pl.ds(0, D)], stage.at[0], semX).wait()
        return carry
    wid = lax.axis_index("s") * 2 + lax.axis_index("c")
    c0 = 244 * wid + jnp.minimum(wid, 5)
    nb = jnp.where(wid < 5, 245, 244)
    lo_k = c0 * BLK
    hi_k = (c0 + nb) * BLK

    def build_wl(src_hbm):
        for i in range(NRP // L):
            counts[pl.ds(i * L, L)] = jnp.zeros((L,), jnp.int32)

        def chunk_body(s, cnt):
            pltpu.async_copy(src_hbm.at[pl.ds(s * 2048, 2048)], chunk,
                             semC).wait()
            def vec_body(v, cnt):
                kv = chunk[pl.ds(v * L, L)]
                bv = (s * 2048 + v * L) + _iota()
                m = (kv >= lo_k) & (kv < hi_k)
                pack = ((kv - lo_k) << 14) | bv
                cs = plsc.cumsum(m.astype(jnp.int32))
                pos = jnp.maximum(cnt + cs - 1, 0)
                plsc.store_scatter(wl, [pos], pack, mask=m)
                rv = jnp.clip((kv - lo_k) >> RSH, 0, NRP - 1)
                plsc.addupdate_scatter(counts, [rv],
                                       jnp.ones((L,), jnp.int32), mask=m)
                return cnt + cs[L - 1]
            return lax.fori_loop(0, 2048 // L, vec_body, cnt)
        return lax.fori_loop(0, B // 2048, chunk_body, jnp.int32(0))

    def bucketize(cnt):
        carry = jnp.int32(0)
        for i in range(NRP // L):
            c = counts[pl.ds(i * L, L)]
            cs = plsc.cumsum(c)
            sv = cs - c + carry
            starts[pl.ds(i * L, L)] = sv
            cur[pl.ds(i * L, L)] = sv
            carry = carry + cs[L - 1]

        def place(j, _):
            mv = (j * L + _iota()) < cnt
            wv = wl[pl.ds(j * L, L)]
            rv = jnp.clip((wv >> 14) >> RSH, 0, NRP - 1)
            dup, _last = plsc.scan_count(rv, mask=mv)
            basev = plsc.load_gather(cur, [rv])
            plsc.store_scatter(wl2, [basev + dup - 1], wv, mask=mv)
            plsc.addupdate_scatter(cur, [rv],
                                   jnp.ones((L,), jnp.int32), mask=mv)
            return 0
        lax.fori_loop(0, (cnt + L - 1) // L, place, 0)

    def issue(src_hbm, r, buf, sem):
        base_k = jnp.minimum((c0 + RB * r) * BLK, LAST_BASE)
        base_k = pl.multiple_of(base_k, BLK)
        return pltpu.async_copy(src_hbm.at[:, pl.ds(base_k, RW)], buf, sem)

    def pass_table(src_hbm, dst_hbm, cnt):

        def process_round(r, buf, sem, h):
            pltpu.make_async_copy(src_hbm.at[:, pl.ds(0, RW)], buf, sem).wait()
            r_lo = (c0 + RB * r) * BLK
            base_k = jnp.minimum(r_lo, LAST_BASE)
            g = plsc.load_gather(starts, [r + jnp.minimum(_iota(), 1)])
            s_r = g[0]
            e_r = g[1]

            def seg_cond(state):
                t, _ = state
                return t < e_r

            def seg_body(state):
                t, h = state
                wv = plsc.load_gather(wl2, [t + _iota()])
                m = (t + _iota()) < e_r

                def hit_cond(state):
                    m, _ = state
                    return jnp.any(m)

                def hit_body(state):
                    m, h = state
                    l_vec = plsc.all_reduce_ffs(m)
                    pk = _lane(wv, l_vec[0])
                    kg_s = (pk >> 14) + lo_k
                    b_s = pk & (B - 1)
                    colw = kg_s - base_k
                    hmod = h % SR
                    cvec = jnp.full((L,), colw, jnp.int32)
                    for dc in range(D // L):
                        g = plsc.load_gather(
                            buf, [dc * L + _iota(), cvec])
                        stage[hmod, pl.ds(dc * L, L)] = g
                    off = pl.multiple_of(b_s * D, 8)
                    pltpu.async_copy(stage.at[hmod],
                                     dst_hbm.at[pl.ds(off, D)], semX)
                    @pl.when((h + 1) % SR == 0)
                    def _():
                        lax.fori_loop(0, SR, drain_one, 0)
                    return m & (_iota() != l_vec), h + 1

                m, h = lax.while_loop(hit_cond, hit_body, (m, h))
                return t + L, h

            _, h = lax.while_loop(seg_cond, seg_body, (s_r, h))
            return h

        for par in range(NBUF):
            issue(src_hbm, par, bufs[par], sems[par])

        def group_body(rr, h):
            for par in range(NBUF):
                r = rr * NBUF + par
                h = lax.cond(
                    r < NR,
                    lambda h, r=r, par=par: process_round(
                        r, bufs[par], sems[par], h),
                    lambda h: h,
                    h,
                )

                @pl.when(r + NBUF < NR)
                def _(r=r, par=par):
                    issue(src_hbm, r + NBUF, bufs[par], sems[par])
            return h

        h = lax.fori_loop(0, (NR + NBUF - 1) // NBUF, group_body, jnp.int32(0))
        lax.fori_loop(0, h % SR, drain_one, 0)

    cnt_u = build_wl(users_hbm)
    bucketize(cnt_u)
    pass_table(utT_hbm, uflat_hbm, cnt_u)
    cnt_i = build_wl(items_hbm)
    bucketize(cnt_i)
    pass_table(itT_hbm, iflat_hbm, cnt_i)


@functools.partial(
    pl.kernel,
    out_type=jax.ShapeDtypeStruct((B,), jnp.float32),
    mesh=_mesh,
    compiler_params=pltpu.CompilerParams(needs_layout_passes=False),
    scratch_types=[
        pltpu.VMEM((BPW * D,), jnp.float32),
        pltpu.VMEM((BPW * D,), jnp.float32),
        pltpu.VMEM((BPW,), jnp.float32),
        pltpu.SemaphoreType.DMA,
        pltpu.SemaphoreType.DMA,
    ],
)
def _mf_dot(uflat_hbm, iflat_hbm, out_hbm, uv, iv, out_v, semU, semI):
    wid = lax.axis_index("s") * 2 + lax.axis_index("c")
    base = wid * BPW
    cu = pltpu.async_copy(uflat_hbm.at[pl.ds(base * D, BPW * D)], uv, semU)
    ci = pltpu.async_copy(iflat_hbm.at[pl.ds(base * D, BPW * D)], iv, semI)
    cu.wait()
    ci.wait()
    def b_body(b, _):
        acc = jnp.zeros((L,), jnp.float32)
        for j in range(D // L):
            u = uv[pl.ds(b * D + j * L, L)]
            i = iv[pl.ds(b * D + j * L, L)]
            acc = acc + u * i
        cs = plsc.cumsum(acc)
        plsc.store_scatter(out_v, [jnp.full((L,), b, jnp.int32)],
                           jnp.full((L,), cs[L - 1], jnp.float32),
                           mask=_iota() == 0)
        return 0

    lax.fori_loop(0, BPW, b_body, 0)
    pltpu.sync_copy(out_v, out_hbm.at[pl.ds(base, BPW)])


def kernel(users, items, user_table, item_table):
    u = users.astype(jnp.int32)
    i = items.astype(jnp.int32)
    u_flat, i_flat = _mf_stream_extract(u, i, user_table.T, item_table.T)
    return _mf_dot(u_flat, i_flat)

# --- scband reference (transcript-rebuilt; emitter-appended) ---
"""Pipeline reference for scband-mf-23003844837667 (READ-ONLY COPY).

The authoritative reference and input builder live on the scoring server;
editing this copy changes nothing except your own understanding.
"""

import jax, jax.numpy as jnp
import numpy as np

NUM_USERS = 1000000
NUM_ITEMS = 1000000
LATENT_DIM = 64
BATCH = 16384

def setup_inputs(seed: int = 0) -> dict:
    key = jax.random.key(seed)
    k_u, k_i, k_uw, k_iw = jax.random.split(key, 4)
    users = jax.random.randint(k_u, (BATCH,), 0, NUM_USERS, dtype=jnp.int64 if jax.config.read('jax_enable_x64') else jnp.int32)
    items = jax.random.randint(k_i, (BATCH,), 0, NUM_ITEMS, dtype=jnp.int64 if jax.config.read('jax_enable_x64') else jnp.int32)
    user_table = jax.random.normal(k_uw, (NUM_USERS, LATENT_DIM), dtype=jnp.float32) * 0.1
    item_table = jax.random.normal(k_iw, (NUM_ITEMS, LATENT_DIM), dtype=jnp.float32) * 0.1
    return {"users": users, "items": items, "user_table": user_table, "item_table": item_table}

def reference(users, items, user_table, item_table):
    # MF.forward: computer() is identity split of concatenated tables,
    # so all_users == user_table, all_items == item_table.
    users_emb = jnp.take(user_table, users, axis=0)
    items_emb = jnp.take(item_table, items, axis=0)
    inner_pro = users_emb * items_emb
    mul = jnp.sum(inner_pro, axis=1)
    return mul

if __name__ == "__main__":
    import jax
    _d = setup_inputs()
    print(jax.jit(kernel)(*tuple(_d.values())))

</pallas_src>

<mosaic_0001>
#map = affine_map<(d0, d1) -> (0)>
#map1 = affine_map<(d0, d1) -> (0, 0)>
module attributes {stable_mosaic.version = 14 : i64} {
  func.func @_mf_stream_extract(%arg0: i32, %arg1: i32, %arg2: memref<16384xi32, #tpu.memory_space<hbm>>, %arg3: memref<16384xi32, #tpu.memory_space<hbm>>, %arg4: memref<64x1000000xf32, #tpu.memory_space<hbm>>, %arg5: memref<64x1000000xf32, #tpu.memory_space<hbm>>, %arg6: memref<1048576xf32, #tpu.memory_space<hbm>>, %arg7: memref<1048576xf32, #tpu.memory_space<hbm>>, %arg8: memref<2048xi32, #tpu.memory_space<vmem>>, %arg9: memref<16400xi32, #tpu.memory_space<vmem>>, %arg10: memref<16400xi32, #tpu.memory_space<vmem>>, %arg11: memref<128xi32, #tpu.memory_space<vmem>>, %arg12: memref<128xi32, #tpu.memory_space<vmem>>, %arg13: memref<128xi32, #tpu.memory_space<vmem>>, %arg14: memref<64x256xf32, #tpu.memory_space<vmem>>, %arg15: memref<64x256xf32, #tpu.memory_space<vmem>>, %arg16: memref<64x256xf32, #tpu.memory_space<vmem>>, %arg17: memref<64x256xf32, #tpu.memory_space<vmem>>, %arg18: memref<16x64xf32, #tpu.memory_space<vmem>>, %arg19: memref<!tpu.dma_semaphore, #tpu.memory_space<semaphore_mem>>, %arg20: memref<!tpu.dma_semaphore, #tpu.memory_space<semaphore_mem>>, %arg21: memref<!tpu.dma_semaphore, #tpu.memory_space<semaphore_mem>>, %arg22: memref<!tpu.dma_semaphore, #tpu.memory_space<semaphore_mem>>, %arg23: memref<!tpu.dma_semaphore, #tpu.memory_space<semaphore_mem>>, %arg24: memref<!tpu.dma_semaphore, #tpu.memory_space<semaphore_mem>>) attributes {dimension_semantics = [#tpu.dimension_semantics<core_parallel>, #tpu.dimension_semantics<subcore_parallel>], iteration_bounds = array<i64: 2, 16>, scalar_prefetch = 0 : i64, scratch_operands = 17 : i64, tpu.core_type = #tpu.core_type<sc_vector_subcore>, window_params = [{transform_indices = #map}, {transform_indices = #map}, {transform_indices = #map1}, {transform_indices = #map1}, {transform_indices = #map}, {transform_indices = #map}]} {
    %mul3A = arith.constant 2 : i32
    %mul3A_0 = arith.muli %arg1, %mul3A : i32
    %add3A = arith.addi %mul3A_0, %arg0 : i32
    %mul3A_1 = arith.constant 244 : i32
    %mul3A_2 = arith.muli %mul3A_1, %add3A : i32
    %min3A = arith.constant 5 : i32
    %min3A_3 = arith.minsi %add3A, %min3A : i32
    %add3A_4 = arith.addi %mul3A_2, %min3A_3 : i32
    %lt3A = arith.constant 5 : i32
    %lt3A_5 = arith.cmpi slt, %add3A, %lt3A : i32
    %jit3A = arith.constant 245 : i32
    %jit3A_6 = arith.constant 244 : i32
    %select_n3A = arith.select %lt3A_5, %jit3A, %jit3A_6 : i32
    %mul3A_7 = arith.constant 128 : i32
    %mul3A_8 = arith.muli %add3A_4, %mul3A_7 : i32
    %add3A_9 = arith.addi %add3A_4, %select_n3A : i32
    %mul3A_10 = arith.constant 128 : i32
    %mul3A_11 = arith.muli %add3A_9, %mul3A_10 : i32
    %broadcast_in_dim3A = arith.constant 0 : i32
    %broadcast_in_dim3A_12 = vector.broadcast %broadcast_in_dim3A : i32 to vector<16xi32>
    %swap3A = arith.constant 0 : index
    %swap3A_13 = tpu.vector_load %arg11[%swap3A] {strides = array<i32>} : memref<128xi32, #tpu.memory_space<vmem>>, vector<16xi32>,
    tpu.vector_store %arg11[%swap3A], %broadcast_in_dim3A_12 {strides = array<i32>} : memref<128xi32, #tpu.memory_space<vmem>>, vector<16xi32>,
    %broadcast_in_dim3A_14 = arith.constant 0 : i32
    %broadcast_in_dim3A_15 = vector.broadcast %broadcast_in_dim3A_14 : i32 to vector<16xi32>
    %swap3A_16 = arith.constant 16 : index
    %swap3A_17 = tpu.vector_load %arg11[%swap3A_16] {strides = array<i32>} : memref<128xi32, #tpu.memory_space<vmem>>, vector<16xi32>,
    tpu.vector_store %arg11[%swap3A_16], %broadcast_in_dim3A_15 {strides = array<i32>} : memref<128xi32, #tpu.memory_space<vmem>>, vector<16xi32>,
    %broadcast_in_dim3A_18 = arith.constant 0 : i32
    %broadcast_in_dim3A_19 = vector.broadcast %broadcast_in_dim3A_18 : i32 to vector<16xi32>
    %swap3A_20 = arith.constant 32 : index
    %swap3A_21 = tpu.vector_load %arg11[%swap3A_20] {strides = array<i32>} : memref<128xi32, #tpu.memory_space<vmem>>, vector<16xi32>,
    tpu.vector_store %arg11[%swap3A_20], %broadcast_in_dim3A_19 {strides = array<i32>} : memref<128xi32, #tpu.memory_space<vmem>>, vector<16xi32>,
    %broadcast_in_dim3A_22 = arith.constant 0 : i32
    %broadcast_in_dim3A_23 = vector.broadcast %broadcast_in_dim3A_22 : i32 to vector<16xi32>
    %swap3A_24 = arith.constant 48 : index
    %swap3A_25 = tpu.vector_load %arg11[%swap3A_24] {strides = array<i32>} : memref<128xi32, #tpu.memory_space<vmem>>, vector<16xi32>,
    tpu.vector_store %arg11[%swap3A_24], %broadcast_in_dim3A_23 {strides = array<i32>} : memref<128xi32, #tpu.memory_space<vmem>>, vector<16xi32>,
    %broadcast_in_dim3A_26 = arith.constant 0 : i32
    %broadcast_in_dim3A_27 = vector.broadcast %broadcast_in_dim3A_26 : i32 to vector<16xi32>
    %swap3A_28 = arith.constant 64 : index
    %swap3A_29 = tpu.vector_load %arg11[%swap3A_28] {strides = array<i32>} : memref<128xi32, #tpu.memory_space<vmem>>, vector<16xi32>,
    tpu.vector_store %arg11[%swap3A_28], %broadcast_in_dim3A_27 {strides = array<i32>} : memref<128xi32, #tpu.memory_space<vmem>>, vector<16xi32>,
    %broadcast_in_dim3A_30 = arith.constant 0 : i32
    %broadcast_in_dim3A_31 = vector.broadcast %broadcast_in_dim3A_30 : i32 to vector<16xi32>
    %swap3A_32 = arith.constant 80 : index
    %swap3A_33 = tpu.vector_load %arg11[%swap3A_32] {strides = array<i32>} : memref<128xi32, #tpu.memory_space<vmem>>, vector<16xi32>,
    tpu.vector_store %arg11[%swap3A_32], %broadcast_in_dim3A_31 {strides = array<i32>} : memref<128xi32, #tpu.memory_space<vmem>>, vector<16xi32>,
    %broadcast_in_dim3A_34 = arith.constant 0 : i32
    %broadcast_in_dim3A_35 = vector.broadcast %broadcast_in_dim3A_34 : i32 to vector<16xi32>
    %swap3A_36 = arith.constant 96 : index
    %swap3A_37 = tpu.vector_load %arg11[%swap3A_36] {strides = array<i32>} : memref<128xi32, #tpu.memory_space<vmem>>, vector<16xi32>,
    tpu.vector_store %arg11[%swap3A_36], %broadcast_in_dim3A_35 {strides = array<i32>} : memref<128xi32, #tpu.memory_space<vmem>>, vector<16xi32>,
    %broadcast_in_dim3A_38 = arith.constant 0 : i32
    %broadcast_in_dim3A_39 = vector.broadcast %broadcast_in_dim3A_38 : i32 to vector<16xi32>
    %swap3A_40 = arith.constant 112 : index
    %swap3A_41 = tpu.vector_load %arg11[%swap3A_40] {strides = array<i32>} : memref<128xi32, #tpu.memory_space<vmem>>, vector<16xi32>,
    tpu.vector_store %arg11[%swap3A_40], %broadcast_in_dim3A_39 {strides = array<i32>} : memref<128xi32, #tpu.memory_space<vmem>>, vector<16xi32>,
    %scan3A = arith.constant 0 : i32
    %scan3A_42 = arith.constant 0 : i32
    %scan3A_43 = arith.constant 8 : i32
    %scan3A_44 = arith.addi %scan3A_42, %scan3A_43 : i32
    %scan3A_45 = arith.constant 1 : i32
    %scan3A_46 = scf.for %scan3A_551 = %scan3A_42 to %scan3A_44 step %scan3A_45 iter_args(%scan3A_552 = %scan3A) -> (i32)  : i32 {
      %mul3A_553 = arith.constant 2048 : i32
      %mul3A_554 = arith.muli %scan3A_551, %mul3A_553 : i32
      %dma_start3A_555 = tpu.memref_slice %arg2[%mul3A_554] : memref<16384xi32, #tpu.memory_space<hbm>> -> memref<2048xi32, #tpu.memory_space<hbm>>
      %dma_start3A_556 = tpu.memref_slice %arg2[%mul3A_554] : memref<16384xi32, #tpu.memory_space<hbm>> -> memref<2048xi32, #tpu.memory_space<hbm>>
      tpu.enqueue_dma source(%dma_start3A_556 : memref<2048xi32, #tpu.memory_space<hbm>>) target(%arg8 : memref<2048xi32, #tpu.memory_space<vmem>>) target_semaphore(%arg24 : memref<!tpu.dma_semaphore, #tpu.memory_space<semaphore_mem>>)
      %dma_wait3A = tpu.memref_slice %arg2[%mul3A_554] : memref<16384xi32, #tpu.memory_space<hbm>> -> memref<2048xi32, #tpu.memory_space<hbm>>
      %dma_wait3A_557 = tpu.memref_slice %arg2[%mul3A_554] : memref<16384xi32, #tpu.memory_space<hbm>> -> memref<2048xi32, #tpu.memory_space<hbm>>
      tpu.wait_dma2 semaphore(%arg24 : memref<!tpu.dma_semaphore, #tpu.memory_space<semaphore_mem>>) src(%dma_wait3A_557 : memref<2048xi32, #tpu.memory_space<hbm>>) dst(%arg8 : memref<2048xi32, #tpu.memory_space<vmem>>)
      %scan3A_558 = arith.constant 0 : i32
      %scan3A_559 = arith.constant 128 : i32
      %scan3A_560 = arith.addi %scan3A_558, %scan3A_559 : i32
      %scan3A_561 = arith.constant 1 : i32
      %scan3A_562 = scf.for %scan3A_564 = %scan3A_558 to %scan3A_560 step %scan3A_561 iter_args(%scan3A_565 = %scan3A_552) -> (i32)  : i32 {
        %mul3A_566 = arith.constant 16 : i32
        %mul3A_567 = arith.muli %scan3A_564, %mul3A_566 : i32
        %get3A_568 = arith.index_cast %mul3A_567 : i32 to index
        %get3A_569 = tpu.vector_load %arg8[%get3A_568] {strides = array<i32>} : memref<2048xi32, #tpu.memory_space<vmem>>, vector<16xi32>,
        %mul3A_570 = arith.constant 2048 : i32
        %mul3A_571 = arith.muli %scan3A_551, %mul3A_570 : i32
        %mul3A_572 = arith.constant 16 : i32
        %mul3A_573 = arith.muli %scan3A_564, %mul3A_572 : i32
        %add3A_574 = arith.addi %mul3A_571, %mul3A_573 : i32
        %iota3A = tpu.iota {dimensions = array<i32: 0>} : vector<16xi32>
        %add3A_575 = vector.broadcast %add3A_574 : i32 to vector<16xi32>
        %add3A_576 = arith.addi %add3A_575, %iota3A : vector<16xi32>
        %ge3A = vector.broadcast %mul3A_8 : i32 to vector<16xi32>
        %ge3A_577 = arith.cmpi sge, %get3A_569, %ge3A : vector<16xi32>
        %lt3A_578 = vector.broadcast %mul3A_11 : i32 to vector<16xi32>
        %lt3A_579 = arith.cmpi slt, %get3A_569, %lt3A_578 : vector<16xi32>
        %and3A_580 = arith.andi %ge3A_577, %lt3A_579 : vector<16xi1>
        %sub3A_581 = vector.broadcast %mul3A_8 : i32 to vector<16xi32>
        %sub3A_582 = arith.subi %get3A_569, %sub3A_581 : vector<16xi32>
        %shift_left3A = arith.constant 14 : i32
        %shift_left3A_583 = vector.broadcast %shift_left3A : i32 to vector<16xi32>
        %shift_left3A_584 = arith.shli %sub3A_582, %shift_left3A_583 : vector<16xi32>
        %or3A = arith.ori %shift_left3A_584, %add3A_576 : vector<16xi32>
        %convert_element_type3A = arith.extui %and3A_580 : vector<16xi1> to vector<16xi32>
        %broadcast_in_dim3A_585 = arith.constant true
        %broadcast_in_dim3A_586 = vector.broadcast %broadcast_in_dim3A_585 : i1 to vector<16xi1>
        %masked_cumsum3A_587 = tpu.scan <sum>, %convert_element_type3A masked %broadcast_in_dim3A_586 : vector<16xi32>, vector<16xi1> -> vector<16xi32>
        %add3A_588 = vector.broadcast %scan3A_565 : i32 to vector<16xi32>
        %add3A_589 = arith.addi %add3A_588, %masked_cumsum3A_587 : vector<16xi32>
        %sub3A_590 = arith.constant 1 : i32
        %sub3A_591 = vector.broadcast %sub3A_590 : i32 to vector<16xi32>
        %sub3A_592 = arith.subi %add3A_589, %sub3A_591 : vector<16xi32>
        %max3A = arith.constant 0 : i32
        %max3A_593 = vector.broadcast %max3A : i32 to vector<16xi32>
        %max3A_594 = arith.maxsi %sub3A_592, %max3A_593 : vector<16xi32>
        tpu.vector_store_idx %arg9[%max3A_594], %or3A masked %and3A_580 : memref<16400xi32, #tpu.memory_space<vmem>>[vector<16xi32>], vector<16xi32>, vector<16xi1>
        %sub3A_595 = vector.broadcast %mul3A_8 : i32 to vector<16xi32>
        %sub3A_596 = arith.subi %get3A_569, %sub3A_595 : vector<16xi32>
        %shift_right_arithmetic3A = arith.constant 8 : i32
        %shift_right_arithmetic3A_597 = vector.broadcast %shift_right_arithmetic3A : i32 to vector<16xi32>
        %shift_right_arithmetic3A_598 = arith.shrsi %sub3A_596, %shift_right_arithmetic3A_597 : vector<16xi32>
        %jit3A_599 = arith.constant 0 : i32
        %jit3A_600 = arith.constant 127 : i32
        %max3A_601 = vector.broadcast %jit3A_599 : i32 to vector<16xi32>
        %max3A_602 = arith.maxsi %max3A_601, %shift_right_arithmetic3A_598 : vector<16xi32>
        %min3A_603 = vector.broadcast %jit3A_600 : i32 to vector<16xi32>
        %min3A_604 = arith.minsi %min3A_603, %max3A_602 : vector<16xi32>
        %broadcast_in_dim3A_605 = arith.constant 1 : i32
        %broadcast_in_dim3A_606 = vector.broadcast %broadcast_in_dim3A_605 : i32 to vector<16xi32>
        tpu.vector_store_idx %arg11[%min3A_604], %broadcast_in_dim3A_606 masked %and3A_580 {add = true} : memref<128xi32, #tpu.memory_space<vmem>>[vector<16xi32>], vector<16xi32>, vector<16xi1>
        %slice3A_607 = vector.extract_strided_slice %masked_cumsum3A_587 {offsets = [15], sizes = [1], strides = [1]} : vector<16xi32> to vector<1xi32>
        %squeeze3A_608 = vector.extract %slice3A_607[0] : i32 from vector<1xi32>
        %add3A_609 = arith.addi %scan3A_565, %squeeze3A_608 : i32
        scf.yield %add3A_609 : i32
      }
      %scan3A_563 = arith.constant 128 : i32
      scf.yield %scan3A_562 : i32
    }
    %scan3A_47 = arith.constant 8 : i32
    %get3A = arith.constant 0 : index
    %get3A_48 = tpu.vector_load %arg11[%get3A] {strides = array<i32>} : memref<128xi32, #tpu.memory_space<vmem>>, vector<16xi32>,
    %broadcast_in_dim3A_49 = arith.constant true
    %broadcast_in_dim3A_50 = vector.broadcast %broadcast_in_dim3A_49 : i1 to vector<16xi1>
    %masked_cumsum3A = tpu.scan <sum>, %get3A_48 masked %broadcast_in_dim3A_50 : vector<16xi32>, vector<16xi1> -> vector<16xi32>
    %sub3A = arith.subi %masked_cumsum3A, %get3A_48 : vector<16xi32>
    %add3A_51 = arith.constant 0 : i32
    %add3A_52 = vector.broadcast %add3A_51 : i32 to vector<16xi32>
    %add3A_53 = arith.addi %sub3A, %add3A_52 : vector<16xi32>
    %swap3A_54 = arith.constant 0 : index
    %swap3A_55 = tpu.vector_load %arg12[%swap3A_54] {strides = array<i32>} : memref<128xi32, #tpu.memory_space<vmem>>, vector<16xi32>,
    tpu.vector_store %arg12[%swap3A_54], %add3A_53 {strides = array<i32>} : memref<128xi32, #tpu.memory_space<vmem>>, vector<16xi32>,
    %swap3A_56 = arith.constant 0 : index
    %swap3A_57 = tpu.vector_load %arg13[%swap3A_56] {strides = array<i32>} : memref<128xi32, #tpu.memory_space<vmem>>, vector<16xi32>,
    tpu.vector_store %arg13[%swap3A_56], %add3A_53 {strides = array<i32>} : memref<128xi32, #tpu.memory_space<vmem>>, vector<16xi32>,
    %slice3A = vector.extract_strided_slice %masked_cumsum3A {offsets = [15], sizes = [1], strides = [1]} : vector<16xi32> to vector<1xi32>
    %squeeze3A = vector.extract %slice3A[0] : i32 from vector<1xi32>
    %add3A_58 = arith.constant 0 : i32
    %add3A_59 = arith.addi %add3A_58, %squeeze3A : i32
    %get3A_60 = arith.constant 16 : index
    %get3A_61 = tpu.vector_load %arg11[%get3A_60] {strides = array<i32>} : memref<128xi32, #tpu.memory_space<vmem>>, vector<16xi32>,
    %broadcast_in_dim3A_62 = arith.constant true
    %broadcast_in_dim3A_63 = vector.broadcast %broadcast_in_dim3A_62 : i1 to vector<16xi1>
    %masked_cumsum3A_64 = tpu.scan <sum>, %get3A_61 masked %broadcast_in_dim3A_63 : vector<16xi32>, vector<16xi1> -> vector<16xi32>
    %sub3A_65 = arith.subi %masked_cumsum3A_64, %get3A_61 : vector<16xi32>
    %add3A_66 = vector.broadcast %add3A_59 : i32 to vector<16xi32>
    %add3A_67 = arith.addi %sub3A_65, %add3A_66 : vector<16xi32>
    %swap3A_68 = arith.constant 16 : index
    %swap3A_69 = tpu.vector_load %arg12[%swap3A_68] {strides = array<i32>} : memref<128xi32, #tpu.memory_space<vmem>>, vector<16xi32>,
    tpu.vector_store %arg12[%swap3A_68], %add3A_67 {strides = array<i32>} : memref<128xi32, #tpu.memory_space<vmem>>, vector<16xi32>,
    %swap3A_70 = arith.constant 16 : index
    %swap3A_71 = tpu.vector_load %arg13[%swap3A_70] {strides = array<i32>} : memref<128xi32, #tpu.memory_space<vmem>>, vector<16xi32>,
    tpu.vector_store %arg13[%swap3A_70], %add3A_67 {strides = array<i32>} : memref<128xi32, #tpu.memory_space<vmem>>, vector<16xi32>,
    %slice3A_72 = vector.extract_strided_slice %masked_cumsum3A_64 {offsets = [15], sizes = [1], strides = [1]} : vector<16xi32> to vector<1xi32>
    %squeeze3A_73 = vector.extract %slice3A_72[0] : i32 from vector<1xi32>
    %add3A_74 = arith.addi %add3A_59, %squeeze3A_73 : i32
    %get3A_75 = arith.constant 32 : index
    %get3A_76 = tpu.vector_load %arg11[%get3A_75] {strides = array<i32>} : memref<128xi32, #tpu.memory_space<vmem>>, vector<16xi32>,
    %broadcast_in_dim3A_77 = arith.constant true
    %broadcast_in_dim3A_78 = vector.broadcast %broadcast_in_dim3A_77 : i1 to vector<16xi1>
    %masked_cumsum3A_79 = tpu.scan <sum>, %get3A_76 masked %broadcast_in_dim3A_78 : vector<16xi32>, vector<16xi1> -> vector<16xi32>
    %sub3A_80 = arith.subi %masked_cumsum3A_79, %get3A_76 : vector<16xi32>
    %add3A_81 = vector.broadcast %add3A_74 : i32 to vector<16xi32>
    %add3A_82 = arith.addi %sub3A_80, %add3A_81 : vector<16xi32>
    %swap3A_83 = arith.constant 32 : index
    %swap3A_84 = tpu.vector_load %arg12[%swap3A_83] {strides = array<i32>} : memref<128xi32, #tpu.memory_space<vmem>>, vector<16xi32>,
    tpu.vector_store %arg12[%swap3A_83], %add3A_82 {strides = array<i32>} : memref<128xi32, #tpu.memory_space<vmem>>, vector<16xi32>,
    %swap3A_85 = arith.constant 32 : index
    %swap3A_86 = tpu.vector_load %arg13[%swap3A_85] {strides = array<i32>} : memref<128xi32, #tpu.memory_space<vmem>>, vector<16xi32>,
    tpu.vector_store %arg13[%swap3A_85], %add3A_82 {strides = array<i32>} : memref<128xi32, #tpu.memory_space<vmem>>, vector<16xi32>,
    %slice3A_87 = vector.extract_strided_slice %masked_cumsum3A_79 {offsets = [15], sizes = [1], strides = [1]} : vector<16xi32> to vector<1xi32>
    %squeeze3A_88 = vector.extract %slice3A_87[0] : i32 from vector<1xi32>
    %add3A_89 = arith.addi %add3A_74, %squeeze3A_88 : i32
    %get3A_90 = arith.constant 48 : index
    %get3A_91 = tpu.vector_load %arg11[%get3A_90] {strides = array<i32>} : memref<128xi32, #tpu.memory_space<vmem>>, vector<16xi32>,
    %broadcast_in_dim3A_92 = arith.constant true
    %broadcast_in_dim3A_93 = vector.broadcast %broadcast_in_dim3A_92 : i1 to vector<16xi1>
    %masked_cumsum3A_94 = tpu.scan <sum>, %get3A_91 masked %broadcast_in_dim3A_93 : vector<16xi32>, vector<16xi1> -> vector<16xi32>
    %sub3A_95 = arith.subi %masked_cumsum3A_94, %get3A_91 : vector<16xi32>
    %add3A_96 = vector.broadcast %add3A_89 : i32 to vector<16xi32>
    %add3A_97 = arith.addi %sub3A_95, %add3A_96 : vector<16xi32>
    %swap3A_98 = arith.constant 48 : index
    %swap3A_99 = tpu.vector_load %arg12[%swap3A_98] {strides = array<i32>} : memref<128xi32, #tpu.memory_space<vmem>>, vector<16xi32>,
    tpu.vector_store %arg12[%swap3A_98], %add3A_97 {strides = array<i32>} : memref<128xi32, #tpu.memory_space<vmem>>, vector<16xi32>,
    %swap3A_100 = arith.constant 48 : index
    %swap3A_101 = tpu.vector_load %arg13[%swap3A_100] {strides = array<i32>} : memref<128xi32, #tpu.memory_space<vmem>>, vector<16xi32>,
    tpu.vector_store %arg13[%swap3A_100], %add3A_97 {strides = array<i32>} : memref<128xi32, #tpu.memory_space<vmem>>, vector<16xi32>,
    %slice3A_102 = vector.extract_strided_slice %masked_cumsum3A_94 {offsets = [15], sizes = [1], strides = [1]} : vector<16xi32> to vector<1xi32>
    %squeeze3A_103 = vector.extract %slice3A_102[0] : i32 from vector<1xi32>
    %add3A_104 = arith.addi %add3A_89, %squeeze3A_103 : i32
    %get3A_105 = arith.constant 64 : index
    %get3A_106 = tpu.vector_load %arg11[%get3A_105] {strides = array<i32>} : memref<128xi32, #tpu.memory_space<vmem>>, vector<16xi32>,
    %broadcast_in_dim3A_107 = arith.constant true
    %broadcast_in_dim3A_108 = vector.broadcast %broadcast_in_dim3A_107 : i1 to vector<16xi1>
    %masked_cumsum3A_109 = tpu.scan <sum>, %get3A_106 masked %broadcast_in_dim3A_108 : vector<16xi32>, vector<16xi1> -> vector<16xi32>
    %sub3A_110 = arith.subi %masked_cumsum3A_109, %get3A_106 : vector<16xi32>
    %add3A_111 = vector.broadcast %add3A_104 : i32 to vector<16xi32>
    %add3A_112 = arith.addi %sub3A_110, %add3A_111 : vector<16xi32>
    %swap3A_113 = arith.constant 64 : index
    %swap3A_114 = tpu.vector_load %arg12[%swap3A_113] {strides = array<i32>} : memref<128xi32, #tpu.memory_space<vmem>>, vector<16xi32>,
    tpu.vector_store %arg12[%swap3A_113], %add3A_112 {strides = array<i32>} : memref<128xi32, #tpu.memory_space<vmem>>, vector<16xi32>,
    %swap3A_115 = arith.constant 64 : index
    %swap3A_116 = tpu.vector_load %arg13[%swap3A_115] {strides = array<i32>} : memref<128xi32, #tpu.memory_space<vmem>>, vector<16xi32>,
    tpu.vector_store %arg13[%swap3A_115], %add3A_112 {strides = array<i32>} : memref<128xi32, #tpu.memory_space<vmem>>, vector<16xi32>,
    %slice3A_117 = vector.extract_strided_slice %masked_cumsum3A_109 {offsets = [15], sizes = [1], strides = [1]} : vector<16xi32> to vector<1xi32>
    %squeeze3A_118 = vector.extract %slice3A_117[0] : i32 from vector<1xi32>
    %add3A_119 = arith.addi %add3A_104, %squeeze3A_118 : i32
    %get3A_120 = arith.constant 80 : index
    %get3A_121 = tpu.vector_load %arg11[%get3A_120] {strides = array<i32>} : memref<128xi32, #tpu.memory_space<vmem>>, vector<16xi32>,
    %broadcast_in_dim3A_122 = arith.constant true
    %broadcast_in_dim3A_123 = vector.broadcast %broadcast_in_dim3A_122 : i1 to vector<16xi1>
    %masked_cumsum3A_124 = tpu.scan <sum>, %get3A_121 masked %broadcast_in_dim3A_123 : vector<16xi32>, vector<16xi1> -> vector<16xi32>
    %sub3A_125 = arith.subi %masked_cumsum3A_124, %get3A_121 : vector<16xi32>
    %add3A_126 = vector.broadcast %add3A_119 : i32 to vector<16xi32>
    %add3A_127 = arith.addi %sub3A_125, %add3A_126 : vector<16xi32>
    %swap3A_128 = arith.constant 80 : index
    %swap3A_129 = tpu.vector_load %arg12[%swap3A_128] {strides = array<i32>} : memref<128xi32, #tpu.memory_space<vmem>>, vector<16xi32>,
    tpu.vector_store %arg12[%swap3A_128], %add3A_127 {strides = array<i32>} : memref<128xi32, #tpu.memory_space<vmem>>, vector<16xi32>,
    %swap3A_130 = arith.constant 80 : index
    %swap3A_131 = tpu.vector_load %arg13[%swap3A_130] {strides = array<i32>} : memref<128xi32, #tpu.memory_space<vmem>>, vector<16xi32>,
    tpu.vector_store %arg13[%swap3A_130], %add3A_127 {strides = array<i32>} : memref<128xi32, #tpu.memory_space<vmem>>, vector<16xi32>,
    %slice3A_132 = vector.extract_strided_slice %masked_cumsum3A_124 {offsets = [15], sizes = [1], strides = [1]} : vector<16xi32> to vector<1xi32>
    %squeeze3A_133 = vector.extract %slice3A_132[0] : i32 from vector<1xi32>
    %add3A_134 = arith.addi %add3A_119, %squeeze3A_133 : i32
    %get3A_135 = arith.constant 96 : index
    %get3A_136 = tpu.vector_load %arg11[%get3A_135] {strides = array<i32>} : memref<128xi32, #tpu.memory_space<vmem>>, vector<16xi32>,
    %broadcast_in_dim3A_137 = arith.constant true
    %broadcast_in_dim3A_138 = vector.broadcast %broadcast_in_dim3A_137 : i1 to vector<16xi1>
    %masked_cumsum3A_139 = tpu.scan <sum>, %get3A_136 masked %broadcast_in_dim3A_138 : vector<16xi32>, vector<16xi1> -> vector<16xi32>
    %sub3A_140 = arith.subi %masked_cumsum3A_139, %get3A_136 : vector<16xi32>
    %add3A_141 = vector.broadcast %add3A_134 : i32 to vector<16xi32>
    %add3A_142 = arith.addi %sub3A_140, %add3A_141 : vector<16xi32>
    %swap3A_143 = arith.constant 96 : index
    %swap3A_144 = tpu.vector_load %arg12[%swap3A_143] {strides = array<i32>} : memref<128xi32, #tpu.memory_space<vmem>>, vector<16xi32>,
    tpu.vector_store %arg12[%swap3A_143], %add3A_142 {strides = array<i32>} : memref<128xi32, #tpu.memory_space<vmem>>, vector<16xi32>,
    %swap3A_145 = arith.constant 96 : index
    %swap3A_146 = tpu.vector_load %arg13[%swap3A_145] {strides = array<i32>} : memref<128xi32, #tpu.memory_space<vmem>>, vector<16xi32>,
    tpu.vector_store %arg13[%swap3A_145], %add3A_142 {strides = array<i32>} : memref<128xi32, #tpu.memory_space<vmem>>, vector<16xi32>,
    %slice3A_147 = vector.extract_strided_slice %masked_cumsum3A_139 {offsets = [15], sizes = [1], strides = [1]} : vector<16xi32> to vector<1xi32>
    %squeeze3A_148 = vector.extract %slice3A_147[0] : i32 from vector<1xi32>
    %add3A_149 = arith.addi %add3A_134, %squeeze3A_148 : i32
    %get3A_150 = arith.constant 112 : index
    %get3A_151 = tpu.vector_load %arg11[%get3A_150] {strides = array<i32>} : memref<128xi32, #tpu.memory_space<vmem>>, vector<16xi32>,
    %broadcast_in_dim3A_152 = arith.constant true
    %broadcast_in_dim3A_153 = vector.broadcast %broadcast_in_dim3A_152 : i1 to vector<16xi1>
    %masked_cumsum3A_154 = tpu.scan <sum>, %get3A_151 masked %broadcast_in_dim3A_153 : vector<16xi32>, vector<16xi1> -> vector<16xi32>
    %sub3A_155 = arith.subi %masked_cumsum3A_154, %get3A_151 : vector<16xi32>
    %add3A_156 = vector.broadcast %add3A_149 : i32 to vector<16xi32>
    %add3A_157 = arith.addi %sub3A_155, %add3A_156 : vector<16xi32>
    %swap3A_158 = arith.constant 112 : index
    %swap3A_159 = tpu.vector_load %arg12[%swap3A_158] {strides = array<i32>} : memref<128xi32, #tpu.memory_space<vmem>>, vector<16xi32>,
    tpu.vector_store %arg12[%swap3A_158], %add3A_157 {strides = array<i32>} : memref<128xi32, #tpu.memory_space<vmem>>, vector<16xi32>,
    %swap3A_160 = arith.constant 112 : index
    %swap3A_161 = tpu.vector_load %arg13[%swap3A_160] {strides = array<i32>} : memref<128xi32, #tpu.memory_space<vmem>>, vector<16xi32>,
    tpu.vector_store %arg13[%swap3A_160], %add3A_157 {strides = array<i32>} : memref<128xi32, #tpu.memory_space<vmem>>, vector<16xi32>,
    %slice3A_162 = vector.extract_strided_slice %masked_cumsum3A_154 {offsets = [15], sizes = [1], strides = [1]} : vector<16xi32> to vector<1xi32>
    %squeeze3A_163 = vector.extract %slice3A_162[0] : i32 from vector<1xi32>
    %add3A_164 = arith.addi %add3A_149, %squeeze3A_163 : i32
    %add3A_165 = arith.constant 16 : i32
    %add3A_166 = arith.addi %scan3A_46, %add3A_165 : i32
    %sub3A_167 = arith.constant 1 : i32
    %sub3A_168 = arith.subi %add3A_166, %sub3A_167 : i32
    %jit3A_169 = arith.constant 16 : i32
    %div3A = arith.divsi %sub3A_168, %jit3A_169 : i32
    %sign3A = arith.constant 0 : i32
    %sign3A_170 = arith.cmpi sgt, %sub3A_168, %sign3A : i32
    %sign3A_171 = arith.extui %sign3A_170 : i1 to i32
    %sign3A_172 = arith.constant 0 : i32
    %sign3A_173 = arith.cmpi slt, %sub3A_168, %sign3A_172 : i32
    %sign3A_174 = arith.extui %sign3A_173 : i1 to i32
    %sign3A_175 = arith.subi %sign3A_171, %sign3A_174 : i32
    %sign3A_176 = arith.constant 0 : i32
    %sign3A_177 = arith.cmpi sgt, %jit3A_169, %sign3A_176 : i32
    %sign3A_178 = arith.extui %sign3A_177 : i1 to i32
    %sign3A_179 = arith.constant 0 : i32
    %sign3A_180 = arith.cmpi slt, %jit3A_169, %sign3A_179 : i32
    %sign3A_181 = arith.extui %sign3A_180 : i1 to i32
    %sign3A_182 = arith.subi %sign3A_178, %sign3A_181 : i32
    %ne3A = arith.cmpi ne, %sign3A_175, %sign3A_182 : i32
    %rem3A = arith.remsi %sub3A_168, %jit3A_169 : i32
    %ne3A_183 = arith.constant 0 : i32
    %ne3A_184 = arith.cmpi ne, %rem3A, %ne3A_183 : i32
    %and3A = arith.andi %ne3A, %ne3A_184 : i1
    %sub3A_185 = arith.constant 1 : i32
    %sub3A_186 = arith.subi %div3A, %sub3A_185 : i32
    %select_n3A_187 = arith.select %and3A, %sub3A_186, %div3A : i32
    %while3A = arith.constant 0 : i32
    %while3A_188 = arith.constant 0 : i32
    %while3A_189 = arith.subi %select_n3A_187, %while3A : i32
    %while3A_190 = arith.addi %while3A, %while3A_189 : i32
    %while3A_191 = arith.constant 1 : i32
    %while3A_192 = arith.divsi %while3A_189, %while3A_191 : i32
    %while3A_193 = arith.muli %while3A_192, %while3A_191 : i32
    %while3A_194 = arith.addi %while3A, %while3A_193 : i32
    %while3A_195 = arith.constant 1 : i32
    %while3A_196 = scf.for %while3A_551 = %while3A to %while3A_194 step %while3A_195 iter_args(%while3A_552 = %while3A_188) -> (i32)  : i32 {
      %mul3A_553 = arith.constant 16 : i32
      %mul3A_554 = arith.muli %while3A_551, %mul3A_553 : i32
      %iota3A = tpu.iota {dimensions = array<i32: 0>} : vector<16xi32>
      %add3A_555 = vector.broadcast %mul3A_554 : i32 to vector<16xi32>
      %add3A_556 = arith.addi %add3A_555, %iota3A : vector<16xi32>
      %lt3A_557 = vector.broadcast %scan3A_46 : i32 to vector<16xi32>
      %lt3A_558 = arith.cmpi slt, %add3A_556, %lt3A_557 : vector<16xi32>
      %mul3A_559 = arith.constant 16 : i32
      %mul3A_560 = arith.muli %while3A_551, %mul3A_559 : i32
      %get3A_561 = arith.index_cast %mul3A_560 : i32 to index
      %get3A_562 = tpu.vector_load %arg9[%get3A_561] {strides = array<i32>} : memref<16400xi32, #tpu.memory_space<vmem>>, vector<16xi32>,
      %shift_right_arithmetic3A = arith.constant 14 : i32
      %shift_right_arithmetic3A_563 = vector.broadcast %shift_right_arithmetic3A : i32 to vector<16xi32>
      %shift_right_arithmetic3A_564 = arith.shrsi %get3A_562, %shift_right_arithmetic3A_563 : vector<16xi32>
      %shift_right_arithmetic3A_565 = arith.constant 8 : i32
      %shift_right_arithmetic3A_566 = vector.broadcast %shift_right_arithmetic3A_565 : i32 to vector<16xi32>
      %shift_right_arithmetic3A_567 = arith.shrsi %shift_right_arithmetic3A_564, %shift_right_arithmetic3A_566 : vector<16xi32>
      %jit3A_568 = arith.constant 0 : i32
      %jit3A_569 = arith.constant 127 : i32
      %max3A = vector.broadcast %jit3A_568 : i32 to vector<16xi32>
      %max3A_570 = arith.maxsi %max3A, %shift_right_arithmetic3A_567 : vector<16xi32>
      %min3A_571 = vector.broadcast %jit3A_569 : i32 to vector<16xi32>
      %min3A_572 = arith.minsi %min3A_571, %max3A_570 : vector<16xi32>
      %unique3A, %unique3A_573 = tpu.scan_count mask(%lt3A_558 : vector<16xi1>) value(%min3A_572 : vector<16xi32>) : vector<16xi1>, vector<16xi32>
      %gather3A = tpu.vector_load_idx %arg13[%min3A_572] : memref<128xi32, #tpu.memory_space<vmem>>[vector<16xi32>], vector<16xi32>,
      %add3A_574 = arith.addi %gather3A, %unique3A_573 : vector<16xi32>
      %sub3A_575 = arith.constant 1 : i32
      %sub3A_576 = vector.broadcast %sub3A_575 : i32 to vector<16xi32>
      %sub3A_577 = arith.subi %add3A_574, %sub3A_576 : vector<16xi32>
      tpu.vector_store_idx %arg10[%sub3A_577], %get3A_562 masked %lt3A_558 : memref<16400xi32, #tpu.memory_space<vmem>>[vector<16xi32>], vector<16xi32>, vector<16xi1>
      %broadcast_in_dim3A_578 = arith.constant 1 : i32
      %broadcast_in_dim3A_579 = vector.broadcast %broadcast_in_dim3A_578 : i32 to vector<16xi32>
      tpu.vector_store_idx %arg13[%min3A_572], %broadcast_in_dim3A_579 masked %lt3A_558 {add = true} : memref<128xi32, #tpu.memory_space<vmem>>[vector<16xi32>], vector<16xi32>, vector<16xi1>
      %while3A_580 = arith.constant 0 : i32
      scf.yield %while3A_580 : i32
    }
    %while3A_197 = arith.constant 1 : i32
    %while3A_198 = scf.for %while3A_551 = %while3A_194 to %while3A_190 step %while3A_197 iter_args(%while3A_552 = %while3A_196) -> (i32)  : i32 {
      %mul3A_553 = arith.constant 16 : i32
      %mul3A_554 = arith.muli %while3A_551, %mul3A_553 : i32
      %iota3A = tpu.iota {dimensions = array<i32: 0>} : vector<16xi32>
      %add3A_555 = vector.broadcast %mul3A_554 : i32 to vector<16xi32>
      %add3A_556 = arith.addi %add3A_555, %iota3A : vector<16xi32>
      %lt3A_557 = vector.broadcast %scan3A_46 : i32 to vector<16xi32>
      %lt3A_558 = arith.cmpi slt, %add3A_556, %lt3A_557 : vector<16xi32>
      %mul3A_559 = arith.constant 16 : i32
      %mul3A_560 = arith.muli %while3A_551, %mul3A_559 : i32
      %get3A_561 = arith.index_cast %mul3A_560 : i32 to index
      %get3A_562 = tpu.vector_load %arg9[%get3A_561] {strides = array<i32>} : memref<16400xi32, #tpu.memory_space<vmem>>, vector<16xi32>,
      %shift_right_arithmetic3A = arith.constant 14 : i32
      %shift_right_arithmetic3A_563 = vector.broadcast %shift_right_arithmetic3A : i32 to vector<16xi32>
      %shift_right_arithmetic3A_564 = arith.shrsi %get3A_562, %shift_right_arithmetic3A_563 : vector<16xi32>
      %shift_right_arithmetic3A_565 = arith.constant 8 : i32
      %shift_right_arithmetic3A_566 = vector.broadcast %shift_right_arithmetic3A_565 : i32 to vector<16xi32>
      %shift_right_arithmetic3A_567 = arith.shrsi %shift_right_arithmetic3A_564, %shift_right_arithmetic3A_566 : vector<16xi32>
      %jit3A_568 = arith.constant 0 : i32
      %jit3A_569 = arith.constant 127 : i32
      %max3A = vector.broadcast %jit3A_568 : i32 to vector<16xi32>
      %max3A_570 = arith.maxsi %max3A, %shift_right_arithmetic3A_567 : vector<16xi32>
      %min3A_571 = vector.broadcast %jit3A_569 : i32 to vector<16xi32>
      %min3A_572 = arith.minsi %min3A_571, %max3A_570 : vector<16xi32>
      %unique3A, %unique3A_573 = tpu.scan_count mask(%lt3A_558 : vector<16xi1>) value(%min3A_572 : vector<16xi32>) : vector<16xi1>, vector<16xi32>
      %gather3A = tpu.vector_load_idx %arg13[%min3A_572] : memref<128xi32, #tpu.memory_space<vmem>>[vector<16xi32>], vector<16xi32>,
      %add3A_574 = arith.addi %gather3A, %unique3A_573 : vector<16xi32>
      %sub3A_575 = arith.constant 1 : i32
      %sub3A_576 = vector.broadcast %sub3A_575 : i32 to vector<16xi32>
      %sub3A_577 = arith.subi %add3A_574, %sub3A_576 : vector<16xi32>
      tpu.vector_store_idx %arg10[%sub3A_577], %get3A_562 masked %lt3A_558 : memref<16400xi32, #tpu.memory_space<vmem>>[vector<16xi32>], vector<16xi32>, vector<16xi1>
      %broadcast_in_dim3A_578 = arith.constant 1 : i32
      %broadcast_in_dim3A_579 = vector.broadcast %broadcast_in_dim3A_578 : i32 to vector<16xi32>
      tpu.vector_store_idx %arg13[%min3A_572], %broadcast_in_dim3A_579 masked %lt3A_558 {add = true} : memref<128xi32, #tpu.memory_space<vmem>>[vector<16xi32>], vector<16xi32>, vector<16xi1>
      %while3A_580 = arith.constant 0 : i32
      scf.yield %while3A_580 : i32
    }
    %add3A_199 = arith.constant 0 : i32
    %add3A_200 = arith.addi %add3A_4, %add3A_199 : i32
    %mul3A_201 = arith.constant 128 : i32
    %mul3A_202 = arith.muli %add3A_200, %mul3A_201 : i32
    %min3A_203 = arith.constant 999808 : i32
    %min3A_204 = arith.minsi %mul3A_202, %min3A_203 : i32
    %multiple_of3A = tpu.assume_multiple %min3A_204, 128 : i32
    %dma_start3A = arith.constant 0 : i32
    %dma_start3A_205 = tpu.memref_slice %arg4[%dma_start3A, %multiple_of3A] : memref<64x1000000xf32, #tpu.memory_space<hbm>> -> memref<64x256xf32, #tpu.memory_space<hbm>>
    %dma_start3A_206 = arith.constant 0 : i32
    %dma_start3A_207 = tpu.memref_slice %arg4[%dma_start3A_206, %multiple_of3A] : memref<64x1000000xf32, #tpu.memory_space<hbm>> -> memref<64x256xf32, #tpu.memory_space<hbm>>
    tpu.enqueue_dma source(%dma_start3A_207 : memref<64x256xf32, #tpu.memory_space<hbm>>) target(%arg14 : memref<64x256xf32, #tpu.memory_space<vmem>>) target_semaphore(%arg19 : memref<!tpu.dma_semaphore, #tpu.memory_space<semaphore_mem>>)
    %add3A_208 = arith.constant 2 : i32
    %add3A_209 = arith.addi %add3A_4, %add3A_208 : i32
    %mul3A_210 = arith.constant 128 : i32
    %mul3A_211 = arith.muli %add3A_209, %mul3A_210 : i32
    %min3A_212 = arith.constant 999808 : i32
    %min3A_213 = arith.minsi %mul3A_211, %min3A_212 : i32
    %multiple_of3A_214 = tpu.assume_multiple %min3A_213, 128 : i32
    %dma_start3A_215 = arith.constant 0 : i32
    %dma_start3A_216 = tpu.memref_slice %arg4[%dma_start3A_215, %multiple_of3A_214] : memref<64x1000000xf32, #tpu.memory_space<hbm>> -> memref<64x256xf32, #tpu.memory_space<hbm>>
    %dma_start3A_217 = arith.constant 0 : i32
    %dma_start3A_218 = tpu.memref_slice %arg4[%dma_start3A_217, %multiple_of3A_214] : memref<64x1000000xf32, #tpu.memory_space<hbm>> -> memref<64x256xf32, #tpu.memory_space<hbm>>
    tpu.enqueue_dma source(%dma_start3A_218 : memref<64x256xf32, #tpu.memory_space<hbm>>) target(%arg15 : memref<64x256xf32, #tpu.memory_space<vmem>>) target_semaphore(%arg20 : memref<!tpu.dma_semaphore, #tpu.memory_space<semaphore_mem>>)
    %add3A_219 = arith.constant 4 : i32
    %add3A_220 = arith.addi %add3A_4, %add3A_219 : i32
    %mul3A_221 = arith.constant 128 : i32
    %mul3A_222 = arith.muli %add3A_220, %mul3A_221 : i32
    %min3A_223 = arith.constant 999808 : i32
    %min3A_224 = arith.minsi %mul3A_222, %min3A_223 : i32
    %multiple_of3A_225 = tpu.assume_multiple %min3A_224, 128 : i32
    %dma_start3A_226 = arith.constant 0 : i32
    %dma_start3A_227 = tpu.memref_slice %arg4[%dma_start3A_226, %multiple_of3A_225] : memref<64x1000000xf32, #tpu.memory_space<hbm>> -> memref<64x256xf32, #tpu.memory_space<hbm>>
    %dma_start3A_228 = arith.constant 0 : i32
    %dma_start3A_229 = tpu.memref_slice %arg4[%dma_start3A_228, %multiple_of3A_225] : memref<64x1000000xf32, #tpu.memory_space<hbm>> -> memref<64x256xf32, #tpu.memory_space<hbm>>
    tpu.enqueue_dma source(%dma_start3A_229 : memref<64x256xf32, #tpu.memory_space<hbm>>) target(%arg16 : memref<64x256xf32, #tpu.memory_space<vmem>>) target_semaphore(%arg21 : memref<!tpu.dma_semaphore, #tpu.memory_space<semaphore_mem>>)
    %add3A_230 = arith.constant 6 : i32
    %add3A_231 = arith.addi %add3A_4, %add3A_230 : i32
    %mul3A_232 = arith.constant 128 : i32
    %mul3A_233 = arith.muli %add3A_231, %mul3A_232 : i32
    %min3A_234 = arith.constant 999808 : i32
    %min3A_235 = arith.minsi %mul3A_233, %min3A_234 : i32
    %multiple_of3A_236 = tpu.assume_multiple %min3A_235, 128 : i32
    %dma_start3A_237 = arith.constant 0 : i32
    %dma_start3A_238 = tpu.memref_slice %arg4[%dma_start3A_237, %multiple_of3A_236] : memref<64x1000000xf32, #tpu.memory_space<hbm>> -> memref<64x256xf32, #tpu.memory_space<hbm>>
    %dma_start3A_239 = arith.constant 0 : i32
    %dma_start3A_240 = tpu.memref_slice %arg4[%dma_start3A_239, %multiple_of3A_236] : memref<64x1000000xf32, #tpu.memory_space<hbm>> -> memref<64x256xf32, #tpu.memory_space<hbm>>
    tpu.enqueue_dma source(%dma_start3A_240 : memref<64x256xf32, #tpu.memory_space<hbm>>) target(%arg17 : memref<64x256xf32, #tpu.memory_space<vmem>>) target_semaphore(%arg22 : memref<!tpu.dma_semaphore, #tpu.memory_space<semaphore_mem>>)
    %scan3A_241 = arith.constant 0 : i32
    %scan3A_242 = arith.constant 0 : i32
    %scan3A_243 = arith.constant 31 : i32
    %scan3A_244 = arith.addi %scan3A_242, %scan3A_243 : i32
    %scan3A_245 = arith.constant 1 : i32
    %scan3A_246 = scf.for %scan3A_551 = %scan3A_242 to %scan3A_244 step %scan3A_245 iter_args(%scan3A_552 = %scan3A_241) -> (i32)  : i32 {
      %mul3A_553 = arith.constant 4 : i32
      %mul3A_554 = arith.muli %scan3A_551, %mul3A_553 : i32
      %add3A_555 = arith.constant 0 : i32
      %add3A_556 = arith.addi %mul3A_554, %add3A_555 : i32
      %lt3A_557 = arith.constant 123 : i32
      %lt3A_558 = arith.cmpi slt, %add3A_556, %lt3A_557 : i32
      %convert_element_type3A = arith.extui %lt3A_558 : i1 to i32
      %cond3A = arith.constant 0 : i32
      %cond3A_559 = arith.cmpi ne, %convert_element_type3A, %cond3A : i32
      %cond3A_560 = scf.if %cond3A_559 -> (i32) {
        %dma_wait3A = arith.constant 0 : i32
        %dma_wait3A_619 = arith.constant 0 : i32
        %dma_wait3A_620 = tpu.memref_slice %arg4[%dma_wait3A, %dma_wait3A_619] : memref<64x1000000xf32, #tpu.memory_space<hbm>> -> memref<64x256xf32, #tpu.memory_space<hbm>>
        %dma_wait3A_621 = arith.constant 0 : i32
        %dma_wait3A_622 = arith.constant 0 : i32
        %dma_wait3A_623 = tpu.memref_slice %arg4[%dma_wait3A_621, %dma_wait3A_622] : memref<64x1000000xf32, #tpu.memory_space<hbm>> -> memref<64x256xf32, #tpu.memory_space<hbm>>
        tpu.wait_dma2 semaphore(%arg19 : memref<!tpu.dma_semaphore, #tpu.memory_space<semaphore_mem>>) src(%dma_wait3A_623 : memref<64x256xf32, #tpu.memory_space<hbm>>) dst(%arg14 : memref<64x256xf32, #tpu.memory_space<vmem>>)
        %mul3A_624 = arith.constant 2 : i32
        %mul3A_625 = arith.muli %mul3A_624, %add3A_556 : i32
        %add3A_626 = arith.addi %add3A_4, %mul3A_625 : i32
        %mul3A_627 = arith.constant 128 : i32
        %mul3A_628 = arith.muli %add3A_626, %mul3A_627 : i32
        %min3A_629 = arith.constant 999808 : i32
        %min3A_630 = arith.minsi %mul3A_628, %min3A_629 : i32
        %iota3A = tpu.iota {dimensions = array<i32: 0>} : vector<16xi32>
        %min3A_631 = arith.constant 1 : i32
        %min3A_632 = vector.broadcast %min3A_631 : i32 to vector<16xi32>
        %min3A_633 = arith.minsi %iota3A, %min3A_632 : vector<16xi32>
        %add3A_634 = vector.broadcast %add3A_556 : i32 to vector<16xi32>
        %add3A_635 = arith.addi %add3A_634, %min3A_633 : vector<16xi32>
        %gather3A = tpu.vector_load_idx %arg12[%add3A_635] : memref<128xi32, #tpu.memory_space<vmem>>[vector<16xi32>], vector<16xi32>,
        %slice3A_636 = vector.extract_strided_slice %gather3A {offsets = [0], sizes = [1], strides = [1]} : vector<16xi32> to vector<1xi32>
        %squeeze3A_637 = vector.extract %slice3A_636[0] : i32 from vector<1xi32>
        %slice3A_638 = vector.extract_strided_slice %gather3A {offsets = [1], sizes = [1], strides = [1]} : vector<16xi32> to vector<1xi32>
        %squeeze3A_639 = vector.extract %slice3A_638[0] : i32 from vector<1xi32>
        %while3A_640:2 = scf.while (%while3A_641 = %squeeze3A_637, %while3A_642 = %scan3A_552) : (i32, i32) -> (i32, i32) {
          %lt3A_643 = arith.cmpi slt, %while3A_641, %squeeze3A_639 : i32
          scf.condition(%lt3A_643) %while3A_641, %while3A_642 : i32, i32
        } do {
        ^bb0(%while3A_641: i32, %while3A_642: i32):
          %iota3A_643 = tpu.iota {dimensions = array<i32: 0>} : vector<16xi32>
          %add3A_644 = vector.broadcast %while3A_641 : i32 to vector<16xi32>
          %add3A_645 = arith.addi %add3A_644, %iota3A_643 : vector<16xi32>
          %gather3A_646 = tpu.vector_load_idx %arg10[%add3A_645] : memref<16400xi32, #tpu.memory_space<vmem>>[vector<16xi32>], vector<16xi32>,
          %iota3A_647 = tpu.iota {dimensions = array<i32: 0>} : vector<16xi32>
          %add3A_648 = vector.broadcast %while3A_641 : i32 to vector<16xi32>
          %add3A_649 = arith.addi %add3A_648, %iota3A_647 : vector<16xi32>
          %lt3A_650 = vector.broadcast %squeeze3A_639 : i32 to vector<16xi32>
          %lt3A_651 = arith.cmpi slt, %add3A_649, %lt3A_650 : vector<16xi32>
          %while3A_652:2 = scf.while (%while3A_655 = %lt3A_651, %while3A_656 = %while3A_642) : (vector<16xi1>, i32) -> (vector<16xi1>, i32) {
            %reduce_or3A = arith.constant 1.000000e+00 : f32
            %reduce_or3A_657 = arith.constant 0.000000e+00 : f32
            %reduce_or3A_658 = vector.broadcast %reduce_or3A : f32 to vector<16xf32>
            %reduce_or3A_659 = vector.broadcast %reduce_or3A_657 : f32 to vector<16xf32>
            %reduce_or3A_660 = arith.select %while3A_655, %reduce_or3A_658, %reduce_or3A_659 : vector<16xi1>, vector<16xf32>
            %reduce_or3A_661 = arith.constant true
            %reduce_or3A_662 = vector.broadcast %reduce_or3A_661 : i1 to vector<16xi1>
            %reduce_or3A_663 = tpu.scan <max>, %reduce_or3A_660 masked %reduce_or3A_662 : vector<16xf32>, vector<16xi1> -> vector<16xf32>
            %reduce_or3A_664 = vector.extract %reduce_or3A_663[15] : f32 from vector<16xf32>
            %reduce_or3A_665 = arith.constant 0.000000e+00 : f32
            %reduce_or3A_666 = arith.cmpf ogt, %reduce_or3A_664, %reduce_or3A_665 : f32
            scf.condition(%reduce_or3A_666) %while3A_655, %while3A_656 : vector<16xi1>, i32
          } do {
          ^bb0(%while3A_655: vector<16xi1>, %while3A_656: i32):
            %all_reduce_ffs3A = tpu.all_reduce %while3A_655 {dim = 0 : i64, kind = #tpu.reduction_kind<find_first_set>} : vector<16xi1> -> vector<16xi32>
            %slice3A_657 = vector.extract_strided_slice %all_reduce_ffs3A {offsets = [0], sizes = [1], strides = [1]} : vector<16xi32> to vector<1xi32>
            %squeeze3A_658 = vector.extract %slice3A_657[0] : i32 from vector<1xi32>
            %broadcast_in_dim3A_659 = vector.broadcast %squeeze3A_658 : i32 to vector<16xi32>
            %broadcast_in_dim3A_660 = vector.shape_cast %broadcast_in_dim3A_659 : vector<16xi32> to vector<16x1xi32>
            %gather3A_661 = vector.shape_cast %broadcast_in_dim3A_660 : vector<16x1xi32> to vector<16xi32>
            %gather3A_662 = tpu.dynamic_gather %gather3A_646[%gather3A_661] in [0] : vector<16xi32>, vector<16xi32> -> vector<16xi32>
            %slice3A_663 = vector.extract_strided_slice %gather3A_662 {offsets = [0], sizes = [1], strides = [1]} : vector<16xi32> to vector<1xi32>
            %squeeze3A_664 = vector.extract %slice3A_663[0] : i32 from vector<1xi32>
            %shift_right_arithmetic3A = arith.constant 14 : i32
            %shift_right_arithmetic3A_665 = arith.shrsi %squeeze3A_664, %shift_right_arithmetic3A : i32
            %add3A_666 = arith.addi %shift_right_arithmetic3A_665, %mul3A_8 : i32
            %and3A_667 = arith.constant 16383 : i32
            %and3A_668 = arith.andi %squeeze3A_664, %and3A_667 : i32
            %sub3A_669 = arith.subi %add3A_666, %min3A_630 : i32
            %jit3A_670 = arith.constant 16 : i32
            %eq3A_671 = arith.constant 0 : i32
            %eq3A_672 = arith.cmpi eq, %jit3A_670, %eq3A_671 : i32
            %jit3A_673 = arith.constant 1 : i32
            %select_n3A_674 = arith.select %eq3A_672, %jit3A_673, %jit3A_670 : i32
            %rem3A_675 = arith.remsi %while3A_656, %select_n3A_674 : i32
            %ne3A_676 = arith.constant 0 : i32
            %ne3A_677 = arith.cmpi ne, %rem3A_675, %ne3A_676 : i32
            %lt3A_678 = arith.constant 0 : i32
            %lt3A_679 = arith.cmpi slt, %rem3A_675, %lt3A_678 : i32
            %lt3A_680 = arith.constant 0 : i32
            %lt3A_681 = arith.cmpi slt, %select_n3A_674, %lt3A_680 : i32
            %ne3A_682 = arith.xori %lt3A_679, %lt3A_681 : i1
            %and3A_683 = arith.andi %ne3A_682, %ne3A_677 : i1
            %add3A_684 = arith.addi %rem3A_675, %select_n3A_674 : i32
            %select_n3A_685 = arith.select %and3A_683, %add3A_684, %rem3A_675 : i32
            %broadcast_in_dim3A_686 = vector.broadcast %sub3A_669 : i32 to vector<16xi32>
            %iota3A_687 = tpu.iota {dimensions = array<i32: 0>} : vector<16xi32>
            %add3A_688 = arith.constant 0 : i32
            %add3A_689 = vector.broadcast %add3A_688 : i32 to vector<16xi32>
            %add3A_690 = arith.addi %add3A_689, %iota3A_687 : vector<16xi32>
            %gather3A_691 = tpu.vector_load_idx %arg14[%add3A_690, %broadcast_in_dim3A_686] : memref<64x256xf32, #tpu.memory_space<vmem>>[vector<16xi32>, vector<16xi32>], vector<16xf32>,
            %swap3A_692 = arith.index_cast %select_n3A_685 : i32 to index
            %swap3A_693 = arith.constant 0 : index
            %swap3A_694 = tpu.vector_load %arg18[%swap3A_692, %swap3A_693] {strides = array<i32>} : memref<16x64xf32, #tpu.memory_space<vmem>>, vector<16xf32>,
            tpu.vector_store %arg18[%swap3A_692, %swap3A_693], %gather3A_691 {strides = array<i32>} : memref<16x64xf32, #tpu.memory_space<vmem>>, vector<16xf32>,
            %iota3A_695 = tpu.iota {dimensions = array<i32: 0>} : vector<16xi32>
            %add3A_696 = arith.constant 16 : i32
            %add3A_697 = vector.broadcast %add3A_696 : i32 to vector<16xi32>
            %add3A_698 = arith.addi %add3A_697, %iota3A_695 : vector<16xi32>
            %gather3A_699 = tpu.vector_load_idx %arg14[%add3A_698, %broadcast_in_dim3A_686] : memref<64x256xf32, #tpu.memory_space<vmem>>[vector<16xi32>, vector<16xi32>], vector<16xf32>,
            %swap3A_700 = arith.index_cast %select_n3A_685 : i32 to index
            %swap3A_701 = arith.constant 16 : index
            %swap3A_702 = tpu.vector_load %arg18[%swap3A_700, %swap3A_701] {strides = array<i32>} : memref<16x64xf32, #tpu.memory_space<vmem>>, vector<16xf32>,
            tpu.vector_store %arg18[%swap3A_700, %swap3A_701], %gather3A_699 {strides = array<i32>} : memref<16x64xf32, #tpu.memory_space<vmem>>, vector<16xf32>,
            %iota3A_703 = tpu.iota {dimensions = array<i32: 0>} : vector<16xi32>
            %add3A_704 = arith.constant 32 : i32
            %add3A_705 = vector.broadcast %add3A_704 : i32 to vector<16xi32>
            %add3A_706 = arith.addi %add3A_705, %iota3A_703 : vector<16xi32>
            %gather3A_707 = tpu.vector_load_idx %arg14[%add3A_706, %broadcast_in_dim3A_686] : memref<64x256xf32, #tpu.memory_space<vmem>>[vector<16xi32>, vector<16xi32>], vector<16xf32>,
            %swap3A_708 = arith.index_cast %select_n3A_685 : i32 to index
            %swap3A_709 = arith.constant 32 : index
            %swap3A_710 = tpu.vector_load %arg18[%swap3A_708, %swap3A_709] {strides = array<i32>} : memref<16x64xf32, #tpu.memory_space<vmem>>, vector<16xf32>,
            tpu.vector_store %arg18[%swap3A_708, %swap3A_709], %gather3A_707 {strides = array<i32>} : memref<16x64xf32, #tpu.memory_space<vmem>>, vector<16xf32>,
            %iota3A_711 = tpu.iota {dimensions = array<i32: 0>} : vector<16xi32>
            %add3A_712 = arith.constant 48 : i32
            %add3A_713 = vector.broadcast %add3A_712 : i32 to vector<16xi32>
            %add3A_714 = arith.addi %add3A_713, %iota3A_711 : vector<16xi32>
            %gather3A_715 = tpu.vector_load_idx %arg14[%add3A_714, %broadcast_in_dim3A_686] : memref<64x256xf32, #tpu.memory_space<vmem>>[vector<16xi32>, vector<16xi32>], vector<16xf32>,
            %swap3A_716 = arith.index_cast %select_n3A_685 : i32 to index
            %swap3A_717 = arith.constant 48 : index
            %swap3A_718 = tpu.vector_load %arg18[%swap3A_716, %swap3A_717] {strides = array<i32>} : memref<16x64xf32, #tpu.memory_space<vmem>>, vector<16xf32>,
            tpu.vector_store %arg18[%swap3A_716, %swap3A_717], %gather3A_715 {strides = array<i32>} : memref<16x64xf32, #tpu.memory_space<vmem>>, vector<16xf32>,
            %mul3A_719 = arith.constant 64 : i32
            %mul3A_720 = arith.muli %and3A_668, %mul3A_719 : i32
            %multiple_of3A_721 = tpu.assume_multiple %mul3A_720, 8 : i32
            %dma_start3A_722 = arith.constant 0 : i32
            %dma_start3A_723 = tpu.memref_slice %arg18[%select_n3A_685, %dma_start3A_722] : memref<16x64xf32, #tpu.memory_space<vmem>> -> memref<1x64xf32, #tpu.memory_space<vmem>>
            %dma_start3A_724 = tpu.memref_squeeze %dma_start3A_723 : memref<1x64xf32, #tpu.memory_space<vmem>> -> memref<64xf32, #tpu.memory_space<vmem>>
            %dma_start3A_725 = tpu.memref_slice %arg6[%multiple_of3A_721] : memref<1048576xf32, #tpu.memory_space<hbm>> -> memref<64xf32, #tpu.memory_space<hbm>>
            %dma_start3A_726 = tpu.memref_slice %arg6[%multiple_of3A_721] : memref<1048576xf32, #tpu.memory_space<hbm>> -> memref<64xf32, #tpu.memory_space<hbm>>
            %dma_start3A_727 = arith.constant 0 : i32
            %dma_start3A_728 = tpu.memref_slice %arg18[%select_n3A_685, %dma_start3A_727] : memref<16x64xf32, #tpu.memory_space<vmem>> -> memref<1x64xf32, #tpu.memory_space<vmem>>
            %dma_start3A_729 = tpu.memref_squeeze %dma_start3A_728 : memref<1x64xf32, #tpu.memory_space<vmem>> -> memref<64xf32, #tpu.memory_space<vmem>>
            tpu.enqueue_dma source(%dma_start3A_729 : memref<64xf32, #tpu.memory_space<vmem>>) target(%dma_start3A_726 : memref<64xf32, #tpu.memory_space<hbm>>) target_semaphore(%arg23 : memref<!tpu.dma_semaphore, #tpu.memory_space<semaphore_mem>>)
            %add3A_730 = arith.constant 1 : i32
            %add3A_731 = arith.addi %while3A_656, %add3A_730 : i32
            %jit3A_732 = arith.constant 16 : i32
            %eq3A_733 = arith.constant 0 : i32
            %eq3A_734 = arith.cmpi eq, %jit3A_732, %eq3A_733 : i32
            %jit3A_735 = arith.constant 1 : i32
            %select_n3A_736 = arith.select %eq3A_734, %jit3A_735, %jit3A_732 : i32
            %rem3A_737 = arith.remsi %add3A_731, %select_n3A_736 : i32
            %ne3A_738 = arith.constant 0 : i32
            %ne3A_739 = arith.cmpi ne, %rem3A_737, %ne3A_738 : i32
            %lt3A_740 = arith.constant 0 : i32
            %lt3A_741 = arith.cmpi slt, %rem3A_737, %lt3A_740 : i32
            %lt3A_742 = arith.constant 0 : i32
            %lt3A_743 = arith.cmpi slt, %select_n3A_736, %lt3A_742 : i32
            %ne3A_744 = arith.xori %lt3A_741, %lt3A_743 : i1
            %and3A_745 = arith.andi %ne3A_744, %ne3A_739 : i1
            %add3A_746 = arith.addi %rem3A_737, %select_n3A_736 : i32
            %select_n3A_747 = arith.select %and3A_745, %add3A_746, %rem3A_737 : i32
            %eq3A_748 = arith.constant 0 : i32
            %eq3A_749 = arith.cmpi eq, %select_n3A_747, %eq3A_748 : i32
            %convert_element_type3A_750 = arith.extui %eq3A_749 : i1 to i32
            %cond3A_751 = arith.constant 0 : i32
            %cond3A_752 = arith.cmpi ne, %convert_element_type3A_750, %cond3A_751 : i32
            scf.if %cond3A_752 {
              %scan3A_758 = arith.constant 0 : i32
              %scan3A_759 = arith.constant 0 : i32
              %scan3A_760 = arith.constant 16 : i32
              %scan3A_761 = arith.addi %scan3A_759, %scan3A_760 : i32
              %scan3A_762 = arith.constant 1 : i32
              scf.for %scan3A_764 = %scan3A_759 to %scan3A_761 step %scan3A_762  : i32 {
                %dma_wait3A_765 = arith.constant 0 : i32
                %dma_wait3A_766 = arith.constant 0 : i32
                %dma_wait3A_767 = tpu.memref_slice %arg18[%dma_wait3A_765, %dma_wait3A_766] : memref<16x64xf32, #tpu.memory_space<vmem>> -> memref<1x64xf32, #tpu.memory_space<vmem>>
                %dma_wait3A_768 = tpu.memref_squeeze %dma_wait3A_767 : memref<1x64xf32, #tpu.memory_space<vmem>> -> memref<64xf32, #tpu.memory_space<vmem>>
                %dma_wait3A_769 = arith.constant 0 : i32
                %dma_wait3A_770 = tpu.memref_slice %arg6[%dma_wait3A_769] : memref<1048576xf32, #tpu.memory_space<hbm>> -> memref<64xf32, #tpu.memory_space<hbm>>
                %dma_wait3A_771 = arith.constant 0 : i32
                %dma_wait3A_772 = tpu.memref_slice %arg18[%dma_wait3A_765, %dma_wait3A_771] : memref<16x64xf32, #tpu.memory_space<vmem>> -> memref<1x64xf32, #tpu.memory_space<vmem>>
                %dma_wait3A_773 = tpu.memref_squeeze %dma_wait3A_772 : memref<1x64xf32, #tpu.memory_space<vmem>> -> memref<64xf32, #tpu.memory_space<vmem>>
                %dma_wait3A_774 = arith.constant 0 : i32
                %dma_wait3A_775 = tpu.memref_slice %arg6[%dma_wait3A_774] : memref<1048576xf32, #tpu.memory_space<hbm>> -> memref<64xf32, #tpu.memory_space<hbm>>
                tpu.wait_dma2 semaphore(%arg23 : memref<!tpu.dma_semaphore, #tpu.memory_space<semaphore_mem>>) src(%dma_wait3A_775 : memref<64xf32, #tpu.memory_space<hbm>>) dst(%dma_wait3A_773 : memref<64xf32, #tpu.memory_space<vmem>>)
              }
              %scan3A_763 = arith.constant 16 : i32
            } else {
            }
            %iota3A_753 = tpu.iota {dimensions = array<i32: 0>} : vector<16xi32>
            %ne3A_754 = arith.cmpi ne, %iota3A_753, %all_reduce_ffs3A : vector<16xi32>
            %and3A_755 = arith.andi %while3A_655, %ne3A_754 : vector<16xi1>
            %add3A_756 = arith.constant 1 : i32
            %add3A_757 = arith.addi %while3A_656, %add3A_756 : i32
            scf.yield %and3A_755, %add3A_757 : vector<16xi1>, i32
          }
          %add3A_653 = arith.constant 16 : i32
          %add3A_654 = arith.addi %while3A_641, %add3A_653 : i32
          scf.yield %add3A_654, %while3A_652#1 : i32, i32
        }
        scf.yield %while3A_640#1 : i32
      } else {
        scf.yield %scan3A_552 : i32
      }
      %add3A_561 = arith.constant 4 : i32
      %add3A_562 = arith.addi %add3A_556, %add3A_561 : i32
      %lt3A_563 = arith.constant 123 : i32
      %lt3A_564 = arith.cmpi slt, %add3A_562, %lt3A_563 : i32
      %convert_element_type3A_565 = arith.extui %lt3A_564 : i1 to i32
      %cond3A_566 = arith.constant 0 : i32
      %cond3A_567 = arith.cmpi ne, %convert_element_type3A_565, %cond3A_566 : i32
      scf.if %cond3A_567 {
        %add3A_619 = arith.constant 4 : i32
        %add3A_620 = arith.addi %add3A_556, %add3A_619 : i32
        %mul3A_621 = arith.constant 2 : i32
        %mul3A_622 = arith.muli %mul3A_621, %add3A_620 : i32
        %add3A_623 = arith.addi %add3A_4, %mul3A_622 : i32
        %mul3A_624 = arith.constant 128 : i32
        %mul3A_625 = arith.muli %add3A_623, %mul3A_624 : i32
        %min3A_626 = arith.constant 999808 : i32
        %min3A_627 = arith.minsi %mul3A_625, %min3A_626 : i32
        %multiple_of3A_628 = tpu.assume_multiple %min3A_627, 128 : i32
        %dma_start3A_629 = arith.constant 0 : i32
        %dma_start3A_630 = tpu.memref_slice %arg4[%dma_start3A_629, %multiple_of3A_628] : memref<64x1000000xf32, #tpu.memory_space<hbm>> -> memref<64x256xf32, #tpu.memory_space<hbm>>
        %dma_start3A_631 = arith.constant 0 : i32
        %dma_start3A_632 = tpu.memref_slice %arg4[%dma_start3A_631, %multiple_of3A_628] : memref<64x1000000xf32, #tpu.memory_space<hbm>> -> memref<64x256xf32, #tpu.memory_space<hbm>>
        tpu.enqueue_dma source(%dma_start3A_632 : memref<64x256xf32, #tpu.memory_space<hbm>>) target(%arg14 : memref<64x256xf32, #tpu.memory_space<vmem>>) target_semaphore(%arg19 : memref<!tpu.dma_semaphore, #tpu.memory_space<semaphore_mem>>)
      } else {
      }
      %mul3A_568 = arith.constant 4 : i32
      %mul3A_569 = arith.muli %scan3A_551, %mul3A_568 : i32
      %add3A_570 = arith.constant 1 : i32
      %add3A_571 = arith.addi %mul3A_569, %add3A_570 : i32
      %lt3A_572 = arith.constant 123 : i32
      %lt3A_573 = arith.cmpi slt, %add3A_571, %lt3A_572 : i32
      %convert_element_type3A_574 = arith.extui %lt3A_573 : i1 to i32
      %cond3A_575 = arith.constant 0 : i32
      %cond3A_576 = arith.cmpi ne, %convert_element_type3A_574, %cond3A_575 : i32
      %cond3A_577 = scf.if %cond3A_576 -> (i32) {
        %dma_wait3A = arith.constant 0 : i32
        %dma_wait3A_619 = arith.constant 0 : i32
        %dma_wait3A_620 = tpu.memref_slice %arg4[%dma_wait3A, %dma_wait3A_619] : memref<64x1000000xf32, #tpu.memory_space<hbm>> -> memref<64x256xf32, #tpu.memory_space<hbm>>
        %dma_wait3A_621 = arith.constant 0 : i32
        %dma_wait3A_622 = arith.constant 0 : i32
        %dma_wait3A_623 = tpu.memref_slice %arg4[%dma_wait3A_621, %dma_wait3A_622] : memref<64x1000000xf32, #tpu.memory_space<hbm>> -> memref<64x256xf32, #tpu.memory_space<hbm>>
        tpu.wait_dma2 semaphore(%arg20 : memref<!tpu.dma_semaphore, #tpu.memory_space<semaphore_mem>>) src(%dma_wait3A_623 : memref<64x256xf32, #tpu.memory_space<hbm>>) dst(%arg15 : memref<64x256xf32, #tpu.memory_space<vmem>>)
        %mul3A_624 = arith.constant 2 : i32
        %mul3A_625 = arith.muli %mul3A_624, %add3A_571 : i32
        %add3A_626 = arith.addi %add3A_4, %mul3A_625 : i32
        %mul3A_627 = arith.constant 128 : i32
        %mul3A_628 = arith.muli %add3A_626, %mul3A_627 : i32
        %min3A_629 = arith.constant 999808 : i32
        %min3A_630 = arith.minsi %mul3A_628, %min3A_629 : i32
        %iota3A = tpu.iota {dimensions = array<i32: 0>} : vector<16xi32>
        %min3A_631 = arith.constant 1 : i32
        %min3A_632 = vector.broadcast %min3A_631 : i32 to vector<16xi32>
        %min3A_633 = arith.minsi %iota3A, %min3A_632 : vector<16xi32>
        %add3A_634 = vector.broadcast %add3A_571 : i32 to vector<16xi32>
        %add3A_635 = arith.addi %add3A_634, %min3A_633 : vector<16xi32>
        %gather3A = tpu.vector_load_idx %arg12[%add3A_635] : memref<128xi32, #tpu.memory_space<vmem>>[vector<16xi32>], vector<16xi32>,
        %slice3A_636 = vector.extract_strided_slice %gather3A {offsets = [0], sizes = [1], strides = [1]} : vector<16xi32> to vector<1xi32>
        %squeeze3A_637 = vector.extract %slice3A_636[0] : i32 from vector<1xi32>
        %slice3A_638 = vector.extract_strided_slice %gather3A {offsets = [1], sizes = [1], strides = [1]} : vector<16xi32> to vector<1xi32>
        %squeeze3A_639 = vector.extract %slice3A_638[0] : i32 from vector<1xi32>
        %while3A_640:2 = scf.while (%while3A_641 = %squeeze3A_637, %while3A_642 = %cond3A_560) : (i32, i32) -> (i32, i32) {
          %lt3A_643 = arith.cmpi slt, %while3A_641, %squeeze3A_639 : i32
          scf.condition(%lt3A_643) %while3A_641, %while3A_642 : i32, i32
        } do {
        ^bb0(%while3A_641: i32, %while3A_642: i32):
          %iota3A_643 = tpu.iota {dimensions = array<i32: 0>} : vector<16xi32>
          %add3A_644 = vector.broadcast %while3A_641 : i32 to vector<16xi32>
          %add3A_645 = arith.addi %add3A_644, %iota3A_643 : vector<16xi32>
          %gather3A_646 = tpu.vector_load_idx %arg10[%add3A_645] : memref<16400xi32, #tpu.memory_space<vmem>>[vector<16xi32>], vector<16xi32>,
          %iota3A_647 = tpu.iota {dimensions = array<i32: 0>} : vector<16xi32>
          %add3A_648 = vector.broadcast %while3A_641 : i32 to vector<16xi32>
          %add3A_649 = arith.addi %add3A_648, %iota3A_647 : vector<16xi32>
          %lt3A_650 = vector.broadcast %squeeze3A_639 : i32 to vector<16xi32>
          %lt3A_651 = arith.cmpi slt, %add3A_649, %lt3A_650 : vector<16xi32>
          %while3A_652:2 = scf.while (%while3A_655 = %lt3A_651, %while3A_656 = %while3A_642) : (vector<16xi1>, i32) -> (vector<16xi1>, i32) {
            %reduce_or3A = arith.constant 1.000000e+00 : f32
            %reduce_or3A_657 = arith.constant 0.000000e+00 : f32
            %reduce_or3A_658 = vector.broadcast %reduce_or3A : f32 to vector<16xf32>
            %reduce_or3A_659 = vector.broadcast %reduce_or3A_657 : f32 to vector<16xf32>
            %reduce_or3A_660 = arith.select %while3A_655, %reduce_or3A_658, %reduce_or3A_659 : vector<16xi1>, vector<16xf32>
            %reduce_or3A_661 = arith.constant true
            %reduce_or3A_662 = vector.broadcast %reduce_or3A_661 : i1 to vector<16xi1>
            %reduce_or3A_663 = tpu.scan <max>, %reduce_or3A_660 masked %reduce_or3A_662 : vector<16xf32>, vector<16xi1> -> vector<16xf32>
            %reduce_or3A_664 = vector.extract %reduce_or3A_663[15] : f32 from vector<16xf32>
            %reduce_or3A_665 = arith.constant 0.000000e+00 : f32
            %reduce_or3A_666 = arith.cmpf ogt, %reduce_or3A_664, %reduce_or3A_665 : f32
            scf.condition(%reduce_or3A_666) %while3A_655, %while3A_656 : vector<16xi1>, i32
          } do {
          ^bb0(%while3A_655: vector<16xi1>, %while3A_656: i32):
            %all_reduce_ffs3A = tpu.all_reduce %while3A_655 {dim = 0 : i64, kind = #tpu.reduction_kind<find_first_set>} : vector<16xi1> -> vector<16xi32>
            %slice3A_657 = vector.extract_strided_slice %all_reduce_ffs3A {offsets = [0], sizes = [1], strides = [1]} : vector<16xi32> to vector<1xi32>
            %squeeze3A_658 = vector.extract %slice3A_657[0] : i32 from vector<1xi32>
            %broadcast_in_dim3A_659 = vector.broadcast %squeeze3A_658 : i32 to vector<16xi32>
            %broadcast_in_dim3A_660 = vector.shape_cast %broadcast_in_dim3A_659 : vector<16xi32> to vector<16x1xi32>
            %gather3A_661 = vector.shape_cast %broadcast_in_dim3A_660 : vector<16x1xi32> to vector<16xi32>
            %gather3A_662 = tpu.dynamic_gather %gather3A_646[%gather3A_661] in [0] : vector<16xi32>, vector<16xi32> -> vector<16xi32>
            %slice3A_663 = vector.extract_strided_slice %gather3A_662 {offsets = [0], sizes = [1], strides = [1]} : vector<16xi32> to vector<1xi32>
            %squeeze3A_664 = vector.extract %slice3A_663[0] : i32 from vector<1xi32>
            %shift_right_arithmetic3A = arith.constant 14 : i32
            %shift_right_arithmetic3A_665 = arith.shrsi %squeeze3A_664, %shift_right_arithmetic3A : i32
            %add3A_666 = arith.addi %shift_right_arithmetic3A_665, %mul3A_8 : i32
            %and3A_667 = arith.constant 16383 : i32
            %and3A_668 = arith.andi %squeeze3A_664, %and3A_667 : i32
            %sub3A_669 = arith.subi %add3A_666, %min3A_630 : i32
            %jit3A_670 = arith.constant 16 : i32
            %eq3A_671 = arith.constant 0 : i32
            %eq3A_672 = arith.cmpi eq, %jit3A_670, %eq3A_671 : i32
            %jit3A_673 = arith.constant 1 : i32
            %select_n3A_674 = arith.select %eq3A_672, %jit3A_673, %jit3A_670 : i32
            %rem3A_675 = arith.remsi %while3A_656, %select_n3A_674 : i32
            %ne3A_676 = arith.constant 0 : i32
            %ne3A_677 = arith.cmpi ne, %rem3A_675, %ne3A_676 : i32
            %lt3A_678 = arith.constant 0 : i32
            %lt3A_679 = arith.cmpi slt, %rem3A_675, %lt3A_678 : i32
            %lt3A_680 = arith.constant 0 : i32
            %lt3A_681 = arith.cmpi slt, %select_n3A_674, %lt3A_680 : i32
            %ne3A_682 = arith.xori %lt3A_679, %lt3A_681 : i1
            %and3A_683 = arith.andi %ne3A_682, %ne3A_677 : i1
            %add3A_684 = arith.addi %rem3A_675, %select_n3A_674 : i32
            %select_n3A_685 = arith.select %and3A_683, %add3A_684, %rem3A_675 : i32
            %broadcast_in_dim3A_686 = vector.broadcast %sub3A_669 : i32 to vector<16xi32>
            %iota3A_687 = tpu.iota {dimensions = array<i32: 0>} : vector<16xi32>
            %add3A_688 = arith.constant 0 : i32
            %add3A_689 = vector.broadcast %add3A_688 : i32 to vector<16xi32>
            %add3A_690 = arith.addi %add3A_689, %iota3A_687 : vector<16xi32>
            %gather3A_691 = tpu.vector_load_idx %arg15[%add3A_690, %broadcast_in_dim3A_686] : memref<64x256xf32, #tpu.memory_space<vmem>>[vector<16xi32>, vector<16xi32>], vector<16xf32>,
            %swap3A_692 = arith.index_cast %select_n3A_685 : i32 to index
            %swap3A_693 = arith.constant 0 : index
            %swap3A_694 = tpu.vector_load %arg18[%swap3A_692, %swap3A_693] {strides = array<i32>} : memref<16x64xf32, #tpu.memory_space<vmem>>, vector<16xf32>,
            tpu.vector_store %arg18[%swap3A_692, %swap3A_693], %gather3A_691 {strides = array<i32>} : memref<16x64xf32, #tpu.memory_space<vmem>>, vector<16xf32>,
            %iota3A_695 = tpu.iota {dimensions = array<i32: 0>} : vector<16xi32>
            %add3A_696 = arith.constant 16 : i32
            %add3A_697 = vector.broadcast %add3A_696 : i32 to vector<16xi32>
            %add3A_698 = arith.addi %add3A_697, %iota3A_695 : vector<16xi32>
            %gather3A_699 = tpu.vector_load_idx %arg15[%add3A_698, %broadcast_in_dim3A_686] : memref<64x256xf32, #tpu.memory_space<vmem>>[vector<16xi32>, vector<16xi32>], vector<16xf32>,
            %swap3A_700 = arith.index_cast %select_n3A_685 : i32 to index
            %swap3A_701 = arith.constant 16 : index
            %swap3A_702 = tpu.vector_load %arg18[%swap3A_700, %swap3A_701] {strides = array<i32>} : memref<16x64xf32, #tpu.memory_space<vmem>>, vector<16xf32>,
            tpu.vector_store %arg18[%swap3A_700, %swap3A_701], %gather3A_699 {strides = array<i32>} : memref<16x64xf32, #tpu.memory_space<vmem>>, vector<16xf32>,
            %iota3A_703 = tpu.iota {dimensions = array<i32: 0>} : vector<16xi32>
            %add3A_704 = arith.constant 32 : i32
            %add3A_705 = vector.broadcast %add3A_704 : i32 to vector<16xi32>
            %add3A_706 = arith.addi %add3A_705, %iota3A_703 : vector<16xi32>
            %gather3A_707 = tpu.vector_load_idx %arg15[%add3A_706, %broadcast_in_dim3A_686] : memref<64x256xf32, #tpu.memory_space<vmem>>[vector<16xi32>, vector<16xi32>], vector<16xf32>,
            %swap3A_708 = arith.index_cast %select_n3A_685 : i32 to index
            %swap3A_709 = arith.constant 32 : index
            %swap3A_710 = tpu.vector_load %arg18[%swap3A_708, %swap3A_709] {strides = array<i32>} : memref<16x64xf32, #tpu.memory_space<vmem>>, vector<16xf32>,
            tpu.vector_store %arg18[%swap3A_708, %swap3A_709], %gather3A_707 {strides = array<i32>} : memref<16x64xf32, #tpu.memory_space<vmem>>, vector<16xf32>,
            %iota3A_711 = tpu.iota {dimensions = array<i32: 0>} : vector<16xi32>
            %add3A_712 = arith.constant 48 : i32
            %add3A_713 = vector.broadcast %add3A_712 : i32 to vector<16xi32>
            %add3A_714 = arith.addi %add3A_713, %iota3A_711 : vector<16xi32>
            %gather3A_715 = tpu.vector_load_idx %arg15[%add3A_714, %broadcast_in_dim3A_686] : memref<64x256xf32, #tpu.memory_space<vmem>>[vector<16xi32>, vector<16xi32>], vector<16xf32>,
            %swap3A_716 = arith.index_cast %select_n3A_685 : i32 to index
            %swap3A_717 = arith.constant 48 : index
            %swap3A_718 = tpu.vector_load %arg18[%swap3A_716, %swap3A_717] {strides = array<i32>} : memref<16x64xf32, #tpu.memory_space<vmem>>, vector<16xf32>,
            tpu.vector_store %arg18[%swap3A_716, %swap3A_717], %gather3A_715 {strides = array<i32>} : memref<16x64xf32, #tpu.memory_space<vmem>>, vector<16xf32>,
            %mul3A_719 = arith.constant 64 : i32
            %mul3A_720 = arith.muli %and3A_668, %mul3A_719 : i32
            %multiple_of3A_721 = tpu.assume_multiple %mul3A_720, 8 : i32
            %dma_start3A_722 = arith.constant 0 : i32
            %dma_start3A_723 = tpu.memref_slice %arg18[%select_n3A_685, %dma_start3A_722] : memref<16x64xf32, #tpu.memory_space<vmem>> -> memref<1x64xf32, #tpu.memory_space<vmem>>
            %dma_start3A_724 = tpu.memref_squeeze %dma_start3A_723 : memref<1x64xf32, #tpu.memory_space<vmem>> -> memref<64xf32, #tpu.memory_space<vmem>>
            %dma_start3A_725 = tpu.memref_slice %arg6[%multiple_of3A_721] : memref<1048576xf32, #tpu.memory_space<hbm>> -> memref<64xf32, #tpu.memory_space<hbm>>
            %dma_start3A_726 = tpu.memref_slice %arg6[%multiple_of3A_721] : memref<1048576xf32, #tpu.memory_space<hbm>> -> memref<64xf32, #tpu.memory_space<hbm>>
            %dma_start3A_727 = arith.constant 0 : i32
            %dma_start3A_728 = tpu.memref_slice %arg18[%select_n3A_685, %dma_start3A_727] : memref<16x64xf32, #tpu.memory_space<vmem>> -> memref<1x64xf32, #tpu.memory_space<vmem>>
            %dma_start3A_729 = tpu.memref_squeeze %dma_start3A_728 : memref<1x64xf32, #tpu.memory_space<vmem>> -> memref<64xf32, #tpu.memory_space<vmem>>
            tpu.enqueue_dma source(%dma_start3A_729 : memref<64xf32, #tpu.memory_space<vmem>>) target(%dma_start3A_726 : memref<64xf32, #tpu.memory_space<hbm>>) target_semaphore(%arg23 : memref<!tpu.dma_semaphore, #tpu.memory_space<semaphore_mem>>)
            %add3A_730 = arith.constant 1 : i32
            %add3A_731 = arith.addi %while3A_656, %add3A_730 : i32
            %jit3A_732 = arith.constant 16 : i32
            %eq3A_733 = arith.constant 0 : i32
            %eq3A_734 = arith.cmpi eq, %jit3A_732, %eq3A_733 : i32
            %jit3A_735 = arith.constant 1 : i32
            %select_n3A_736 = arith.select %eq3A_734, %jit3A_735, %jit3A_732 : i32
            %rem3A_737 = arith.remsi %add3A_731, %select_n3A_736 : i32
            %ne3A_738 = arith.constant 0 : i32
            %ne3A_739 = arith.cmpi ne, %rem3A_737, %ne3A_738 : i32
            %lt3A_740 = arith.constant 0 : i32
            %lt3A_741 = arith.cmpi slt, %rem3A_737, %lt3A_740 : i32
            %lt3A_742 = arith.constant 0 : i32
            %lt3A_743 = arith.cmpi slt, %select_n3A_736, %lt3A_742 : i32
            %ne3A_744 = arith.xori %lt3A_741, %lt3A_743 : i1
            %and3A_745 = arith.andi %ne3A_744, %ne3A_739 : i1
            %add3A_746 = arith.addi %rem3A_737, %select_n3A_736 : i32
            %select_n3A_747 = arith.select %and3A_745, %add3A_746, %rem3A_737 : i32
            %eq3A_748 = arith.constant 0 : i32
            %eq3A_749 = arith.cmpi eq, %select_n3A_747, %eq3A_748 : i32
            %convert_element_type3A_750 = arith.extui %eq3A_749 : i1 to i32
            %cond3A_751 = arith.constant 0 : i32
            %cond3A_752 = arith.cmpi ne, %convert_element_type3A_750, %cond3A_751 : i32
            scf.if %cond3A_752 {
              %scan3A_758 = arith.constant 0 : i32
              %scan3A_759 = arith.constant 0 : i32
              %scan3A_760 = arith.constant 16 : i32
              %scan3A_761 = arith.addi %scan3A_759, %scan3A_760 : i32
              %scan3A_762 = arith.constant 1 : i32
              scf.for %scan3A_764 = %scan3A_759 to %scan3A_761 step %scan3A_762  : i32 {
                %dma_wait3A_765 = arith.constant 0 : i32
                %dma_wait3A_766 = arith.constant 0 : i32
                %dma_wait3A_767 = tpu.memref_slice %arg18[%dma_wait3A_765, %dma_wait3A_766] : memref<16x64xf32, #tpu.memory_space<vmem>> -> memref<1x64xf32, #tpu.memory_space<vmem>>
                %dma_wait3A_768 = tpu.memref_squeeze %dma_wait3A_767 : memref<1x64xf32, #tpu.memory_space<vmem>> -> memref<64xf32, #tpu.memory_space<vmem>>
                %dma_wait3A_769 = arith.constant 0 : i32
                %dma_wait3A_770 = tpu.memref_slice %arg6[%dma_wait3A_769] : memref<1048576xf32, #tpu.memory_space<hbm>> -> memref<64xf32, #tpu.memory_space<hbm>>
                %dma_wait3A_771 = arith.constant 0 : i32
                %dma_wait3A_772 = tpu.memref_slice %arg18[%dma_wait3A_765, %dma_wait3A_771] : memref<16x64xf32, #tpu.memory_space<vmem>> -> memref<1x64xf32, #tpu.memory_space<vmem>>
                %dma_wait3A_773 = tpu.memref_squeeze %dma_wait3A_772 : memref<1x64xf32, #tpu.memory_space<vmem>> -> memref<64xf32, #tpu.memory_space<vmem>>
                %dma_wait3A_774 = arith.constant 0 : i32
                %dma_wait3A_775 = tpu.memref_slice %arg6[%dma_wait3A_774] : memref<1048576xf32, #tpu.memory_space<hbm>> -> memref<64xf32, #tpu.memory_space<hbm>>
                tpu.wait_dma2 semaphore(%arg23 : memref<!tpu.dma_semaphore, #tpu.memory_space<semaphore_mem>>) src(%dma_wait3A_775 : memref<64xf32, #tpu.memory_space<hbm>>) dst(%dma_wait3A_773 : memref<64xf32, #tpu.memory_space<vmem>>)
              }
              %scan3A_763 = arith.constant 16 : i32
            } else {
            }
            %iota3A_753 = tpu.iota {dimensions = array<i32: 0>} : vector<16xi32>
            %ne3A_754 = arith.cmpi ne, %iota3A_753, %all_reduce_ffs3A : vector<16xi32>
            %and3A_755 = arith.andi %while3A_655, %ne3A_754 : vector<16xi1>
            %add3A_756 = arith.constant 1 : i32
            %add3A_757 = arith.addi %while3A_656, %add3A_756 : i32
            scf.yield %and3A_755, %add3A_757 : vector<16xi1>, i32
          }
          %add3A_653 = arith.constant 16 : i32
          %add3A_654 = arith.addi %while3A_641, %add3A_653 : i32
          scf.yield %add3A_654, %while3A_652#1 : i32, i32
        }
        scf.yield %while3A_640#1 : i32
      } else {
        scf.yield %cond3A_560 : i32
      }
      %add3A_578 = arith.constant 4 : i32
      %add3A_579 = arith.addi %add3A_571, %add3A_578 : i32
      %lt3A_580 = arith.constant 123 : i32
      %lt3A_581 = arith.cmpi slt, %add3A_579, %lt3A_580 : i32
      %convert_element_type3A_582 = arith.extui %lt3A_581 : i1 to i32
      %cond3A_583 = arith.constant 0 : i32
      %cond3A_584 = arith.cmpi ne, %convert_element_type3A_582, %cond3A_583 : i32
      scf.if %cond3A_584 {
        %add3A_619 = arith.constant 4 : i32
        %add3A_620 = arith.addi %add3A_571, %add3A_619 : i32
        %mul3A_621 = arith.constant 2 : i32
        %mul3A_622 = arith.muli %mul3A_621, %add3A_620 : i32
        %add3A_623 = arith.addi %add3A_4, %mul3A_622 : i32
        %mul3A_624 = arith.constant 128 : i32
        %mul3A_625 = arith.muli %add3A_623, %mul3A_624 : i32
        %min3A_626 = arith.constant 999808 : i32
        %min3A_627 = arith.minsi %mul3A_625, %min3A_626 : i32
        %multiple_of3A_628 = tpu.assume_multiple %min3A_627, 128 : i32
        %dma_start3A_629 = arith.constant 0 : i32
        %dma_start3A_630 = tpu.memref_slice %arg4[%dma_start3A_629, %multiple_of3A_628] : memref<64x1000000xf32, #tpu.memory_space<hbm>> -> memref<64x256xf32, #tpu.memory_space<hbm>>
        %dma_start3A_631 = arith.constant 0 : i32
        %dma_start3A_632 = tpu.memref_slice %arg4[%dma_start3A_631, %multiple_of3A_628] : memref<64x1000000xf32, #tpu.memory_space<hbm>> -> memref<64x256xf32, #tpu.memory_space<hbm>>
        tpu.enqueue_dma source(%dma_start3A_632 : memref<64x256xf32, #tpu.memory_space<hbm>>) target(%arg15 : memref<64x256xf32, #tpu.memory_space<vmem>>) target_semaphore(%arg20 : memref<!tpu.dma_semaphore, #tpu.memory_space<semaphore_mem>>)
      } else {
      }
      %mul3A_585 = arith.constant 4 : i32
      %mul3A_586 = arith.muli %scan3A_551, %mul3A_585 : i32
      %add3A_587 = arith.constant 2 : i32
      %add3A_588 = arith.addi %mul3A_586, %add3A_587 : i32
      %lt3A_589 = arith.constant 123 : i32
      %lt3A_590 = arith.cmpi slt, %add3A_588, %lt3A_589 : i32
      %convert_element_type3A_591 = arith.extui %lt3A_590 : i1 to i32
      %cond3A_592 = arith.constant 0 : i32
      %cond3A_593 = arith.cmpi ne, %convert_element_type3A_591, %cond3A_592 : i32
      %cond3A_594 = scf.if %cond3A_593 -> (i32) {
        %dma_wait3A = arith.constant 0 : i32
        %dma_wait3A_619 = arith.constant 0 : i32
        %dma_wait3A_620 = tpu.memref_slice %arg4[%dma_wait3A, %dma_wait3A_619] : memref<64x1000000xf32, #tpu.memory_space<hbm>> -> memref<64x256xf32, #tpu.memory_space<hbm>>
        %dma_wait3A_621 = arith.constant 0 : i32
        %dma_wait3A_622 = arith.constant 0 : i32
        %dma_wait3A_623 = tpu.memref_slice %arg4[%dma_wait3A_621, %dma_wait3A_622] : memref<64x1000000xf32, #tpu.memory_space<hbm>> -> memref<64x256xf32, #tpu.memory_space<hbm>>
        tpu.wait_dma2 semaphore(%arg21 : memref<!tpu.dma_semaphore, #tpu.memory_space<semaphore_mem>>) src(%dma_wait3A_623 : memref<64x256xf32, #tpu.memory_space<hbm>>) dst(%arg16 : memref<64x256xf32, #tpu.memory_space<vmem>>)
        %mul3A_624 = arith.constant 2 : i32
        %mul3A_625 = arith.muli %mul3A_624, %add3A_588 : i32
        %add3A_626 = arith.addi %add3A_4, %mul3A_625 : i32
        %mul3A_627 = arith.constant 128 : i32
        %mul3A_628 = arith.muli %add3A_626, %mul3A_627 : i32
        %min3A_629 = arith.constant 999808 : i32
        %min3A_630 = arith.minsi %mul3A_628, %min3A_629 : i32
        %iota3A = tpu.iota {dimensions = array<i32: 0>} : vector<16xi32>
        %min3A_631 = arith.constant 1 : i32
        %min3A_632 = vector.broadcast %min3A_631 : i32 to vector<16xi32>
        %min3A_633 = arith.minsi %iota3A, %min3A_632 : vector<16xi32>
        %add3A_634 = vector.broadcast %add3A_588 : i32 to vector<16xi32>
        %add3A_635 = arith.addi %add3A_634, %min3A_633 : vector<16xi32>
        %gather3A = tpu.vector_load_idx %arg12[%add3A_635] : memref<128xi32, #tpu.memory_space<vmem>>[vector<16xi32>], vector<16xi32>,
        %slice3A_636 = vector.extract_strided_slice %gather3A {offsets = [0], sizes = [1], strides = [1]} : vector<16xi32> to vector<1xi32>
        %squeeze3A_637 = vector.extract %slice3A_636[0] : i32 from vector<1xi32>
        %slice3A_638 = vector.extract_strided_slice %gather3A {offsets = [1], sizes = [1], strides = [1]} : vector<16xi32> to vector<1xi32>
        %squeeze3A_639 = vector.extract %slice3A_638[0] : i32 from vector<1xi32>
        %while3A_640:2 = scf.while (%while3A_641 = %squeeze3A_637, %while3A_642 = %cond3A_577) : (i32, i32) -> (i32, i32) {
          %lt3A_643 = arith.cmpi slt, %while3A_641, %squeeze3A_639 : i32
          scf.condition(%lt3A_643) %while3A_641, %while3A_642 : i32, i32
        } do {
        ^bb0(%while3A_641: i32, %while3A_642: i32):
          %iota3A_643 = tpu.iota {dimensions = array<i32: 0>} : vector<16xi32>
          %add3A_644 = vector.broadcast %while3A_641 : i32 to vector<16xi32>
          %add3A_645 = arith.addi %add3A_644, %iota3A_643 : vector<16xi32>
          %gather3A_646 = tpu.vector_load_idx %arg10[%add3A_645] : memref<16400xi32, #tpu.memory_space<vmem>>[vector<16xi32>], vector<16xi32>,
          %iota3A_647 = tpu.iota {dimensions = array<i32: 0>} : vector<16xi32>
          %add3A_648 = vector.broadcast %while3A_641 : i32 to vector<16xi32>
          %add3A_649 = arith.addi %add3A_648, %iota3A_647 : vector<16xi32>
          %lt3A_650 = vector.broadcast %squeeze3A_639 : i32 to vector<16xi32>
          %lt3A_651 = arith.cmpi slt, %add3A_649, %lt3A_650 : vector<16xi32>
          %while3A_652:2 = scf.while (%while3A_655 = %lt3A_651, %while3A_656 = %while3A_642) : (vector<16xi1>, i32) -> (vector<16xi1>, i32) {
            %reduce_or3A = arith.constant 1.000000e+00 : f32
            %reduce_or3A_657 = arith.constant 0.000000e+00 : f32
            %reduce_or3A_658 = vector.broadcast %reduce_or3A : f32 to vector<16xf32>
            %reduce_or3A_659 = vector.broadcast %reduce_or3A_657 : f32 to vector<16xf32>
            %reduce_or3A_660 = arith.select %while3A_655, %reduce_or3A_658, %reduce_or3A_659 : vector<16xi1>, vector<16xf32>
            %reduce_or3A_661 = arith.constant true
            %reduce_or3A_662 = vector.broadcast %reduce_or3A_661 : i1 to vector<16xi1>
            %reduce_or3A_663 = tpu.scan <max>, %reduce_or3A_660 masked %reduce_or3A_662 : vector<16xf32>, vector<16xi1> -> vector<16xf32>
            %reduce_or3A_664 = vector.extract %reduce_or3A_663[15] : f32 from vector<16xf32>
            %reduce_or3A_665 = arith.constant 0.000000e+00 : f32
            %reduce_or3A_666 = arith.cmpf ogt, %reduce_or3A_664, %reduce_or3A_665 : f32
            scf.condition(%reduce_or3A_666) %while3A_655, %while3A_656 : vector<16xi1>, i32
          } do {
          ^bb0(%while3A_655: vector<16xi1>, %while3A_656: i32):
            %all_reduce_ffs3A = tpu.all_reduce %while3A_655 {dim = 0 : i64, kind = #tpu.reduction_kind<find_first_set>} : vector<16xi1> -> vector<16xi32>
            %slice3A_657 = vector.extract_strided_slice %all_reduce_ffs3A {offsets = [0], sizes = [1], strides = [1]} : vector<16xi32> to vector<1xi32>
            %squeeze3A_658 = vector.extract %slice3A_657[0] : i32 from vector<1xi32>
            %broadcast_in_dim3A_659 = vector.broadcast %squeeze3A_658 : i32 to vector<16xi32>
            %broadcast_in_dim3A_660 = vector.shape_cast %broadcast_in_dim3A_659 : vector<16xi32> to vector<16x1xi32>
            %gather3A_661 = vector.shape_cast %broadcast_in_dim3A_660 : vector<16x1xi32> to vector<16xi32>
            %gather3A_662 = tpu.dynamic_gather %gather3A_646[%gather3A_661] in [0] : vector<16xi32>, vector<16xi32> -> vector<16xi32>
            %slice3A_663 = vector.extract_strided_slice %gather3A_662 {offsets = [0], sizes = [1], strides = [1]} : vector<16xi32> to vector<1xi32>
            %squeeze3A_664 = vector.extract %slice3A_663[0] : i32 from vector<1xi32>
            %shift_right_arithmetic3A = arith.constant 14 : i32
            %shift_right_arithmetic3A_665 = arith.shrsi %squeeze3A_664, %shift_right_arithmetic3A : i32
            %add3A_666 = arith.addi %shift_right_arithmetic3A_665, %mul3A_8 : i32
            %and3A_667 = arith.constant 16383 : i32
            %and3A_668 = arith.andi %squeeze3A_664, %and3A_667 : i32
            %sub3A_669 = arith.subi %add3A_666, %min3A_630 : i32
            %jit3A_670 = arith.constant 16 : i32
            %eq3A_671 = arith.constant 0 : i32
            %eq3A_672 = arith.cmpi eq, %jit3A_670, %eq3A_671 : i32
            %jit3A_673 = arith.constant 1 : i32
            %select_n3A_674 = arith.select %eq3A_672, %jit3A_673, %jit3A_670 : i32
            %rem3A_675 = arith.remsi %while3A_656, %select_n3A_674 : i32
            %ne3A_676 = arith.constant 0 : i32
            %ne3A_677 = arith.cmpi ne, %rem3A_675, %ne3A_676 : i32
            %lt3A_678 = arith.constant 0 : i32
            %lt3A_679 = arith.cmpi slt, %rem3A_675, %lt3A_678 : i32
            %lt3A_680 = arith.constant 0 : i32
            %lt3A_681 = arith.cmpi slt, %select_n3A_674, %lt3A_680 : i32
            %ne3A_682 = arith.xori %lt3A_679, %lt3A_681 : i1
            %and3A_683 = arith.andi %ne3A_682, %ne3A_677 : i1
            %add3A_684 = arith.addi %rem3A_675, %select_n3A_674 : i32
            %select_n3A_685 = arith.select %and3A_683, %add3A_684, %rem3A_675 : i32
            %broadcast_in_dim3A_686 = vector.broadcast %sub3A_669 : i32 to vector<16xi32>
            %iota3A_687 = tpu.iota {dimensions = array<i32: 0>} : vector<16xi32>
            %add3A_688 = arith.constant 0 : i32
            %add3A_689 = vector.broadcast %add3A_688 : i32 to vector<16xi32>
            %add3A_690 = arith.addi %add3A_689, %iota3A_687 : vector<16xi32>
            %gather3A_691 = tpu.vector_load_idx %arg16[%add3A_690, %broadcast_in_dim3A_686] : memref<64x256xf32, #tpu.memory_space<vmem>>[vector<16xi32>, vector<16xi32>], vector<16xf32>,
            %swap3A_692 = arith.index_cast %select_n3A_685 : i32 to index
            %swap3A_693 = arith.constant 0 : index
            %swap3A_694 = tpu.vector_load %arg18[%swap3A_692, %swap3A_693] {strides = array<i32>} : memref<16x64xf32, #tpu.memory_space<vmem>>, vector<16xf32>,
            tpu.vector_store %arg18[%swap3A_692, %swap3A_693], %gather3A_691 {strides = array<i32>} : memref<16x64xf32, #tpu.memory_space<vmem>>, vector<16xf32>,
            %iota3A_695 = tpu.iota {dimensions = array<i32: 0>} : vector<16xi32>
            %add3A_696 = arith.constant 16 : i32
            %add3A_697 = vector.broadcast %add3A_696 : i32 to vector<16xi32>
            %add3A_698 = arith.addi %add3A_697, %iota3A_695 : vector<16xi32>
            %gather3A_699 = tpu.vector_load_idx %arg16[%add3A_698, %broadcast_in_dim3A_686] : memref<64x256xf32, #tpu.memory_space<vmem>>[vector<16xi32>, vector<16xi32>], vector<16xf32>,
            %swap3A_700 = arith.index_cast %select_n3A_685 : i32 to index
            %swap3A_701 = arith.constant 16 : index
            %swap3A_702 = tpu.vector_load %arg18[%swap3A_700, %swap3A_701] {strides = array<i32>} : memref<16x64xf32, #tpu.memory_space<vmem>>, vector<16xf32>,
            tpu.vector_store %arg18[%swap3A_700, %swap3A_701], %gather3A_699 {strides = array<i32>} : memref<16x64xf32, #tpu.memory_space<vmem>>, vector<16xf32>,
            %iota3A_703 = tpu.iota {dimensions = array<i32: 0>} : vector<16xi32>
            %add3A_704 = arith.constant 32 : i32
            %add3A_705 = vector.broadcast %add3A_704 : i32 to vector<16xi32>
            %add3A_706 = arith.addi %add3A_705, %iota3A_703 : vector<16xi32>
            %gather3A_707 = tpu.vector_load_idx %arg16[%add3A_706, %broadcast_in_dim3A_686] : memref<64x256xf32, #tpu.memory_space<vmem>>[vector<16xi32>, vector<16xi32>], vector<16xf32>,
            %swap3A_708 = arith.index_cast %select_n3A_685 : i32 to index
            %swap3A_709 = arith.constant 32 : index
            %swap3A_710 = tpu.vector_load %arg18[%swap3A_708, %swap3A_709] {strides = array<i32>} : memref<16x64xf32, #tpu.memory_space<vmem>>, vector<16xf32>,
            tpu.vector_store %arg18[%swap3A_708, %swap3A_709], %gather3A_707 {strides = array<i32>} : memref<16x64xf32, #tpu.memory_space<vmem>>, vector<16xf32>,
            %iota3A_711 = tpu.iota {dimensions = array<i32: 0>} : vector<16xi32>
            %add3A_712 = arith.constant 48 : i32
            %add3A_713 = vector.broadcast %add3A_712 : i32 to vector<16xi32>
            %add3A_714 = arith.addi %add3A_713, %iota3A_711 : vector<16xi32>
            %gather3A_715 = tpu.vector_load_idx %arg16[%add3A_714, %broadcast_in_dim3A_686] : memref<64x256xf32, #tpu.memory_space<vmem>>[vector<16xi32>, vector<16xi32>], vector<16xf32>,
            %swap3A_716 = arith.index_cast %select_n3A_685 : i32 to index
            %swap3A_717 = arith.constant 48 : index
            %swap3A_718 = tpu.vector_load %arg18[%swap3A_716, %swap3A_717] {strides = array<i32>} : memref<16x64xf32, #tpu.memory_space<vmem>>, vector<16xf32>,
            tpu.vector_store %arg18[%swap3A_716, %swap3A_717], %gather3A_715 {strides = array<i32>} : memref<16x64xf32, #tpu.memory_space<vmem>>, vector<16xf32>,
            %mul3A_719 = arith.constant 64 : i32
            %mul3A_720 = arith.muli %and3A_668, %mul3A_719 : i32
            %multiple_of3A_721 = tpu.assume_multiple %mul3A_720, 8 : i32
            %dma_start3A_722 = arith.constant 0 : i32
            %dma_start3A_723 = tpu.memref_slice %arg18[%select_n3A_685, %dma_start3A_722] : memref<16x64xf32, #tpu.memory_space<vmem>> -> memref<1x64xf32, #tpu.memory_space<vmem>>
            %dma_start3A_724 = tpu.memref_squeeze %dma_start3A_723 : memref<1x64xf32, #tpu.memory_space<vmem>> -> memref<64xf32, #tpu.memory_space<vmem>>
            %dma_start3A_725 = tpu.memref_slice %arg6[%multiple_of3A_721] : memref<1048576xf32, #tpu.memory_space<hbm>> -> memref<64xf32, #tpu.memory_space<hbm>>
            %dma_start3A_726 = tpu.memref_slice %arg6[%multiple_of3A_721] : memref<1048576xf32, #tpu.memory_space<hbm>> -> memref<64xf32, #tpu.memory_space<hbm>>
            %dma_start3A_727 = arith.constant 0 : i32
            %dma_start3A_728 = tpu.memref_slice %arg18[%select_n3A_685, %dma_start3A_727] : memref<16x64xf32, #tpu.memory_space<vmem>> -> memref<1x64xf32, #tpu.memory_space<vmem>>
            %dma_start3A_729 = tpu.memref_squeeze %dma_start3A_728 : memref<1x64xf32, #tpu.memory_space<vmem>> -> memref<64xf32, #tpu.memory_space<vmem>>
            tpu.enqueue_dma source(%dma_start3A_729 : memref<64xf32, #tpu.memory_space<vmem>>) target(%dma_start3A_726 : memref<64xf32, #tpu.memory_space<hbm>>) target_semaphore(%arg23 : memref<!tpu.dma_semaphore, #tpu.memory_space<semaphore_mem>>)
            %add3A_730 = arith.constant 1 : i32
            %add3A_731 = arith.addi %while3A_656, %add3A_730 : i32
            %jit3A_732 = arith.constant 16 : i32
            %eq3A_733 = arith.constant 0 : i32
            %eq3A_734 = arith.cmpi eq, %jit3A_732, %eq3A_733 : i32
            %jit3A_735 = arith.constant 1 : i32
            %select_n3A_736 = arith.select %eq3A_734, %jit3A_735, %jit3A_732 : i32
            %rem3A_737 = arith.remsi %add3A_731, %select_n3A_736 : i32
            %ne3A_738 = arith.constant 0 : i32
            %ne3A_739 = arith.cmpi ne, %rem3A_737, %ne3A_738 : i32
            %lt3A_740 = arith.constant 0 : i32
            %lt3A_741 = arith.cmpi slt, %rem3A_737, %lt3A_740 : i32
            %lt3A_742 = arith.constant 0 : i32
            %lt3A_743 = arith.cmpi slt, %select_n3A_736, %lt3A_742 : i32
            %ne3A_744 = arith.xori %lt3A_741, %lt3A_743 : i1
            %and3A_745 = arith.andi %ne3A_744, %ne3A_739 : i1
            %add3A_746 = arith.addi %rem3A_737, %select_n3A_736 : i32
            %select_n3A_747 = arith.select %and3A_745, %add3A_746, %rem3A_737 : i32
            %eq3A_748 = arith.constant 0 : i32
            %eq3A_749 = arith.cmpi eq, %select_n3A_747, %eq3A_748 : i32
            %convert_element_type3A_750 = arith.extui %eq3A_749 : i1 to i32
            %cond3A_751 = arith.constant 0 : i32
            %cond3A_752 = arith.cmpi ne, %convert_element_type3A_750, %cond3A_751 : i32
            scf.if %cond3A_752 {
              %scan3A_758 = arith.constant 0 : i32
              %scan3A_759 = arith.constant 0 : i32
              %scan3A_760 = arith.constant 16 : i32
              %scan3A_761 = arith.addi %scan3A_759, %scan3A_760 : i32
              %scan3A_762 = arith.constant 1 : i32
              scf.for %scan3A_764 = %scan3A_759 to %scan3A_761 step %scan3A_762  : i32 {
                %dma_wait3A_765 = arith.constant 0 : i32
                %dma_wait3A_766 = arith.constant 0 : i32
                %dma_wait3A_767 = tpu.memref_slice %arg18[%dma_wait3A_765, %dma_wait3A_766] : memref<16x64xf32, #tpu.memory_space<vmem>> -> memref<1x64xf32, #tpu.memory_space<vmem>>
                %dma_wait3A_768 = tpu.memref_squeeze %dma_wait3A_767 : memref<1x64xf32, #tpu.memory_space<vmem>> -> memref<64xf32, #tpu.memory_space<vmem>>
                %dma_wait3A_769 = arith.constant 0 : i32
                %dma_wait3A_770 = tpu.memref_slice %arg6[%dma_wait3A_769] : memref<1048576xf32, #tpu.memory_space<hbm>> -> memref<64xf32, #tpu.memory_space<hbm>>
                %dma_wait3A_771 = arith.constant 0 : i32
                %dma_wait3A_772 = tpu.memref_slice %arg18[%dma_wait3A_765, %dma_wait3A_771] : memref<16x64xf32, #tpu.memory_space<vmem>> -> memref<1x64xf32, #tpu.memory_space<vmem>>
                %dma_wait3A_773 = tpu.memref_squeeze %dma_wait3A_772 : memref<1x64xf32, #tpu.memory_space<vmem>> -> memref<64xf32, #tpu.memory_space<vmem>>
                %dma_wait3A_774 = arith.constant 0 : i32
                %dma_wait3A_775 = tpu.memref_slice %arg6[%dma_wait3A_774] : memref<1048576xf32, #tpu.memory_space<hbm>> -> memref<64xf32, #tpu.memory_space<hbm>>
                tpu.wait_dma2 semaphore(%arg23 : memref<!tpu.dma_semaphore, #tpu.memory_space<semaphore_mem>>) src(%dma_wait3A_775 : memref<64xf32, #tpu.memory_space<hbm>>) dst(%dma_wait3A_773 : memref<64xf32, #tpu.memory_space<vmem>>)
              }
              %scan3A_763 = arith.constant 16 : i32
            } else {
            }
            %iota3A_753 = tpu.iota {dimensions = array<i32: 0>} : vector<16xi32>
            %ne3A_754 = arith.cmpi ne, %iota3A_753, %all_reduce_ffs3A : vector<16xi32>
            %and3A_755 = arith.andi %while3A_655, %ne3A_754 : vector<16xi1>
            %add3A_756 = arith.constant 1 : i32
            %add3A_757 = arith.addi %while3A_656, %add3A_756 : i32
            scf.yield %and3A_755, %add3A_757 : vector<16xi1>, i32
          }
          %add3A_653 = arith.constant 16 : i32
          %add3A_654 = arith.addi %while3A_641, %add3A_653 : i32
          scf.yield %add3A_654, %while3A_652#1 : i32, i32
        }
        scf.yield %while3A_640#1 : i32
      } else {
        scf.yield %cond3A_577 : i32
      }
      %add3A_595 = arith.constant 4 : i32
      %add3A_596 = arith.addi %add3A_588, %add3A_595 : i32
      %lt3A_597 = arith.constant 123 : i32
      %lt3A_598 = arith.cmpi slt, %add3A_596, %lt3A_597 : i32
      %convert_element_type3A_599 = arith.extui %lt3A_598 : i1 to i32
      %cond3A_600 = arith.constant 0 : i32
      %cond3A_601 = arith.cmpi ne, %convert_element_type3A_599, %cond3A_600 : i32
      scf.if %cond3A_601 {
        %add3A_619 = arith.constant 4 : i32
        %add3A_620 = arith.addi %add3A_588, %add3A_619 : i32
        %mul3A_621 = arith.constant 2 : i32
        %mul3A_622 = arith.muli %mul3A_621, %add3A_620 : i32
        %add3A_623 = arith.addi %add3A_4, %mul3A_622 : i32
        %mul3A_624 = arith.constant 128 : i32
        %mul3A_625 = arith.muli %add3A_623, %mul3A_624 : i32
        %min3A_626 = arith.constant 999808 : i32
        %min3A_627 = arith.minsi %mul3A_625, %min3A_626 : i32
        %multiple_of3A_628 = tpu.assume_multiple %min3A_627, 128 : i32
        %dma_start3A_629 = arith.constant 0 : i32
        %dma_start3A_630 = tpu.memref_slice %arg4[%dma_start3A_629, %multiple_of3A_628] : memref<64x1000000xf32, #tpu.memory_space<hbm>> -> memref<64x256xf32, #tpu.memory_space<hbm>>
        %dma_start3A_631 = arith.constant 0 : i32
        %dma_start3A_632 = tpu.memref_slice %arg4[%dma_start3A_631, %multiple_of3A_628] : memref<64x1000000xf32, #tpu.memory_space<hbm>> -> memref<64x256xf32, #tpu.memory_space<hbm>>
        tpu.enqueue_dma source(%dma_start3A_632 : memref<64x256xf32, #tpu.memory_space<hbm>>) target(%arg16 : memref<64x256xf32, #tpu.memory_space<vmem>>) target_semaphore(%arg21 : memref<!tpu.dma_semaphore, #tpu.memory_space<semaphore_mem>>)
      } else {
      }
      %mul3A_602 = arith.constant 4 : i32
      %mul3A_603 = arith.muli %scan3A_551, %mul3A_602 : i32
      %add3A_604 = arith.constant 3 : i32
      %add3A_605 = arith.addi %mul3A_603, %add3A_604 : i32
      %lt3A_606 = arith.constant 123 : i32
      %lt3A_607 = arith.cmpi slt, %add3A_605, %lt3A_606 : i32
      %convert_element_type3A_608 = arith.extui %lt3A_607 : i1 to i32
      %cond3A_609 = arith.constant 0 : i32
      %cond3A_610 = arith.cmpi ne, %convert_element_type3A_608, %cond3A_609 : i32
      %cond3A_611 = scf.if %cond3A_610 -> (i32) {
        %dma_wait3A = arith.constant 0 : i32
        %dma_wait3A_619 = arith.constant 0 : i32
        %dma_wait3A_620 = tpu.memref_slice %arg4[%dma_wait3A, %dma_wait3A_619] : memref<64x1000000xf32, #tpu.memory_space<hbm>> -> memref<64x256xf32, #tpu.memory_space<hbm>>
        %dma_wait3A_621 = arith.constant 0 : i32
        %dma_wait3A_622 = arith.constant 0 : i32
        %dma_wait3A_623 = tpu.memref_slice %arg4[%dma_wait3A_621, %dma_wait3A_622] : memref<64x1000000xf32, #tpu.memory_space<hbm>> -> memref<64x256xf32, #tpu.memory_space<hbm>>
        tpu.wait_dma2 semaphore(%arg22 : memref<!tpu.dma_semaphore, #tpu.memory_space<semaphore_mem>>) src(%dma_wait3A_623 : memref<64x256xf32, #tpu.memory_space<hbm>>) dst(%arg17 : memref<64x256xf32, #tpu.memory_space<vmem>>)
        %mul3A_624 = arith.constant 2 : i32
        %mul3A_625 = arith.muli %mul3A_624, %add3A_605 : i32
        %add3A_626 = arith.addi %add3A_4, %mul3A_625 : i32
        %mul3A_627 = arith.constant 128 : i32
        %mul3A_628 = arith.muli %add3A_626, %mul3A_627 : i32
        %min3A_629 = arith.constant 999808 : i32
        %min3A_630 = arith.minsi %mul3A_628, %min3A_629 : i32
        %iota3A = tpu.iota {dimensions = array<i32: 0>} : vector<16xi32>
        %min3A_631 = arith.constant 1 : i32
        %min3A_632 = vector.broadcast %min3A_631 : i32 to vector<16xi32>
        %min3A_633 = arith.minsi %iota3A, %min3A_632 : vector<16xi32>
        %add3A_634 = vector.broadcast %add3A_605 : i32 to vector<16xi32>
        %add3A_635 = arith.addi %add3A_634, %min3A_633 : vector<16xi32>
        %gather3A = tpu.vector_load_idx %arg12[%add3A_635] : memref<128xi32, #tpu.memory_space<vmem>>[vector<16xi32>], vector<16xi32>,
        %slice3A_636 = vector.extract_strided_slice %gather3A {offsets = [0], sizes = [1], strides = [1]} : vector<16xi32> to vector<1xi32>
        %squeeze3A_637 = vector.extract %slice3A_636[0] : i32 from vector<1xi32>
        %slice3A_638 = vector.extract_strided_slice %gather3A {offsets = [1], sizes = [1], strides = [1]} : vector<16xi32> to vector<1xi32>
        %squeeze3A_639 = vector.extract %slice3A_638[0] : i32 from vector<1xi32>
        %while3A_640:2 = scf.while (%while3A_641 = %squeeze3A_637, %while3A_642 = %cond3A_594) : (i32, i32) -> (i32, i32) {
          %lt3A_643 = arith.cmpi slt, %while3A_641, %squeeze3A_639 : i32
          scf.condition(%lt3A_643) %while3A_641, %while3A_642 : i32, i32
        } do {
        ^bb0(%while3A_641: i32, %while3A_642: i32):
          %iota3A_643 = tpu.iota {dimensions = array<i32: 0>} : vector<16xi32>
          %add3A_644 = vector.broadcast %while3A_641 : i32 to vector<16xi32>
          %add3A_645 = arith.addi %add3A_644, %iota3A_643 : vector<16xi32>
          %gather3A_646 = tpu.vector_load_idx %arg10[%add3A_645] : memref<16400xi32, #tpu.memory_space<vmem>>[vector<16xi32>], vector<16xi32>,
          %iota3A_647 = tpu.iota {dimensions = array<i32: 0>} : vector<16xi32>
          %add3A_648 = vector.broadcast %while3A_641 : i32 to vector<16xi32>
          %add3A_649 = arith.addi %add3A_648, %iota3A_647 : vector<16xi32>
          %lt3A_650 = vector.broadcast %squeeze3A_639 : i32 to vector<16xi32>
          %lt3A_651 = arith.cmpi slt, %add3A_649, %lt3A_650 : vector<16xi32>
          %while3A_652:2 = scf.while (%while3A_655 = %lt3A_651, %while3A_656 = %while3A_642) : (vector<16xi1>, i32) -> (vector<16xi1>, i32) {
            %reduce_or3A = arith.constant 1.000000e+00 : f32
            %reduce_or3A_657 = arith.constant 0.000000e+00 : f32
            %reduce_or3A_658 = vector.broadcast %reduce_or3A : f32 to vector<16xf32>
            %reduce_or3A_659 = vector.broadcast %reduce_or3A_657 : f32 to vector<16xf32>
            %reduce_or3A_660 = arith.select %while3A_655, %reduce_or3A_658, %reduce_or3A_659 : vector<16xi1>, vector<16xf32>
            %reduce_or3A_661 = arith.constant true
            %reduce_or3A_662 = vector.broadcast %reduce_or3A_661 : i1 to vector<16xi1>
            %reduce_or3A_663 = tpu.scan <max>, %reduce_or3A_660 masked %reduce_or3A_662 : vector<16xf32>, vector<16xi1> -> vector<16xf32>
            %reduce_or3A_664 = vector.extract %reduce_or3A_663[15] : f32 from vector<16xf32>
            %reduce_or3A_665 = arith.constant 0.000000e+00 : f32
            %reduce_or3A_666 = arith.cmpf ogt, %reduce_or3A_664, %reduce_or3A_665 : f32
            scf.condition(%reduce_or3A_666) %while3A_655, %while3A_656 : vector<16xi1>, i32
          } do {
          ^bb0(%while3A_655: vector<16xi1>, %while3A_656: i32):
            %all_reduce_ffs3A = tpu.all_reduce %while3A_655 {dim = 0 : i64, kind = #tpu.reduction_kind<find_first_set>} : vector<16xi1> -> vector<16xi32>
            %slice3A_657 = vector.extract_strided_slice %all_reduce_ffs3A {offsets = [0], sizes = [1], strides = [1]} : vector<16xi32> to vector<1xi32>
            %squeeze3A_658 = vector.extract %slice3A_657[0] : i32 from vector<1xi32>
            %broadcast_in_dim3A_659 = vector.broadcast %squeeze3A_658 : i32 to vector<16xi32>
            %broadcast_in_dim3A_660 = vector.shape_cast %broadcast_in_dim3A_659 : vector<16xi32> to vector<16x1xi32>
            %gather3A_661 = vector.shape_cast %broadcast_in_dim3A_660 : vector<16x1xi32> to vector<16xi32>
            %gather3A_662 = tpu.dynamic_gather %gather3A_646[%gather3A_661] in [0] : vector<16xi32>, vector<16xi32> -> vector<16xi32>
            %slice3A_663 = vector.extract_strided_slice %gather3A_662 {offsets = [0], sizes = [1], strides = [1]} : vector<16xi32> to vector<1xi32>
            %squeeze3A_664 = vector.extract %slice3A_663[0] : i32 from vector<1xi32>
            %shift_right_arithmetic3A = arith.constant 14 : i32
            %shift_right_arithmetic3A_665 = arith.shrsi %squeeze3A_664, %shift_right_arithmetic3A : i32
            %add3A_666 = arith.addi %shift_right_arithmetic3A_665, %mul3A_8 : i32
            %and3A_667 = arith.constant 16383 : i32
            %and3A_668 = arith.andi %squeeze3A_664, %and3A_667 : i32
            %sub3A_669 = arith.subi %add3A_666, %min3A_630 : i32
            %jit3A_670 = arith.constant 16 : i32
            %eq3A_671 = arith.constant 0 : i32
            %eq3A_672 = arith.cmpi eq, %jit3A_670, %eq3A_671 : i32
            %jit3A_673 = arith.constant 1 : i32
            %select_n3A_674 = arith.select %eq3A_672, %jit3A_673, %jit3A_670 : i32
            %rem3A_675 = arith.remsi %while3A_656, %select_n3A_674 : i32
            %ne3A_676 = arith.constant 0 : i32
            %ne3A_677 = arith.cmpi ne, %rem3A_675, %ne3A_676 : i32
            %lt3A_678 = arith.constant 0 : i32
            %lt3A_679 = arith.cmpi slt, %rem3A_675, %lt3A_678 : i32
            %lt3A_680 = arith.constant 0 : i32
            %lt3A_681 = arith.cmpi slt, %select_n3A_674, %lt3A_680 : i32
            %ne3A_682 = arith.xori %lt3A_679, %lt3A_681 : i1
            %and3A_683 = arith.andi %ne3A_682, %ne3A_677 : i1
            %add3A_684 = arith.addi %rem3A_675, %select_n3A_674 : i32
            %select_n3A_685 = arith.select %and3A_683, %add3A_684, %rem3A_675 : i32
            %broadcast_in_dim3A_686 = vector.broadcast %sub3A_669 : i32 to vector<16xi32>
            %iota3A_687 = tpu.iota {dimensions = array<i32: 0>} : vector<16xi32>
            %add3A_688 = arith.constant 0 : i32
            %add3A_689 = vector.broadcast %add3A_688 : i32 to vector<16xi32>
            %add3A_690 = arith.addi %add3A_689, %iota3A_687 : vector<16xi32>
            %gather3A_691 = tpu.vector_load_idx %arg17[%add3A_690, %broadcast_in_dim3A_686] : memref<64x256xf32, #tpu.memory_space<vmem>>[vector<16xi32>, vector<16xi32>], vector<16xf32>,
            %swap3A_692 = arith.index_cast %select_n3A_685 : i32 to index
            %swap3A_693 = arith.constant 0 : index
            %swap3A_694 = tpu.vector_load %arg18[%swap3A_692, %swap3A_693] {strides = array<i32>} : memref<16x64xf32, #tpu.memory_space<vmem>>, vector<16xf32>,
            tpu.vector_store %arg18[%swap3A_692, %swap3A_693], %gather3A_691 {strides = array<i32>} : memref<16x64xf32, #tpu.memory_space<vmem>>, vector<16xf32>,
            %iota3A_695 = tpu.iota {dimensions = array<i32: 0>} : vector<16xi32>
            %add3A_696 = arith.constant 16 : i32
            %add3A_697 = vector.broadcast %add3A_696 : i32 to vector<16xi32>
            %add3A_698 = arith.addi %add3A_697, %iota3A_695 : vector<16xi32>
            %gather3A_699 = tpu.vector_load_idx %arg17[%add3A_698, %broadcast_in_dim3A_686] : memref<64x256xf32, #tpu.memory_space<vmem>>[vector<16xi32>, vector<16xi32>], vector<16xf32>,
            %swap3A_700 = arith.index_cast %select_n3A_685 : i32 to index
            %swap3A_701 = arith.constant 16 : index
            %swap3A_702 = tpu.vector_load %arg18[%swap3A_700, %swap3A_701] {strides = array<i32>} : memref<16x64xf32, #tpu.memory_space<vmem>>, vector<16xf32>,
            tpu.vector_store %arg18[%swap3A_700, %swap3A_701], %gather3A_699 {strides = array<i32>} : memref<16x64xf32, #tpu.memory_space<vmem>>, vector<16xf32>,
            %iota3A_703 = tpu.iota {dimensions = array<i32: 0>} : vector<16xi32>
            %add3A_704 = arith.constant 32 : i32
            %add3A_705 = vector.broadcast %add3A_704 : i32 to vector<16xi32>
            %add3A_706 = arith.addi %add3A_705, %iota3A_703 : vector<16xi32>
            %gather3A_707 = tpu.vector_load_idx %arg17[%add3A_706, %broadcast_in_dim3A_686] : memref<64x256xf32, #tpu.memory_space<vmem>>[vector<16xi32>, vector<16xi32>], vector<16xf32>,
            %swap3A_708 = arith.index_cast %select_n3A_685 : i32 to index
            %swap3A_709 = arith.constant 32 : index
            %swap3A_710 = tpu.vector_load %arg18[%swap3A_708, %swap3A_709] {strides = array<i32>} : memref<16x64xf32, #tpu.memory_space<vmem>>, vector<16xf32>,
            tpu.vector_store %arg18[%swap3A_708, %swap3A_709], %gather3A_707 {strides = array<i32>} : memref<16x64xf32, #tpu.memory_space<vmem>>, vector<16xf32>,
            %iota3A_711 = tpu.iota {dimensions = array<i32: 0>} : vector<16xi32>
            %add3A_712 = arith.constant 48 : i32
            %add3A_713 = vector.broadcast %add3A_712 : i32 to vector<16xi32>
            %add3A_714 = arith.addi %add3A_713, %iota3A_711 : vector<16xi32>
            %gather3A_715 = tpu.vector_load_idx %arg17[%add3A_714, %broadcast_in_dim3A_686] : memref<64x256xf32, #tpu.memory_space<vmem>>[vector<16xi32>, vector<16xi32>], vector<16xf32>,
            %swap3A_716 = arith.index_cast %select_n3A_685 : i32 to index
            %swap3A_717 = arith.constant 48 : index
            %swap3A_718 = tpu.vector_load %arg18[%swap3A_716, %swap3A_717] {strides = array<i32>} : memref<16x64xf32, #tpu.memory_space<vmem>>, vector<16xf32>,
            tpu.vector_store %arg18[%swap3A_716, %swap3A_717], %gather3A_715 {strides = array<i32>} : memref<16x64xf32, #tpu.memory_space<vmem>>, vector<16xf32>,
            %mul3A_719 = arith.constant 64 : i32
            %mul3A_720 = arith.muli %and3A_668, %mul3A_719 : i32
            %multiple_of3A_721 = tpu.assume_multiple %mul3A_720, 8 : i32
            %dma_start3A_722 = arith.constant 0 : i32
            %dma_start3A_723 = tpu.memref_slice %arg18[%select_n3A_685, %dma_start3A_722] : memref<16x64xf32, #tpu.memory_space<vmem>> -> memref<1x64xf32, #tpu.memory_space<vmem>>
            %dma_start3A_724 = tpu.memref_squeeze %dma_start3A_723 : memref<1x64xf32, #tpu.memory_space<vmem>> -> memref<64xf32, #tpu.memory_space<vmem>>
            %dma_start3A_725 = tpu.memref_slice %arg6[%multiple_of3A_721] : memref<1048576xf32, #tpu.memory_space<hbm>> -> memref<64xf32, #tpu.memory_space<hbm>>
            %dma_start3A_726 = tpu.memref_slice %arg6[%multiple_of3A_721] : memref<1048576xf32, #tpu.memory_space<hbm>> -> memref<64xf32, #tpu.memory_space<hbm>>
            %dma_start3A_727 = arith.constant 0 : i32
            %dma_start3A_728 = tpu.memref_slice %arg18[%select_n3A_685, %dma_start3A_727] : memref<16x64xf32, #tpu.memory_space<vmem>> -> memref<1x64xf32, #tpu.memory_space<vmem>>
            %dma_start3A_729 = tpu.memref_squeeze %dma_start3A_728 : memref<1x64xf32, #tpu.memory_space<vmem>> -> memref<64xf32, #tpu.memory_space<vmem>>
            tpu.enqueue_dma source(%dma_start3A_729 : memref<64xf32, #tpu.memory_space<vmem>>) target(%dma_start3A_726 : memref<64xf32, #tpu.memory_space<hbm>>) target_semaphore(%arg23 : memref<!tpu.dma_semaphore, #tpu.memory_space<semaphore_mem>>)
            %add3A_730 = arith.constant 1 : i32
            %add3A_731 = arith.addi %while3A_656, %add3A_730 : i32
            %jit3A_732 = arith.constant 16 : i32
            %eq3A_733 = arith.constant 0 : i32
            %eq3A_734 = arith.cmpi eq, %jit3A_732, %eq3A_733 : i32
            %jit3A_735 = arith.constant 1 : i32
            %select_n3A_736 = arith.select %eq3A_734, %jit3A_735, %jit3A_732 : i32
            %rem3A_737 = arith.remsi %add3A_731, %select_n3A_736 : i32
            %ne3A_738 = arith.constant 0 : i32
            %ne3A_739 = arith.cmpi ne, %rem3A_737, %ne3A_738 : i32
            %lt3A_740 = arith.constant 0 : i32
            %lt3A_741 = arith.cmpi slt, %rem3A_737, %lt3A_740 : i32
            %lt3A_742 = arith.constant 0 : i32
            %lt3A_743 = arith.cmpi slt, %select_n3A_736, %lt3A_742 : i32
            %ne3A_744 = arith.xori %lt3A_741, %lt3A_743 : i1
            %and3A_745 = arith.andi %ne3A_744, %ne3A_739 : i1
            %add3A_746 = arith.addi %rem3A_737, %select_n3A_736 : i32
            %select_n3A_747 = arith.select %and3A_745, %add3A_746, %rem3A_737 : i32
            %eq3A_748 = arith.constant 0 : i32
            %eq3A_749 = arith.cmpi eq, %select_n3A_747, %eq3A_748 : i32
            %convert_element_type3A_750 = arith.extui %eq3A_749 : i1 to i32
            %cond3A_751 = arith.constant 0 : i32
            %cond3A_752 = arith.cmpi ne, %convert_element_type3A_750, %cond3A_751 : i32
            scf.if %cond3A_752 {
              %scan3A_758 = arith.constant 0 : i32
              %scan3A_759 = arith.constant 0 : i32
              %scan3A_760 = arith.constant 16 : i32
              %scan3A_761 = arith.addi %scan3A_759, %scan3A_760 : i32
              %scan3A_762 = arith.constant 1 : i32
              scf.for %scan3A_764 = %scan3A_759 to %scan3A_761 step %scan3A_762  : i32 {
                %dma_wait3A_765 = arith.constant 0 : i32
                %dma_wait3A_766 = arith.constant 0 : i32
                %dma_wait3A_767 = tpu.memref_slice %arg18[%dma_wait3A_765, %dma_wait3A_766] : memref<16x64xf32, #tpu.memory_space<vmem>> -> memref<1x64xf32, #tpu.memory_space<vmem>>
                %dma_wait3A_768 = tpu.memref_squeeze %dma_wait3A_767 : memref<1x64xf32, #tpu.memory_space<vmem>> -> memref<64xf32, #tpu.memory_space<vmem>>
                %dma_wait3A_769 = arith.constant 0 : i32
                %dma_wait3A_770 = tpu.memref_slice %arg6[%dma_wait3A_769] : memref<1048576xf32, #tpu.memory_space<hbm>> -> memref<64xf32, #tpu.memory_space<hbm>>
                %dma_wait3A_771 = arith.constant 0 : i32
                %dma_wait3A_772 = tpu.memref_slice %arg18[%dma_wait3A_765, %dma_wait3A_771] : memref<16x64xf32, #tpu.memory_space<vmem>> -> memref<1x64xf32, #tpu.memory_space<vmem>>
                %dma_wait3A_773 = tpu.memref_squeeze %dma_wait3A_772 : memref<1x64xf32, #tpu.memory_space<vmem>> -> memref<64xf32, #tpu.memory_space<vmem>>
                %dma_wait3A_774 = arith.constant 0 : i32
                %dma_wait3A_775 = tpu.memref_slice %arg6[%dma_wait3A_774] : memref<1048576xf32, #tpu.memory_space<hbm>> -> memref<64xf32, #tpu.memory_space<hbm>>
                tpu.wait_dma2 semaphore(%arg23 : memref<!tpu.dma_semaphore, #tpu.memory_space<semaphore_mem>>) src(%dma_wait3A_775 : memref<64xf32, #tpu.memory_space<hbm>>) dst(%dma_wait3A_773 : memref<64xf32, #tpu.memory_space<vmem>>)
              }
              %scan3A_763 = arith.constant 16 : i32
            } else {
            }
            %iota3A_753 = tpu.iota {dimensions = array<i32: 0>} : vector<16xi32>
            %ne3A_754 = arith.cmpi ne, %iota3A_753, %all_reduce_ffs3A : vector<16xi32>
            %and3A_755 = arith.andi %while3A_655, %ne3A_754 : vector<16xi1>
            %add3A_756 = arith.constant 1 : i32
            %add3A_757 = arith.addi %while3A_656, %add3A_756 : i32
            scf.yield %and3A_755, %add3A_757 : vector<16xi1>, i32
          }
          %add3A_653 = arith.constant 16 : i32
          %add3A_654 = arith.addi %while3A_641, %add3A_653 : i32
          scf.yield %add3A_654, %while3A_652#1 : i32, i32
        }
        scf.yield %while3A_640#1 : i32
      } else {
        scf.yield %cond3A_594 : i32
      }
      %add3A_612 = arith.constant 4 : i32
      %add3A_613 = arith.addi %add3A_605, %add3A_612 : i32
      %lt3A_614 = arith.constant 123 : i32
      %lt3A_615 = arith.cmpi slt, %add3A_613, %lt3A_614 : i32
      %convert_element_type3A_616 = arith.extui %lt3A_615 : i1 to i32
      %cond3A_617 = arith.constant 0 : i32
      %cond3A_618 = arith.cmpi ne, %convert_element_type3A_616, %cond3A_617 : i32
      scf.if %cond3A_618 {
        %add3A_619 = arith.constant 4 : i32
        %add3A_620 = arith.addi %add3A_605, %add3A_619 : i32
        %mul3A_621 = arith.constant 2 : i32
        %mul3A_622 = arith.muli %mul3A_621, %add3A_620 : i32
        %add3A_623 = arith.addi %add3A_4, %mul3A_622 : i32
        %mul3A_624 = arith.constant 128 : i32
        %mul3A_625 = arith.muli %add3A_623, %mul3A_624 : i32
        %min3A_626 = arith.constant 999808 : i32
        %min3A_627 = arith.minsi %mul3A_625, %min3A_626 : i32
        %multiple_of3A_628 = tpu.assume_multiple %min3A_627, 128 : i32
        %dma_start3A_629 = arith.constant 0 : i32
        %dma_start3A_630 = tpu.memref_slice %arg4[%dma_start3A_629, %multiple_of3A_628] : memref<64x1000000xf32, #tpu.memory_space<hbm>> -> memref<64x256xf32, #tpu.memory_space<hbm>>
        %dma_start3A_631 = arith.constant 0 : i32
        %dma_start3A_632 = tpu.memref_slice %arg4[%dma_start3A_631, %multiple_of3A_628] : memref<64x1000000xf32, #tpu.memory_space<hbm>> -> memref<64x256xf32, #tpu.memory_space<hbm>>
        tpu.enqueue_dma source(%dma_start3A_632 : memref<64x256xf32, #tpu.memory_space<hbm>>) target(%arg17 : memref<64x256xf32, #tpu.memory_space<vmem>>) target_semaphore(%arg22 : memref<!tpu.dma_semaphore, #tpu.memory_space<semaphore_mem>>)
      } else {
      }
      scf.yield %cond3A_611 : i32
    }
    %scan3A_247 = arith.constant 31 : i32
    %jit3A_248 = arith.constant 16 : i32
    %eq3A = arith.constant 0 : i32
    %eq3A_249 = arith.cmpi eq, %jit3A_248, %eq3A : i32
    %jit3A_250 = arith.constant 1 : i32
    %select_n3A_251 = arith.select %eq3A_249, %jit3A_250, %jit3A_248 : i32
    %rem3A_252 = arith.remsi %scan3A_246, %select_n3A_251 : i32
    %ne3A_253 = arith.constant 0 : i32
    %ne3A_254 = arith.cmpi ne, %rem3A_252, %ne3A_253 : i32
    %lt3A_255 = arith.constant 0 : i32
    %lt3A_256 = arith.cmpi slt, %rem3A_252, %lt3A_255 : i32
    %lt3A_257 = arith.constant 0 : i32
    %lt3A_258 = arith.cmpi slt, %select_n3A_251, %lt3A_257 : i32
    %ne3A_259 = arith.xori %lt3A_256, %lt3A_258 : i1
    %and3A_260 = arith.andi %ne3A_259, %ne3A_254 : i1
    %add3A_261 = arith.addi %rem3A_252, %select_n3A_251 : i32
    %select_n3A_262 = arith.select %and3A_260, %add3A_261, %rem3A_252 : i32
    %while3A_263 = arith.constant 0 : i32
    %while3A_264 = arith.constant 0 : i32
    %while3A_265 = arith.subi %select_n3A_262, %while3A_264 : i32
    %while3A_266 = arith.addi %while3A_264, %while3A_265 : i32
    %while3A_267 = arith.constant 1 : i32
    %while3A_268 = arith.divsi %while3A_265, %while3A_267 : i32
    %while3A_269 = arith.muli %while3A_268, %while3A_267 : i32
    %while3A_270 = arith.addi %while3A_264, %while3A_269 : i32
    %while3A_271 = arith.constant 1 : i32
    scf.for %while3A_551 = %while3A_264 to %while3A_270 step %while3A_271  : i32 {
      %dma_wait3A = arith.constant 0 : i32
      %dma_wait3A_552 = arith.constant 0 : i32
      %dma_wait3A_553 = tpu.memref_slice %arg18[%dma_wait3A, %dma_wait3A_552] : memref<16x64xf32, #tpu.memory_space<vmem>> -> memref<1x64xf32, #tpu.memory_space<vmem>>
      %dma_wait3A_554 = tpu.memref_squeeze %dma_wait3A_553 : memref<1x64xf32, #tpu.memory_space<vmem>> -> memref<64xf32, #tpu.memory_space<vmem>>
      %dma_wait3A_555 = arith.constant 0 : i32
      %dma_wait3A_556 = tpu.memref_slice %arg6[%dma_wait3A_555] : memref<1048576xf32, #tpu.memory_space<hbm>> -> memref<64xf32, #tpu.memory_space<hbm>>
      %dma_wait3A_557 = arith.constant 0 : i32
      %dma_wait3A_558 = tpu.memref_slice %arg18[%dma_wait3A, %dma_wait3A_557] : memref<16x64xf32, #tpu.memory_space<vmem>> -> memref<1x64xf32, #tpu.memory_space<vmem>>
      %dma_wait3A_559 = tpu.memref_squeeze %dma_wait3A_558 : memref<1x64xf32, #tpu.memory_space<vmem>> -> memref<64xf32, #tpu.memory_space<vmem>>
      %dma_wait3A_560 = arith.constant 0 : i32
      %dma_wait3A_561 = tpu.memref_slice %arg6[%dma_wait3A_560] : memref<1048576xf32, #tpu.memory_space<hbm>> -> memref<64xf32, #tpu.memory_space<hbm>>
      tpu.wait_dma2 semaphore(%arg23 : memref<!tpu.dma_semaphore, #tpu.memory_space<semaphore_mem>>) src(%dma_wait3A_561 : memref<64xf32, #tpu.memory_space<hbm>>) dst(%dma_wait3A_559 : memref<64xf32, #tpu.memory_space<vmem>>)
    }
    %while3A_272 = arith.constant 1 : i32
    scf.for %while3A_551 = %while3A_270 to %while3A_266 step %while3A_272  : i32 {
      %dma_wait3A = arith.constant 0 : i32
      %dma_wait3A_552 = arith.constant 0 : i32
      %dma_wait3A_553 = tpu.memref_slice %arg18[%dma_wait3A, %dma_wait3A_552] : memref<16x64xf32, #tpu.memory_space<vmem>> -> memref<1x64xf32, #tpu.memory_space<vmem>>
      %dma_wait3A_554 = tpu.memref_squeeze %dma_wait3A_553 : memref<1x64xf32, #tpu.memory_space<vmem>> -> memref<64xf32, #tpu.memory_space<vmem>>
      %dma_wait3A_555 = arith.constant 0 : i32
      %dma_wait3A_556 = tpu.memref_slice %arg6[%dma_wait3A_555] : memref<1048576xf32, #tpu.memory_space<hbm>> -> memref<64xf32, #tpu.memory_space<hbm>>
      %dma_wait3A_557 = arith.constant 0 : i32
      %dma_wait3A_558 = tpu.memref_slice %arg18[%dma_wait3A, %dma_wait3A_557] : memref<16x64xf32, #tpu.memory_space<vmem>> -> memref<1x64xf32, #tpu.memory_space<vmem>>
      %dma_wait3A_559 = tpu.memref_squeeze %dma_wait3A_558 : memref<1x64xf32, #tpu.memory_space<vmem>> -> memref<64xf32, #tpu.memory_space<vmem>>
      %dma_wait3A_560 = arith.constant 0 : i32
      %dma_wait3A_561 = tpu.memref_slice %arg6[%dma_wait3A_560] : memref<1048576xf32, #tpu.memory_space<hbm>> -> memref<64xf32, #tpu.memory_space<hbm>>
      tpu.wait_dma2 semaphore(%arg23 : memref<!tpu.dma_semaphore, #tpu.memory_space<semaphore_mem>>) src(%dma_wait3A_561 : memref<64xf32, #tpu.memory_space<hbm>>) dst(%dma_wait3A_559 : memref<64xf32, #tpu.memory_space<vmem>>)
    }
    %broadcast_in_dim3A_273 = arith.constant 0 : i32
    %broadcast_in_dim3A_274 = vector.broadcast %broadcast_in_dim3A_273 : i32 to vector<16xi32>
    %swap3A_275 = arith.constant 0 : index
    %swap3A_276 = tpu.vector_load %arg11[%swap3A_275] {strides = array<i32>} : memref<128xi32, #tpu.memory_space<vmem>>, vector<16xi32>,
    tpu.vector_store %arg11[%swap3A_275], %broadcast_in_dim3A_274 {strides = array<i32>} : memref<128xi32, #tpu.memory_space<vmem>>, vector<16xi32>,
    %broadcast_in_dim3A_277 = arith.constant 0 : i32
    %broadcast_in_dim3A_278 = vector.broadcast %broadcast_in_dim3A_277 : i32 to vector<16xi32>
    %swap3A_279 = arith.constant 16 : index
    %swap3A_280 = tpu.vector_load %arg11[%swap3A_279] {strides = array<i32>} : memref<128xi32, #tpu.memory_space<vmem>>, vector<16xi32>,
    tpu.vector_store %arg11[%swap3A_279], %broadcast_in_dim3A_278 {strides = array<i32>} : memref<128xi32, #tpu.memory_space<vmem>>, vector<16xi32>,
    %broadcast_in_dim3A_281 = arith.constant 0 : i32
    %broadcast_in_dim3A_282 = vector.broadcast %broadcast_in_dim3A_281 : i32 to vector<16xi32>
    %swap3A_283 = arith.constant 32 : index
    %swap3A_284 = tpu.vector_load %arg11[%swap3A_283] {strides = array<i32>} : memref<128xi32, #tpu.memory_space<vmem>>, vector<16xi32>,
    tpu.vector_store %arg11[%swap3A_283], %broadcast_in_dim3A_282 {strides = array<i32>} : memref<128xi32, #tpu.memory_space<vmem>>, vector<16xi32>,
    %broadcast_in_dim3A_285 = arith.constant 0 : i32
    %broadcast_in_dim3A_286 = vector.broadcast %broadcast_in_dim3A_285 : i32 to vector<16xi32>
    %swap3A_287 = arith.constant 48 : index
    %swap3A_288 = tpu.vector_load %arg11[%swap3A_287] {strides = array<i32>} : memref<128xi32, #tpu.memory_space<vmem>>, vector<16xi32>,
    tpu.vector_store %arg11[%swap3A_287], %broadcast_in_dim3A_286 {strides = array<i32>} : memref<128xi32, #tpu.memory_space<vmem>>, vector<16xi32>,
    %broadcast_in_dim3A_289 = arith.constant 0 : i32
    %broadcast_in_dim3A_290 = vector.broadcast %broadcast_in_dim3A_289 : i32 to vector<16xi32>
    %swap3A_291 = arith.constant 64 : index
    %swap3A_292 = tpu.vector_load %arg11[%swap3A_291] {strides = array<i32>} : memref<128xi32, #tpu.memory_space<vmem>>, vector<16xi32>,
    tpu.vector_store %arg11[%swap3A_291], %broadcast_in_dim3A_290 {strides = array<i32>} : memref<128xi32, #tpu.memory_space<vmem>>, vector<16xi32>,
    %broadcast_in_dim3A_293 = arith.constant 0 : i32
    %broadcast_in_dim3A_294 = vector.broadcast %broadcast_in_dim3A_293 : i32 to vector<16xi32>
    %swap3A_295 = arith.constant 80 : index
    %swap3A_296 = tpu.vector_load %arg11[%swap3A_295] {strides = array<i32>} : memref<128xi32, #tpu.memory_space<vmem>>, vector<16xi32>,
    tpu.vector_store %arg11[%swap3A_295], %broadcast_in_dim3A_294 {strides = array<i32>} : memref<128xi32, #tpu.memory_space<vmem>>, vector<16xi32>,
    %broadcast_in_dim3A_297 = arith.constant 0 : i32
    %broadcast_in_dim3A_298 = vector.broadcast %broadcast_in_dim3A_297 : i32 to vector<16xi32>
    %swap3A_299 = arith.constant 96 : index
    %swap3A_300 = tpu.vector_load %arg11[%swap3A_299] {strides = array<i32>} : memref<128xi32, #tpu.memory_space<vmem>>, vector<16xi32>,
    tpu.vector_store %arg11[%swap3A_299], %broadcast_in_dim3A_298 {strides = array<i32>} : memref<128xi32, #tpu.memory_space<vmem>>, vector<16xi32>,
    %broadcast_in_dim3A_301 = arith.constant 0 : i32
    %broadcast_in_dim3A_302 = vector.broadcast %broadcast_in_dim3A_301 : i32 to vector<16xi32>
    %swap3A_303 = arith.constant 112 : index
    %swap3A_304 = tpu.vector_load %arg11[%swap3A_303] {strides = array<i32>} : memref<128xi32, #tpu.memory_space<vmem>>, vector<16xi32>,
    tpu.vector_store %arg11[%swap3A_303], %broadcast_in_dim3A_302 {strides = array<i32>} : memref<128xi32, #tpu.memory_space<vmem>>, vector<16xi32>,
    %scan3A_305 = arith.constant 0 : i32
    %scan3A_306 = arith.constant 0 : i32
    %scan3A_307 = arith.constant 8 : i32
    %scan3A_308 = arith.addi %scan3A_306, %scan3A_307 : i32
    %scan3A_309 = arith.constant 1 : i32
    %scan3A_310 = scf.for %scan3A_551 = %scan3A_306 to %scan3A_308 step %scan3A_309 iter_args(%scan3A_552 = %scan3A_305) -> (i32)  : i32 {
      %mul3A_553 = arith.constant 2048 : i32
      %mul3A_554 = arith.muli %scan3A_551, %mul3A_553 : i32
      %dma_start3A_555 = tpu.memref_slice %arg3[%mul3A_554] : memref<16384xi32, #tpu.memory_space<hbm>> -> memref<2048xi32, #tpu.memory_space<hbm>>
      %dma_start3A_556 = tpu.memref_slice %arg3[%mul3A_554] : memref<16384xi32, #tpu.memory_space<hbm>> -> memref<2048xi32, #tpu.memory_space<hbm>>
      tpu.enqueue_dma source(%dma_start3A_556 : memref<2048xi32, #tpu.memory_space<hbm>>) target(%arg8 : memref<2048xi32, #tpu.memory_space<vmem>>) target_semaphore(%arg24 : memref<!tpu.dma_semaphore, #tpu.memory_space<semaphore_mem>>)
      %dma_wait3A = tpu.memref_slice %arg3[%mul3A_554] : memref<16384xi32, #tpu.memory_space<hbm>> -> memref<2048xi32, #tpu.memory_space<hbm>>
      %dma_wait3A_557 = tpu.memref_slice %arg3[%mul3A_554] : memref<16384xi32, #tpu.memory_space<hbm>> -> memref<2048xi32, #tpu.memory_space<hbm>>
      tpu.wait_dma2 semaphore(%arg24 : memref<!tpu.dma_semaphore, #tpu.memory_space<semaphore_mem>>) src(%dma_wait3A_557 : memref<2048xi32, #tpu.memory_space<hbm>>) dst(%arg8 : memref<2048xi32, #tpu.memory_space<vmem>>)
      %scan3A_558 = arith.constant 0 : i32
      %scan3A_559 = arith.constant 128 : i32
      %scan3A_560 = arith.addi %scan3A_558, %scan3A_559 : i32
      %scan3A_561 = arith.constant 1 : i32
      %scan3A_562 = scf.for %scan3A_564 = %scan3A_558 to %scan3A_560 step %scan3A_561 iter_args(%scan3A_565 = %scan3A_552) -> (i32)  : i32 {
        %mul3A_566 = arith.constant 16 : i32
        %mul3A_567 = arith.muli %scan3A_564, %mul3A_566 : i32
        %get3A_568 = arith.index_cast %mul3A_567 : i32 to index
        %get3A_569 = tpu.vector_load %arg8[%get3A_568] {strides = array<i32>} : memref<2048xi32, #tpu.memory_space<vmem>>, vector<16xi32>,
        %mul3A_570 = arith.constant 2048 : i32
        %mul3A_571 = arith.muli %scan3A_551, %mul3A_570 : i32
        %mul3A_572 = arith.constant 16 : i32
        %mul3A_573 = arith.muli %scan3A_564, %mul3A_572 : i32
        %add3A_574 = arith.addi %mul3A_571, %mul3A_573 : i32
        %iota3A = tpu.iota {dimensions = array<i32: 0>} : vector<16xi32>
        %add3A_575 = vector.broadcast %add3A_574 : i32 to vector<16xi32>
        %add3A_576 = arith.addi %add3A_575, %iota3A : vector<16xi32>
        %ge3A = vector.broadcast %mul3A_8 : i32 to vector<16xi32>
        %ge3A_577 = arith.cmpi sge, %get3A_569, %ge3A : vector<16xi32>
        %lt3A_578 = vector.broadcast %mul3A_11 : i32 to vector<16xi32>
        %lt3A_579 = arith.cmpi slt, %get3A_569, %lt3A_578 : vector<16xi32>
        %and3A_580 = arith.andi %ge3A_577, %lt3A_579 : vector<16xi1>
        %sub3A_581 = vector.broadcast %mul3A_8 : i32 to vector<16xi32>
        %sub3A_582 = arith.subi %get3A_569, %sub3A_581 : vector<16xi32>
        %shift_left3A = arith.constant 14 : i32
        %shift_left3A_583 = vector.broadcast %shift_left3A : i32 to vector<16xi32>
        %shift_left3A_584 = arith.shli %sub3A_582, %shift_left3A_583 : vector<16xi32>
        %or3A = arith.ori %shift_left3A_584, %add3A_576 : vector<16xi32>
        %convert_element_type3A = arith.extui %and3A_580 : vector<16xi1> to vector<16xi32>
        %broadcast_in_dim3A_585 = arith.constant true
        %broadcast_in_dim3A_586 = vector.broadcast %broadcast_in_dim3A_585 : i1 to vector<16xi1>
        %masked_cumsum3A_587 = tpu.scan <sum>, %convert_element_type3A masked %broadcast_in_dim3A_586 : vector<16xi32>, vector<16xi1> -> vector<16xi32>
        %add3A_588 = vector.broadcast %scan3A_565 : i32 to vector<16xi32>
        %add3A_589 = arith.addi %add3A_588, %masked_cumsum3A_587 : vector<16xi32>
        %sub3A_590 = arith.constant 1 : i32
        %sub3A_591 = vector.broadcast %sub3A_590 : i32 to vector<16xi32>
        %sub3A_592 = arith.subi %add3A_589, %sub3A_591 : vector<16xi32>
        %max3A = arith.constant 0 : i32
        %max3A_593 = vector.broadcast %max3A : i32 to vector<16xi32>
        %max3A_594 = arith.maxsi %sub3A_592, %max3A_593 : vector<16xi32>
        tpu.vector_store_idx %arg9[%max3A_594], %or3A masked %and3A_580 : memref<16400xi32, #tpu.memory_space<vmem>>[vector<16xi32>], vector<16xi32>, vector<16xi1>
        %sub3A_595 = vector.broadcast %mul3A_8 : i32 to vector<16xi32>
        %sub3A_596 = arith.subi %get3A_569, %sub3A_595 : vector<16xi32>
        %shift_right_arithmetic3A = arith.constant 8 : i32
        %shift_right_arithmetic3A_597 = vector.broadcast %shift_right_arithmetic3A : i32 to vector<16xi32>
        %shift_right_arithmetic3A_598 = arith.shrsi %sub3A_596, %shift_right_arithmetic3A_597 : vector<16xi32>
        %jit3A_599 = arith.constant 0 : i32
        %jit3A_600 = arith.constant 127 : i32
        %max3A_601 = vector.broadcast %jit3A_599 : i32 to vector<16xi32>
        %max3A_602 = arith.maxsi %max3A_601, %shift_right_arithmetic3A_598 : vector<16xi32>
        %min3A_603 = vector.broadcast %jit3A_600 : i32 to vector<16xi32>
        %min3A_604 = arith.minsi %min3A_603, %max3A_602 : vector<16xi32>
        %broadcast_in_dim3A_605 = arith.constant 1 : i32
        %broadcast_in_dim3A_606 = vector.broadcast %broadcast_in_dim3A_605 : i32 to vector<16xi32>
        tpu.vector_store_idx %arg11[%min3A_604], %broadcast_in_dim3A_606 masked %and3A_580 {add = true} : memref<128xi32, #tpu.memory_space<vmem>>[vector<16xi32>], vector<16xi32>, vector<16xi1>
        %slice3A_607 = vector.extract_strided_slice %masked_cumsum3A_587 {offsets = [15], sizes = [1], strides = [1]} : vector<16xi32> to vector<1xi32>
        %squeeze3A_608 = vector.extract %slice3A_607[0] : i32 from vector<1xi32>
        %add3A_609 = arith.addi %scan3A_565, %squeeze3A_608 : i32
        scf.yield %add3A_609 : i32
      }
      %scan3A_563 = arith.constant 128 : i32
      scf.yield %scan3A_562 : i32
    }
    %scan3A_311 = arith.constant 8 : i32
    %get3A_312 = arith.constant 0 : index
    %get3A_313 = tpu.vector_load %arg11[%get3A_312] {strides = array<i32>} : memref<128xi32, #tpu.memory_space<vmem>>, vector<16xi32>,
    %broadcast_in_dim3A_314 = arith.constant true
    %broadcast_in_dim3A_315 = vector.broadcast %broadcast_in_dim3A_314 : i1 to vector<16xi1>
    %masked_cumsum3A_316 = tpu.scan <sum>, %get3A_313 masked %broadcast_in_dim3A_315 : vector<16xi32>, vector<16xi1> -> vector<16xi32>
    %sub3A_317 = arith.subi %masked_cumsum3A_316, %get3A_313 : vector<16xi32>
    %add3A_318 = arith.constant 0 : i32
    %add3A_319 = vector.broadcast %add3A_318 : i32 to vector<16xi32>
    %add3A_320 = arith.addi %sub3A_317, %add3A_319 : vector<16xi32>
    %swap3A_321 = arith.constant 0 : index
    %swap3A_322 = tpu.vector_load %arg12[%swap3A_321] {strides = array<i32>} : memref<128xi32, #tpu.memory_space<vmem>>, vector<16xi32>,
    tpu.vector_store %arg12[%swap3A_321], %add3A_320 {strides = array<i32>} : memref<128xi32, #tpu.memory_space<vmem>>, vector<16xi32>,
    %swap3A_323 = arith.constant 0 : index
    %swap3A_324 = tpu.vector_load %arg13[%swap3A_323] {strides = array<i32>} : memref<128xi32, #tpu.memory_space<vmem>>, vector<16xi32>,
    tpu.vector_store %arg13[%swap3A_323], %add3A_320 {strides = array<i32>} : memref<128xi32, #tpu.memory_space<vmem>>, vector<16xi32>,
    %slice3A_325 = vector.extract_strided_slice %masked_cumsum3A_316 {offsets = [15], sizes = [1], strides = [1]} : vector<16xi32> to vector<1xi32>
    %squeeze3A_326 = vector.extract %slice3A_325[0] : i32 from vector<1xi32>
    %add3A_327 = arith.constant 0 : i32
    %add3A_328 = arith.addi %add3A_327, %squeeze3A_326 : i32
    %get3A_329 = arith.constant 16 : index
    %get3A_330 = tpu.vector_load %arg11[%get3A_329] {strides = array<i32>} : memref<128xi32, #tpu.memory_space<vmem>>, vector<16xi32>,
    %broadcast_in_dim3A_331 = arith.constant true
    %broadcast_in_dim3A_332 = vector.broadcast %broadcast_in_dim3A_331 : i1 to vector<16xi1>
    %masked_cumsum3A_333 = tpu.scan <sum>, %get3A_330 masked %broadcast_in_dim3A_332 : vector<16xi32>, vector<16xi1> -> vector<16xi32>
    %sub3A_334 = arith.subi %masked_cumsum3A_333, %get3A_330 : vector<16xi32>
    %add3A_335 = vector.broadcast %add3A_328 : i32 to vector<16xi32>
    %add3A_336 = arith.addi %sub3A_334, %add3A_335 : vector<16xi32>
    %swap3A_337 = arith.constant 16 : index
    %swap3A_338 = tpu.vector_load %arg12[%swap3A_337] {strides = array<i32>} : memref<128xi32, #tpu.memory_space<vmem>>, vector<16xi32>,
    tpu.vector_store %arg12[%swap3A_337], %add3A_336 {strides = array<i32>} : memref<128xi32, #tpu.memory_space<vmem>>, vector<16xi32>,
    %swap3A_339 = arith.constant 16 : index
    %swap3A_340 = tpu.vector_load %arg13[%swap3A_339] {strides = array<i32>} : memref<128xi32, #tpu.memory_space<vmem>>, vector<16xi32>,
    tpu.vector_store %arg13[%swap3A_339], %add3A_336 {strides = array<i32>} : memref<128xi32, #tpu.memory_space<vmem>>, vector<16xi32>,
    %slice3A_341 = vector.extract_strided_slice %masked_cumsum3A_333 {offsets = [15], sizes = [1], strides = [1]} : vector<16xi32> to vector<1xi32>
    %squeeze3A_342 = vector.extract %slice3A_341[0] : i32 from vector<1xi32>
    %add3A_343 = arith.addi %add3A_328, %squeeze3A_342 : i32
    %get3A_344 = arith.constant 32 : index
    %get3A_345 = tpu.vector_load %arg11[%get3A_344] {strides = array<i32>} : memref<128xi32, #tpu.memory_space<vmem>>, vector<16xi32>,
    %broadcast_in_dim3A_346 = arith.constant true
    %broadcast_in_dim3A_347 = vector.broadcast %broadcast_in_dim3A_346 : i1 to vector<16xi1>
    %masked_cumsum3A_348 = tpu.scan <sum>, %get3A_345 masked %broadcast_in_dim3A_347 : vector<16xi32>, vector<16xi1> -> vector<16xi32>
    %sub3A_349 = arith.subi %masked_cumsum3A_348, %get3A_345 : vector<16xi32>
    %add3A_350 = vector.broadcast %add3A_343 : i32 to vector<16xi32>
    %add3A_351 = arith.addi %sub3A_349, %add3A_350 : vector<16xi32>
    %swap3A_352 = arith.constant 32 : index
    %swap3A_353 = tpu.vector_load %arg12[%swap3A_352] {strides = array<i32>} : memref<128xi32, #tpu.memory_space<vmem>>, vector<16xi32>,
    tpu.vector_store %arg12[%swap3A_352], %add3A_351 {strides = array<i32>} : memref<128xi32, #tpu.memory_space<vmem>>, vector<16xi32>,
    %swap3A_354 = arith.constant 32 : index
    %swap3A_355 = tpu.vector_load %arg13[%swap3A_354] {strides = array<i32>} : memref<128xi32, #tpu.memory_space<vmem>>, vector<16xi32>,
    tpu.vector_store %arg13[%swap3A_354], %add3A_351 {strides = array<i32>} : memref<128xi32, #tpu.memory_space<vmem>>, vector<16xi32>,
    %slice3A_356 = vector.extract_strided_slice %masked_cumsum3A_348 {offsets = [15], sizes = [1], strides = [1]} : vector<16xi32> to vector<1xi32>
    %squeeze3A_357 = vector.extract %slice3A_356[0] : i32 from vector<1xi32>
    %add3A_358 = arith.addi %add3A_343, %squeeze3A_357 : i32
    %get3A_359 = arith.constant 48 : index
    %get3A_360 = tpu.vector_load %arg11[%get3A_359] {strides = array<i32>} : memref<128xi32, #tpu.memory_space<vmem>>, vector<16xi32>,
    %broadcast_in_dim3A_361 = arith.constant true
    %broadcast_in_dim3A_362 = vector.broadcast %broadcast_in_dim3A_361 : i1 to vector<16xi1>
    %masked_cumsum3A_363 = tpu.scan <sum>, %get3A_360 masked %broadcast_in_dim3A_362 : vector<16xi32>, vector<16xi1> -> vector<16xi32>
    %sub3A_364 = arith.subi %masked_cumsum3A_363, %get3A_360 : vector<16xi32>
    %add3A_365 = vector.broadcast %add3A_358 : i32 to vector<16xi32>
    %add3A_366 = arith.addi %sub3A_364, %add3A_365 : vector<16xi32>
    %swap3A_367 = arith.constant 48 : index
    %swap3A_368 = tpu.vector_load %arg12[%swap3A_367] {strides = array<i32>} : memref<128xi32, #tpu.memory_space<vmem>>, vector<16xi32>,
    tpu.vector_store %arg12[%swap3A_367], %add3A_366 {strides = array<i32>} : memref<128xi32, #tpu.memory_space<vmem>>, vector<16xi32>,
    %swap3A_369 = arith.constant 48 : index
    %swap3A_370 = tpu.vector_load %arg13[%swap3A_369] {strides = array<i32>} : memref<128xi32, #tpu.memory_space<vmem>>, vector<16xi32>,
    tpu.vector_store %arg13[%swap3A_369], %add3A_366 {strides = array<i32>} : memref<128xi32, #tpu.memory_space<vmem>>, vector<16xi32>,
    %slice3A_371 = vector.extract_strided_slice %masked_cumsum3A_363 {offsets = [15], sizes = [1], strides = [1]} : vector<16xi32> to vector<1xi32>
    %squeeze3A_372 = vector.extract %slice3A_371[0] : i32 from vector<1xi32>
    %add3A_373 = arith.addi %add3A_358, %squeeze3A_372 : i32
    %get3A_374 = arith.constant 64 : index
    %get3A_375 = tpu.vector_load %arg11[%get3A_374] {strides = array<i32>} : memref<128xi32, #tpu.memory_space<vmem>>, vector<16xi32>,
    %broadcast_in_dim3A_376 = arith.constant true
    %broadcast_in_dim3A_377 = vector.broadcast %broadcast_in_dim3A_376 : i1 to vector<16xi1>
    %masked_cumsum3A_378 = tpu.scan <sum>, %get3A_375 masked %broadcast_in_dim3A_377 : vector<16xi32>, vector<16xi1> -> vector<16xi32>
    %sub3A_379 = arith.subi %masked_cumsum3A_378, %get3A_375 : vector<16xi32>
    %add3A_380 = vector.broadcast %add3A_373 : i32 to vector<16xi32>
    %add3A_381 = arith.addi %sub3A_379, %add3A_380 : vector<16xi32>
    %swap3A_382 = arith.constant 64 : index
    %swap3A_383 = tpu.vector_load %arg12[%swap3A_382] {strides = array<i32>} : memref<128xi32, #tpu.memory_space<vmem>>, vector<16xi32>,
    tpu.vector_store %arg12[%swap3A_382], %add3A_381 {strides = array<i32>} : memref<128xi32, #tpu.memory_space<vmem>>, vector<16xi32>,
    %swap3A_384 = arith.constant 64 : index
    %swap3A_385 = tpu.vector_load %arg13[%swap3A_384] {strides = array<i32>} : memref<128xi32, #tpu.memory_space<vmem>>, vector<16xi32>,
    tpu.vector_store %arg13[%swap3A_384], %add3A_381 {strides = array<i32>} : memref<128xi32, #tpu.memory_space<vmem>>, vector<16xi32>,
    %slice3A_386 = vector.extract_strided_slice %masked_cumsum3A_378 {offsets = [15], sizes = [1], strides = [1]} : vector<16xi32> to vector<1xi32>
    %squeeze3A_387 = vector.extract %slice3A_386[0] : i32 from vector<1xi32>
    %add3A_388 = arith.addi %add3A_373, %squeeze3A_387 : i32
    %get3A_389 = arith.constant 80 : index
    %get3A_390 = tpu.vector_load %arg11[%get3A_389] {strides = array<i32>} : memref<128xi32, #tpu.memory_space<vmem>>, vector<16xi32>,
    %broadcast_in_dim3A_391 = arith.constant true
    %broadcast_in_dim3A_392 = vector.broadcast %broadcast_in_dim3A_391 : i1 to vector<16xi1>
    %masked_cumsum3A_393 = tpu.scan <sum>, %get3A_390 masked %broadcast_in_dim3A_392 : vector<16xi32>, vector<16xi1> -> vector<16xi32>
    %sub3A_394 = arith.subi %masked_cumsum3A_393, %get3A_390 : vector<16xi32>
    %add3A_395 = vector.broadcast %add3A_388 : i32 to vector<16xi32>
    %add3A_396 = arith.addi %sub3A_394, %add3A_395 : vector<16xi32>
    %swap3A_397 = arith.constant 80 : index
    %swap3A_398 = tpu.vector_load %arg12[%swap3A_397] {strides = array<i32>} : memref<128xi32, #tpu.memory_space<vmem>>, vector<16xi32>,
    tpu.vector_store %arg12[%swap3A_397], %add3A_396 {strides = array<i32>} : memref<128xi32, #tpu.memory_space<vmem>>, vector<16xi32>,
    %swap3A_399 = arith.constant 80 : index
    %swap3A_400 = tpu.vector_load %arg13[%swap3A_399] {strides = array<i32>} : memref<128xi32, #tpu.memory_space<vmem>>, vector<16xi32>,
    tpu.vector_store %arg13[%swap3A_399], %add3A_396 {strides = array<i32>} : memref<128xi32, #tpu.memory_space<vmem>>, vector<16xi32>,
    %slice3A_401 = vector.extract_strided_slice %masked_cumsum3A_393 {offsets = [15], sizes = [1], strides = [1]} : vector<16xi32> to vector<1xi32>
    %squeeze3A_402 = vector.extract %slice3A_401[0] : i32 from vector<1xi32>
    %add3A_403 = arith.addi %add3A_388, %squeeze3A_402 : i32
    %get3A_404 = arith.constant 96 : index
    %get3A_405 = tpu.vector_load %arg11[%get3A_404] {strides = array<i32>} : memref<128xi32, #tpu.memory_space<vmem>>, vector<16xi32>,
    %broadcast_in_dim3A_406 = arith.constant true
    %broadcast_in_dim3A_407 = vector.broadcast %broadcast_in_dim3A_406 : i1 to vector<16xi1>
    %masked_cumsum3A_408 = tpu.scan <sum>, %get3A_405 masked %broadcast_in_dim3A_407 : vector<16xi32>, vector<16xi1> -> vector<16xi32>
    %sub3A_409 = arith.subi %masked_cumsum3A_408, %get3A_405 : vector<16xi32>
    %add3A_410 = vector.broadcast %add3A_403 : i32 to vector<16xi32>
    %add3A_411 = arith.addi %sub3A_409, %add3A_410 : vector<16xi32>
    %swap3A_412 = arith.constant 96 : index
    %swap3A_413 = tpu.vector_load %arg12[%swap3A_412] {strides = array<i32>} : memref<128xi32, #tpu.memory_space<vmem>>, vector<16xi32>,
    tpu.vector_store %arg12[%swap3A_412], %add3A_411 {strides = array<i32>} : memref<128xi32, #tpu.memory_space<vmem>>, vector<16xi32>,
    %swap3A_414 = arith.constant 96 : index
    %swap3A_415 = tpu.vector_load %arg13[%swap3A_414] {strides = array<i32>} : memref<128xi32, #tpu.memory_space<vmem>>, vector<16xi32>,
    tpu.vector_store %arg13[%swap3A_414], %add3A_411 {strides = array<i32>} : memref<128xi32, #tpu.memory_space<vmem>>, vector<16xi32>,
    %slice3A_416 = vector.extract_strided_slice %masked_cumsum3A_408 {offsets = [15], sizes = [1], strides = [1]} : vector<16xi32> to vector<1xi32>
    %squeeze3A_417 = vector.extract %slice3A_416[0] : i32 from vector<1xi32>
    %add3A_418 = arith.addi %add3A_403, %squeeze3A_417 : i32
    %get3A_419 = arith.constant 112 : index
    %get3A_420 = tpu.vector_load %arg11[%get3A_419] {strides = array<i32>} : memref<128xi32, #tpu.memory_space<vmem>>, vector<16xi32>,
    %broadcast_in_dim3A_421 = arith.constant true
    %broadcast_in_dim3A_422 = vector.broadcast %broadcast_in_dim3A_421 : i1 to vector<16xi1>
    %masked_cumsum3A_423 = tpu.scan <sum>, %get3A_420 masked %broadcast_in_dim3A_422 : vector<16xi32>, vector<16xi1> -> vector<16xi32>
    %sub3A_424 = arith.subi %masked_cumsum3A_423, %get3A_420 : vector<16xi32>
    %add3A_425 = vector.broadcast %add3A_418 : i32 to vector<16xi32>
    %add3A_426 = arith.addi %sub3A_424, %add3A_425 : vector<16xi32>
    %swap3A_427 = arith.constant 112 : index
    %swap3A_428 = tpu.vector_load %arg12[%swap3A_427] {strides = array<i32>} : memref<128xi32, #tpu.memory_space<vmem>>, vector<16xi32>,
    tpu.vector_store %arg12[%swap3A_427], %add3A_426 {strides = array<i32>} : memref<128xi32, #tpu.memory_space<vmem>>, vector<16xi32>,
    %swap3A_429 = arith.constant 112 : index
    %swap3A_430 = tpu.vector_load %arg13[%swap3A_429] {strides = array<i32>} : memref<128xi32, #tpu.memory_space<vmem>>, vector<16xi32>,
    tpu.vector_store %arg13[%swap3A_429], %add3A_426 {strides = array<i32>} : memref<128xi32, #tpu.memory_space<vmem>>, vector<16xi32>,
    %slice3A_431 = vector.extract_strided_slice %masked_cumsum3A_423 {offsets = [15], sizes = [1], strides = [1]} : vector<16xi32> to vector<1xi32>
    %squeeze3A_432 = vector.extract %slice3A_431[0] : i32 from vector<1xi32>
    %add3A_433 = arith.addi %add3A_418, %squeeze3A_432 : i32
    %add3A_434 = arith.constant 16 : i32
    %add3A_435 = arith.addi %scan3A_310, %add3A_434 : i32
    %sub3A_436 = arith.constant 1 : i32
    %sub3A_437 = arith.subi %add3A_435, %sub3A_436 : i32
    %jit3A_438 = arith.constant 16 : i32
    %div3A_439 = arith.divsi %sub3A_437, %jit3A_438 : i32
    %sign3A_440 = arith.constant 0 : i32
    %sign3A_441 = arith.cmpi sgt, %sub3A_437, %sign3A_440 : i32
    %sign3A_442 = arith.extui %sign3A_441 : i1 to i32
    %sign3A_443 = arith.constant 0 : i32
    %sign3A_444 = arith.cmpi slt, %sub3A_437, %sign3A_443 : i32
    %sign3A_445 = arith.extui %sign3A_444 : i1 to i32
    %sign3A_446 = arith.subi %sign3A_442, %sign3A_445 : i32
    %sign3A_447 = arith.constant 0 : i32
    %sign3A_448 = arith.cmpi sgt, %jit3A_438, %sign3A_447 : i32
    %sign3A_449 = arith.extui %sign3A_448 : i1 to i32
    %sign3A_450 = arith.constant 0 : i32
    %sign3A_451 = arith.cmpi slt, %jit3A_438, %sign3A_450 : i32
    %sign3A_452 = arith.extui %sign3A_451 : i1 to i32
    %sign3A_453 = arith.subi %sign3A_449, %sign3A_452 : i32
    %ne3A_454 = arith.cmpi ne, %sign3A_446, %sign3A_453 : i32
    %rem3A_455 = arith.remsi %sub3A_437, %jit3A_438 : i32
    %ne3A_456 = arith.constant 0 : i32
    %ne3A_457 = arith.cmpi ne, %rem3A_455, %ne3A_456 : i32
    %and3A_458 = arith.andi %ne3A_454, %ne3A_457 : i1
    %sub3A_459 = arith.constant 1 : i32
    %sub3A_460 = arith.subi %div3A_439, %sub3A_459 : i32
    %select_n3A_461 = arith.select %and3A_458, %sub3A_460, %div3A_439 : i32
    %while3A_462 = arith.constant 0 : i32
    %while3A_463 = arith.constant 0 : i32
    %while3A_464 = arith.subi %select_n3A_461, %while3A_462 : i32
    %while3A_465 = arith.addi %while3A_462, %while3A_464 : i32
    %while3A_466 = arith.constant 1 : i32
    %while3A_467 = arith.divsi %while3A_464, %while3A_466 : i32
    %while3A_468 = arith.muli %while3A_467, %while3A_466 : i32
    %while3A_469 = arith.addi %while3A_462, %while3A_468 : i32
    %while3A_470 = arith.constant 1 : i32
    %while3A_471 = scf.for %while3A_551 = %while3A_462 to %while3A_469 step %while3A_470 iter_args(%while3A_552 = %while3A_463) -> (i32)  : i32 {
      %mul3A_553 = arith.constant 16 : i32
      %mul3A_554 = arith.muli %while3A_551, %mul3A_553 : i32
      %iota3A = tpu.iota {dimensions = array<i32: 0>} : vector<16xi32>
      %add3A_555 = vector.broadcast %mul3A_554 : i32 to vector<16xi32>
      %add3A_556 = arith.addi %add3A_555, %iota3A : vector<16xi32>
      %lt3A_557 = vector.broadcast %scan3A_310 : i32 to vector<16xi32>
      %lt3A_558 = arith.cmpi slt, %add3A_556, %lt3A_557 : vector<16xi32>
      %mul3A_559 = arith.constant 16 : i32
      %mul3A_560 = arith.muli %while3A_551, %mul3A_559 : i32
      %get3A_561 = arith.index_cast %mul3A_560 : i32 to index
      %get3A_562 = tpu.vector_load %arg9[%get3A_561] {strides = array<i32>} : memref<16400xi32, #tpu.memory_space<vmem>>, vector<16xi32>,
      %shift_right_arithmetic3A = arith.constant 14 : i32
      %shift_right_arithmetic3A_563 = vector.broadcast %shift_right_arithmetic3A : i32 to vector<16xi32>
      %shift_right_arithmetic3A_564 = arith.shrsi %get3A_562, %shift_right_arithmetic3A_563 : vector<16xi32>
      %shift_right_arithmetic3A_565 = arith.constant 8 : i32
      %shift_right_arithmetic3A_566 = vector.broadcast %shift_right_arithmetic3A_565 : i32 to vector<16xi32>
      %shift_right_arithmetic3A_567 = arith.shrsi %shift_right_arithmetic3A_564, %shift_right_arithmetic3A_566 : vector<16xi32>
      %jit3A_568 = arith.constant 0 : i32
      %jit3A_569 = arith.constant 127 : i32
      %max3A = vector.broadcast %jit3A_568 : i32 to vector<16xi32>
      %max3A_570 = arith.maxsi %max3A, %shift_right_arithmetic3A_567 : vector<16xi32>
      %min3A_571 = vector.broadcast %jit3A_569 : i32 to vector<16xi32>
      %min3A_572 = arith.minsi %min3A_571, %max3A_570 : vector<16xi32>
      %unique3A, %unique3A_573 = tpu.scan_count mask(%lt3A_558 : vector<16xi1>) value(%min3A_572 : vector<16xi32>) : vector<16xi1>, vector<16xi32>
      %gather3A = tpu.vector_load_idx %arg13[%min3A_572] : memref<128xi32, #tpu.memory_space<vmem>>[vector<16xi32>], vector<16xi32>,
      %add3A_574 = arith.addi %gather3A, %unique3A_573 : vector<16xi32>
      %sub3A_575 = arith.constant 1 : i32
      %sub3A_576 = vector.broadcast %sub3A_575 : i32 to vector<16xi32>
      %sub3A_577 = arith.subi %add3A_574, %sub3A_576 : vector<16xi32>
      tpu.vector_store_idx %arg10[%sub3A_577], %get3A_562 masked %lt3A_558 : memref<16400xi32, #tpu.memory_space<vmem>>[vector<16xi32>], vector<16xi32>, vector<16xi1>
      %broadcast_in_dim3A_578 = arith.constant 1 : i32
      %broadcast_in_dim3A_579 = vector.broadcast %broadcast_in_dim3A_578 : i32 to vector<16xi32>
      tpu.vector_store_idx %arg13[%min3A_572], %broadcast_in_dim3A_579 masked %lt3A_558 {add = true} : memref<128xi32, #tpu.memory_space<vmem>>[vector<16xi32>], vector<16xi32>, vector<16xi1>
      %while3A_580 = arith.constant 0 : i32
      scf.yield %while3A_580 : i32
    }
    %while3A_472 = arith.constant 1 : i32
    %while3A_473 = scf.for %while3A_551 = %while3A_469 to %while3A_465 step %while3A_472 iter_args(%while3A_552 = %while3A_471) -> (i32)  : i32 {
      %mul3A_553 = arith.constant 16 : i32
      %mul3A_554 = arith.muli %while3A_551, %mul3A_553 : i32
      %iota3A = tpu.iota {dimensions = array<i32: 0>} : vector<16xi32>
      %add3A_555 = vector.broadcast %mul3A_554 : i32 to vector<16xi32>
      %add3A_556 = arith.addi %add3A_555, %iota3A : vector<16xi32>
      %lt3A_557 = vector.broadcast %scan3A_310 : i32 to vector<16xi32>
      %lt3A_558 = arith.cmpi slt, %add3A_556, %lt3A_557 : vector<16xi32>
      %mul3A_559 = arith.constant 16 : i32
      %mul3A_560 = arith.muli %while3A_551, %mul3A_559 : i32
      %get3A_561 = arith.index_cast %mul3A_560 : i32 to index
      %get3A_562 = tpu.vector_load %arg9[%get3A_561] {strides = array<i32>} : memref<16400xi32, #tpu.memory_space<vmem>>, vector<16xi32>,
      %shift_right_arithmetic3A = arith.constant 14 : i32
      %shift_right_arithmetic3A_563 = vector.broadcast %shift_right_arithmetic3A : i32 to vector<16xi32>
      %shift_right_arithmetic3A_564 = arith.shrsi %get3A_562, %shift_right_arithmetic3A_563 : vector<16xi32>
      %shift_right_arithmetic3A_565 = arith.constant 8 : i32
      %shift_right_arithmetic3A_566 = vector.broadcast %shift_right_arithmetic3A_565 : i32 to vector<16xi32>
      %shift_right_arithmetic3A_567 = arith.shrsi %shift_right_arithmetic3A_564, %shift_right_arithmetic3A_566 : vector<16xi32>
      %jit3A_568 = arith.constant 0 : i32
      %jit3A_569 = arith.constant 127 : i32
      %max3A = vector.broadcast %jit3A_568 : i32 to vector<16xi32>
      %max3A_570 = arith.maxsi %max3A, %shift_right_arithmetic3A_567 : vector<16xi32>
      %min3A_571 = vector.broadcast %jit3A_569 : i32 to vector<16xi32>
      %min3A_572 = arith.minsi %min3A_571, %max3A_570 : vector<16xi32>
      %unique3A, %unique3A_573 = tpu.scan_count mask(%lt3A_558 : vector<16xi1>) value(%min3A_572 : vector<16xi32>) : vector<16xi1>, vector<16xi32>
      %gather3A = tpu.vector_load_idx %arg13[%min3A_572] : memref<128xi32, #tpu.memory_space<vmem>>[vector<16xi32>], vector<16xi32>,
      %add3A_574 = arith.addi %gather3A, %unique3A_573 : vector<16xi32>
      %sub3A_575 = arith.constant 1 : i32
      %sub3A_576 = vector.broadcast %sub3A_575 : i32 to vector<16xi32>
      %sub3A_577 = arith.subi %add3A_574, %sub3A_576 : vector<16xi32>
      tpu.vector_store_idx %arg10[%sub3A_577], %get3A_562 masked %lt3A_558 : memref<16400xi32, #tpu.memory_space<vmem>>[vector<16xi32>], vector<16xi32>, vector<16xi1>
      %broadcast_in_dim3A_578 = arith.constant 1 : i32
      %broadcast_in_dim3A_579 = vector.broadcast %broadcast_in_dim3A_578 : i32 to vector<16xi32>
      tpu.vector_store_idx %arg13[%min3A_572], %broadcast_in_dim3A_579 masked %lt3A_558 {add = true} : memref<128xi32, #tpu.memory_space<vmem>>[vector<16xi32>], vector<16xi32>, vector<16xi1>
      %while3A_580 = arith.constant 0 : i32
      scf.yield %while3A_580 : i32
    }
    %add3A_474 = arith.constant 0 : i32
    %add3A_475 = arith.addi %add3A_4, %add3A_474 : i32
    %mul3A_476 = arith.constant 128 : i32
    %mul3A_477 = arith.muli %add3A_475, %mul3A_476 : i32
    %min3A_478 = arith.constant 999808 : i32
    %min3A_479 = arith.minsi %mul3A_477, %min3A_478 : i32
    %multiple_of3A_480 = tpu.assume_multiple %min3A_479, 128 : i32
    %dma_start3A_481 = arith.constant 0 : i32
    %dma_start3A_482 = tpu.memref_slice %arg5[%dma_start3A_481, %multiple_of3A_480] : memref<64x1000000xf32, #tpu.memory_space<hbm>> -> memref<64x256xf32, #tpu.memory_space<hbm>>
    %dma_start3A_483 = arith.constant 0 : i32
    %dma_start3A_484 = tpu.memref_slice %arg5[%dma_start3A_483, %multiple_of3A_480] : memref<64x1000000xf32, #tpu.memory_space<hbm>> -> memref<64x256xf32, #tpu.memory_space<hbm>>
    tpu.enqueue_dma source(%dma_start3A_484 : memref<64x256xf32, #tpu.memory_space<hbm>>) target(%arg14 : memref<64x256xf32, #tpu.memory_space<vmem>>) target_semaphore(%arg19 : memref<!tpu.dma_semaphore, #tpu.memory_space<semaphore_mem>>)
    %add3A_485 = arith.constant 2 : i32
    %add3A_486 = arith.addi %add3A_4, %add3A_485 : i32
    %mul3A_487 = arith.constant 128 : i32
    %mul3A_488 = arith.muli %add3A_486, %mul3A_487 : i32
    %min3A_489 = arith.constant 999808 : i32
    %min3A_490 = arith.minsi %mul3A_488, %min3A_489 : i32
    %multiple_of3A_491 = tpu.assume_multiple %min3A_490, 128 : i32
    %dma_start3A_492 = arith.constant 0 : i32
    %dma_start3A_493 = tpu.memref_slice %arg5[%dma_start3A_492, %multiple_of3A_491] : memref<64x1000000xf32, #tpu.memory_space<hbm>> -> memref<64x256xf32, #tpu.memory_space<hbm>>
    %dma_start3A_494 = arith.constant 0 : i32
    %dma_start3A_495 = tpu.memref_slice %arg5[%dma_start3A_494, %multiple_of3A_491] : memref<64x1000000xf32, #tpu.memory_space<hbm>> -> memref<64x256xf32, #tpu.memory_space<hbm>>
    tpu.enqueue_dma source(%dma_start3A_495 : memref<64x256xf32, #tpu.memory_space<hbm>>) target(%arg15 : memref<64x256xf32, #tpu.memory_space<vmem>>) target_semaphore(%arg20 : memref<!tpu.dma_semaphore, #tpu.memory_space<semaphore_mem>>)
    %add3A_496 = arith.constant 4 : i32
    %add3A_497 = arith.addi %add3A_4, %add3A_496 : i32
    %mul3A_498 = arith.constant 128 : i32
    %mul3A_499 = arith.muli %add3A_497, %mul3A_498 : i32
    %min3A_500 = arith.constant 999808 : i32
    %min3A_501 = arith.minsi %mul3A_499, %min3A_500 : i32
    %multiple_of3A_502 = tpu.assume_multiple %min3A_501, 128 : i32
    %dma_start3A_503 = arith.constant 0 : i32
    %dma_start3A_504 = tpu.memref_slice %arg5[%dma_start3A_503, %multiple_of3A_502] : memref<64x1000000xf32, #tpu.memory_space<hbm>> -> memref<64x256xf32, #tpu.memory_space<hbm>>
    %dma_start3A_505 = arith.constant 0 : i32
    %dma_start3A_506 = tpu.memref_slice %arg5[%dma_start3A_505, %multiple_of3A_502] : memref<64x1000000xf32, #tpu.memory_space<hbm>> -> memref<64x256xf32, #tpu.memory_space<hbm>>
    tpu.enqueue_dma source(%dma_start3A_506 : memref<64x256xf32, #tpu.memory_space<hbm>>) target(%arg16 : memref<64x256xf32, #tpu.memory_space<vmem>>) target_semaphore(%arg21 : memref<!tpu.dma_semaphore, #tpu.memory_space<semaphore_mem>>)
    %add3A_507 = arith.constant 6 : i32
    %add3A_508 = arith.addi %add3A_4, %add3A_507 : i32
    %mul3A_509 = arith.constant 128 : i32
    %mul3A_510 = arith.muli %add3A_508, %mul3A_509 : i32
    %min3A_511 = arith.constant 999808 : i32
    %min3A_512 = arith.minsi %mul3A_510, %min3A_511 : i32
    %multiple_of3A_513 = tpu.assume_multiple %min3A_512, 128 : i32
    %dma_start3A_514 = arith.constant 0 : i32
    %dma_start3A_515 = tpu.memref_slice %arg5[%dma_start3A_514, %multiple_of3A_513] : memref<64x1000000xf32, #tpu.memory_space<hbm>> -> memref<64x256xf32, #tpu.memory_space<hbm>>
    %dma_start3A_516 = arith.constant 0 : i32
    %dma_start3A_517 = tpu.memref_slice %arg5[%dma_start3A_516, %multiple_of3A_513] : memref<64x1000000xf32, #tpu.memory_space<hbm>> -> memref<64x256xf32, #tpu.memory_space<hbm>>
    tpu.enqueue_dma source(%dma_start3A_517 : memref<64x256xf32, #tpu.memory_space<hbm>>) target(%arg17 : memref<64x256xf32, #tpu.memory_space<vmem>>) target_semaphore(%arg22 : memref<!tpu.dma_semaphore, #tpu.memory_space<semaphore_mem>>)
    %scan3A_518 = arith.constant 0 : i32
    %scan3A_519 = arith.constant 0 : i32
    %scan3A_520 = arith.constant 31 : i32
    %scan3A_521 = arith.addi %scan3A_519, %scan3A_520 : i32
    %scan3A_522 = arith.constant 1 : i32
    %scan3A_523 = scf.for %scan3A_551 = %scan3A_519 to %scan3A_521 step %scan3A_522 iter_args(%scan3A_552 = %scan3A_518) -> (i32)  : i32 {
      %mul3A_553 = arith.constant 4 : i32
      %mul3A_554 = arith.muli %scan3A_551, %mul3A_553 : i32
      %add3A_555 = arith.constant 0 : i32
      %add3A_556 = arith.addi %mul3A_554, %add3A_555 : i32
      %lt3A_557 = arith.constant 123 : i32
      %lt3A_558 = arith.cmpi slt, %add3A_556, %lt3A_557 : i32
      %convert_element_type3A = arith.extui %lt3A_558 : i1 to i32
      %cond3A = arith.constant 0 : i32
      %cond3A_559 = arith.cmpi ne, %convert_element_type3A, %cond3A : i32
      %cond3A_560 = scf.if %cond3A_559 -> (i32) {
        %dma_wait3A = arith.constant 0 : i32
        %dma_wait3A_619 = arith.constant 0 : i32
        %dma_wait3A_620 = tpu.memref_slice %arg5[%dma_wait3A, %dma_wait3A_619] : memref<64x1000000xf32, #tpu.memory_space<hbm>> -> memref<64x256xf32, #tpu.memory_space<hbm>>
        %dma_wait3A_621 = arith.constant 0 : i32
        %dma_wait3A_622 = arith.constant 0 : i32
        %dma_wait3A_623 = tpu.memref_slice %arg5[%dma_wait3A_621, %dma_wait3A_622] : memref<64x1000000xf32, #tpu.memory_space<hbm>> -> memref<64x256xf32, #tpu.memory_space<hbm>>
        tpu.wait_dma2 semaphore(%arg19 : memref<!tpu.dma_semaphore, #tpu.memory_space<semaphore_mem>>) src(%dma_wait3A_623 : memref<64x256xf32, #tpu.memory_space<hbm>>) dst(%arg14 : memref<64x256xf32, #tpu.memory_space<vmem>>)
        %mul3A_624 = arith.constant 2 : i32
        %mul3A_625 = arith.muli %mul3A_624, %add3A_556 : i32
        %add3A_626 = arith.addi %add3A_4, %mul3A_625 : i32
        %mul3A_627 = arith.constant 128 : i32
        %mul3A_628 = arith.muli %add3A_626, %mul3A_627 : i32
        %min3A_629 = arith.constant 999808 : i32
        %min3A_630 = arith.minsi %mul3A_628, %min3A_629 : i32
        %iota3A = tpu.iota {dimensions = array<i32: 0>} : vector<16xi32>
        %min3A_631 = arith.constant 1 : i32
        %min3A_632 = vector.broadcast %min3A_631 : i32 to vector<16xi32>
        %min3A_633 = arith.minsi %iota3A, %min3A_632 : vector<16xi32>
        %add3A_634 = vector.broadcast %add3A_556 : i32 to vector<16xi32>
        %add3A_635 = arith.addi %add3A_634, %min3A_633 : vector<16xi32>
        %gather3A = tpu.vector_load_idx %arg12[%add3A_635] : memref<128xi32, #tpu.memory_space<vmem>>[vector<16xi32>], vector<16xi32>,
        %slice3A_636 = vector.extract_strided_slice %gather3A {offsets = [0], sizes = [1], strides = [1]} : vector<16xi32> to vector<1xi32>
        %squeeze3A_637 = vector.extract %slice3A_636[0] : i32 from vector<1xi32>
        %slice3A_638 = vector.extract_strided_slice %gather3A {offsets = [1], sizes = [1], strides = [1]} : vector<16xi32> to vector<1xi32>
        %squeeze3A_639 = vector.extract %slice3A_638[0] : i32 from vector<1xi32>
        %while3A_640:2 = scf.while (%while3A_641 = %squeeze3A_637, %while3A_642 = %scan3A_552) : (i32, i32) -> (i32, i32) {
          %lt3A_643 = arith.cmpi slt, %while3A_641, %squeeze3A_639 : i32
          scf.condition(%lt3A_643) %while3A_641, %while3A_642 : i32, i32
        } do {
        ^bb0(%while3A_641: i32, %while3A_642: i32):
          %iota3A_643 = tpu.iota {dimensions = array<i32: 0>} : vector<16xi32>
          %add3A_644 = vector.broadcast %while3A_641 : i32 to vector<16xi32>
          %add3A_645 = arith.addi %add3A_644, %iota3A_643 : vector<16xi32>
          %gather3A_646 = tpu.vector_load_idx %arg10[%add3A_645] : memref<16400xi32, #tpu.memory_space<vmem>>[vector<16xi32>], vector<16xi32>,
          %iota3A_647 = tpu.iota {dimensions = array<i32: 0>} : vector<16xi32>
          %add3A_648 = vector.broadcast %while3A_641 : i32 to vector<16xi32>
          %add3A_649 = arith.addi %add3A_648, %iota3A_647 : vector<16xi32>
          %lt3A_650 = vector.broadcast %squeeze3A_639 : i32 to vector<16xi32>
          %lt3A_651 = arith.cmpi slt, %add3A_649, %lt3A_650 : vector<16xi32>
          %while3A_652:2 = scf.while (%while3A_655 = %lt3A_651, %while3A_656 = %while3A_642) : (vector<16xi1>, i32) -> (vector<16xi1>, i32) {
            %reduce_or3A = arith.constant 1.000000e+00 : f32
            %reduce_or3A_657 = arith.constant 0.000000e+00 : f32
            %reduce_or3A_658 = vector.broadcast %reduce_or3A : f32 to vector<16xf32>
            %reduce_or3A_659 = vector.broadcast %reduce_or3A_657 : f32 to vector<16xf32>
            %reduce_or3A_660 = arith.select %while3A_655, %reduce_or3A_658, %reduce_or3A_659 : vector<16xi1>, vector<16xf32>
            %reduce_or3A_661 = arith.constant true
            %reduce_or3A_662 = vector.broadcast %reduce_or3A_661 : i1 to vector<16xi1>
            %reduce_or3A_663 = tpu.scan <max>, %reduce_or3A_660 masked %reduce_or3A_662 : vector<16xf32>, vector<16xi1> -> vector<16xf32>
            %reduce_or3A_664 = vector.extract %reduce_or3A_663[15] : f32 from vector<16xf32>
            %reduce_or3A_665 = arith.constant 0.000000e+00 : f32
            %reduce_or3A_666 = arith.cmpf ogt, %reduce_or3A_664, %reduce_or3A_665 : f32
            scf.condition(%reduce_or3A_666) %while3A_655, %while3A_656 : vector<16xi1>, i32
          } do {
          ^bb0(%while3A_655: vector<16xi1>, %while3A_656: i32):
            %all_reduce_ffs3A = tpu.all_reduce %while3A_655 {dim = 0 : i64, kind = #tpu.reduction_kind<find_first_set>} : vector<16xi1> -> vector<16xi32>
            %slice3A_657 = vector.extract_strided_slice %all_reduce_ffs3A {offsets = [0], sizes = [1], strides = [1]} : vector<16xi32> to vector<1xi32>
            %squeeze3A_658 = vector.extract %slice3A_657[0] : i32 from vector<1xi32>
            %broadcast_in_dim3A_659 = vector.broadcast %squeeze3A_658 : i32 to vector<16xi32>
            %broadcast_in_dim3A_660 = vector.shape_cast %broadcast_in_dim3A_659 : vector<16xi32> to vector<16x1xi32>
            %gather3A_661 = vector.shape_cast %broadcast_in_dim3A_660 : vector<16x1xi32> to vector<16xi32>
            %gather3A_662 = tpu.dynamic_gather %gather3A_646[%gather3A_661] in [0] : vector<16xi32>, vector<16xi32> -> vector<16xi32>
            %slice3A_663 = vector.extract_strided_slice %gather3A_662 {offsets = [0], sizes = [1], strides = [1]} : vector<16xi32> to vector<1xi32>
            %squeeze3A_664 = vector.extract %slice3A_663[0] : i32 from vector<1xi32>
            %shift_right_arithmetic3A = arith.constant 14 : i32
            %shift_right_arithmetic3A_665 = arith.shrsi %squeeze3A_664, %shift_right_arithmetic3A : i32
            %add3A_666 = arith.addi %shift_right_arithmetic3A_665, %mul3A_8 : i32
            %and3A_667 = arith.constant 16383 : i32
            %and3A_668 = arith.andi %squeeze3A_664, %and3A_667 : i32
            %sub3A_669 = arith.subi %add3A_666, %min3A_630 : i32
            %jit3A_670 = arith.constant 16 : i32
            %eq3A_671 = arith.constant 0 : i32
            %eq3A_672 = arith.cmpi eq, %jit3A_670, %eq3A_671 : i32
            %jit3A_673 = arith.constant 1 : i32
            %select_n3A_674 = arith.select %eq3A_672, %jit3A_673, %jit3A_670 : i32
            %rem3A_675 = arith.remsi %while3A_656, %select_n3A_674 : i32
            %ne3A_676 = arith.constant 0 : i32
            %ne3A_677 = arith.cmpi ne, %rem3A_675, %ne3A_676 : i32
            %lt3A_678 = arith.constant 0 : i32
            %lt3A_679 = arith.cmpi slt, %rem3A_675, %lt3A_678 : i32
            %lt3A_680 = arith.constant 0 : i32
            %lt3A_681 = arith.cmpi slt, %select_n3A_674, %lt3A_680 : i32
            %ne3A_682 = arith.xori %lt3A_679, %lt3A_681 : i1
            %and3A_683 = arith.andi %ne3A_682, %ne3A_677 : i1
            %add3A_684 = arith.addi %rem3A_675, %select_n3A_674 : i32
            %select_n3A_685 = arith.select %and3A_683, %add3A_684, %rem3A_675 : i32
            %broadcast_in_dim3A_686 = vector.broadcast %sub3A_669 : i32 to vector<16xi32>
            %iota3A_687 = tpu.iota {dimensions = array<i32: 0>} : vector<16xi32>
            %add3A_688 = arith.constant 0 : i32
            %add3A_689 = vector.broadcast %add3A_688 : i32 to vector<16xi32>
            %add3A_690 = arith.addi %add3A_689, %iota3A_687 : vector<16xi32>
            %gather3A_691 = tpu.vector_load_idx %arg14[%add3A_690, %broadcast_in_dim3A_686] : memref<64x256xf32, #tpu.memory_space<vmem>>[vector<16xi32>, vector<16xi32>], vector<16xf32>,
            %swap3A_692 = arith.index_cast %select_n3A_685 : i32 to index
            %swap3A_693 = arith.constant 0 : index
            %swap3A_694 = tpu.vector_load %arg18[%swap3A_692, %swap3A_693] {strides = array<i32>} : memref<16x64xf32, #tpu.memory_space<vmem>>, vector<16xf32>,
            tpu.vector_store %arg18[%swap3A_692, %swap3A_693], %gather3A_691 {strides = array<i32>} : memref<16x64xf32, #tpu.memory_space<vmem>>, vector<16xf32>,
            %iota3A_695 = tpu.iota {dimensions = array<i32: 0>} : vector<16xi32>
            %add3A_696 = arith.constant 16 : i32
            %add3A_697 = vector.broadcast %add3A_696 : i32 to vector<16xi32>
            %add3A_698 = arith.addi %add3A_697, %iota3A_695 : vector<16xi32>
            %gather3A_699 = tpu.vector_load_idx %arg14[%add3A_698, %broadcast_in_dim3A_686] : memref<64x256xf32, #tpu.memory_space<vmem>>[vector<16xi32>, vector<16xi32>], vector<16xf32>,
            %swap3A_700 = arith.index_cast %select_n3A_685 : i32 to index
            %swap3A_701 = arith.constant 16 : index
            %swap3A_702 = tpu.vector_load %arg18[%swap3A_700, %swap3A_701] {strides = array<i32>} : memref<16x64xf32, #tpu.memory_space<vmem>>, vector<16xf32>,
            tpu.vector_store %arg18[%swap3A_700, %swap3A_701], %gather3A_699 {strides = array<i32>} : memref<16x64xf32, #tpu.memory_space<vmem>>, vector<16xf32>,
            %iota3A_703 = tpu.iota {dimensions = array<i32: 0>} : vector<16xi32>
            %add3A_704 = arith.constant 32 : i32
            %add3A_705 = vector.broadcast %add3A_704 : i32 to vector<16xi32>
            %add3A_706 = arith.addi %add3A_705, %iota3A_703 : vector<16xi32>
            %gather3A_707 = tpu.vector_load_idx %arg14[%add3A_706, %broadcast_in_dim3A_686] : memref<64x256xf32, #tpu.memory_space<vmem>>[vector<16xi32>, vector<16xi32>], vector<16xf32>,
            %swap3A_708 = arith.index_cast %select_n3A_685 : i32 to index
            %swap3A_709 = arith.constant 32 : index
            %swap3A_710 = tpu.vector_load %arg18[%swap3A_708, %swap3A_709] {strides = array<i32>} : memref<16x64xf32, #tpu.memory_space<vmem>>, vector<16xf32>,
            tpu.vector_store %arg18[%swap3A_708, %swap3A_709], %gather3A_707 {strides = array<i32>} : memref<16x64xf32, #tpu.memory_space<vmem>>, vector<16xf32>,
            %iota3A_711 = tpu.iota {dimensions = array<i32: 0>} : vector<16xi32>
            %add3A_712 = arith.constant 48 : i32
            %add3A_713 = vector.broadcast %add3A_712 : i32 to vector<16xi32>
            %add3A_714 = arith.addi %add3A_713, %iota3A_711 : vector<16xi32>
            %gather3A_715 = tpu.vector_load_idx %arg14[%add3A_714, %broadcast_in_dim3A_686] : memref<64x256xf32, #tpu.memory_space<vmem>>[vector<16xi32>, vector<16xi32>], vector<16xf32>,
            %swap3A_716 = arith.index_cast %select_n3A_685 : i32 to index
            %swap3A_717 = arith.constant 48 : index
            %swap3A_718 = tpu.vector_load %arg18[%swap3A_716, %swap3A_717] {strides = array<i32>} : memref<16x64xf32, #tpu.memory_space<vmem>>, vector<16xf32>,
            tpu.vector_store %arg18[%swap3A_716, %swap3A_717], %gather3A_715 {strides = array<i32>} : memref<16x64xf32, #tpu.memory_space<vmem>>, vector<16xf32>,
            %mul3A_719 = arith.constant 64 : i32
            %mul3A_720 = arith.muli %and3A_668, %mul3A_719 : i32
            %multiple_of3A_721 = tpu.assume_multiple %mul3A_720, 8 : i32
            %dma_start3A_722 = arith.constant 0 : i32
            %dma_start3A_723 = tpu.memref_slice %arg18[%select_n3A_685, %dma_start3A_722] : memref<16x64xf32, #tpu.memory_space<vmem>> -> memref<1x64xf32, #tpu.memory_space<vmem>>
            %dma_start3A_724 = tpu.memref_squeeze %dma_start3A_723 : memref<1x64xf32, #tpu.memory_space<vmem>> -> memref<64xf32, #tpu.memory_space<vmem>>
            %dma_start3A_725 = tpu.memref_slice %arg7[%multiple_of3A_721] : memref<1048576xf32, #tpu.memory_space<hbm>> -> memref<64xf32, #tpu.memory_space<hbm>>
            %dma_start3A_726 = tpu.memref_slice %arg7[%multiple_of3A_721] : memref<1048576xf32, #tpu.memory_space<hbm>> -> memref<64xf32, #tpu.memory_space<hbm>>
            %dma_start3A_727 = arith.constant 0 : i32
            %dma_start3A_728 = tpu.memref_slice %arg18[%select_n3A_685, %dma_start3A_727] : memref<16x64xf32, #tpu.memory_space<vmem>> -> memref<1x64xf32, #tpu.memory_space<vmem>>
            %dma_start3A_729 = tpu.memref_squeeze %dma_start3A_728 : memref<1x64xf32, #tpu.memory_space<vmem>> -> memref<64xf32, #tpu.memory_space<vmem>>
            tpu.enqueue_dma source(%dma_start3A_729 : memref<64xf32, #tpu.memory_space<vmem>>) target(%dma_start3A_726 : memref<64xf32, #tpu.memory_space<hbm>>) target_semaphore(%arg23 : memref<!tpu.dma_semaphore, #tpu.memory_space<semaphore_mem>>)
            %add3A_730 = arith.constant 1 : i32
            %add3A_731 = arith.addi %while3A_656, %add3A_730 : i32
            %jit3A_732 = arith.constant 16 : i32
            %eq3A_733 = arith.constant 0 : i32
            %eq3A_734 = arith.cmpi eq, %jit3A_732, %eq3A_733 : i32
            %jit3A_735 = arith.constant 1 : i32
            %select_n3A_736 = arith.select %eq3A_734, %jit3A_735, %jit3A_732 : i32
            %rem3A_737 = arith.remsi %add3A_731, %select_n3A_736 : i32
            %ne3A_738 = arith.constant 0 : i32
            %ne3A_739 = arith.cmpi ne, %rem3A_737, %ne3A_738 : i32
            %lt3A_740 = arith.constant 0 : i32
            %lt3A_741 = arith.cmpi slt, %rem3A_737, %lt3A_740 : i32
            %lt3A_742 = arith.constant 0 : i32
            %lt3A_743 = arith.cmpi slt, %select_n3A_736, %lt3A_742 : i32
            %ne3A_744 = arith.xori %lt3A_741, %lt3A_743 : i1
            %and3A_745 = arith.andi %ne3A_744, %ne3A_739 : i1
            %add3A_746 = arith.addi %rem3A_737, %select_n3A_736 : i32
            %select_n3A_747 = arith.select %and3A_745, %add3A_746, %rem3A_737 : i32
            %eq3A_748 = arith.constant 0 : i32
            %eq3A_749 = arith.cmpi eq, %select_n3A_747, %eq3A_748 : i32
            %convert_element_type3A_750 = arith.extui %eq3A_749 : i1 to i32
            %cond3A_751 = arith.constant 0 : i32
            %cond3A_752 = arith.cmpi ne, %convert_element_type3A_750, %cond3A_751 : i32
            scf.if %cond3A_752 {
              %scan3A_758 = arith.constant 0 : i32
              %scan3A_759 = arith.constant 0 : i32
              %scan3A_760 = arith.constant 16 : i32
              %scan3A_761 = arith.addi %scan3A_759, %scan3A_760 : i32
              %scan3A_762 = arith.constant 1 : i32
              scf.for %scan3A_764 = %scan3A_759 to %scan3A_761 step %scan3A_762  : i32 {
                %dma_wait3A_765 = arith.constant 0 : i32
                %dma_wait3A_766 = arith.constant 0 : i32
                %dma_wait3A_767 = tpu.memref_slice %arg18[%dma_wait3A_765, %dma_wait3A_766] : memref<16x64xf32, #tpu.memory_space<vmem>> -> memref<1x64xf32, #tpu.memory_space<vmem>>
                %dma_wait3A_768 = tpu.memref_squeeze %dma_wait3A_767 : memref<1x64xf32, #tpu.memory_space<vmem>> -> memref<64xf32, #tpu.memory_space<vmem>>
                %dma_wait3A_769 = arith.constant 0 : i32
                %dma_wait3A_770 = tpu.memref_slice %arg6[%dma_wait3A_769] : memref<1048576xf32, #tpu.memory_space<hbm>> -> memref<64xf32, #tpu.memory_space<hbm>>
                %dma_wait3A_771 = arith.constant 0 : i32
                %dma_wait3A_772 = tpu.memref_slice %arg18[%dma_wait3A_765, %dma_wait3A_771] : memref<16x64xf32, #tpu.memory_space<vmem>> -> memref<1x64xf32, #tpu.memory_space<vmem>>
                %dma_wait3A_773 = tpu.memref_squeeze %dma_wait3A_772 : memref<1x64xf32, #tpu.memory_space<vmem>> -> memref<64xf32, #tpu.memory_space<vmem>>
                %dma_wait3A_774 = arith.constant 0 : i32
                %dma_wait3A_775 = tpu.memref_slice %arg6[%dma_wait3A_774] : memref<1048576xf32, #tpu.memory_space<hbm>> -> memref<64xf32, #tpu.memory_space<hbm>>
                tpu.wait_dma2 semaphore(%arg23 : memref<!tpu.dma_semaphore, #tpu.memory_space<semaphore_mem>>) src(%dma_wait3A_775 : memref<64xf32, #tpu.memory_space<hbm>>) dst(%dma_wait3A_773 : memref<64xf32, #tpu.memory_space<vmem>>)
              }
              %scan3A_763 = arith.constant 16 : i32
            } else {
            }
            %iota3A_753 = tpu.iota {dimensions = array<i32: 0>} : vector<16xi32>
            %ne3A_754 = arith.cmpi ne, %iota3A_753, %all_reduce_ffs3A : vector<16xi32>
            %and3A_755 = arith.andi %while3A_655, %ne3A_754 : vector<16xi1>
            %add3A_756 = arith.constant 1 : i32
            %add3A_757 = arith.addi %while3A_656, %add3A_756 : i32
            scf.yield %and3A_755, %add3A_757 : vector<16xi1>, i32
          }
          %add3A_653 = arith.constant 16 : i32
          %add3A_654 = arith.addi %while3A_641, %add3A_653 : i32
          scf.yield %add3A_654, %while3A_652#1 : i32, i32
        }
        scf.yield %while3A_640#1 : i32
      } else {
        scf.yield %scan3A_552 : i32
      }
      %add3A_561 = arith.constant 4 : i32
      %add3A_562 = arith.addi %add3A_556, %add3A_561 : i32
      %lt3A_563 = arith.constant 123 : i32
      %lt3A_564 = arith.cmpi slt, %add3A_562, %lt3A_563 : i32
      %convert_element_type3A_565 = arith.extui %lt3A_564 : i1 to i32
      %cond3A_566 = arith.constant 0 : i32
      %cond3A_567 = arith.cmpi ne, %convert_element_type3A_565, %cond3A_566 : i32
      scf.if %cond3A_567 {
        %add3A_619 = arith.constant 4 : i32
        %add3A_620 = arith.addi %add3A_556, %add3A_619 : i32
        %mul3A_621 = arith.constant 2 : i32
        %mul3A_622 = arith.muli %mul3A_621, %add3A_620 : i32
        %add3A_623 = arith.addi %add3A_4, %mul3A_622 : i32
        %mul3A_624 = arith.constant 128 : i32
        %mul3A_625 = arith.muli %add3A_623, %mul3A_624 : i32
        %min3A_626 = arith.constant 999808 : i32
        %min3A_627 = arith.minsi %mul3A_625, %min3A_626 : i32
        %multiple_of3A_628 = tpu.assume_multiple %min3A_627, 128 : i32
        %dma_start3A_629 = arith.constant 0 : i32
        %dma_start3A_630 = tpu.memref_slice %arg5[%dma_start3A_629, %multiple_of3A_628] : memref<64x1000000xf32, #tpu.memory_space<hbm>> -> memref<64x256xf32, #tpu.memory_space<hbm>>
        %dma_start3A_631 = arith.constant 0 : i32
        %dma_start3A_632 = tpu.memref_slice %arg5[%dma_start3A_631, %multiple_of3A_628] : memref<64x1000000xf32, #tpu.memory_space<hbm>> -> memref<64x256xf32, #tpu.memory_space<hbm>>
        tpu.enqueue_dma source(%dma_start3A_632 : memref<64x256xf32, #tpu.memory_space<hbm>>) target(%arg14 : memref<64x256xf32, #tpu.memory_space<vmem>>) target_semaphore(%arg19 : memref<!tpu.dma_semaphore, #tpu.memory_space<semaphore_mem>>)
      } else {
      }
      %mul3A_568 = arith.constant 4 : i32
      %mul3A_569 = arith.muli %scan3A_551, %mul3A_568 : i32
      %add3A_570 = arith.constant 1 : i32
      %add3A_571 = arith.addi %mul3A_569, %add3A_570 : i32
      %lt3A_572 = arith.constant 123 : i32
      %lt3A_573 = arith.cmpi slt, %add3A_571, %lt3A_572 : i32
      %convert_element_type3A_574 = arith.extui %lt3A_573 : i1 to i32
      %cond3A_575 = arith.constant 0 : i32
      %cond3A_576 = arith.cmpi ne, %convert_element_type3A_574, %cond3A_575 : i32
      %cond3A_577 = scf.if %cond3A_576 -> (i32) {
        %dma_wait3A = arith.constant 0 : i32
        %dma_wait3A_619 = arith.constant 0 : i32
        %dma_wait3A_620 = tpu.memref_slice %arg5[%dma_wait3A, %dma_wait3A_619] : memref<64x1000000xf32, #tpu.memory_space<hbm>> -> memref<64x256xf32, #tpu.memory_space<hbm>>
        %dma_wait3A_621 = arith.constant 0 : i32
        %dma_wait3A_622 = arith.constant 0 : i32
        %dma_wait3A_623 = tpu.memref_slice %arg5[%dma_wait3A_621, %dma_wait3A_622] : memref<64x1000000xf32, #tpu.memory_space<hbm>> -> memref<64x256xf32, #tpu.memory_space<hbm>>
        tpu.wait_dma2 semaphore(%arg20 : memref<!tpu.dma_semaphore, #tpu.memory_space<semaphore_mem>>) src(%dma_wait3A_623 : memref<64x256xf32, #tpu.memory_space<hbm>>) dst(%arg15 : memref<64x256xf32, #tpu.memory_space<vmem>>)
        %mul3A_624 = arith.constant 2 : i32
        %mul3A_625 = arith.muli %mul3A_624, %add3A_571 : i32
        %add3A_626 = arith.addi %add3A_4, %mul3A_625 : i32
        %mul3A_627 = arith.constant 128 : i32
        %mul3A_628 = arith.muli %add3A_626, %mul3A_627 : i32
        %min3A_629 = arith.constant 999808 : i32
        %min3A_630 = arith.minsi %mul3A_628, %min3A_629 : i32
        %iota3A = tpu.iota {dimensions = array<i32: 0>} : vector<16xi32>
        %min3A_631 = arith.constant 1 : i32
        %min3A_632 = vector.broadcast %min3A_631 : i32 to vector<16xi32>
        %min3A_633 = arith.minsi %iota3A, %min3A_632 : vector<16xi32>
        %add3A_634 = vector.broadcast %add3A_571 : i32 to vector<16xi32>
        %add3A_635 = arith.addi %add3A_634, %min3A_633 : vector<16xi32>
        %gather3A = tpu.vector_load_idx %arg12[%add3A_635] : memref<128xi32, #tpu.memory_space<vmem>>[vector<16xi32>], vector<16xi32>,
        %slice3A_636 = vector.extract_strided_slice %gather3A {offsets = [0], sizes = [1], strides = [1]} : vector<16xi32> to vector<1xi32>
        %squeeze3A_637 = vector.extract %slice3A_636[0] : i32 from vector<1xi32>
        %slice3A_638 = vector.extract_strided_slice %gather3A {offsets = [1], sizes = [1], strides = [1]} : vector<16xi32> to vector<1xi32>
        %squeeze3A_639 = vector.extract %slice3A_638[0] : i32 from vector<1xi32>
        %while3A_640:2 = scf.while (%while3A_641 = %squeeze3A_637, %while3A_642 = %cond3A_560) : (i32, i32) -> (i32, i32) {
          %lt3A_643 = arith.cmpi slt, %while3A_641, %squeeze3A_639 : i32
          scf.condition(%lt3A_643) %while3A_641, %while3A_642 : i32, i32
        } do {
        ^bb0(%while3A_641: i32, %while3A_642: i32):
          %iota3A_643 = tpu.iota {dimensions = array<i32: 0>} : vector<16xi32>
          %add3A_644 = vector.broadcast %while3A_641 : i32 to vector<16xi32>
          %add3A_645 = arith.addi %add3A_644, %iota3A_643 : vector<16xi32>
          %gather3A_646 = tpu.vector_load_idx %arg10[%add3A_645] : memref<16400xi32, #tpu.memory_space<vmem>>[vector<16xi32>], vector<16xi32>,
          %iota3A_647 = tpu.iota {dimensions = array<i32: 0>} : vector<16xi32>
          %add3A_648 = vector.broadcast %while3A_641 : i32 to vector<16xi32>
          %add3A_649 = arith.addi %add3A_648, %iota3A_647 : vector<16xi32>
          %lt3A_650 = vector.broadcast %squeeze3A_639 : i32 to vector<16xi32>
          %lt3A_651 = arith.cmpi slt, %add3A_649, %lt3A_650 : vector<16xi32>
          %while3A_652:2 = scf.while (%while3A_655 = %lt3A_651, %while3A_656 = %while3A_642) : (vector<16xi1>, i32) -> (vector<16xi1>, i32) {
            %reduce_or3A = arith.constant 1.000000e+00 : f32
            %reduce_or3A_657 = arith.constant 0.000000e+00 : f32
            %reduce_or3A_658 = vector.broadcast %reduce_or3A : f32 to vector<16xf32>
            %reduce_or3A_659 = vector.broadcast %reduce_or3A_657 : f32 to vector<16xf32>
            %reduce_or3A_660 = arith.select %while3A_655, %reduce_or3A_658, %reduce_or3A_659 : vector<16xi1>, vector<16xf32>
            %reduce_or3A_661 = arith.constant true
            %reduce_or3A_662 = vector.broadcast %reduce_or3A_661 : i1 to vector<16xi1>
            %reduce_or3A_663 = tpu.scan <max>, %reduce_or3A_660 masked %reduce_or3A_662 : vector<16xf32>, vector<16xi1> -> vector<16xf32>
            %reduce_or3A_664 = vector.extract %reduce_or3A_663[15] : f32 from vector<16xf32>
            %reduce_or3A_665 = arith.constant 0.000000e+00 : f32
            %reduce_or3A_666 = arith.cmpf ogt, %reduce_or3A_664, %reduce_or3A_665 : f32
            scf.condition(%reduce_or3A_666) %while3A_655, %while3A_656 : vector<16xi1>, i32
          } do {
          ^bb0(%while3A_655: vector<16xi1>, %while3A_656: i32):
            %all_reduce_ffs3A = tpu.all_reduce %while3A_655 {dim = 0 : i64, kind = #tpu.reduction_kind<find_first_set>} : vector<16xi1> -> vector<16xi32>
            %slice3A_657 = vector.extract_strided_slice %all_reduce_ffs3A {offsets = [0], sizes = [1], strides = [1]} : vector<16xi32> to vector<1xi32>
            %squeeze3A_658 = vector.extract %slice3A_657[0] : i32 from vector<1xi32>
            %broadcast_in_dim3A_659 = vector.broadcast %squeeze3A_658 : i32 to vector<16xi32>
            %broadcast_in_dim3A_660 = vector.shape_cast %broadcast_in_dim3A_659 : vector<16xi32> to vector<16x1xi32>
            %gather3A_661 = vector.shape_cast %broadcast_in_dim3A_660 : vector<16x1xi32> to vector<16xi32>
            %gather3A_662 = tpu.dynamic_gather %gather3A_646[%gather3A_661] in [0] : vector<16xi32>, vector<16xi32> -> vector<16xi32>
            %slice3A_663 = vector.extract_strided_slice %gather3A_662 {offsets = [0], sizes = [1], strides = [1]} : vector<16xi32> to vector<1xi32>
            %squeeze3A_664 = vector.extract %slice3A_663[0] : i32 from vector<1xi32>
            %shift_right_arithmetic3A = arith.constant 14 : i32
            %shift_right_arithmetic3A_665 = arith.shrsi %squeeze3A_664, %shift_right_arithmetic3A : i32
            %add3A_666 = arith.addi %shift_right_arithmetic3A_665, %mul3A_8 : i32
            %and3A_667 = arith.constant 16383 : i32
            %and3A_668 = arith.andi %squeeze3A_664, %and3A_667 : i32
            %sub3A_669 = arith.subi %add3A_666, %min3A_630 : i32
            %jit3A_670 = arith.constant 16 : i32
            %eq3A_671 = arith.constant 0 : i32
            %eq3A_672 = arith.cmpi eq, %jit3A_670, %eq3A_671 : i32
            %jit3A_673 = arith.constant 1 : i32
            %select_n3A_674 = arith.select %eq3A_672, %jit3A_673, %jit3A_670 : i32
            %rem3A_675 = arith.remsi %while3A_656, %select_n3A_674 : i32
            %ne3A_676 = arith.constant 0 : i32
            %ne3A_677 = arith.cmpi ne, %rem3A_675, %ne3A_676 : i32
            %lt3A_678 = arith.constant 0 : i32
            %lt3A_679 = arith.cmpi slt, %rem3A_675, %lt3A_678 : i32
            %lt3A_680 = arith.constant 0 : i32
            %lt3A_681 = arith.cmpi slt, %select_n3A_674, %lt3A_680 : i32
            %ne3A_682 = arith.xori %lt3A_679, %lt3A_681 : i1
            %and3A_683 = arith.andi %ne3A_682, %ne3A_677 : i1
            %add3A_684 = arith.addi %rem3A_675, %select_n3A_674 : i32
            %select_n3A_685 = arith.select %and3A_683, %add3A_684, %rem3A_675 : i32
            %broadcast_in_dim3A_686 = vector.broadcast %sub3A_669 : i32 to vector<16xi32>
            %iota3A_687 = tpu.iota {dimensions = array<i32: 0>} : vector<16xi32>
            %add3A_688 = arith.constant 0 : i32
            %add3A_689 = vector.broadcast %add3A_688 : i32 to vector<16xi32>
            %add3A_690 = arith.addi %add3A_689, %iota3A_687 : vector<16xi32>
            %gather3A_691 = tpu.vector_load_idx %arg15[%add3A_690, %broadcast_in_dim3A_686] : memref<64x256xf32, #tpu.memory_space<vmem>>[vector<16xi32>, vector<16xi32>], vector<16xf32>,
            %swap3A_692 = arith.index_cast %select_n3A_685 : i32 to index
            %swap3A_693 = arith.constant 0 : index
            %swap3A_694 = tpu.vector_load %arg18[%swap3A_692, %swap3A_693] {strides = array<i32>} : memref<16x64xf32, #tpu.memory_space<vmem>>, vector<16xf32>,
            tpu.vector_store %arg18[%swap3A_692, %swap3A_693], %gather3A_691 {strides = array<i32>} : memref<16x64xf32, #tpu.memory_space<vmem>>, vector<16xf32>,
            %iota3A_695 = tpu.iota {dimensions = array<i32: 0>} : vector<16xi32>
            %add3A_696 = arith.constant 16 : i32
            %add3A_697 = vector.broadcast %add3A_696 : i32 to vector<16xi32>
            %add3A_698 = arith.addi %add3A_697, %iota3A_695 : vector<16xi32>
            %gather3A_699 = tpu.vector_load_idx %arg15[%add3A_698, %broadcast_in_dim3A_686] : memref<64x256xf32, #tpu.memory_space<vmem>>[vector<16xi32>, vector<16xi32>], vector<16xf32>,
            %swap3A_700 = arith.index_cast %select_n3A_685 : i32 to index
            %swap3A_701 = arith.constant 16 : index
            %swap3A_702 = tpu.vector_load %arg18[%swap3A_700, %swap3A_701] {strides = array<i32>} : memref<16x64xf32, #tpu.memory_space<vmem>>, vector<16xf32>,
            tpu.vector_store %arg18[%swap3A_700, %swap3A_701], %gather3A_699 {strides = array<i32>} : memref<16x64xf32, #tpu.memory_space<vmem>>, vector<16xf32>,
            %iota3A_703 = tpu.iota {dimensions = array<i32: 0>} : vector<16xi32>
            %add3A_704 = arith.constant 32 : i32
            %add3A_705 = vector.broadcast %add3A_704 : i32 to vector<16xi32>
            %add3A_706 = arith.addi %add3A_705, %iota3A_703 : vector<16xi32>
            %gather3A_707 = tpu.vector_load_idx %arg15[%add3A_706, %broadcast_in_dim3A_686] : memref<64x256xf32, #tpu.memory_space<vmem>>[vector<16xi32>, vector<16xi32>], vector<16xf32>,
            %swap3A_708 = arith.index_cast %select_n3A_685 : i32 to index
            %swap3A_709 = arith.constant 32 : index
            %swap3A_710 = tpu.vector_load %arg18[%swap3A_708, %swap3A_709] {strides = array<i32>} : memref<16x64xf32, #tpu.memory_space<vmem>>, vector<16xf32>,
            tpu.vector_store %arg18[%swap3A_708, %swap3A_709], %gather3A_707 {strides = array<i32>} : memref<16x64xf32, #tpu.memory_space<vmem>>, vector<16xf32>,
            %iota3A_711 = tpu.iota {dimensions = array<i32: 0>} : vector<16xi32>
            %add3A_712 = arith.constant 48 : i32
            %add3A_713 = vector.broadcast %add3A_712 : i32 to vector<16xi32>
            %add3A_714 = arith.addi %add3A_713, %iota3A_711 : vector<16xi32>
            %gather3A_715 = tpu.vector_load_idx %arg15[%add3A_714, %broadcast_in_dim3A_686] : memref<64x256xf32, #tpu.memory_space<vmem>>[vector<16xi32>, vector<16xi32>], vector<16xf32>,
            %swap3A_716 = arith.index_cast %select_n3A_685 : i32 to index
            %swap3A_717 = arith.constant 48 : index
            %swap3A_718 = tpu.vector_load %arg18[%swap3A_716, %swap3A_717] {strides = array<i32>} : memref<16x64xf32, #tpu.memory_space<vmem>>, vector<16xf32>,
            tpu.vector_store %arg18[%swap3A_716, %swap3A_717], %gather3A_715 {strides = array<i32>} : memref<16x64xf32, #tpu.memory_space<vmem>>, vector<16xf32>,
            %mul3A_719 = arith.constant 64 : i32
            %mul3A_720 = arith.muli %and3A_668, %mul3A_719 : i32
            %multiple_of3A_721 = tpu.assume_multiple %mul3A_720, 8 : i32
            %dma_start3A_722 = arith.constant 0 : i32
            %dma_start3A_723 = tpu.memref_slice %arg18[%select_n3A_685, %dma_start3A_722] : memref<16x64xf32, #tpu.memory_space<vmem>> -> memref<1x64xf32, #tpu.memory_space<vmem>>
            %dma_start3A_724 = tpu.memref_squeeze %dma_start3A_723 : memref<1x64xf32, #tpu.memory_space<vmem>> -> memref<64xf32, #tpu.memory_space<vmem>>
            %dma_start3A_725 = tpu.memref_slice %arg7[%multiple_of3A_721] : memref<1048576xf32, #tpu.memory_space<hbm>> -> memref<64xf32, #tpu.memory_space<hbm>>
            %dma_start3A_726 = tpu.memref_slice %arg7[%multiple_of3A_721] : memref<1048576xf32, #tpu.memory_space<hbm>> -> memref<64xf32, #tpu.memory_space<hbm>>
            %dma_start3A_727 = arith.constant 0 : i32
            %dma_start3A_728 = tpu.memref_slice %arg18[%select_n3A_685, %dma_start3A_727] : memref<16x64xf32, #tpu.memory_space<vmem>> -> memref<1x64xf32, #tpu.memory_space<vmem>>
            %dma_start3A_729 = tpu.memref_squeeze %dma_start3A_728 : memref<1x64xf32, #tpu.memory_space<vmem>> -> memref<64xf32, #tpu.memory_space<vmem>>
            tpu.enqueue_dma source(%dma_start3A_729 : memref<64xf32, #tpu.memory_space<vmem>>) target(%dma_start3A_726 : memref<64xf32, #tpu.memory_space<hbm>>) target_semaphore(%arg23 : memref<!tpu.dma_semaphore, #tpu.memory_space<semaphore_mem>>)
            %add3A_730 = arith.constant 1 : i32
            %add3A_731 = arith.addi %while3A_656, %add3A_730 : i32
            %jit3A_732 = arith.constant 16 : i32
            %eq3A_733 = arith.constant 0 : i32
            %eq3A_734 = arith.cmpi eq, %jit3A_732, %eq3A_733 : i32
            %jit3A_735 = arith.constant 1 : i32
            %select_n3A_736 = arith.select %eq3A_734, %jit3A_735, %jit3A_732 : i32
            %rem3A_737 = arith.remsi %add3A_731, %select_n3A_736 : i32
            %ne3A_738 = arith.constant 0 : i32
            %ne3A_739 = arith.cmpi ne, %rem3A_737, %ne3A_738 : i32
            %lt3A_740 = arith.constant 0 : i32
            %lt3A_741 = arith.cmpi slt, %rem3A_737, %lt3A_740 : i32
            %lt3A_742 = arith.constant 0 : i32
            %lt3A_743 = arith.cmpi slt, %select_n3A_736, %lt3A_742 : i32
            %ne3A_744 = arith.xori %lt3A_741, %lt3A_743 : i1
            %and3A_745 = arith.andi %ne3A_744, %ne3A_739 : i1
            %add3A_746 = arith.addi %rem3A_737, %select_n3A_736 : i32
            %select_n3A_747 = arith.select %and3A_745, %add3A_746, %rem3A_737 : i32
            %eq3A_748 = arith.constant 0 : i32
            %eq3A_749 = arith.cmpi eq, %select_n3A_747, %eq3A_748 : i32
            %convert_element_type3A_750 = arith.extui %eq3A_749 : i1 to i32
            %cond3A_751 = arith.constant 0 : i32
            %cond3A_752 = arith.cmpi ne, %convert_element_type3A_750, %cond3A_751 : i32
            scf.if %cond3A_752 {
              %scan3A_758 = arith.constant 0 : i32
              %scan3A_759 = arith.constant 0 : i32
              %scan3A_760 = arith.constant 16 : i32
              %scan3A_761 = arith.addi %scan3A_759, %scan3A_760 : i32
              %scan3A_762 = arith.constant 1 : i32
              scf.for %scan3A_764 = %scan3A_759 to %scan3A_761 step %scan3A_762  : i32 {
                %dma_wait3A_765 = arith.constant 0 : i32
                %dma_wait3A_766 = arith.constant 0 : i32
                %dma_wait3A_767 = tpu.memref_slice %arg18[%dma_wait3A_765, %dma_wait3A_766] : memref<16x64xf32, #tpu.memory_space<vmem>> -> memref<1x64xf32, #tpu.memory_space<vmem>>
                %dma_wait3A_768 = tpu.memref_squeeze %dma_wait3A_767 : memref<1x64xf32, #tpu.memory_space<vmem>> -> memref<64xf32, #tpu.memory_space<vmem>>
                %dma_wait3A_769 = arith.constant 0 : i32
                %dma_wait3A_770 = tpu.memref_slice %arg6[%dma_wait3A_769] : memref<1048576xf32, #tpu.memory_space<hbm>> -> memref<64xf32, #tpu.memory_space<hbm>>
                %dma_wait3A_771 = arith.constant 0 : i32
                %dma_wait3A_772 = tpu.memref_slice %arg18[%dma_wait3A_765, %dma_wait3A_771] : memref<16x64xf32, #tpu.memory_space<vmem>> -> memref<1x64xf32, #tpu.memory_space<vmem>>
                %dma_wait3A_773 = tpu.memref_squeeze %dma_wait3A_772 : memref<1x64xf32, #tpu.memory_space<vmem>> -> memref<64xf32, #tpu.memory_space<vmem>>
                %dma_wait3A_774 = arith.constant 0 : i32
                %dma_wait3A_775 = tpu.memref_slice %arg6[%dma_wait3A_774] : memref<1048576xf32, #tpu.memory_space<hbm>> -> memref<64xf32, #tpu.memory_space<hbm>>
                tpu.wait_dma2 semaphore(%arg23 : memref<!tpu.dma_semaphore, #tpu.memory_space<semaphore_mem>>) src(%dma_wait3A_775 : memref<64xf32, #tpu.memory_space<hbm>>) dst(%dma_wait3A_773 : memref<64xf32, #tpu.memory_space<vmem>>)
              }
              %scan3A_763 = arith.constant 16 : i32
            } else {
            }
            %iota3A_753 = tpu.iota {dimensions = array<i32: 0>} : vector<16xi32>
            %ne3A_754 = arith.cmpi ne, %iota3A_753, %all_reduce_ffs3A : vector<16xi32>
            %and3A_755 = arith.andi %while3A_655, %ne3A_754 : vector<16xi1>
            %add3A_756 = arith.constant 1 : i32
            %add3A_757 = arith.addi %while3A_656, %add3A_756 : i32
            scf.yield %and3A_755, %add3A_757 : vector<16xi1>, i32
          }
          %add3A_653 = arith.constant 16 : i32
          %add3A_654 = arith.addi %while3A_641, %add3A_653 : i32
          scf.yield %add3A_654, %while3A_652#1 : i32, i32
        }
        scf.yield %while3A_640#1 : i32
      } else {
        scf.yield %cond3A_560 : i32
      }
      %add3A_578 = arith.constant 4 : i32
      %add3A_579 = arith.addi %add3A_571, %add3A_578 : i32
      %lt3A_580 = arith.constant 123 : i32
      %lt3A_581 = arith.cmpi slt, %add3A_579, %lt3A_580 : i32
      %convert_element_type3A_582 = arith.extui %lt3A_581 : i1 to i32
      %cond3A_583 = arith.constant 0 : i32
      %cond3A_584 = arith.cmpi ne, %convert_element_type3A_582, %cond3A_583 : i32
      scf.if %cond3A_584 {
        %add3A_619 = arith.constant 4 : i32
        %add3A_620 = arith.addi %add3A_571, %add3A_619 : i32
        %mul3A_621 = arith.constant 2 : i32
        %mul3A_622 = arith.muli %mul3A_621, %add3A_620 : i32
        %add3A_623 = arith.addi %add3A_4, %mul3A_622 : i32
        %mul3A_624 = arith.constant 128 : i32
        %mul3A_625 = arith.muli %add3A_623, %mul3A_624 : i32
        %min3A_626 = arith.constant 999808 : i32
        %min3A_627 = arith.minsi %mul3A_625, %min3A_626 : i32
        %multiple_of3A_628 = tpu.assume_multiple %min3A_627, 128 : i32
        %dma_start3A_629 = arith.constant 0 : i32
        %dma_start3A_630 = tpu.memref_slice %arg5[%dma_start3A_629, %multiple_of3A_628] : memref<64x1000000xf32, #tpu.memory_space<hbm>> -> memref<64x256xf32, #tpu.memory_space<hbm>>
        %dma_start3A_631 = arith.constant 0 : i32
        %dma_start3A_632 = tpu.memref_slice %arg5[%dma_start3A_631, %multiple_of3A_628] : memref<64x1000000xf32, #tpu.memory_space<hbm>> -> memref<64x256xf32, #tpu.memory_space<hbm>>
        tpu.enqueue_dma source(%dma_start3A_632 : memref<64x256xf32, #tpu.memory_space<hbm>>) target(%arg15 : memref<64x256xf32, #tpu.memory_space<vmem>>) target_semaphore(%arg20 : memref<!tpu.dma_semaphore, #tpu.memory_space<semaphore_mem>>)
      } else {
      }
      %mul3A_585 = arith.constant 4 : i32
      %mul3A_586 = arith.muli %scan3A_551, %mul3A_585 : i32
      %add3A_587 = arith.constant 2 : i32
      %add3A_588 = arith.addi %mul3A_586, %add3A_587 : i32
      %lt3A_589 = arith.constant 123 : i32
      %lt3A_590 = arith.cmpi slt, %add3A_588, %lt3A_589 : i32
      %convert_element_type3A_591 = arith.extui %lt3A_590 : i1 to i32
      %cond3A_592 = arith.constant 0 : i32
      %cond3A_593 = arith.cmpi ne, %convert_element_type3A_591, %cond3A_592 : i32
      %cond3A_594 = scf.if %cond3A_593 -> (i32) {
        %dma_wait3A = arith.constant 0 : i32
        %dma_wait3A_619 = arith.constant 0 : i32
        %dma_wait3A_620 = tpu.memref_slice %arg5[%dma_wait3A, %dma_wait3A_619] : memref<64x1000000xf32, #tpu.memory_space<hbm>> -> memref<64x256xf32, #tpu.memory_space<hbm>>
        %dma_wait3A_621 = arith.constant 0 : i32
        %dma_wait3A_622 = arith.constant 0 : i32
        %dma_wait3A_623 = tpu.memref_slice %arg5[%dma_wait3A_621, %dma_wait3A_622] : memref<64x1000000xf32, #tpu.memory_space<hbm>> -> memref<64x256xf32, #tpu.memory_space<hbm>>
        tpu.wait_dma2 semaphore(%arg21 : memref<!tpu.dma_semaphore, #tpu.memory_space<semaphore_mem>>) src(%dma_wait3A_623 : memref<64x256xf32, #tpu.memory_space<hbm>>) dst(%arg16 : memref<64x256xf32, #tpu.memory_space<vmem>>)
        %mul3A_624 = arith.constant 2 : i32
        %mul3A_625 = arith.muli %mul3A_624, %add3A_588 : i32
        %add3A_626 = arith.addi %add3A_4, %mul3A_625 : i32
        %mul3A_627 = arith.constant 128 : i32
        %mul3A_628 = arith.muli %add3A_626, %mul3A_627 : i32
        %min3A_629 = arith.constant 999808 : i32
        %min3A_630 = arith.minsi %mul3A_628, %min3A_629 : i32
        %iota3A = tpu.iota {dimensions = array<i32: 0>} : vector<16xi32>
        %min3A_631 = arith.constant 1 : i32
        %min3A_632 = vector.broadcast %min3A_631 : i32 to vector<16xi32>
        %min3A_633 = arith.minsi %iota3A, %min3A_632 : vector<16xi32>
        %add3A_634 = vector.broadcast %add3A_588 : i32 to vector<16xi32>
        %add3A_635 = arith.addi %add3A_634, %min3A_633 : vector<16xi32>
        %gather3A = tpu.vector_load_idx %arg12[%add3A_635] : memref<128xi32, #tpu.memory_space<vmem>>[vector<16xi32>], vector<16xi32>,
        %slice3A_636 = vector.extract_strided_slice %gather3A {offsets = [0], sizes = [1], strides = [1]} : vector<16xi32> to vector<1xi32>
        %squeeze3A_637 = vector.extract %slice3A_636[0] : i32 from vector<1xi32>
        %slice3A_638 = vector.extract_strided_slice %gather3A {offsets = [1], sizes = [1], strides = [1]} : vector<16xi32> to vector<1xi32>
        %squeeze3A_639 = vector.extract %slice3A_638[0] : i32 from vector<1xi32>
        %while3A_640:2 = scf.while (%while3A_641 = %squeeze3A_637, %while3A_642 = %cond3A_577) : (i32, i32) -> (i32, i32) {
          %lt3A_643 = arith.cmpi slt, %while3A_641, %squeeze3A_639 : i32
          scf.condition(%lt3A_643) %while3A_641, %while3A_642 : i32, i32
        } do {
        ^bb0(%while3A_641: i32, %while3A_642: i32):
          %iota3A_643 = tpu.iota {dimensions = array<i32: 0>} : vector<16xi32>
          %add3A_644 = vector.broadcast %while3A_641 : i32 to vector<16xi32>
          %add3A_645 = arith.addi %add3A_644, %iota3A_643 : vector<16xi32>
          %gather3A_646 = tpu.vector_load_idx %arg10[%add3A_645] : memref<16400xi32, #tpu.memory_space<vmem>>[vector<16xi32>], vector<16xi32>,
          %iota3A_647 = tpu.iota {dimensions = array<i32: 0>} : vector<16xi32>
          %add3A_648 = vector.broadcast %while3A_641 : i32 to vector<16xi32>
          %add3A_649 = arith.addi %add3A_648, %iota3A_647 : vector<16xi32>
          %lt3A_650 = vector.broadcast %squeeze3A_639 : i32 to vector<16xi32>
          %lt3A_651 = arith.cmpi slt, %add3A_649, %lt3A_650 : vector<16xi32>
          %while3A_652:2 = scf.while (%while3A_655 = %lt3A_651, %while3A_656 = %while3A_642) : (vector<16xi1>, i32) -> (vector<16xi1>, i32) {
            %reduce_or3A = arith.constant 1.000000e+00 : f32
            %reduce_or3A_657 = arith.constant 0.000000e+00 : f32
            %reduce_or3A_658 = vector.broadcast %reduce_or3A : f32 to vector<16xf32>
            %reduce_or3A_659 = vector.broadcast %reduce_or3A_657 : f32 to vector<16xf32>
            %reduce_or3A_660 = arith.select %while3A_655, %reduce_or3A_658, %reduce_or3A_659 : vector<16xi1>, vector<16xf32>
            %reduce_or3A_661 = arith.constant true
            %reduce_or3A_662 = vector.broadcast %reduce_or3A_661 : i1 to vector<16xi1>
            %reduce_or3A_663 = tpu.scan <max>, %reduce_or3A_660 masked %reduce_or3A_662 : vector<16xf32>, vector<16xi1> -> vector<16xf32>
            %reduce_or3A_664 = vector.extract %reduce_or3A_663[15] : f32 from vector<16xf32>
            %reduce_or3A_665 = arith.constant 0.000000e+00 : f32
            %reduce_or3A_666 = arith.cmpf ogt, %reduce_or3A_664, %reduce_or3A_665 : f32
            scf.condition(%reduce_or3A_666) %while3A_655, %while3A_656 : vector<16xi1>, i32
          } do {
          ^bb0(%while3A_655: vector<16xi1>, %while3A_656: i32):
            %all_reduce_ffs3A = tpu.all_reduce %while3A_655 {dim = 0 : i64, kind = #tpu.reduction_kind<find_first_set>} : vector<16xi1> -> vector<16xi32>
            %slice3A_657 = vector.extract_strided_slice %all_reduce_ffs3A {offsets = [0], sizes = [1], strides = [1]} : vector<16xi32> to vector<1xi32>
            %squeeze3A_658 = vector.extract %slice3A_657[0] : i32 from vector<1xi32>
            %broadcast_in_dim3A_659 = vector.broadcast %squeeze3A_658 : i32 to vector<16xi32>
            %broadcast_in_dim3A_660 = vector.shape_cast %broadcast_in_dim3A_659 : vector<16xi32> to vector<16x1xi32>
            %gather3A_661 = vector.shape_cast %broadcast_in_dim3A_660 : vector<16x1xi32> to vector<16xi32>
            %gather3A_662 = tpu.dynamic_gather %gather3A_646[%gather3A_661] in [0] : vector<16xi32>, vector<16xi32> -> vector<16xi32>
            %slice3A_663 = vector.extract_strided_slice %gather3A_662 {offsets = [0], sizes = [1], strides = [1]} : vector<16xi32> to vector<1xi32>
            %squeeze3A_664 = vector.extract %slice3A_663[0] : i32 from vector<1xi32>
            %shift_right_arithmetic3A = arith.constant 14 : i32
            %shift_right_arithmetic3A_665 = arith.shrsi %squeeze3A_664, %shift_right_arithmetic3A : i32
            %add3A_666 = arith.addi %shift_right_arithmetic3A_665, %mul3A_8 : i32
            %and3A_667 = arith.constant 16383 : i32
            %and3A_668 = arith.andi %squeeze3A_664, %and3A_667 : i32
            %sub3A_669 = arith.subi %add3A_666, %min3A_630 : i32
            %jit3A_670 = arith.constant 16 : i32
            %eq3A_671 = arith.constant 0 : i32
            %eq3A_672 = arith.cmpi eq, %jit3A_670, %eq3A_671 : i32
            %jit3A_673 = arith.constant 1 : i32
            %select_n3A_674 = arith.select %eq3A_672, %jit3A_673, %jit3A_670 : i32
            %rem3A_675 = arith.remsi %while3A_656, %select_n3A_674 : i32
            %ne3A_676 = arith.constant 0 : i32
            %ne3A_677 = arith.cmpi ne, %rem3A_675, %ne3A_676 : i32
            %lt3A_678 = arith.constant 0 : i32
            %lt3A_679 = arith.cmpi slt, %rem3A_675, %lt3A_678 : i32
            %lt3A_680 = arith.constant 0 : i32
            %lt3A_681 = arith.cmpi slt, %select_n3A_674, %lt3A_680 : i32
            %ne3A_682 = arith.xori %lt3A_679, %lt3A_681 : i1
            %and3A_683 = arith.andi %ne3A_682, %ne3A_677 : i1
            %add3A_684 = arith.addi %rem3A_675, %select_n3A_674 : i32
            %select_n3A_685 = arith.select %and3A_683, %add3A_684, %rem3A_675 : i32
            %broadcast_in_dim3A_686 = vector.broadcast %sub3A_669 : i32 to vector<16xi32>
            %iota3A_687 = tpu.iota {dimensions = array<i32: 0>} : vector<16xi32>
            %add3A_688 = arith.constant 0 : i32
            %add3A_689 = vector.broadcast %add3A_688 : i32 to vector<16xi32>
            %add3A_690 = arith.addi %add3A_689, %iota3A_687 : vector<16xi32>
            %gather3A_691 = tpu.vector_load_idx %arg16[%add3A_690, %broadcast_in_dim3A_686] : memref<64x256xf32, #tpu.memory_space<vmem>>[vector<16xi32>, vector<16xi32>], vector<16xf32>,
            %swap3A_692 = arith.index_cast %select_n3A_685 : i32 to index
            %swap3A_693 = arith.constant 0 : index
            %swap3A_694 = tpu.vector_load %arg18[%swap3A_692, %swap3A_693] {strides = array<i32>} : memref<16x64xf32, #tpu.memory_space<vmem>>, vector<16xf32>,
            tpu.vector_store %arg18[%swap3A_692, %swap3A_693], %gather3A_691 {strides = array<i32>} : memref<16x64xf32, #tpu.memory_space<vmem>>, vector<16xf32>,
            %iota3A_695 = tpu.iota {dimensions = array<i32: 0>} : vector<16xi32>
            %add3A_696 = arith.constant 16 : i32
            %add3A_697 = vector.broadcast %add3A_696 : i32 to vector<16xi32>
            %add3A_698 = arith.addi %add3A_697, %iota3A_695 : vector<16xi32>
            %gather3A_699 = tpu.vector_load_idx %arg16[%add3A_698, %broadcast_in_dim3A_686] : memref<64x256xf32, #tpu.memory_space<vmem>>[vector<16xi32>, vector<16xi32>], vector<16xf32>,
            %swap3A_700 = arith.index_cast %select_n3A_685 : i32 to index
            %swap3A_701 = arith.constant 16 : index
            %swap3A_702 = tpu.vector_load %arg18[%swap3A_700, %swap3A_701] {strides = array<i32>} : memref<16x64xf32, #tpu.memory_space<vmem>>, vector<16xf32>,
            tpu.vector_store %arg18[%swap3A_700, %swap3A_701], %gather3A_699 {strides = array<i32>} : memref<16x64xf32, #tpu.memory_space<vmem>>, vector<16xf32>,
            %iota3A_703 = tpu.iota {dimensions = array<i32: 0>} : vector<16xi32>
            %add3A_704 = arith.constant 32 : i32
            %add3A_705 = vector.broadcast %add3A_704 : i32 to vector<16xi32>
            %add3A_706 = arith.addi %add3A_705, %iota3A_703 : vector<16xi32>
            %gather3A_707 = tpu.vector_load_idx %arg16[%add3A_706, %broadcast_in_dim3A_686] : memref<64x256xf32, #tpu.memory_space<vmem>>[vector<16xi32>, vector<16xi32>], vector<16xf32>,
            %swap3A_708 = arith.index_cast %select_n3A_685 : i32 to index
            %swap3A_709 = arith.constant 32 : index
            %swap3A_710 = tpu.vector_load %arg18[%swap3A_708, %swap3A_709] {strides = array<i32>} : memref<16x64xf32, #tpu.memory_space<vmem>>, vector<16xf32>,
            tpu.vector_store %arg18[%swap3A_708, %swap3A_709], %gather3A_707 {strides = array<i32>} : memref<16x64xf32, #tpu.memory_space<vmem>>, vector<16xf32>,
            %iota3A_711 = tpu.iota {dimensions = array<i32: 0>} : vector<16xi32>
            %add3A_712 = arith.constant 48 : i32
            %add3A_713 = vector.broadcast %add3A_712 : i32 to vector<16xi32>
            %add3A_714 = arith.addi %add3A_713, %iota3A_711 : vector<16xi32>
            %gather3A_715 = tpu.vector_load_idx %arg16[%add3A_714, %broadcast_in_dim3A_686] : memref<64x256xf32, #tpu.memory_space<vmem>>[vector<16xi32>, vector<16xi32>], vector<16xf32>,
            %swap3A_716 = arith.index_cast %select_n3A_685 : i32 to index
            %swap3A_717 = arith.constant 48 : index
            %swap3A_718 = tpu.vector_load %arg18[%swap3A_716, %swap3A_717] {strides = array<i32>} : memref<16x64xf32, #tpu.memory_space<vmem>>, vector<16xf32>,
            tpu.vector_store %arg18[%swap3A_716, %swap3A_717], %gather3A_715 {strides = array<i32>} : memref<16x64xf32, #tpu.memory_space<vmem>>, vector<16xf32>,
            %mul3A_719 = arith.constant 64 : i32
            %mul3A_720 = arith.muli %and3A_668, %mul3A_719 : i32
            %multiple_of3A_721 = tpu.assume_multiple %mul3A_720, 8 : i32
            %dma_start3A_722 = arith.constant 0 : i32
            %dma_start3A_723 = tpu.memref_slice %arg18[%select_n3A_685, %dma_start3A_722] : memref<16x64xf32, #tpu.memory_space<vmem>> -> memref<1x64xf32, #tpu.memory_space<vmem>>
            %dma_start3A_724 = tpu.memref_squeeze %dma_start3A_723 : memref<1x64xf32, #tpu.memory_space<vmem>> -> memref<64xf32, #tpu.memory_space<vmem>>
            %dma_start3A_725 = tpu.memref_slice %arg7[%multiple_of3A_721] : memref<1048576xf32, #tpu.memory_space<hbm>> -> memref<64xf32, #tpu.memory_space<hbm>>
            %dma_start3A_726 = tpu.memref_slice %arg7[%multiple_of3A_721] : memref<1048576xf32, #tpu.memory_space<hbm>> -> memref<64xf32, #tpu.memory_space<hbm>>
            %dma_start3A_727 = arith.constant 0 : i32
            %dma_start3A_728 = tpu.memref_slice %arg18[%select_n3A_685, %dma_start3A_727] : memref<16x64xf32, #tpu.memory_space<vmem>> -> memref<1x64xf32, #tpu.memory_space<vmem>>
            %dma_start3A_729 = tpu.memref_squeeze %dma_start3A_728 : memref<1x64xf32, #tpu.memory_space<vmem>> -> memref<64xf32, #tpu.memory_space<vmem>>
            tpu.enqueue_dma source(%dma_start3A_729 : memref<64xf32, #tpu.memory_space<vmem>>) target(%dma_start3A_726 : memref<64xf32, #tpu.memory_space<hbm>>) target_semaphore(%arg23 : memref<!tpu.dma_semaphore, #tpu.memory_space<semaphore_mem>>)
            %add3A_730 = arith.constant 1 : i32
            %add3A_731 = arith.addi %while3A_656, %add3A_730 : i32
            %jit3A_732 = arith.constant 16 : i32
            %eq3A_733 = arith.constant 0 : i32
            %eq3A_734 = arith.cmpi eq, %jit3A_732, %eq3A_733 : i32
            %jit3A_735 = arith.constant 1 : i32
            %select_n3A_736 = arith.select %eq3A_734, %jit3A_735, %jit3A_732 : i32
            %rem3A_737 = arith.remsi %add3A_731, %select_n3A_736 : i32
            %ne3A_738 = arith.constant 0 : i32
            %ne3A_739 = arith.cmpi ne, %rem3A_737, %ne3A_738 : i32
            %lt3A_740 = arith.constant 0 : i32
            %lt3A_741 = arith.cmpi slt, %rem3A_737, %lt3A_740 : i32
            %lt3A_742 = arith.constant 0 : i32
            %lt3A_743 = arith.cmpi slt, %select_n3A_736, %lt3A_742 : i32
            %ne3A_744 = arith.xori %lt3A_741, %lt3A_743 : i1
            %and3A_745 = arith.andi %ne3A_744, %ne3A_739 : i1
            %add3A_746 = arith.addi %rem3A_737, %select_n3A_736 : i32
            %select_n3A_747 = arith.select %and3A_745, %add3A_746, %rem3A_737 : i32
            %eq3A_748 = arith.constant 0 : i32
            %eq3A_749 = arith.cmpi eq, %select_n3A_747, %eq3A_748 : i32
            %convert_element_type3A_750 = arith.extui %eq3A_749 : i1 to i32
            %cond3A_751 = arith.constant 0 : i32
            %cond3A_752 = arith.cmpi ne, %convert_element_type3A_750, %cond3A_751 : i32
            scf.if %cond3A_752 {
              %scan3A_758 = arith.constant 0 : i32
              %scan3A_759 = arith.constant 0 : i32
              %scan3A_760 = arith.constant 16 : i32
              %scan3A_761 = arith.addi %scan3A_759, %scan3A_760 : i32
              %scan3A_762 = arith.constant 1 : i32
              scf.for %scan3A_764 = %scan3A_759 to %scan3A_761 step %scan3A_762  : i32 {
                %dma_wait3A_765 = arith.constant 0 : i32
                %dma_wait3A_766 = arith.constant 0 : i32
                %dma_wait3A_767 = tpu.memref_slice %arg18[%dma_wait3A_765, %dma_wait3A_766] : memref<16x64xf32, #tpu.memory_space<vmem>> -> memref<1x64xf32, #tpu.memory_space<vmem>>
                %dma_wait3A_768 = tpu.memref_squeeze %dma_wait3A_767 : memref<1x64xf32, #tpu.memory_space<vmem>> -> memref<64xf32, #tpu.memory_space<vmem>>
                %dma_wait3A_769 = arith.constant 0 : i32
                %dma_wait3A_770 = tpu.memref_slice %arg6[%dma_wait3A_769] : memref<1048576xf32, #tpu.memory_space<hbm>> -> memref<64xf32, #tpu.memory_space<hbm>>
                %dma_wait3A_771 = arith.constant 0 : i32
                %dma_wait3A_772 = tpu.memref_slice %arg18[%dma_wait3A_765, %dma_wait3A_771] : memref<16x64xf32, #tpu.memory_space<vmem>> -> memref<1x64xf32, #tpu.memory_space<vmem>>
                %dma_wait3A_773 = tpu.memref_squeeze %dma_wait3A_772 : memref<1x64xf32, #tpu.memory_space<vmem>> -> memref<64xf32, #tpu.memory_space<vmem>>
                %dma_wait3A_774 = arith.constant 0 : i32
                %dma_wait3A_775 = tpu.memref_slice %arg6[%dma_wait3A_774] : memref<1048576xf32, #tpu.memory_space<hbm>> -> memref<64xf32, #tpu.memory_space<hbm>>
                tpu.wait_dma2 semaphore(%arg23 : memref<!tpu.dma_semaphore, #tpu.memory_space<semaphore_mem>>) src(%dma_wait3A_775 : memref<64xf32, #tpu.memory_space<hbm>>) dst(%dma_wait3A_773 : memref<64xf32, #tpu.memory_space<vmem>>)
              }
              %scan3A_763 = arith.constant 16 : i32
            } else {
            }
            %iota3A_753 = tpu.iota {dimensions = array<i32: 0>} : vector<16xi32>
            %ne3A_754 = arith.cmpi ne, %iota3A_753, %all_reduce_ffs3A : vector<16xi32>
            %and3A_755 = arith.andi %while3A_655, %ne3A_754 : vector<16xi1>
            %add3A_756 = arith.constant 1 : i32
            %add3A_757 = arith.addi %while3A_656, %add3A_756 : i32
            scf.yield %and3A_755, %add3A_757 : vector<16xi1>, i32
          }
          %add3A_653 = arith.constant 16 : i32
          %add3A_654 = arith.addi %while3A_641, %add3A_653 : i32
          scf.yield %add3A_654, %while3A_652#1 : i32, i32
        }
        scf.yield %while3A_640#1 : i32
      } else {
        scf.yield %cond3A_577 : i32
      }
      %add3A_595 = arith.constant 4 : i32
      %add3A_596 = arith.addi %add3A_588, %add3A_595 : i32
      %lt3A_597 = arith.constant 123 : i32
      %lt3A_598 = arith.cmpi slt, %add3A_596, %lt3A_597 : i32
      %convert_element_type3A_599 = arith.extui %lt3A_598 : i1 to i32
      %cond3A_600 = arith.constant 0 : i32
      %cond3A_601 = arith.cmpi ne, %convert_element_type3A_599, %cond3A_600 : i32
      scf.if %cond3A_601 {
        %add3A_619 = arith.constant 4 : i32
        %add3A_620 = arith.addi %add3A_588, %add3A_619 : i32
        %mul3A_621 = arith.constant 2 : i32
        %mul3A_622 = arith.muli %mul3A_621, %add3A_620 : i32
        %add3A_623 = arith.addi %add3A_4, %mul3A_622 : i32
        %mul3A_624 = arith.constant 128 : i32
        %mul3A_625 = arith.muli %add3A_623, %mul3A_624 : i32
        %min3A_626 = arith.constant 999808 : i32
        %min3A_627 = arith.minsi %mul3A_625, %min3A_626 : i32
        %multiple_of3A_628 = tpu.assume_multiple %min3A_627, 128 : i32
        %dma_start3A_629 = arith.constant 0 : i32
        %dma_start3A_630 = tpu.memref_slice %arg5[%dma_start3A_629, %multiple_of3A_628] : memref<64x1000000xf32, #tpu.memory_space<hbm>> -> memref<64x256xf32, #tpu.memory_space<hbm>>
        %dma_start3A_631 = arith.constant 0 : i32
        %dma_start3A_632 = tpu.memref_slice %arg5[%dma_start3A_631, %multiple_of3A_628] : memref<64x1000000xf32, #tpu.memory_space<hbm>> -> memref<64x256xf32, #tpu.memory_space<hbm>>
        tpu.enqueue_dma source(%dma_start3A_632 : memref<64x256xf32, #tpu.memory_space<hbm>>) target(%arg16 : memref<64x256xf32, #tpu.memory_space<vmem>>) target_semaphore(%arg21 : memref<!tpu.dma_semaphore, #tpu.memory_space<semaphore_mem>>)
      } else {
      }
      %mul3A_602 = arith.constant 4 : i32
      %mul3A_603 = arith.muli %scan3A_551, %mul3A_602 : i32
      %add3A_604 = arith.constant 3 : i32
      %add3A_605 = arith.addi %mul3A_603, %add3A_604 : i32
      %lt3A_606 = arith.constant 123 : i32
      %lt3A_607 = arith.cmpi slt, %add3A_605, %lt3A_606 : i32
      %convert_element_type3A_608 = arith.extui %lt3A_607 : i1 to i32
      %cond3A_609 = arith.constant 0 : i32
      %cond3A_610 = arith.cmpi ne, %convert_element_type3A_608, %cond3A_609 : i32
      %cond3A_611 = scf.if %cond3A_610 -> (i32) {
        %dma_wait3A = arith.constant 0 : i32
        %dma_wait3A_619 = arith.constant 0 : i32
        %dma_wait3A_620 = tpu.memref_slice %arg5[%dma_wait3A, %dma_wait3A_619] : memref<64x1000000xf32, #tpu.memory_space<hbm>> -> memref<64x256xf32, #tpu.memory_space<hbm>>
        %dma_wait3A_621 = arith.constant 0 : i32
        %dma_wait3A_622 = arith.constant 0 : i32
        %dma_wait3A_623 = tpu.memref_slice %arg5[%dma_wait3A_621, %dma_wait3A_622] : memref<64x1000000xf32, #tpu.memory_space<hbm>> -> memref<64x256xf32, #tpu.memory_space<hbm>>
        tpu.wait_dma2 semaphore(%arg22 : memref<!tpu.dma_semaphore, #tpu.memory_space<semaphore_mem>>) src(%dma_wait3A_623 : memref<64x256xf32, #tpu.memory_space<hbm>>) dst(%arg17 : memref<64x256xf32, #tpu.memory_space<vmem>>)
        %mul3A_624 = arith.constant 2 : i32
        %mul3A_625 = arith.muli %mul3A_624, %add3A_605 : i32
        %add3A_626 = arith.addi %add3A_4, %mul3A_625 : i32
        %mul3A_627 = arith.constant 128 : i32
        %mul3A_628 = arith.muli %add3A_626, %mul3A_627 : i32
        %min3A_629 = arith.constant 999808 : i32
        %min3A_630 = arith.minsi %mul3A_628, %min3A_629 : i32
        %iota3A = tpu.iota {dimensions = array<i32: 0>} : vector<16xi32>
        %min3A_631 = arith.constant 1 : i32
        %min3A_632 = vector.broadcast %min3A_631 : i32 to vector<16xi32>
        %min3A_633 = arith.minsi %iota3A, %min3A_632 : vector<16xi32>
        %add3A_634 = vector.broadcast %add3A_605 : i32 to vector<16xi32>
        %add3A_635 = arith.addi %add3A_634, %min3A_633 : vector<16xi32>
        %gather3A = tpu.vector_load_idx %arg12[%add3A_635] : memref<128xi32, #tpu.memory_space<vmem>>[vector<16xi32>], vector<16xi32>,
        %slice3A_636 = vector.extract_strided_slice %gather3A {offsets = [0], sizes = [1], strides = [1]} : vector<16xi32> to vector<1xi32>
        %squeeze3A_637 = vector.extract %slice3A_636[0] : i32 from vector<1xi32>
        %slice3A_638 = vector.extract_strided_slice %gather3A {offsets = [1], sizes = [1], strides = [1]} : vector<16xi32> to vector<1xi32>
        %squeeze3A_639 = vector.extract %slice3A_638[0] : i32 from vector<1xi32>
        %while3A_640:2 = scf.while (%while3A_641 = %squeeze3A_637, %while3A_642 = %cond3A_594) : (i32, i32) -> (i32, i32) {
          %lt3A_643 = arith.cmpi slt, %while3A_641, %squeeze3A_639 : i32
          scf.condition(%lt3A_643) %while3A_641, %while3A_642 : i32, i32
        } do {
        ^bb0(%while3A_641: i32, %while3A_642: i32):
          %iota3A_643 = tpu.iota {dimensions = array<i32: 0>} : vector<16xi32>
          %add3A_644 = vector.broadcast %while3A_641 : i32 to vector<16xi32>
          %add3A_645 = arith.addi %add3A_644, %iota3A_643 : vector<16xi32>
          %gather3A_646 = tpu.vector_load_idx %arg10[%add3A_645] : memref<16400xi32, #tpu.memory_space<vmem>>[vector<16xi32>], vector<16xi32>,
          %iota3A_647 = tpu.iota {dimensions = array<i32: 0>} : vector<16xi32>
          %add3A_648 = vector.broadcast %while3A_641 : i32 to vector<16xi32>
          %add3A_649 = arith.addi %add3A_648, %iota3A_647 : vector<16xi32>
          %lt3A_650 = vector.broadcast %squeeze3A_639 : i32 to vector<16xi32>
          %lt3A_651 = arith.cmpi slt, %add3A_649, %lt3A_650 : vector<16xi32>
          %while3A_652:2 = scf.while (%while3A_655 = %lt3A_651, %while3A_656 = %while3A_642) : (vector<16xi1>, i32) -> (vector<16xi1>, i32) {
            %reduce_or3A = arith.constant 1.000000e+00 : f32
            %reduce_or3A_657 = arith.constant 0.000000e+00 : f32
            %reduce_or3A_658 = vector.broadcast %reduce_or3A : f32 to vector<16xf32>
            %reduce_or3A_659 = vector.broadcast %reduce_or3A_657 : f32 to vector<16xf32>
            %reduce_or3A_660 = arith.select %while3A_655, %reduce_or3A_658, %reduce_or3A_659 : vector<16xi1>, vector<16xf32>
            %reduce_or3A_661 = arith.constant true
            %reduce_or3A_662 = vector.broadcast %reduce_or3A_661 : i1 to vector<16xi1>
            %reduce_or3A_663 = tpu.scan <max>, %reduce_or3A_660 masked %reduce_or3A_662 : vector<16xf32>, vector<16xi1> -> vector<16xf32>
            %reduce_or3A_664 = vector.extract %reduce_or3A_663[15] : f32 from vector<16xf32>
            %reduce_or3A_665 = arith.constant 0.000000e+00 : f32
            %reduce_or3A_666 = arith.cmpf ogt, %reduce_or3A_664, %reduce_or3A_665 : f32
            scf.condition(%reduce_or3A_666) %while3A_655, %while3A_656 : vector<16xi1>, i32
          } do {
          ^bb0(%while3A_655: vector<16xi1>, %while3A_656: i32):
            %all_reduce_ffs3A = tpu.all_reduce %while3A_655 {dim = 0 : i64, kind = #tpu.reduction_kind<find_first_set>} : vector<16xi1> -> vector<16xi32>
            %slice3A_657 = vector.extract_strided_slice %all_reduce_ffs3A {offsets = [0], sizes = [1], strides = [1]} : vector<16xi32> to vector<1xi32>
            %squeeze3A_658 = vector.extract %slice3A_657[0] : i32 from vector<1xi32>
            %broadcast_in_dim3A_659 = vector.broadcast %squeeze3A_658 : i32 to vector<16xi32>
            %broadcast_in_dim3A_660 = vector.shape_cast %broadcast_in_dim3A_659 : vector<16xi32> to vector<16x1xi32>
            %gather3A_661 = vector.shape_cast %broadcast_in_dim3A_660 : vector<16x1xi32> to vector<16xi32>
            %gather3A_662 = tpu.dynamic_gather %gather3A_646[%gather3A_661] in [0] : vector<16xi32>, vector<16xi32> -> vector<16xi32>
            %slice3A_663 = vector.extract_strided_slice %gather3A_662 {offsets = [0], sizes = [1], strides = [1]} : vector<16xi32> to vector<1xi32>
            %squeeze3A_664 = vector.extract %slice3A_663[0] : i32 from vector<1xi32>
            %shift_right_arithmetic3A = arith.constant 14 : i32
            %shift_right_arithmetic3A_665 = arith.shrsi %squeeze3A_664, %shift_right_arithmetic3A : i32
            %add3A_666 = arith.addi %shift_right_arithmetic3A_665, %mul3A_8 : i32
            %and3A_667 = arith.constant 16383 : i32
            %and3A_668 = arith.andi %squeeze3A_664, %and3A_667 : i32
            %sub3A_669 = arith.subi %add3A_666, %min3A_630 : i32
            %jit3A_670 = arith.constant 16 : i32
            %eq3A_671 = arith.constant 0 : i32
            %eq3A_672 = arith.cmpi eq, %jit3A_670, %eq3A_671 : i32
            %jit3A_673 = arith.constant 1 : i32
            %select_n3A_674 = arith.select %eq3A_672, %jit3A_673, %jit3A_670 : i32
            %rem3A_675 = arith.remsi %while3A_656, %select_n3A_674 : i32
            %ne3A_676 = arith.constant 0 : i32
            %ne3A_677 = arith.cmpi ne, %rem3A_675, %ne3A_676 : i32
            %lt3A_678 = arith.constant 0 : i32
            %lt3A_679 = arith.cmpi slt, %rem3A_675, %lt3A_678 : i32
            %lt3A_680 = arith.constant 0 : i32
            %lt3A_681 = arith.cmpi slt, %select_n3A_674, %lt3A_680 : i32
            %ne3A_682 = arith.xori %lt3A_679, %lt3A_681 : i1
            %and3A_683 = arith.andi %ne3A_682, %ne3A_677 : i1
            %add3A_684 = arith.addi %rem3A_675, %select_n3A_674 : i32
            %select_n3A_685 = arith.select %and3A_683, %add3A_684, %rem3A_675 : i32
            %broadcast_in_dim3A_686 = vector.broadcast %sub3A_669 : i32 to vector<16xi32>
            %iota3A_687 = tpu.iota {dimensions = array<i32: 0>} : vector<16xi32>
            %add3A_688 = arith.constant 0 : i32
            %add3A_689 = vector.broadcast %add3A_688 : i32 to vector<16xi32>
            %add3A_690 = arith.addi %add3A_689, %iota3A_687 : vector<16xi32>
            %gather3A_691 = tpu.vector_load_idx %arg17[%add3A_690, %broadcast_in_dim3A_686] : memref<64x256xf32, #tpu.memory_space<vmem>>[vector<16xi32>, vector<16xi32>], vector<16xf32>,
            %swap3A_692 = arith.index_cast %select_n3A_685 : i32 to index
            %swap3A_693 = arith.constant 0 : index
            %swap3A_694 = tpu.vector_load %arg18[%swap3A_692, %swap3A_693] {strides = array<i32>} : memref<16x64xf32, #tpu.memory_space<vmem>>, vector<16xf32>,
            tpu.vector_store %arg18[%swap3A_692, %swap3A_693], %gather3A_691 {strides = array<i32>} : memref<16x64xf32, #tpu.memory_space<vmem>>, vector<16xf32>,
            %iota3A_695 = tpu.iota {dimensions = array<i32: 0>} : vector<16xi32>
            %add3A_696 = arith.constant 16 : i32
            %add3A_697 = vector.broadcast %add3A_696 : i32 to vector<16xi32>
            %add3A_698 = arith.addi %add3A_697, %iota3A_695 : vector<16xi32>
            %gather3A_699 = tpu.vector_load_idx %arg17[%add3A_698, %broadcast_in_dim3A_686] : memref<64x256xf32, #tpu.memory_space<vmem>>[vector<16xi32>, vector<16xi32>], vector<16xf32>,
            %swap3A_700 = arith.index_cast %select_n3A_685 : i32 to index
            %swap3A_701 = arith.constant 16 : index
            %swap3A_702 = tpu.vector_load %arg18[%swap3A_700, %swap3A_701] {strides = array<i32>} : memref<16x64xf32, #tpu.memory_space<vmem>>, vector<16xf32>,
            tpu.vector_store %arg18[%swap3A_700, %swap3A_701], %gather3A_699 {strides = array<i32>} : memref<16x64xf32, #tpu.memory_space<vmem>>, vector<16xf32>,
            %iota3A_703 = tpu.iota {dimensions = array<i32: 0>} : vector<16xi32>
            %add3A_704 = arith.constant 32 : i32
            %add3A_705 = vector.broadcast %add3A_704 : i32 to vector<16xi32>
            %add3A_706 = arith.addi %add3A_705, %iota3A_703 : vector<16xi32>
            %gather3A_707 = tpu.vector_load_idx %arg17[%add3A_706, %broadcast_in_dim3A_686] : memref<64x256xf32, #tpu.memory_space<vmem>>[vector<16xi32>, vector<16xi32>], vector<16xf32>,
            %swap3A_708 = arith.index_cast %select_n3A_685 : i32 to index
            %swap3A_709 = arith.constant 32 : index
            %swap3A_710 = tpu.vector_load %arg18[%swap3A_708, %swap3A_709] {strides = array<i32>} : memref<16x64xf32, #tpu.memory_space<vmem>>, vector<16xf32>,
            tpu.vector_store %arg18[%swap3A_708, %swap3A_709], %gather3A_707 {strides = array<i32>} : memref<16x64xf32, #tpu.memory_space<vmem>>, vector<16xf32>,
            %iota3A_711 = tpu.iota {dimensions = array<i32: 0>} : vector<16xi32>
            %add3A_712 = arith.constant 48 : i32
            %add3A_713 = vector.broadcast %add3A_712 : i32 to vector<16xi32>
            %add3A_714 = arith.addi %add3A_713, %iota3A_711 : vector<16xi32>
            %gather3A_715 = tpu.vector_load_idx %arg17[%add3A_714, %broadcast_in_dim3A_686] : memref<64x256xf32, #tpu.memory_space<vmem>>[vector<16xi32>, vector<16xi32>], vector<16xf32>,
            %swap3A_716 = arith.index_cast %select_n3A_685 : i32 to index
            %swap3A_717 = arith.constant 48 : index
            %swap3A_718 = tpu.vector_load %arg18[%swap3A_716, %swap3A_717] {strides = array<i32>} : memref<16x64xf32, #tpu.memory_space<vmem>>, vector<16xf32>,
            tpu.vector_store %arg18[%swap3A_716, %swap3A_717], %gather3A_715 {strides = array<i32>} : memref<16x64xf32, #tpu.memory_space<vmem>>, vector<16xf32>,
            %mul3A_719 = arith.constant 64 : i32
            %mul3A_720 = arith.muli %and3A_668, %mul3A_719 : i32
            %multiple_of3A_721 = tpu.assume_multiple %mul3A_720, 8 : i32
            %dma_start3A_722 = arith.constant 0 : i32
            %dma_start3A_723 = tpu.memref_slice %arg18[%select_n3A_685, %dma_start3A_722] : memref<16x64xf32, #tpu.memory_space<vmem>> -> memref<1x64xf32, #tpu.memory_space<vmem>>
            %dma_start3A_724 = tpu.memref_squeeze %dma_start3A_723 : memref<1x64xf32, #tpu.memory_space<vmem>> -> memref<64xf32, #tpu.memory_space<vmem>>
            %dma_start3A_725 = tpu.memref_slice %arg7[%multiple_of3A_721] : memref<1048576xf32, #tpu.memory_space<hbm>> -> memref<64xf32, #tpu.memory_space<hbm>>
            %dma_start3A_726 = tpu.memref_slice %arg7[%multiple_of3A_721] : memref<1048576xf32, #tpu.memory_space<hbm>> -> memref<64xf32, #tpu.memory_space<hbm>>
            %dma_start3A_727 = arith.constant 0 : i32
            %dma_start3A_728 = tpu.memref_slice %arg18[%select_n3A_685, %dma_start3A_727] : memref<16x64xf32, #tpu.memory_space<vmem>> -> memref<1x64xf32, #tpu.memory_space<vmem>>
            %dma_start3A_729 = tpu.memref_squeeze %dma_start3A_728 : memref<1x64xf32, #tpu.memory_space<vmem>> -> memref<64xf32, #tpu.memory_space<vmem>>
            tpu.enqueue_dma source(%dma_start3A_729 : memref<64xf32, #tpu.memory_space<vmem>>) target(%dma_start3A_726 : memref<64xf32, #tpu.memory_space<hbm>>) target_semaphore(%arg23 : memref<!tpu.dma_semaphore, #tpu.memory_space<semaphore_mem>>)
            %add3A_730 = arith.constant 1 : i32
            %add3A_731 = arith.addi %while3A_656, %add3A_730 : i32
            %jit3A_732 = arith.constant 16 : i32
            %eq3A_733 = arith.constant 0 : i32
            %eq3A_734 = arith.cmpi eq, %jit3A_732, %eq3A_733 : i32
            %jit3A_735 = arith.constant 1 : i32
            %select_n3A_736 = arith.select %eq3A_734, %jit3A_735, %jit3A_732 : i32
            %rem3A_737 = arith.remsi %add3A_731, %select_n3A_736 : i32
            %ne3A_738 = arith.constant 0 : i32
            %ne3A_739 = arith.cmpi ne, %rem3A_737, %ne3A_738 : i32
            %lt3A_740 = arith.constant 0 : i32
            %lt3A_741 = arith.cmpi slt, %rem3A_737, %lt3A_740 : i32
            %lt3A_742 = arith.constant 0 : i32
            %lt3A_743 = arith.cmpi slt, %select_n3A_736, %lt3A_742 : i32
            %ne3A_744 = arith.xori %lt3A_741, %lt3A_743 : i1
            %and3A_745 = arith.andi %ne3A_744, %ne3A_739 : i1
            %add3A_746 = arith.addi %rem3A_737, %select_n3A_736 : i32
            %select_n3A_747 = arith.select %and3A_745, %add3A_746, %rem3A_737 : i32
            %eq3A_748 = arith.constant 0 : i32
            %eq3A_749 = arith.cmpi eq, %select_n3A_747, %eq3A_748 : i32
            %convert_element_type3A_750 = arith.extui %eq3A_749 : i1 to i32
            %cond3A_751 = arith.constant 0 : i32
            %cond3A_752 = arith.cmpi ne, %convert_element_type3A_750, %cond3A_751 : i32
            scf.if %cond3A_752 {
              %scan3A_758 = arith.constant 0 : i32
              %scan3A_759 = arith.constant 0 : i32
              %scan3A_760 = arith.constant 16 : i32
              %scan3A_761 = arith.addi %scan3A_759, %scan3A_760 : i32
              %scan3A_762 = arith.constant 1 : i32
              scf.for %scan3A_764 = %scan3A_759 to %scan3A_761 step %scan3A_762  : i32 {
                %dma_wait3A_765 = arith.constant 0 : i32
                %dma_wait3A_766 = arith.constant 0 : i32
                %dma_wait3A_767 = tpu.memref_slice %arg18[%dma_wait3A_765, %dma_wait3A_766] : memref<16x64xf32, #tpu.memory_space<vmem>> -> memref<1x64xf32, #tpu.memory_space<vmem>>
                %dma_wait3A_768 = tpu.memref_squeeze %dma_wait3A_767 : memref<1x64xf32, #tpu.memory_space<vmem>> -> memref<64xf32, #tpu.memory_space<vmem>>
                %dma_wait3A_769 = arith.constant 0 : i32
                %dma_wait3A_770 = tpu.memref_slice %arg6[%dma_wait3A_769] : memref<1048576xf32, #tpu.memory_space<hbm>> -> memref<64xf32, #tpu.memory_space<hbm>>
                %dma_wait3A_771 = arith.constant 0 : i32
                %dma_wait3A_772 = tpu.memref_slice %arg18[%dma_wait3A_765, %dma_wait3A_771] : memref<16x64xf32, #tpu.memory_space<vmem>> -> memref<1x64xf32, #tpu.memory_space<vmem>>
                %dma_wait3A_773 = tpu.memref_squeeze %dma_wait3A_772 : memref<1x64xf32, #tpu.memory_space<vmem>> -> memref<64xf32, #tpu.memory_space<vmem>>
                %dma_wait3A_774 = arith.constant 0 : i32
                %dma_wait3A_775 = tpu.memref_slice %arg6[%dma_wait3A_774] : memref<1048576xf32, #tpu.memory_space<hbm>> -> memref<64xf32, #tpu.memory_space<hbm>>
                tpu.wait_dma2 semaphore(%arg23 : memref<!tpu.dma_semaphore, #tpu.memory_space<semaphore_mem>>) src(%dma_wait3A_775 : memref<64xf32, #tpu.memory_space<hbm>>) dst(%dma_wait3A_773 : memref<64xf32, #tpu.memory_space<vmem>>)
              }
              %scan3A_763 = arith.constant 16 : i32
            } else {
            }
            %iota3A_753 = tpu.iota {dimensions = array<i32: 0>} : vector<16xi32>
            %ne3A_754 = arith.cmpi ne, %iota3A_753, %all_reduce_ffs3A : vector<16xi32>
            %and3A_755 = arith.andi %while3A_655, %ne3A_754 : vector<16xi1>
            %add3A_756 = arith.constant 1 : i32
            %add3A_757 = arith.addi %while3A_656, %add3A_756 : i32
            scf.yield %and3A_755, %add3A_757 : vector<16xi1>, i32
          }
          %add3A_653 = arith.constant 16 : i32
          %add3A_654 = arith.addi %while3A_641, %add3A_653 : i32
          scf.yield %add3A_654, %while3A_652#1 : i32, i32
        }
        scf.yield %while3A_640#1 : i32
      } else {
        scf.yield %cond3A_594 : i32
      }
      %add3A_612 = arith.constant 4 : i32
      %add3A_613 = arith.addi %add3A_605, %add3A_612 : i32
      %lt3A_614 = arith.constant 123 : i32
      %lt3A_615 = arith.cmpi slt, %add3A_613, %lt3A_614 : i32
      %convert_element_type3A_616 = arith.extui %lt3A_615 : i1 to i32
      %cond3A_617 = arith.constant 0 : i32
      %cond3A_618 = arith.cmpi ne, %convert_element_type3A_616, %cond3A_617 : i32
      scf.if %cond3A_618 {
        %add3A_619 = arith.constant 4 : i32
        %add3A_620 = arith.addi %add3A_605, %add3A_619 : i32
        %mul3A_621 = arith.constant 2 : i32
        %mul3A_622 = arith.muli %mul3A_621, %add3A_620 : i32
        %add3A_623 = arith.addi %add3A_4, %mul3A_622 : i32
        %mul3A_624 = arith.constant 128 : i32
        %mul3A_625 = arith.muli %add3A_623, %mul3A_624 : i32
        %min3A_626 = arith.constant 999808 : i32
        %min3A_627 = arith.minsi %mul3A_625, %min3A_626 : i32
        %multiple_of3A_628 = tpu.assume_multiple %min3A_627, 128 : i32
        %dma_start3A_629 = arith.constant 0 : i32
        %dma_start3A_630 = tpu.memref_slice %arg5[%dma_start3A_629, %multiple_of3A_628] : memref<64x1000000xf32, #tpu.memory_space<hbm>> -> memref<64x256xf32, #tpu.memory_space<hbm>>
        %dma_start3A_631 = arith.constant 0 : i32
        %dma_start3A_632 = tpu.memref_slice %arg5[%dma_start3A_631, %multiple_of3A_628] : memref<64x1000000xf32, #tpu.memory_space<hbm>> -> memref<64x256xf32, #tpu.memory_space<hbm>>
        tpu.enqueue_dma source(%dma_start3A_632 : memref<64x256xf32, #tpu.memory_space<hbm>>) target(%arg17 : memref<64x256xf32, #tpu.memory_space<vmem>>) target_semaphore(%arg22 : memref<!tpu.dma_semaphore, #tpu.memory_space<semaphore_mem>>)
      } else {
      }
      scf.yield %cond3A_611 : i32
    }
    %scan3A_524 = arith.constant 31 : i32
    %jit3A_525 = arith.constant 16 : i32
    %eq3A_526 = arith.constant 0 : i32
    %eq3A_527 = arith.cmpi eq, %jit3A_525, %eq3A_526 : i32
    %jit3A_528 = arith.constant 1 : i32
    %select_n3A_529 = arith.select %eq3A_527, %jit3A_528, %jit3A_525 : i32
    %rem3A_530 = arith.remsi %scan3A_523, %select_n3A_529 : i32
    %ne3A_531 = arith.constant 0 : i32
    %ne3A_532 = arith.cmpi ne, %rem3A_530, %ne3A_531 : i32
    %lt3A_533 = arith.constant 0 : i32
    %lt3A_534 = arith.cmpi slt, %rem3A_530, %lt3A_533 : i32
    %lt3A_535 = arith.constant 0 : i32
    %lt3A_536 = arith.cmpi slt, %select_n3A_529, %lt3A_535 : i32
    %ne3A_537 = arith.xori %lt3A_534, %lt3A_536 : i1
    %and3A_538 = arith.andi %ne3A_537, %ne3A_532 : i1
    %add3A_539 = arith.addi %rem3A_530, %select_n3A_529 : i32
    %select_n3A_540 = arith.select %and3A_538, %add3A_539, %rem3A_530 : i32
    %while3A_541 = arith.constant 0 : i32
    %while3A_542 = arith.constant 0 : i32
    %while3A_543 = arith.subi %select_n3A_540, %while3A_542 : i32
    %while3A_544 = arith.addi %while3A_542, %while3A_543 : i32
    %while3A_545 = arith.constant 1 : i32
    %while3A_546 = arith.divsi %while3A_543, %while3A_545 : i32
    %while3A_547 = arith.muli %while3A_546, %while3A_545 : i32
    %while3A_548 = arith.addi %while3A_542, %while3A_547 : i32
    %while3A_549 = arith.constant 1 : i32
    scf.for %while3A_551 = %while3A_542 to %while3A_548 step %while3A_549  : i32 {
      %dma_wait3A = arith.constant 0 : i32
      %dma_wait3A_552 = arith.constant 0 : i32
      %dma_wait3A_553 = tpu.memref_slice %arg18[%dma_wait3A, %dma_wait3A_552] : memref<16x64xf32, #tpu.memory_space<vmem>> -> memref<1x64xf32, #tpu.memory_space<vmem>>
      %dma_wait3A_554 = tpu.memref_squeeze %dma_wait3A_553 : memref<1x64xf32, #tpu.memory_space<vmem>> -> memref<64xf32, #tpu.memory_space<vmem>>
      %dma_wait3A_555 = arith.constant 0 : i32
      %dma_wait3A_556 = tpu.memref_slice %arg6[%dma_wait3A_555] : memref<1048576xf32, #tpu.memory_space<hbm>> -> memref<64xf32, #tpu.memory_space<hbm>>
      %dma_wait3A_557 = arith.constant 0 : i32
      %dma_wait3A_558 = tpu.memref_slice %arg18[%dma_wait3A, %dma_wait3A_557] : memref<16x64xf32, #tpu.memory_space<vmem>> -> memref<1x64xf32, #tpu.memory_space<vmem>>
      %dma_wait3A_559 = tpu.memref_squeeze %dma_wait3A_558 : memref<1x64xf32, #tpu.memory_space<vmem>> -> memref<64xf32, #tpu.memory_space<vmem>>
      %dma_wait3A_560 = arith.constant 0 : i32
      %dma_wait3A_561 = tpu.memref_slice %arg6[%dma_wait3A_560] : memref<1048576xf32, #tpu.memory_space<hbm>> -> memref<64xf32, #tpu.memory_space<hbm>>
      tpu.wait_dma2 semaphore(%arg23 : memref<!tpu.dma_semaphore, #tpu.memory_space<semaphore_mem>>) src(%dma_wait3A_561 : memref<64xf32, #tpu.memory_space<hbm>>) dst(%dma_wait3A_559 : memref<64xf32, #tpu.memory_space<vmem>>)
    }
    %while3A_550 = arith.constant 1 : i32
    scf.for %while3A_551 = %while3A_548 to %while3A_544 step %while3A_550  : i32 {
      %dma_wait3A = arith.constant 0 : i32
      %dma_wait3A_552 = arith.constant 0 : i32
      %dma_wait3A_553 = tpu.memref_slice %arg18[%dma_wait3A, %dma_wait3A_552] : memref<16x64xf32, #tpu.memory_space<vmem>> -> memref<1x64xf32, #tpu.memory_space<vmem>>
      %dma_wait3A_554 = tpu.memref_squeeze %dma_wait3A_553 : memref<1x64xf32, #tpu.memory_space<vmem>> -> memref<64xf32, #tpu.memory_space<vmem>>
      %dma_wait3A_555 = arith.constant 0 : i32
      %dma_wait3A_556 = tpu.memref_slice %arg6[%dma_wait3A_555] : memref<1048576xf32, #tpu.memory_space<hbm>> -> memref<64xf32, #tpu.memory_space<hbm>>
      %dma_wait3A_557 = arith.constant 0 : i32
      %dma_wait3A_558 = tpu.memref_slice %arg18[%dma_wait3A, %dma_wait3A_557] : memref<16x64xf32, #tpu.memory_space<vmem>> -> memref<1x64xf32, #tpu.memory_space<vmem>>
      %dma_wait3A_559 = tpu.memref_squeeze %dma_wait3A_558 : memref<1x64xf32, #tpu.memory_space<vmem>> -> memref<64xf32, #tpu.memory_space<vmem>>
      %dma_wait3A_560 = arith.constant 0 : i32
      %dma_wait3A_561 = tpu.memref_slice %arg6[%dma_wait3A_560] : memref<1048576xf32, #tpu.memory_space<hbm>> -> memref<64xf32, #tpu.memory_space<hbm>>
      tpu.wait_dma2 semaphore(%arg23 : memref<!tpu.dma_semaphore, #tpu.memory_space<semaphore_mem>>) src(%dma_wait3A_561 : memref<64xf32, #tpu.memory_space<hbm>>) dst(%dma_wait3A_559 : memref<64xf32, #tpu.memory_space<vmem>>)
    }
    return
  }
}

#map = affine_map<(d0, d1) -> (0)>
module attributes {stable_mosaic.version = 14 : i64} {
  func.func @_mf_dot(%arg0: i32, %arg1: i32, %arg2: memref<1048576xf32, #tpu.memory_space<hbm>>, %arg3: memref<1048576xf32, #tpu.memory_space<hbm>>, %arg4: memref<16384xf32, #tpu.memory_space<hbm>>, %arg5: memref<32768xf32, #tpu.memory_space<vmem>>, %arg6: memref<32768xf32, #tpu.memory_space<vmem>>, %arg7: memref<512xf32, #tpu.memory_space<vmem>>, %arg8: memref<!tpu.dma_semaphore, #tpu.memory_space<semaphore_mem>>, %arg9: memref<!tpu.dma_semaphore, #tpu.memory_space<semaphore_mem>>) attributes {dimension_semantics = [#tpu.dimension_semantics<core_parallel>, #tpu.dimension_semantics<subcore_parallel>], iteration_bounds = array<i64: 2, 16>, scalar_prefetch = 0 : i64, scratch_operands = 5 : i64, tpu.core_type = #tpu.core_type<sc_vector_subcore>, window_params = [{transform_indices = #map}, {transform_indices = #map}, {transform_indices = #map}]} {
    %mul3A = arith.constant 2 : i32
    %mul3A_0 = arith.muli %arg1, %mul3A : i32
    %add3A = arith.addi %mul3A_0, %arg0 : i32
    %mul3A_1 = arith.constant 512 : i32
    %mul3A_2 = arith.muli %add3A, %mul3A_1 : i32
    %mul3A_3 = arith.constant 64 : i32
    %mul3A_4 = arith.muli %mul3A_2, %mul3A_3 : i32
    %dma_start3A = tpu.memref_slice %arg2[%mul3A_4] : memref<1048576xf32, #tpu.memory_space<hbm>> -> memref<32768xf32, #tpu.memory_space<hbm>>
    %dma_start3A_5 = tpu.memref_slice %arg2[%mul3A_4] : memref<1048576xf32, #tpu.memory_space<hbm>> -> memref<32768xf32, #tpu.memory_space<hbm>>
    tpu.enqueue_dma source(%dma_start3A_5 : memref<32768xf32, #tpu.memory_space<hbm>>) target(%arg5 : memref<32768xf32, #tpu.memory_space<vmem>>) target_semaphore(%arg8 : memref<!tpu.dma_semaphore, #tpu.memory_space<semaphore_mem>>)
    %mul3A_6 = arith.constant 64 : i32
    %mul3A_7 = arith.muli %mul3A_2, %mul3A_6 : i32
    %dma_start3A_8 = tpu.memref_slice %arg3[%mul3A_7] : memref<1048576xf32, #tpu.memory_space<hbm>> -> memref<32768xf32, #tpu.memory_space<hbm>>
    %dma_start3A_9 = tpu.memref_slice %arg3[%mul3A_7] : memref<1048576xf32, #tpu.memory_space<hbm>> -> memref<32768xf32, #tpu.memory_space<hbm>>
    tpu.enqueue_dma source(%dma_start3A_9 : memref<32768xf32, #tpu.memory_space<hbm>>) target(%arg6 : memref<32768xf32, #tpu.memory_space<vmem>>) target_semaphore(%arg9 : memref<!tpu.dma_semaphore, #tpu.memory_space<semaphore_mem>>)
    %dma_wait3A = tpu.memref_slice %arg2[%mul3A_4] : memref<1048576xf32, #tpu.memory_space<hbm>> -> memref<32768xf32, #tpu.memory_space<hbm>>
    %dma_wait3A_10 = tpu.memref_slice %arg2[%mul3A_4] : memref<1048576xf32, #tpu.memory_space<hbm>> -> memref<32768xf32, #tpu.memory_space<hbm>>
    tpu.wait_dma2 semaphore(%arg8 : memref<!tpu.dma_semaphore, #tpu.memory_space<semaphore_mem>>) src(%dma_wait3A_10 : memref<32768xf32, #tpu.memory_space<hbm>>) dst(%arg5 : memref<32768xf32, #tpu.memory_space<vmem>>)
    %dma_wait3A_11 = tpu.memref_slice %arg3[%mul3A_7] : memref<1048576xf32, #tpu.memory_space<hbm>> -> memref<32768xf32, #tpu.memory_space<hbm>>
    %dma_wait3A_12 = tpu.memref_slice %arg3[%mul3A_7] : memref<1048576xf32, #tpu.memory_space<hbm>> -> memref<32768xf32, #tpu.memory_space<hbm>>
    tpu.wait_dma2 semaphore(%arg9 : memref<!tpu.dma_semaphore, #tpu.memory_space<semaphore_mem>>) src(%dma_wait3A_12 : memref<32768xf32, #tpu.memory_space<hbm>>) dst(%arg6 : memref<32768xf32, #tpu.memory_space<vmem>>)
    %scan3A = arith.constant 0 : i32
    %scan3A_13 = arith.constant 0 : i32
    %scan3A_14 = arith.constant 512 : i32
    %scan3A_15 = arith.addi %scan3A_13, %scan3A_14 : i32
    %scan3A_16 = arith.constant 1 : i32
    %scan3A_17 = scf.for %scan3A_19 = %scan3A_13 to %scan3A_15 step %scan3A_16 iter_args(%scan3A_20 = %scan3A) -> (i32)  : i32 {
      %broadcast_in_dim3A = arith.constant 0.000000e+00 : f32
      %broadcast_in_dim3A_21 = vector.broadcast %broadcast_in_dim3A : f32 to vector<16xf32>
      %mul3A_22 = arith.constant 64 : i32
      %mul3A_23 = arith.muli %scan3A_19, %mul3A_22 : i32
      %add3A_24 = arith.constant 0 : i32
      %add3A_25 = arith.addi %mul3A_23, %add3A_24 : i32
      %get3A = arith.index_cast %add3A_25 : i32 to index
      %get3A_26 = tpu.vector_load %arg5[%get3A] {strides = array<i32>} : memref<32768xf32, #tpu.memory_space<vmem>>, vector<16xf32>,
      %mul3A_27 = arith.constant 64 : i32
      %mul3A_28 = arith.muli %scan3A_19, %mul3A_27 : i32
      %add3A_29 = arith.constant 0 : i32
      %add3A_30 = arith.addi %mul3A_28, %add3A_29 : i32
      %get3A_31 = arith.index_cast %add3A_30 : i32 to index
      %get3A_32 = tpu.vector_load %arg6[%get3A_31] {strides = array<i32>} : memref<32768xf32, #tpu.memory_space<vmem>>, vector<16xf32>,
      %mul3A_33 = arith.mulf %get3A_26, %get3A_32 : vector<16xf32>
      %add3A_34 = arith.addf %broadcast_in_dim3A_21, %mul3A_33 : vector<16xf32>
      %mul3A_35 = arith.constant 64 : i32
      %mul3A_36 = arith.muli %scan3A_19, %mul3A_35 : i32
      %add3A_37 = arith.constant 16 : i32
      %add3A_38 = arith.addi %mul3A_36, %add3A_37 : i32
      %get3A_39 = arith.index_cast %add3A_38 : i32 to index
      %get3A_40 = tpu.vector_load %arg5[%get3A_39] {strides = array<i32>} : memref<32768xf32, #tpu.memory_space<vmem>>, vector<16xf32>,
      %mul3A_41 = arith.constant 64 : i32
      %mul3A_42 = arith.muli %scan3A_19, %mul3A_41 : i32
      %add3A_43 = arith.constant 16 : i32
      %add3A_44 = arith.addi %mul3A_42, %add3A_43 : i32
      %get3A_45 = arith.index_cast %add3A_44 : i32 to index
      %get3A_46 = tpu.vector_load %arg6[%get3A_45] {strides = array<i32>} : memref<32768xf32, #tpu.memory_space<vmem>>, vector<16xf32>,
      %mul3A_47 = arith.mulf %get3A_40, %get3A_46 : vector<16xf32>
      %add3A_48 = arith.addf %add3A_34, %mul3A_47 : vector<16xf32>
      %mul3A_49 = arith.constant 64 : i32
      %mul3A_50 = arith.muli %scan3A_19, %mul3A_49 : i32
      %add3A_51 = arith.constant 32 : i32
      %add3A_52 = arith.addi %mul3A_50, %add3A_51 : i32
      %get3A_53 = arith.index_cast %add3A_52 : i32 to index
      %get3A_54 = tpu.vector_load %arg5[%get3A_53] {strides = array<i32>} : memref<32768xf32, #tpu.memory_space<vmem>>, vector<16xf32>,
      %mul3A_55 = arith.constant 64 : i32
      %mul3A_56 = arith.muli %scan3A_19, %mul3A_55 : i32
      %add3A_57 = arith.constant 32 : i32
      %add3A_58 = arith.addi %mul3A_56, %add3A_57 : i32
      %get3A_59 = arith.index_cast %add3A_58 : i32 to index
      %get3A_60 = tpu.vector_load %arg6[%get3A_59] {strides = array<i32>} : memref<32768xf32, #tpu.memory_space<vmem>>, vector<16xf32>,
      %mul3A_61 = arith.mulf %get3A_54, %get3A_60 : vector<16xf32>
      %add3A_62 = arith.addf %add3A_48, %mul3A_61 : vector<16xf32>
      %mul3A_63 = arith.constant 64 : i32
      %mul3A_64 = arith.muli %scan3A_19, %mul3A_63 : i32
      %add3A_65 = arith.constant 48 : i32
      %add3A_66 = arith.addi %mul3A_64, %add3A_65 : i32
      %get3A_67 = arith.index_cast %add3A_66 : i32 to index
      %get3A_68 = tpu.vector_load %arg5[%get3A_67] {strides = array<i32>} : memref<32768xf32, #tpu.memory_space<vmem>>, vector<16xf32>,
      %mul3A_69 = arith.constant 64 : i32
      %mul3A_70 = arith.muli %scan3A_19, %mul3A_69 : i32
      %add3A_71 = arith.constant 48 : i32
      %add3A_72 = arith.addi %mul3A_70, %add3A_71 : i32
      %get3A_73 = arith.index_cast %add3A_72 : i32 to index
      %get3A_74 = tpu.vector_load %arg6[%get3A_73] {strides = array<i32>} : memref<32768xf32, #tpu.memory_space<vmem>>, vector<16xf32>,
      %mul3A_75 = arith.mulf %get3A_68, %get3A_74 : vector<16xf32>
      %add3A_76 = arith.addf %add3A_62, %mul3A_75 : vector<16xf32>
      %broadcast_in_dim3A_77 = arith.constant true
      %broadcast_in_dim3A_78 = vector.broadcast %broadcast_in_dim3A_77 : i1 to vector<16xi1>
      %masked_cumsum3A = tpu.scan <sum>, %add3A_76 masked %broadcast_in_dim3A_78 : vector<16xf32>, vector<16xi1> -> vector<16xf32>
      %broadcast_in_dim3A_79 = vector.broadcast %scan3A_19 : i32 to vector<16xi32>
      %slice3A = vector.extract_strided_slice %masked_cumsum3A {offsets = [15], sizes = [1], strides = [1]} : vector<16xf32> to vector<1xf32>
      %squeeze3A = vector.extract %slice3A[0] : f32 from vector<1xf32>
      %broadcast_in_dim3A_80 = vector.broadcast %squeeze3A : f32 to vector<16xf32>
      %iota3A = tpu.iota {dimensions = array<i32: 0>} : vector<16xi32>
      %eq3A = arith.constant 0 : i32
      %eq3A_81 = vector.broadcast %eq3A : i32 to vector<16xi32>
      %eq3A_82 = arith.cmpi eq, %iota3A, %eq3A_81 : vector<16xi32>
      tpu.vector_store_idx %arg7[%broadcast_in_dim3A_79], %broadcast_in_dim3A_80 masked %eq3A_82 : memref<512xf32, #tpu.memory_space<vmem>>[vector<16xi32>], vector<16xf32>, vector<16xi1>
      %scan3A_83 = arith.constant 0 : i32
      scf.yield %scan3A_83 : i32
    }
    %scan3A_18 = arith.constant 512 : i32
    "tpu.region"() ({
      %run_scoped3A = tpu.sem_alloc : memref<!tpu.dma_semaphore, #tpu.memory_space<semaphore_mem>>
      %dma_start3A_19 = tpu.memref_slice %arg4[%mul3A_2] : memref<16384xf32, #tpu.memory_space<hbm>> -> memref<512xf32, #tpu.memory_space<hbm>>
      %dma_start3A_20 = tpu.memref_slice %arg4[%mul3A_2] : memref<16384xf32, #tpu.memory_space<hbm>> -> memref<512xf32, #tpu.memory_space<hbm>>
      tpu.enqueue_dma source(%arg7 : memref<512xf32, #tpu.memory_space<vmem>>) target(%dma_start3A_20 : memref<512xf32, #tpu.memory_space<hbm>>) target_semaphore(%run_scoped3A : memref<!tpu.dma_semaphore, #tpu.memory_space<semaphore_mem>>)
      %dma_wait3A_21 = tpu.memref_slice %arg4[%mul3A_2] : memref<16384xf32, #tpu.memory_space<hbm>> -> memref<512xf32, #tpu.memory_space<hbm>>
      %dma_wait3A_22 = tpu.memref_slice %arg4[%mul3A_2] : memref<16384xf32, #tpu.memory_space<hbm>> -> memref<512xf32, #tpu.memory_space<hbm>>
      tpu.wait_dma2 semaphore(%run_scoped3A : memref<!tpu.dma_semaphore, #tpu.memory_space<semaphore_mem>>) src(%arg7 : memref<512xf32, #tpu.memory_space<vmem>>) dst(%dma_wait3A_22 : memref<512xf32, #tpu.memory_space<hbm>>)
      tpu.yield
    }) : () -> ()
    return
  }
}

</mosaic_0001>

<sc_bundles>
// kernel: kernel.4.cloned.1.call-start
scs
__scs_entry_jumppad:
0x0: {  	(pc) =	sbr.rel $0x88, $3  }
0x1: {  	(tag) =	ssettag $0x0;
	lr =	simm.s32 $0x1  }
0x2: {  	[smem:$0x3F9D] =	sst lr;
	_ =	strace $0xD0000000  }
0x3: {  	_ = 	snop  }
0x4: {  	_ = 	snop  }
0x5: {  	_ = 	snop  }
0x6: {  	_ = 	snop  }
0x7: {  	_ = 	snop  }
__scs_overlays_trampoline_lowered:
0x8: {  	[smem:$0x3FAC] =	sst s0  }
0x9: {  	[smem:$0x3FAD] =	sst s1  }
0xa: {  	[smem:$0x3FAE] =	sst s2  }
0xb: {  	[smem:$0x3FAF] =	sst s3  }
0xc: {  	[smem:$0x3FB0] =	sst s4  }
0xd: {  	[smem:$0x3FB1] =	sst s5  }
0xe: {  	[smem:$0x3FB2] =	sst s6  }
0xf: {  	[smem:$0x3FB3] =	sst s7  }
0x10: {  	[smem:$0x3FB4] =	sst s8  }
0x11: {  	[smem:$0x3FB5] =	sst s9;
	s0 =	simm.s32 @!p0 $0x0  }
0x12: {  	s1 =	sld [smem:$0x3F9B];
	s0 =	simm.s32 @p0 $0x1  }
0x13: {  	[smem:$0x3FB6] =	sst s0;
	s0 =	simm.s32 @!p1 $0x0  }
0x14: {  	s2 =	sld [smem:$0x3F9A];
	s0 =	simm.s32 @p1 $0x1  }
0x15: {  	[smem:$0x3FB7] =	sst s0;
	s0 =	simm.s32 @!p2 $0x0  }
0x16: {  	s3 =	sld [smem:$0x3FDB];
	s0 =	simm.s32 @p2 $0x1  }
0x17: {  	s4 =	simm.s32 $0x1BF5;
	[smem:$0x3FB9] =	sst s0  }
0x18: {  	s0 =	sld [smem:$0x3F9C];
	_ =	swait.ge [sflag:s4], $0x0  }
0x19: {  	s7 =	sld [smem:$0x3F9D]  }
0x1a: {  	s8 =	sadd.s32 $0xFFFFE003, lr  }
0x1b: {  	s9 =	sadd.s32 $0xFFFFFEF7, lr;
	s5 =	simm.s32 $0xFFFFFFFF;
	p2 =	slt.u32 s8, $0xFFFFF086  }
0x1c: {  	p1 =	slt.u32 s9, $0xF7A;
	s5 =	simm.s32 @!p2 $0x0  }
0x1d: {  	s5 =	simm.s32 @p1 $0x1;
	p0 =	seq.s32 s7, s2  }
0x1e: {  	s7 =	smul.u32 @!p0 $0xF7A, s2;
	p2 =	seq.s32 @!p0 s5, $0x0  }
0x1f: {  	s9 =	smul.u32 $0xF7A, s1;
	s8 =	simm.s32 @!p0 $0x1BF5;
	p2 =	por !p2, p0  }
0x20: {  	[sflag:s8] =	ssyncset.s32 @!p0 $0xFFFFF086;
	s6 =	sadd.s32 @!p0 s3, s7;
	s7 =	simm.s32 @!p0 $0x108  }
0x21: {  	s3 =	sadd.s32 s3, s9;
	s6 =	sadd.s32 @!p0 $0x88, s6;
	s7 =	simm.s32 @p2 $0x1082  }
0x22: {  	[simem:s7], [sflag:s8] =	dma.local @!p0 [hbm:s6], $0xF7A  }
0x23: {  	s9 =	sor.u32 $0xD0000000, s2;
	s6 =	simm.s32 $0x108;
	_ =	swait.ge @!p0 [sflag:s8], $0x0  }
0x24: {  	s3 =	sadd.s32 $0x88, s3;
	s6 =	simm.s32 @!p1 $0x1082;
	[sflag:s4] =	ssyncset.s32 $0xFFFFF086  }
0x25: {  	[simem:s6], [sflag:s4] =	dma.local [hbm:s3], $0xF7A  }
0x26: {  	[smem:$0x3F9D] =	sst s1;
	(tag) =	ssettag s2;
	_ =	strace s9  }
0x27: {  	s1 =	sld [smem:$0x3FAD]  }
0x28: {  	s2 =	sld [smem:$0x3FAE]  }
0x29: {  	s4 =	sld [smem:$0x3FB0]  }
0x2a: {  	p0 =	seq.s32 s5, $0x0;
	s5 =	sld [smem:$0x3FB1]  }
0x2b: {  	s6 =	sld [smem:$0x3FB2]  }
0x2c: {  	s7 =	sld [smem:$0x3FB3]  }
0x2d: {  	s3 =	simm.s32 $0x108;
	s8 =	sld [smem:$0x3FB4]  }
0x2e: {  	s3 =	simm.s32 @!p0 $0x1082;
	s9 =	sld [smem:$0x3FB5]  }
0x2f: {  	lr =	sadd.s32 s0, s3;
	s0 =	sld [smem:$0x3FAC]  }
0x30: {  	s3 =	sld [smem:$0x3FAF]  }
0x31: {  	[smem:$0x3FB8] =	sst s10  }
0x32: {  	s10 =	sld [smem:$0x3FB6];
	_ =	sdelay $0x3  }
0x33: {  	p0 =	seq.s32 s10, $0x1;
	s10 =	sld [smem:$0x3FB8];
	_ =	sdelay $0x3  }
0x34: {  	[smem:$0x3FB8] =	sst s10  }
0x35: {  	s10 =	sld [smem:$0x3FB7];
	_ =	sdelay $0x3  }
0x36: {  	p1 =	seq.s32 s10, $0x1;
	s10 =	sld [smem:$0x3FB8];
	_ =	sdelay $0x3  }
0x37: {  	[smem:$0x3FB8] =	sst s10  }
0x38: {  	s10 =	sld [smem:$0x3FB9]  }
0x39: {  	_ = 	snop;
	(pc) =	sbr.ind lr, $3  }
0x3a: {  	_ = 	snop  }
0x3b: {  	_ = 	snop  }
0x3c: {  	p2 =	seq.s32 s10, $0x1;
	s10 =	sld [smem:$0x3FB8]  }
0x3d: {  	_ =	shalt  }
0x3e: {  	_ =	shalt  }
0x3f: {  	_ =	shalt  }
0x40: {  	_ =	shalt  }
0x41: {  	_ =	shalt  }
0x42: {  	_ =	shalt  }
0x43: {  	_ =	shalt  }
0x44: {  	_ =	shalt  }
0x45: {  	_ =	shalt  }
0x46: {  	_ =	shalt  }
0x47: {  	_ =	shalt  }
0x48: {  	_ =	shalt  }
0x49: {  	_ =	shalt  }
0x4a: {  	_ =	shalt  }
0x4b: {  	_ =	shalt  }
0x4c: {  	_ =	shalt  }
0x4d: {  	_ =	shalt  }
0x4e: {  	_ =	shalt  }
0x4f: {  	_ =	shalt  }
0x50: {  	_ =	shalt  }
0x51: {  	_ =	shalt  }
0x52: {  	_ =	shalt  }
0x53: {  	_ =	shalt  }
0x54: {  	_ =	shalt  }
0x55: {  	_ =	shalt  }
0x56: {  	_ =	shalt  }
0x57: {  	_ =	shalt  }
0x58: {  	_ =	shalt  }
0x59: {  	_ =	shalt  }
0x5a: {  	_ =	shalt  }
0x5b: {  	_ =	shalt  }
0x5c: {  	_ =	shalt  }
0x5d: {  	_ =	shalt  }
0x5e: {  	_ =	shalt  }
0x5f: {  	_ =	shalt  }
0x60: {  	_ =	shalt  }
0x61: {  	_ =	shalt  }
0x62: {  	_ =	shalt  }
0x63: {  	_ =	shalt  }
0x64: {  	_ =	shalt  }
0x65: {  	_ =	shalt  }
0x66: {  	_ =	shalt  }
0x67: {  	_ =	shalt  }
0x68: {  	_ =	shalt  }
0x69: {  	_ =	shalt  }
0x6a: {  	_ =	shalt  }
0x6b: {  	_ =	shalt  }
0x6c: {  	_ =	shalt  }
0x6d: {  	_ =	shalt  }
0x6e: {  	_ =	shalt  }
0x6f: {  	_ =	shalt  }
0x70: {  	_ =	shalt  }
0x71: {  	_ =	shalt  }
0x72: {  	_ =	shalt  }
0x73: {  	_ =	shalt  }
0x74: {  	_ =	shalt  }
0x75: {  	_ =	shalt  }
0x76: {  	_ =	shalt  }
0x77: {  	_ =	shalt  }
0x78: {  	_ =	shalt  }
0x79: {  	_ =	shalt  }
0x7a: {  	_ =	shalt  }
0x7b: {  	_ =	shalt  }
0x7c: {  	_ =	shalt  }
0x7d: {  	_ =	shalt  }
0x7e: {  	_ =	shalt  }
0x7f: {  	_ =	shalt  }
0x80: {  	_ =	shalt  }
0x81: {  	_ =	shalt  }
0x82: {  	_ =	shalt  }
0x83: {  	_ =	shalt  }
0x84: {  	_ =	shalt  }
0x85: {  	_ =	shalt  }
0x86: {  	_ =	shalt  }
0x87: {  	_ =	shalt  }
.Lfunc_end0:
.L_simem_size_0:
called_computation_lowered:
.L_overlay_start_0:
0x88: {  	s2 =	sld [smem:$0x3FD9]  }
0x89: {  	s3 =	sld [smem:$0x3FFE];
	_ =	sdelay $0x1  }
0x8a: {  	s1 =	srdreg.scid  }
0x8b: {  	s0 =	sand.u32 $0x1, s1  }
0x8c: {  	s17 =	sshll.u32 s0, $0xA;
	s2 =	sadd.s32 s3, s2  }
0x8d: {  	s2 =	sadd.s32 s2, s17  }
0x8e: {  	[smem:$0x3FC4] =	sst s2  }
0x8f: {  	_ = 	snop  }
0x90: {  	s2 =	sld [smem:$0x3FC9]  }
0x91: {  	s18 =	sld [smem:$0x3FC8]  }
0x92: {  	s4 =	sld [smem:$0x3FC7]  }
0x93: {  	s5 =	sld [smem:$0x3FC6];
	(tm) =	ssettm $0x1  }
0x94: {  	s6 =	sld [smem:$0x3FFB];
	_ =	sdelay $0x3  }
0x95: {  	_ =	strace s6  }
0x96: {  	s6 =	sld [smem:$0x3FFC];
	_ =	sdelay $0x3  }
0x97: {  	_ =	strace s6  }
0x98: {  	s6 =	sld [smem:$0x3FFD];
	_ =	sdelay $0x3  }
0x99: {  	_ =	strace s6  }
0x9a: {  	_ =	strace $0x8FFFFFFF  }
0x9b: {  	s19 =	sld [smem:$0x3FDB];
	_ =	sdelay $0x1  }
0x9c: {  	s7 =	simm.s32 $_scs_section_size  }
0x9d: {  	s8 =	simm.s32 $_size__tile_overlayer_lowered;
	s9 =	simm.s32 $_tile_overlayer_lowered  }
0x9e: {  	s22 =	simm.s32 $0x1BFF;
	s21 =	sshll.u32 s9, $0x1;
	s6 =	sadd.s32 s7, s19  }
0x9f: {  	s10 =	simm.s32 $0x0;
	s20 =	sshll.u32 s8, $0x1;
	s8 =	sadd.s32 s21, s6  }
0xa0: {  	[timem:s10], [sflag:s22] =	dma.local [hbm:s8], s20  }
0xa1: {  	_ =	swait.ge [sflag:s22], s20  }
0xa2: {  	s7 =	ssub.s32 $0x0, s20;
	[sflag:s22] =	ssyncset.done $0x0  }
0xa3: {  	[sflag:s22] =	ssyncadd.s32 s7;
	_ =	sdelay $0x1  }
0xa4: {  	s23 =	simm.s32 $0x1B8B  }
0xa5: {  	_ =	swait.ge [sflag:s23], $0x1  }
0xa6: {  	[sflag:s23] =	ssyncset.done $0x0  }
0xa7: {  	s25 =	simm.s32 $0x1B8E;
	s24 =	sld [smem:$0x3FFE];
	[sflag:s23] =	ssyncadd.s32 $0xFFFFFFFF  }
0xa8: {  	s26 =	simm.s32 $execute0_lowered;
	[smem:$0x3FD2] =	sst s25  }
0xa9: {  	s8 =	sshll.u32 s26, $0x1;
	_ =	strace $0x80000046;
	[dreg:$0x1] =	wrdreg $0xFFFFFFFF  }
0xaa: {  	s28 =	simm.s32 $_size_execute0_lowered;
	s6 =	sadd.s32 s6, s8;
	[dreg:$0x0] =	wrdreg $0x0  }
0xab: {  	s8 =	sshll.u32 s28, $0x1;
	[dreg:$0x2] =	wrdreg s6  }
0xac: {  	[dreg:$0x3] =	wrdreg s8  }
0xad: {  	[dreg:$0x4] =	wrdreg $0xC0  }
0xae: {  	_ =	task [dreg:s10], $0x5FFFF  }
0xaf: {  	[dreg:$0x1] =	wrdreg $0xFFFFFFFF  }
0xb0: {  	[dreg:$0x0] =	wrdreg $0x60  }
0xb1: {  	[dreg:$0x2] =	wrdreg s2  }
0xb2: {  	[dreg:$0x3] =	wrdreg s18  }
0xb3: {  	[dreg:$0x4] =	wrdreg s4  }
0xb4: {  	[dreg:$0x5] =	wrdreg s5  }
0xb5: {  	[dreg:$0x6] =	wrdreg s24  }
0xb6: {  	[dreg:$0x7] =	wrdreg $0x9  }
0xb7: {  	_ =	task.clear_ibuf [dreg:s10], $0x8FFFF;
	_ =	strace $0x90000046  }
0xb8: {  	s29 =	simm.s32 $0x9;
	_ =	strace $0x80000048  }
0xb9: {  	_ =	swait.ge [sflag:s29], $0x1  }
0xba: {  	[sflag:s29] =	ssyncadd.s32 $0xFFFFFFFF  }
0xbb: {  	_ =	strace $0x90000048  }
0xbc: {  	_ =	sfence  }
0xbd: {  	s30 =	sld [smem:$0x0];
	_ =	sdelay $0x2  }
0xbe: {  	s31 =	sshll.u32 s1, $0xD;
	s1 =	sshrl.u32 s1, $0x2  }
0xbf: {  	s3 =	sand.u32 $0x4000, s31;
	s1 =	sadd.s32 s1, s30  }
0xc0: {  	s0 =	sor.u32 s3, s0;
	s1 =	sshll.u32 s1, $0x11  }
0xc1: {  	s0 =	sor.u32 s1, s0  }
0xc2: {  	s0 =	sadd.s32 $0x8F2B, s0  }
0xc3: {  	[sflag:s0] =	ssyncadd.remote.s32 $0x1  }
0xc4: {  	_ =	sfence.sel $0xFFFF  }
0xc5: {  	[dreg:$0x0] =	wrdreg $0xFFFFFFFF;
	(pc) =	sbr.abs _section_cstart, $3  }
0xc6: {  	[dreg:$0x1] =	wrdreg $0xFFFFFFFF  }
0xc7: {  	_ =	task.clear_ibuf [dreg:s10], $0x2FFFF;
	_ =	strace $0x9FFFFFFF  }
0xc8: {  	(tm) =	ssettm $0x7FFFFFFF  }
0xc9: {  	_ =	shalt  }
tec
execute0_lowered:
.L_overlay_start_1:
0x0: {  	(tag) =	ssettag $0x1  }
0x1: {  	vm14 =	vcmask $0x300;
	v0 =	vimm.s32 $0xB80  }
0x2: {  	vm13 =	vcmask $0x704;
	vm12 =	vcmask $0xB08;
	vm11 =	vcmask $0xF0C  }
0x3: {  	vm10 =	vcmask $0x1310;
	vm9 =	vcmask $0x1714;
	vm8 =	vcmask $0x1B18  }
0x4: {  	vm7 =	vcmask $0x1F1C;
	vm6 =	vcmask $0x2320;
	vm5 =	vcmask $0x2724  }
0x5: {  	vm4 =	vcmask $0x2B28;
	vm3 =	vcmask $0x2F2C;
	s14 =	rddreg [dreg:$0x0];
	vm2 =	vcmask $0x3330  }
0x6: {  	s0 =	srdreg.scid;
	vm1 =	vcmask $0x3734;
	s5 =	rddreg [dreg:$0x2];
	vm0 =	vcmask $0x3B38;
	v7 =	vimm.s32 $0x1B80  }
0x7: {  	s1 =	stileid.u32;
	s6 =	rddreg [dreg:$0x3];
	v8 =	vimm.s32 $0x2B80;
	v9 =	vimm.s32 $0x3B80;
	v0 =	vsel vm14, $0x0, v0  }
0x8: {  	s4 =	simm.s32 $0xF5;
	s13 =	rddreg [dreg:$0x4];
	s7 =	simm.s32 $0x0;
	v7 =	vsel vm14, $0x1000, v7;
	v8 =	vsel vm14, $0x2000, v8;
	v9 =	vsel vm14, $0x3000, v9  }
0x9: {  	s28 =	simm.s32 $0x8A00;
	s29 =	simm.s32 $0x4880;
	s31 =	simm.s32 $0x8A80;
	v0 =	vsel vm13, $0x80, v0;
	v7 =	vsel vm13, $0x1080, v7;
	v8 =	vsel vm13, $0x2080, v8  }
0xa: {  	s11 =	simm.s32 $0x8980;
	s0 =	sand.u32 $0x1, s0;
	s1 =	sshll.u32 s1, $0x1;
	v9 =	vsel vm13, $0x3080, v9;
	v0 =	vsel vm12, $0x100, v0;
	v7 =	vsel vm12, $0x1100, v7  }
0xb: {  	s12 =	simm.s32 $0x2;
	[smem:$0x7FF] =	sst s7;
	s1 =	sor.u32 s0, s1;
	v8 =	vsel vm12, $0x2100, v8;
	v9 =	vsel vm12, $0x3100, v9;
	v0 =	vsel vm11, $0x180, v0  }
0xc: {  	s8 =	sadd.s32 $0xC00, s13;
	s0 =	ssub.s32 $0x2, s0;
	s2 =	smul.u32 $0xF4, s1;
	v7 =	vsel vm11, $0x1180, v7;
	v8 =	vsel vm11, $0x2180, v8;
	v9 =	vsel vm11, $0x3180, v9  }
0xd: {  	s9 =	sadd.s32 $0x20C00, s13;
	s3 =	smin.u32 s1, $0x5;
	s15 =	sshrl.u32 s0, $0x1;
	v0 =	vsel vm10, $0x200, v0;
	v7 =	vsel vm10, $0x1200, v7;
	v8 =	vsel vm10, $0x2200, v8  }
0xe: {  	s13 =	simm.s32 $0x3;
	s0 =	ssub.s32 s0, s15;
	s2 =	sadd.s32 s3, s2;
	v9 =	vsel vm10, $0x3200, v9;
	v0 =	vsel vm9, $0x280, v0;
	v7 =	vsel vm9, $0x1280, v7  }
0xf: {  	p0 =	slt.u32 s1, $0x5;
	s0 =	smax.u32 s0, $0x1;
	s1 =	sshll.u32 s2, $0x7;
	v8 =	vsel vm9, $0x2280, v8;
	v9 =	vsel vm9, $0x3280, v9;
	v0 =	vsel vm8, $0x300, v0  }
0x10: {  	_ =	strace $0x80000047;
	[dreg:$0x12] =	wrdreg s0;
	s16 =	sadd.s32 s5, s1;
	v7 =	vsel vm8, $0x1300, v7;
	v8 =	vsel vm8, $0x2300, v8;
	v9 =	vsel vm8, $0x3300, v9  }
0x11: {  	s4 =	simm.s32 @!p0 $0xF4;
	s21 =	sadd.s32 $0x400, s1;
	v0 =	vsel vm7, $0x380, v0;
	[dreg:$0x6] =	wrdreg s16;
	v7 =	vsel vm7, $0x1380, v7;
	v8 =	vsel vm7, $0x2380, v8  }
0x12: {  	s2 =	sadd.s32 s4, s2;
	s22 =	sadd.s32 $0x500, s1;
	[dreg:$0xa] =	wrdreg s21;
	v9 =	vsel vm7, $0x3380, v9;
	v1 =	vsel vm6, $0x800, v0;
	v0 =	vmov s1  }
0x13: {  	s2 =	sshll.u32 s2, $0x7;
	s23 =	sadd.s32 $0x600, s1;
	[dreg:$0xb] =	wrdreg s22;
	v7 =	vsel vm6, $0x1800, v7;
	v8 =	vsel vm6, $0x2800, v8;
	v9 =	vsel vm6, $0x3800, v9  }
0x14: {  	s3 =	simm.s32 $0x0;
	s24 =	sadd.s32 $0x700, s1;
	[dreg:$0xc] =	wrdreg s23;
	v2 =	vsel vm5, $0x880, v1;
	v1 =	vmov s2;
	v7 =	vsel vm5, $0x1880, v7  }
0x15: {  	s17 =	sadd.s32 $0x100, s1;
	s25 =	sadd.s32 s6, s1;
	[dreg:$0xd] =	wrdreg s24;
	v8 =	vsel vm5, $0x2880, v8;
	v9 =	vsel vm5, $0x3880, v9;
	v3 =	vsel vm4, $0x900, v2  }
0x16: {  	s19 =	sadd.s32 $0x200, s1;
	s18 =	sadd.s32 s5, s17;
	[dreg:$0xe] =	wrdreg s25;
	v2 =	vimm.s32 $0x0;
	v7 =	vsel vm4, $0x1900, v7;
	v8 =	vsel vm4, $0x2900, v8  }
0x17: {  	s20 =	sadd.s32 $0x300, s1;
	s10 =	sadd.s32 s5, s19;
	[dreg:$0x7] =	wrdreg s18;
	v9 =	vsel vm4, $0x3900, v9;
	v4 =	vsel vm3, $0x980, v3;
	v3 =	vlaneseq.u32  }
0x18: {  	s0 =	simm.s32 $0x10A80;
	s5 =	sadd.s32 s5, s20;
	[dreg:$0x8] =	wrdreg s10;
	v10 =	vsel vm3, $0x1980, v7;
	v7 =	vimm.f32 $0.0e+00;
	v8 =	vsel vm3, $0x2980, v8  }
.Ltmp0:
0x19: {  	s26 =	sadd.s32 s6, s19;
	[dreg:$0x9] =	wrdreg s5;
	v9 =	vsel vm3, $0x3980, v9;
	v5 =	vsel vm2, $0xA00, v4;
	v4 =	vimm.s32 $0x1;
	(pc) =	sbr.rel .LBB2_1-.Ltmp0, $4  }
0x1a: {  	s30 =	sadd.s32 s6, s20;
	s23 =	simm.s32 $0x6;
	[dreg:$0x10] =	wrdreg s26;
	v10 =	vsel vm2, $0x1A00, v10;
	v8 =	vsel vm2, $0x2A00, v8;
	v9 =	vsel vm2, $0x3A00, v9  }
0x1b: {  	s24 =	simm.s32 $0x800;
	s25 =	simm.s32 $0x8900;
	[dreg:$0x11] =	wrdreg s30;
	v6 =	vsel vm1, $0xA80, v5;
	v5 =	vsel vm14, $0x0, v4;
	v10 =	vsel vm1, $0x1A80, v10  }
0x1c: {  	s26 =	simm.s32 $0x1;
	s10 =	simm.s32 $0x14A80;
	s2 =	sadd.s32 s6, s17;
	v11 =	vsel vm1, $0x2A80, v8;
	v12 =	vsel vm1, $0x3A80, v9;
	v6 =	vsel vm0, $0xB00, v6  }
0x1d: {  	s18 =	simm.s32 $0x5;
	s6 =	simm.s32 $0xCA80;
	[dreg:$0xf] =	wrdreg s2;
	v8 =	vsel vm0, $0x1B00, v10;
	v9 =	vsel vm0, $0x2B00, v11;
	v10 =	vsel vm0, $0x3B00, v12  }
.LBB2_86:
0x1e: {  	[sflag:s18] =	ssyncadd.s32 $0xFFFFFFC0  }
.LBB2_87:
0x1f: {  	s3 =	sadd.s32 $0x1, s3;
	s2 =	rddreg [dreg:$0x12]  }
0x20: {  	p0 =	sne.s32 s3, s2  }
.Ltmp1:
0x21: {  	_ = 	snop;
	(pc) =	sbr.rel @!p0 .LBB2_88-.Ltmp1, $1  }
0x22: {  	_ =	sdelay $0x3  }
.LBB2_1:
0x23: {  	[tilespmem:$0x8900] =	vst v2  }
0x24: {  	[tilespmem:$0x8910] =	vst v2  }
0x25: {  	[tilespmem:$0x8920] =	vst v2  }
0x26: {  	[tilespmem:$0x8930] =	vst v2  }
0x27: {  	[tilespmem:$0x8940] =	vst v2  }
0x28: {  	[tilespmem:$0x8950] =	vst v2  }
0x29: {  	[dreg:$0x13] =	wrdreg s3;
	[tilespmem:$0x8960] =	vst v2  }
0x2a: {  	[tilespmem:$0x8970] =	vst v2;
	s2 =	simm.s32 $0x0;
	s19 =	simm.s32 $0x0;
	s3 =	simm.s32 $0x0  }
.LBB2_2:
0x2b: {  	s4 =	sshll.u32 s3, $0x8  }
0x2c: {  	s5 =	simm.s32 $0x0;
	s4 =	sadd.s32 s14, s4  }
0x2d: {  	[tilespmem:s5], [sflag:$0x6] =	stream.linear.gather [hbm4b:s4+s5], $0x800, $0x38;
	[tilespmem:$0x19280] =	vst v63  }
0x2e: {  	_ =	swait.ge [sflag:s23], $0x800  }
0x2f: {  	[sflag:s23] =	ssyncset.done $0x0  }
0x30: {  	s30 =	simm.s32 $0x0;
	[sflag:s23] =	ssyncadd.s32 $0xFFFFF800  }
0x31: {  	v11 =	vld [tilespmem:s30+$0x0];
	_ =	sdelay $0x4  }
0x32: {  	vm0 =	vge.s32 v11, v0;
	vm1 =	vlt.s32 v11, v1  }
0x33: {  	vm0 =	vmand vm0, vm1  }
0x34: {  	v12 =	vsel vm0, $0x1, v2  }
0x35: {  	(xrf0) =	vadd.scan.msk.s32 $0xffff, v12;
	_ =	sdelay $0x2  }
0x36: {  	v63 =	vmov s19  }
0x37: {  	v12 =	vadd.s32 $0xFFFFFFFF, v63  }
0x38: {  	v12 =	vbroadcast v12, $0x0  }
0x39: {  	v11 =	vsub.s32 v11, v0;
	v13, _, _ =	vpop (xrf0)  }
0x3a: {  	v14 =	vshra.s32 v11, $0x8;
	v12 =	vadd.s32 v13, v12;
	(v2sf) =	vpush v13, $0xF  }
0x3b: {  	vm2 =	vgt.s32 v14, $0x0;
	vm15 =	vgt.s32 v12, $0x0  }
0x3c: {  	v14 =	vnsel vm2, $0x0, v14;
	v12 =	vnsel vm15, $0x0, v12  }
0x3d: {  	v14 =	vmin.u32 v14, $0x7F  }
0x3e: {  	v11 =	vshll.u32 v11, $0xE  }
0x3f: {  	v11 =	vadd.s32 s2, v11  }
0x40: {  	v11 =	vadd.s32 v3, v11  }
0x41: {  	[tilespmem:v12+s24+$0x0] =	vst.idx.msk vm0, v11  }
0x42: {  	s16 =	simm.s32 $0x10;
	s5 =	simm.s32 $0x80;
	s4 =	smov.u32 s2;
	[tilespmem:v14+s25+$0x0] =	vst.idx.add.s32.msk vm0, v4  }
.LBB2_3:
0x43: {  	p0 =	sne.s32 s5, $0x1FC0;
	v11 =	vld [tilespmem:s16+$0x0];
	_ =	sdelay $0x4  }
0x44: {  	vm0 =	vge.s32 v11, v0;
	vm1 =	vlt.s32 v11, v1;
	v11 =	vsub.s32 v11, v0  }
0x45: {  	vm0 =	vmand vm0, vm1;
	v12 =	vshra.s32 v11, $0x8;
	s16 =	spop (v2sf)  }
0x46: {  	v13 =	vsel vm0, $0x1, v2;
	s19 =	sadd.s32 s19, s16  }
0x47: {  	v14 =	vmov s19;
	(xrf0) =	vadd.scan.msk.s32 $0xffff, v13  }
0x48: {  	v13 =	vadd.s32 $0xFFFFFFFF, v14  }
0x49: {  	v13 =	vbroadcast v13, $0x0;
	_ =	sdelay $0x3  }
0x4a: {  	v14, _, _ =	vpop (xrf0)  }
0x4b: {  	v13 =	vadd.s32 v14, v13;
	(v2sf) =	vpush v14, $0xF  }
0x4c: {  	vm2 =	vgt.s32 v12, $0x0;
	vm1 =	vgt.s32 v13, $0x0  }
0x4d: {  	v12 =	vnsel vm2, $0x0, v12;
	v13 =	vnsel vm1, $0x0, v13  }
0x4e: {  	v12 =	vmin.u32 v12, $0x7F  }
.Ltmp2:
0x4f: {  	s4 =	sadd.s32 $0x10, s4;
	v11 =	vshll.u32 v11, $0xE;
	(pc) =	sbr.rel @p0 .LBB2_3-.Ltmp2, $4  }
0x50: {  	v11 =	vadd.s32 s4, v11  }
0x51: {  	v11 =	vadd.s32 v3, v11  }
0x52: {  	[tilespmem:v13+s24+$0x0] =	vst.idx.msk vm0, v11  }
0x53: {  	s16 =	sshra.s32 s5, $0x2;
	s5 =	sadd.s32 $0x40, s5;
	[tilespmem:v12+s25+$0x0] =	vst.idx.add.s32.msk vm0, v4  }
0x54: {  	v11 =	vld [tilespmem:s16+$0x0];
	_ =	sdelay $0x4  }
0x55: {  	vm0 =	vge.s32 v11, v0;
	vm1 =	vlt.s32 v11, v1  }
0x56: {  	vm0 =	vmand vm0, vm1  }
0x57: {  	v12 =	vsel vm0, $0x1, v2  }
0x58: {  	(xrf0) =	vadd.scan.msk.s32 $0xffff, v12;
	_ =	sdelay $0x5  }
0x59: {  	v12, _, _ =	vpop (xrf0)  }
0x5a: {  	(v2sf) =	vpush v12, $0xF;
	_ =	sdelay $0x1  }
0x5b: {  	s5 =	spop (v2sf)  }
0x5c: {  	s5 =	sadd.s32 s19, s5  }
0x5d: {  	v13 =	vmov s5  }
0x5e: {  	v13 =	vadd.s32 $0xFFFFFFFF, v13  }
0x5f: {  	v13 =	vbroadcast v13, $0x0  }
0x60: {  	v11 =	vsub.s32 v11, v0  }
0x61: {  	v14 =	vshra.s32 v11, $0x8;
	v12 =	vadd.s32 v12, v13  }
0x62: {  	vm2 =	vgt.s32 v14, $0x0;
	vm15 =	vgt.s32 v12, $0x0  }
0x63: {  	s3 =	sadd.s32 $0x1, s3;
	v63 =	vnsel vm2, $0x0, v14;
	v12 =	vnsel vm15, $0x0, v12  }
0x64: {  	p0 =	sne.s32 s3, $0x8;
	v13 =	vmin.u32 v63, $0x7F  }
.Ltmp3:
0x65: {  	s4 =	sadd.s32 $0x10, s4;
	v11 =	vshll.u32 v11, $0xE;
	(pc) =	sbr.rel @p0 .LBB2_2-.Ltmp3, $4  }
0x66: {  	v11 =	vadd.s32 s4, v11  }
0x67: {  	v11 =	vadd.s32 v3, v11  }
0x68: {  	[tilespmem:v12+s24+$0x0] =	vst.idx.msk vm0, v11;
	s30 =	spop (v2sf)  }
0x69: {  	s2 =	sadd.s32 $0x800, s2;
	[tilespmem:v13+s25+$0x0] =	vst.idx.add.s32.msk vm0, v4;
	s19 =	sadd.s32 s5, s30  }
0x6a: {  	v11 =	vld [tilespmem:$0x8900]  }
0x6b: {  	v12 =	vld [tilespmem:$0x8910];
	_ =	sdelay $0x1  }
0x6c: {  	v13 =	vld [tilespmem:$0x8920];
	_ =	sdelay $0x1  }
0x6d: {  	v14 =	vld [tilespmem:$0x8930];
	(xrf0) =	vadd.scan.msk.s32 $0xffff, v11  }
0x6e: {  	(xrf0) =	vadd.scan.msk.s32 $0xffff, v12  }
0x6f: {  	v15 =	vld [tilespmem:$0x8940]  }
0x70: {  	v16 =	vld [tilespmem:$0x8950];
	(xrf0) =	vadd.scan.msk.s32 $0xffff, v13;
	_ =	sdelay $0x1  }
0x71: {  	v17 =	vld [tilespmem:$0x8960];
	(xrf0) =	vadd.scan.msk.s32 $0xffff, v14  }
0x72: {  	v18, _, _ =	vpop (xrf0)  }
0x73: {  	(xrf0) =	vadd.scan.msk.s32 $0xffff, v15;
	(v2sf) =	vpush v18, $0xF;
	v19, _, _ =	vpop (xrf0)  }
0x74: {  	(xrf0) =	vadd.scan.msk.s32 $0xffff, v16;
	(v2sf) =	vpush v19, $0xF  }
0x75: {  	v20, _, _ =	vpop (xrf0)  }
0x76: {  	(xrf0) =	vadd.scan.msk.s32 $0xffff, v17;
	(v2sf) =	vpush v20, $0xF  }
0x77: {  	v21, _, _ =	vpop (xrf0)  }
0x78: {  	(v2sf) =	vpush v21, $0xF  }
0x79: {  	v22, _, _ =	vpop (xrf0)  }
0x7a: {  	v23, _, _ =	vpop (xrf0);
	(v2sf) =	vpush v22, $0xF  }
0x7b: {  	(v2sf) =	vpush v23, $0xF  }
0x7c: {  	v24, _, _ =	vpop (xrf0)  }
0x7d: {  	(v2sf) =	vpush v24, $0xF;
	_ =	sdelay $0x3  }
0x7e: {  	v57 =	vld [tilespmem:$0x8970];
	v11 =	vsub.s32 v18, v11;
	v18 =	vbroadcast v18, $0xF  }
0x7f: {  	[tilespmem:$0x8980] =	vst v11;
	v12 =	vsub.s32 v19, v12;
	s2 =	spop (v2sf)  }
0x80: {  	[tilespmem:$0x8A00] =	vst v11;
	v11 =	vadd.s32 v18, v12;
	s3 =	spop (v2sf)  }
0x81: {  	v58 =	vsub.s32 v20, v13;
	[tilespmem:$0x8990] =	vst v11;
	s2 =	sadd.s32 s2, s3  }
0x82: {  	[tilespmem:$0x8A10] =	vst v11;
	s16 =	spop (v2sf);
	v11 =	vadd.s32 s2, v58  }
0x83: {  	v59 =	vsub.s32 v21, v14;
	(xrf0) =	vadd.scan.msk.s32 $0xffff, v57;
	s2 =	sadd.s32 s2, s16;
	[tilespmem:$0x89A0] =	vst v11  }
0x84: {  	s21 =	sadd.s32 $0xF, s19;
	s17 =	spop (v2sf);
	[tilespmem:$0x8A20] =	vst v11;
	v11 =	vadd.s32 s2, v59  }
0x85: {  	s5 =	sand.u32 $0xF, s21;
	s22 =	sshra.s32 s21, $0x1F;
	v60 =	vsub.s32 v22, v15;
	s2 =	sadd.s32 s2, s17;
	[tilespmem:$0x89B0] =	vst v11  }
0x86: {  	p0 =	slt.s32 s21, $0x1;
	p1 =	sne.s32 s5, $0x0;
	[tilespmem:$0x8A30] =	vst v11;
	v11 =	vadd.s32 s2, v60;
	s4 =	spop (v2sf)  }
0x87: {  	p0 =	por !p0, !p1;
	v61 =	vsub.s32 v23, v16;
	[tilespmem:$0x89C0] =	vst v11;
	s20 =	spop (v2sf);
	s2 =	sadd.s32 s2, s4  }
0x88: {  	p0 =	por !p0, !p0;
	[tilespmem:$0x8A40] =	vst v11;
	s3 =	sadd.s32 s2, s20;
	v11 =	vadd.s32 s2, v61;
	s2 =	sshrl.u32 s22, $0x1C  }
0x89: {  	v62 =	vsub.s32 v24, v17;
	v63, _, _ =	vpop (xrf0);
	s4 =	simm.s32 $0x1;
	s30 =	spop (v2sf);
	[tilespmem:$0x89D0] =	vst v11;
	s2 =	sadd.s32 s2, s21  }
0x8a: {  	v12 =	vsub.s32 v63, v57;
	s4 =	simm.s32 @!p0 $0x0;
	[tilespmem:$0x8A50] =	vst v11;
	v11 =	vadd.s32 s3, v62;
	s3 =	sadd.s32 s3, s30;
	s2 =	sshra.s32 s2, $0x4  }
0x8b: {  	v12 =	vadd.s32 s3, v12;
	s3 =	ssub.s32 s2, s4  }
0x8c: {  	p0 =	slt.s32 s3, $0x1  }
.Ltmp4:
0x8d: {  	_ = 	snop;
	(pc) =	sbr.rel @p0 .LBB2_12-.Ltmp4, $4  }
0x8e: {  	[tilespmem:$0x89E0] =	vst v11  }
0x8f: {  	[tilespmem:$0x8A60] =	vst v11  }
0x90: {  	[tilespmem:$0x89F0] =	vst v12  }
0x91: {  	[tilespmem:$0x8A70] =	vst v12  }
0x92: {  	p1 =	sne.s32 s3, $0x1  }
.Ltmp5:
0x93: {  	_ = 	snop;
	(pc) =	sbr.rel @!p1 .LBB2_7-.Ltmp5, $3  }
0x94: {  	_ =	sdelay $0x1  }
0x95: {  	s4 =	simm.s32 $0x800  }
0x96: {  	v11 =	vmov s19;
	s2 =	simm.s32 $0x0;
	s3 =	sadd.s32 $0xFFFFFFFF, s3;
	p0 =	por $0x0, $0x0;
	v12 =	vld [tilespmem:s4+$0x0]  }
0x97: {  	_ =	sdelay $0x3  }
0x98: {  	v13 =	vshra.s32 v12, $0x16  }
0x99: {  	vm0 =	vgt.s32 v13, $0x0  }
0x9a: {  	v14 =	vor.u32 s2, v3;
	v13 =	vnsel vm0, $0x0, v13  }
0x9b: {  	vm15 =	vlt.s32 v14, v11;
	v13 =	vmin.u32 v13, $0x7F  }
0x9c: {  	(xrf1) =	vunique.msk.u32 vm15, v13;
	_ =	sdelay $0x9  }
0x9d: {  	v14 =	vld.idx.msk [tilespmem:v13+s28+$0x0], $0xffff;
	_ =	sdelay $0x3  }
0x9e: {  	_, v15, _ =	vpop (xrf1)  }
0x9f: {  	v14 =	vadd.s32 v15, v14  }
0xa0: {  	v14 =	vadd.s32 $0xFFFFFFFF, v14;
	_ =	sdelay $0x2  }
0xa1: {  	p1 =	sne.s32 s3, $0x1  }
.Ltmp6:
0xa2: {  	_ = 	snop;
	(pc) =	sbr.rel @!p1 .LBB2_9-.Ltmp6, $4  }
0xa3: {  	[tilespmem:v14+s29+$0x0] =	vst.idx.msk vm15, v12  }
0xa4: {  	s4 =	simm.s32 $0x810;
	[tilespmem:v13+s28+$0x0] =	vst.idx.add.s32.msk vm15, v4  }
0xa5: {  	v12 =	vld [tilespmem:s4+$0x0]  }
0xa6: {  	s5 =	sadd.s32 $0xFFFFFFFF, s3;
	p0 =	por $0x1, $0x1;
	s3 =	simm.s32 $0x0  }
.LBB2_10:
0xa7: {  	p1 =	sne.s32 s5, $0x1;
	_ =	sdelay $0x2  }
0xa8: {  	v13 =	vshra.s32 v12, $0x16  }
0xa9: {  	s3 =	sadd.s32 $0x10, s3;
	vm0 =	vgt.s32 v13, $0x0  }
0xaa: {  	v14 =	vor.u32 s3, v3;
	v13 =	vnsel vm0, $0x0, v13  }
0xab: {  	vm0 =	vlt.s32 v14, v11;
	v13 =	vmin.u32 v13, $0x7F  }
0xac: {  	(xrf1) =	vunique.msk.u32 vm0, v13;
	_ =	sdelay $0x8  }
0xad: {  	v14 =	vld.idx.msk [tilespmem:v13+s28+$0x0], $0xffff;
	_ =	sdelay $0x4  }
0xae: {  	_, v15, _ =	vpop (xrf1)  }
0xaf: {  	v14 =	vadd.s32 v15, v14  }
0xb0: {  	v14 =	vadd.s32 $0xFFFFFFFF, v14;
	_ =	sdelay $0x3  }
.Ltmp7:
0xb1: {  	(pc) =	sbr.rel @p1 .LBB2_10-.Ltmp7, $4  }
0xb2: {  	[tilespmem:v14+s29+$0x0] =	vst.idx.msk vm0, v12  }
0xb3: {  	s4 =	sadd.s32 $0x10, s4;
	[tilespmem:v13+s28+$0x0] =	vst.idx.add.s32.msk vm0, v4  }
0xb4: {  	v12 =	vld [tilespmem:s4+$0x0]  }
0xb5: {  	s5 =	sadd.s32 $0xFFFFFFFF, s5  }
.LBB2_11:
0xb6: {  	_ =	sdelay $0x2  }
0xb7: {  	s3 =	sadd.s32 @p0 $0x10, s3;
	v13 =	vshra.s32 v12, $0x16  }
0xb8: {  	s2 =	smov.u32 @p0 s3;
	vm0 =	vgt.s32 v13, $0x0  }
0xb9: {  	v14 =	vor.u32 s2, v3;
	v13 =	vnsel vm0, $0x0, v13  }
0xba: {  	vm15 =	vlt.s32 v14, v11;
	v11 =	vmin.u32 v13, $0x7F  }
0xbb: {  	(xrf1) =	vunique.msk.u32 vm15, v11;
	_ =	sdelay $0x9  }
0xbc: {  	v13 =	vld.idx.msk [tilespmem:v11+s28+$0x0], $0xffff;
	_ =	sdelay $0x3  }
0xbd: {  	_, v63, _ =	vpop (xrf1)  }
0xbe: {  	v13 =	vadd.s32 v63, v13  }
0xbf: {  	v13 =	vadd.s32 $0xFFFFFFFF, v13;
	_ =	sdelay $0x4  }
0xc0: {  	[tilespmem:v13+s29+$0x0] =	vst.idx.msk vm15, v12  }
0xc1: {  	[tilespmem:v11+s28+$0x0] =	vst.idx.add.s32.msk vm15, v4  }
.LBB2_12:
0xc2: {  	s2 =	rddreg [dreg:$0x6];
	s3 =	simm.s32 $0x7A1400  }
0xc3: {  	[tilespmem:s31], [sflag:$0x1] =	stream.strided.gather [hbm4b:s2+s24], $0x4000, s3, s24, $0x38;
	[tilespmem:$0x19280] =	vst v63  }
0xc4: {  	s21 =	rddreg [dreg:$0x7]  }
0xc5: {  	[tilespmem:s6], [sflag:$0x2] =	stream.strided.gather [hbm4b:s21+s24], $0x4000, s3, s24, $0x38;
	[tilespmem:$0x19280] =	vst v63  }
.Ltmp8:
0xc6: {  	_ = 	snop;
	(pc) =	sbr.rel .LBB2_13-.Ltmp8, $4  }
0xc7: {  	s22 =	rddreg [dreg:$0x8]  }
0xc8: {  	[tilespmem:s0], [sflag:$0x3] =	stream.strided.gather [hbm4b:s22+s24], $0x4000, s3, s24, $0x38;
	[tilespmem:$0x19280] =	vst v63  }
0xc9: {  	s30 =	rddreg [dreg:$0x9];
	s20 =	simm.s32 $0x0;
	s21 =	simm.s32 $0x0  }
0xca: {  	[tilespmem:s10], [sflag:$0x4] =	stream.strided.gather [hbm4b:s30+s24], $0x4000, s3, s24, $0x38;
	[tilespmem:$0x19280] =	vst v63  }
.LBB2_33:
0xcb: {  	s20 =	smov.u32 @p0 s20  }
.LBB2_39:
0xcc: {  	p0 =	sgt.u32 s21, $0x1C;
	s2 =	rddreg [dreg:$0xd]  }
0xcd: {  	s3 =	rddreg [dreg:$0x2];
	s2 =	sadd.s32 @!p0 s22, s2  }
0xce: {  	s21 =	sadd.s32 $0x1, s21;
	s4 =	simm.s32 @!p0 $0x7A1400;
	s2 =	smin.u32 @!p0 s2, $0xF4180  }
0xcf: {  	s5 =	simm.s32 @!p0 $0x14A80;
	s2 =	sadd.s32 @!p0 s3, s2;
	s3 =	simm.s32 @!p0 $0x800  }
0xd0: {  	[tilespmem:s5], [sflag:$0x4] =	stream.strided.gather @!p0 [hbm4b:s2+s3], $0x4000, s4, s3, $0x38;
	[tilespmem:$0x19280] =	vst v63  }
0xd1: {  	p0 =	sne.s32 s21, $0x1F  }
.Ltmp9:
0xd2: {  	_ = 	snop;
	(pc) =	sbr.rel @!p0 .LBB2_40-.Ltmp9, $1  }
0xd3: {  	_ =	sdelay $0x3  }
.LBB2_13:
0xd4: {  	s19 =	sshll.u32 s21, $0x2  }
0xd5: {  	v11 =	vor.u32 s19, v5;
	_ =	sdelay $0x1  }
0xd6: {  	_ =	swait.ge [sflag:s26], $0x4000  }
0xd7: {  	[sflag:s26] =	ssyncset.done $0x0  }
0xd8: {  	[sflag:s26] =	ssyncadd.s32 $0xFFFFC000  }
0xd9: {  	v11 =	vld.idx.msk [tilespmem:v11+s11+$0x0], $0xffff;
	_ =	sdelay $0x4  }
0xda: {  	(v2sf) =	vpush v11, $0x0  }
0xdb: {  	(v2sf) =	vpush v11, $0x1;
	_ =	sdelay $0xd  }
0xdc: {  	s2 =	spop (v2sf)  }
0xdd: {  	s3 =	spop (v2sf)  }
0xde: {  	p0 =	sge.s32 s2, s3  }
.Ltmp10:
0xdf: {  	_ = 	snop;
	(pc) =	sbr.rel @p0 .LBB2_19-.Ltmp10, $2  }
0xe0: {  	_ =	sdelay $0x2  }
0xe1: {  	s22 =	sshll.u32 s21, $0xA  }
.Ltmp11:
0xe2: {  	(pc) =	sbr.rel .LBB2_15-.Ltmp11, $2  }
0xe3: {  	_ =	sdelay $0x2  }
0xe4: {  	v11 =	vbroadcast v11, $0x1  }
.LBB2_18:
0xe5: {  	s2 =	sadd.s32 $0x10, s2  }
0xe6: {  	p0 =	slt.s32 s2, s3  }
.Ltmp12:
0xe7: {  	_ = 	snop;
	(pc) =	sbr.rel @!p0 .LBB2_19-.Ltmp12, $1  }
0xe8: {  	_ =	sdelay $0x3  }
.LBB2_15:
0xe9: {  	v12 =	vadd.s32 s2, v3  }
0xea: {  	vm0 =	vlt.s32 v12, v11  }
0xeb: {  	v13 =	vsel vm0, $0x3F800000, v7  }
0xec: {  	(xrf0) =	vmax.scan.msk.f32 $0xffff, v13;
	_ =	sdelay $0x5  }
0xed: {  	v13, _, _ =	vpop (xrf0)  }
0xee: {  	(v2sf) =	vpush v13, $0xF;
	_ =	sdelay $0xe  }
0xef: {  	s4 =	spop (v2sf)  }
0xf0: {  	p0 =	sgt.f32 s4, $0.0e+00  }
.Ltmp13:
0xf1: {  	_ = 	snop;
	(pc) =	sbr.rel @!p0 .LBB2_18-.Ltmp13, $2  }
0xf2: {  	_ =	sdelay $0x2  }
0xf3: {  	v12 =	vld.idx.msk [tilespmem:v12+s29+$0x0], $0xffff  }
0xf4: {  	s4 =	sshll.u32 s20, $0x7  }
.LBB2_17:
0xf5: {  	v13 =	vmctz.xlane vm0;
	_ =	sdelay $0x1  }
0xf6: {  	v14 =	vbroadcast v13, $0x0;
	_ =	sdelay $0x1  }
0xf7: {  	v14 =	vperm.xlane v12, v14;
	_ =	sdelay $0x1  }
0xf8: {  	(v2sf) =	vpush v14, $0x0;
	_ =	sdelay $0xe  }
0xf9: {  	s5 =	spop (v2sf)  }
0xfa: {  	s16 =	sshra.s32 s5, $0xE  }
0xfb: {  	s16 =	ssub.s32 s16, s22  }
0xfc: {  	v14 =	vmov s16  }
0xfd: {  	v15 =	vshll.u32 v14, $0x3  }
0xfe: {  	v14 =	vand.u32 $0x7F, v14;
	v15 =	vand.u32 $0xFFFFFC00, v15  }
0xff: {  	v14 =	vor.u32 v14, v15  }
0x100: {  	v15 =	vadd.s32 v6, v14;
	_ =	sdelay $0x4  }
0x101: {  	v15 =	vld.idx.msk [tilespmem:v15+s31+$0x0], $0xffff  }
0x102: {  	v16 =	vadd.s32 v8, v14;
	_ =	sdelay $0x2  }
0x103: {  	s15 =	sand.u32 $0x780, s4  }
0x104: {  	[tilespmem:s15+$0x18A80] =	vst v15  }
0x105: {  	v15 =	vld.idx.msk [tilespmem:v16+s31+$0x0], $0xffff  }
0x106: {  	v63 =	vadd.s32 v9, v14;
	_ =	sdelay $0x3  }
0x107: {  	[tilespmem:s15+$0x18A90] =	vst v15  }
0x108: {  	v15 =	vld.idx.msk [tilespmem:v63+s31+$0x0], $0xffff  }
0x109: {  	v14 =	vadd.s32 v10, v14;
	_ =	sdelay $0x3  }
0x10a: {  	[tilespmem:s15+$0x18AA0] =	vst v15  }
0x10b: {  	v14 =	vld.idx.msk [tilespmem:v14+s31+$0x0], $0xffff;
	_ =	sdelay $0x2  }
0x10c: {  	s20 =	sadd.s32 $0x1, s20;
	s5 =	sshll.u32 s5, $0x3  }
0x10d: {  	s17 =	sand.u32 $0xF, s20;
	s5 =	sand.u32 $0x1FFF8, s5  }
0x10e: {  	s30 =	sadd.s32 $0x18A80, s15;
	p0 =	sne.s32 s17, $0x0;
	s5 =	sadd.s32 s8, s5;
	[tilespmem:s15+$0x18AB0] =	vst v14  }
0x10f: {  	[hbm4b:s5+s7] =	stream.linear.scatter [tilespmem:s30], [sflag:$0x5], $0x40, $0x38;
	[tilespmem:$0x19280] =	vst v63  }
0x110: {  	s5 =	simm.s32 @!p0 $0x5  }
0x111: {  	_ =	swait.ge @!p0 [sflag:s5], $0x40  }
0x112: {  	[sflag:s5] =	ssyncset.done @!p0 $0x0  }
0x113: {  	[sflag:s5] =	ssyncadd.s32 @!p0 $0xFFFFFFC0  }
0x114: {  	_ =	swait.ge @!p0 [sflag:s5], $0x40  }
0x115: {  	[sflag:s5] =	ssyncset.done @!p0 $0x0  }
0x116: {  	[sflag:s5] =	ssyncadd.s32 @!p0 $0xFFFFFFC0  }
0x117: {  	_ =	swait.ge @!p0 [sflag:s5], $0x40  }
0x118: {  	[sflag:s5] =	ssyncset.done @!p0 $0x0  }
0x119: {  	[sflag:s5] =	ssyncadd.s32 @!p0 $0xFFFFFFC0  }
0x11a: {  	_ =	swait.ge @!p0 [sflag:s5], $0x40  }
0x11b: {  	[sflag:s5] =	ssyncset.done @!p0 $0x0  }
0x11c: {  	[sflag:s5] =	ssyncadd.s32 @!p0 $0xFFFFFFC0  }
0x11d: {  	_ =	swait.ge @!p0 [sflag:s5], $0x40  }
0x11e: {  	[sflag:s5] =	ssyncset.done @!p0 $0x0  }
0x11f: {  	[sflag:s5] =	ssyncadd.s32 @!p0 $0xFFFFFFC0  }
0x120: {  	_ =	swait.ge @!p0 [sflag:s5], $0x40  }
0x121: {  	[sflag:s5] =	ssyncset.done @!p0 $0x0  }
0x122: {  	[sflag:s5] =	ssyncadd.s32 @!p0 $0xFFFFFFC0  }
0x123: {  	_ =	swait.ge @!p0 [sflag:s5], $0x40  }
0x124: {  	[sflag:s5] =	ssyncset.done @!p0 $0x0  }
0x125: {  	[sflag:s5] =	ssyncadd.s32 @!p0 $0xFFFFFFC0  }
0x126: {  	_ =	swait.ge @!p0 [sflag:s5], $0x40  }
0x127: {  	[sflag:s5] =	ssyncset.done @!p0 $0x0  }
0x128: {  	[sflag:s5] =	ssyncadd.s32 @!p0 $0xFFFFFFC0  }
0x129: {  	_ =	swait.ge @!p0 [sflag:s5], $0x40  }
0x12a: {  	[sflag:s5] =	ssyncset.done @!p0 $0x0  }
0x12b: {  	[sflag:s5] =	ssyncadd.s32 @!p0 $0xFFFFFFC0  }
0x12c: {  	_ =	swait.ge @!p0 [sflag:s5], $0x40  }
0x12d: {  	[sflag:s5] =	ssyncset.done @!p0 $0x0  }
0x12e: {  	[sflag:s5] =	ssyncadd.s32 @!p0 $0xFFFFFFC0  }
0x12f: {  	_ =	swait.ge @!p0 [sflag:s5], $0x40  }
0x130: {  	[sflag:s5] =	ssyncset.done @!p0 $0x0  }
0x131: {  	[sflag:s5] =	ssyncadd.s32 @!p0 $0xFFFFFFC0  }
0x132: {  	_ =	swait.ge @!p0 [sflag:s5], $0x40  }
0x133: {  	[sflag:s5] =	ssyncset.done @!p0 $0x0  }
0x134: {  	[sflag:s5] =	ssyncadd.s32 @!p0 $0xFFFFFFC0  }
0x135: {  	_ =	swait.ge @!p0 [sflag:s5], $0x40  }
0x136: {  	[sflag:s5] =	ssyncset.done @!p0 $0x0  }
0x137: {  	[sflag:s5] =	ssyncadd.s32 @!p0 $0xFFFFFFC0  }
0x138: {  	_ =	swait.ge @!p0 [sflag:s5], $0x40  }
0x139: {  	[sflag:s5] =	ssyncset.done @!p0 $0x0  }
0x13a: {  	[sflag:s5] =	ssyncadd.s32 @!p0 $0xFFFFFFC0  }
0x13b: {  	_ =	swait.ge @!p0 [sflag:s5], $0x40  }
0x13c: {  	vm1 =	vne.s32 v13, v3;
	[sflag:s5] =	ssyncset.done @!p0 $0x0  }
0x13d: {  	vm0 =	vmand vm0, vm1;
	[sflag:s5] =	ssyncadd.s32 @!p0 $0xFFFFFFC0  }
0x13e: {  	v13 =	vsel vm0, $0x3F800000, v7;
	_ =	swait.ge @!p0 [sflag:s5], $0x40  }
0x13f: {  	(xrf0) =	vmax.scan.msk.f32 $0xffff, v13;
	_ =	sdelay $0x5  }
0x140: {  	v13, _, _ =	vpop (xrf0)  }
0x141: {  	(v2sf) =	vpush v13, $0xF;
	_ =	sdelay $0xe  }
0x142: {  	s30 =	spop (v2sf)  }
0x143: {  	p1 =	sgt.f32 s30, $0.0e+00  }
.Ltmp14:
0x144: {  	_ = 	snop;
	(pc) =	sbr.rel @p1 .LBB2_17-.Ltmp14, $3  }
0x145: {  	_ =	sdelay $0x1  }
0x146: {  	[sflag:s5] =	ssyncset.done @!p0 $0x0  }
0x147: {  	s4 =	sadd.s32 $0x80, s4;
	[sflag:s5] =	ssyncadd.s32 @!p0 $0xFFFFFFC0  }
.Ltmp15:
0x148: {  	_ = 	snop;
	(pc) =	sbr.rel .LBB2_18-.Ltmp15, $1  }
0x149: {  	_ =	sdelay $0x3  }
.LBB2_19:
0x14a: {  	p0 =	seq.s32 s21, $0x1E;
	s2 =	rddreg [dreg:$0xa]  }
0x14b: {  	s3 =	rddreg [dreg:$0x2];
	s2 =	sadd.s32 @!p0 s22, s2;
	s5 =	sor.u32 @!p0 $0x1, s19  }
0x14c: {  	s16 =	simm.s32 @!p0 $0x8A80;
	s2 =	smin.u32 @!p0 s2, $0xF4180;
	s5 =	simm.s32 @p0 $0x79  }
0x14d: {  	s4 =	sadd.s32 @!p0 s3, s2;
	s2 =	simm.s32 @!p0 $0x800;
	s3 =	simm.s32 @!p0 $0x7A1400;
	v11 =	vadd.s32 s5, v5  }
0x14e: {  	[tilespmem:s16], [sflag:$0x1] =	stream.strided.gather @!p0 [hbm4b:s4+s2], $0x4000, s3, s2, $0x38;
	[tilespmem:$0x19280] =	vst v63  }
0x14f: {  	_ =	swait.ge [sflag:s12], $0x4000  }
0x150: {  	[sflag:s12] =	ssyncset.done $0x0  }
0x151: {  	[sflag:s12] =	ssyncadd.s32 $0xFFFFC000  }
0x152: {  	v11 =	vld.idx.msk [tilespmem:v11+s11+$0x0], $0xffff;
	_ =	sdelay $0x4  }
0x153: {  	(v2sf) =	vpush v11, $0x0  }
0x154: {  	(v2sf) =	vpush v11, $0x1;
	_ =	sdelay $0xd  }
0x155: {  	s30 =	spop (v2sf)  }
0x156: {  	s4 =	spop (v2sf)  }
0x157: {  	p1 =	sge.s32 s30, s4  }
.Ltmp16:
0x158: {  	_ = 	snop;
	(pc) =	sbr.rel @p1 .LBB2_25-.Ltmp16, $1  }
0x159: {  	_ =	sdelay $0x3  }
.Ltmp17:
0x15a: {  	(pc) =	sbr.rel .LBB2_21-.Ltmp17, $4  }
0x15b: {  	s5 =	sshll.u32 s5, $0x8  }
0x15c: {  	s5 =	sadd.s32 s1, s5  }
0x15d: {  	s5 =	smin.u32 s5, $0xF4180  }
0x15e: {  	v11 =	vbroadcast v11, $0x1;
	s5 =	ssub.s32 s1, s5  }
.LBB2_24:
0x15f: {  	s30 =	sadd.s32 $0x10, s30  }
0x160: {  	p1 =	slt.s32 s30, s4  }
.Ltmp18:
0x161: {  	_ = 	snop;
	(pc) =	sbr.rel @!p1 .LBB2_25-.Ltmp18, $1  }
0x162: {  	_ =	sdelay $0x3  }
.LBB2_21:
0x163: {  	v12 =	vadd.s32 s30, v3  }
0x164: {  	vm0 =	vlt.s32 v12, v11  }
0x165: {  	v13 =	vsel vm0, $0x3F800000, v7  }
0x166: {  	(xrf0) =	vmax.scan.msk.f32 $0xffff, v13;
	_ =	sdelay $0x5  }
0x167: {  	v13, _, _ =	vpop (xrf0)  }
0x168: {  	(v2sf) =	vpush v13, $0xF;
	_ =	sdelay $0xe  }
0x169: {  	s16 =	spop (v2sf)  }
0x16a: {  	p1 =	sgt.f32 s16, $0.0e+00  }
.Ltmp19:
0x16b: {  	_ = 	snop;
	(pc) =	sbr.rel @!p1 .LBB2_24-.Ltmp19, $2  }
0x16c: {  	_ =	sdelay $0x2  }
0x16d: {  	v12 =	vld.idx.msk [tilespmem:v12+s29+$0x0], $0xffff  }
0x16e: {  	s16 =	sshll.u32 s20, $0x7  }
.LBB2_23:
0x16f: {  	v13 =	vmctz.xlane vm0;
	_ =	sdelay $0x1  }
0x170: {  	v14 =	vbroadcast v13, $0x0;
	_ =	sdelay $0x1  }
0x171: {  	v14 =	vperm.xlane v12, v14;
	_ =	sdelay $0x1  }
0x172: {  	(v2sf) =	vpush v14, $0x0;
	_ =	sdelay $0xe  }
0x173: {  	s17 =	spop (v2sf)  }
0x174: {  	s14 =	sshra.s32 s17, $0xE  }
0x175: {  	s14 =	sadd.s32 s14, s5  }
0x176: {  	v14 =	vmov s14  }
0x177: {  	v15 =	vshll.u32 v14, $0x3  }
0x178: {  	v14 =	vand.u32 $0x7F, v14;
	v15 =	vand.u32 $0xFFFFFC00, v15  }
0x179: {  	v14 =	vor.u32 v14, v15  }
0x17a: {  	v15 =	vadd.s32 v6, v14;
	_ =	sdelay $0x4  }
0x17b: {  	v15 =	vld.idx.msk [tilespmem:v15+s6+$0x0], $0xffff  }
0x17c: {  	v16 =	vadd.s32 v8, v14;
	_ =	sdelay $0x2  }
0x17d: {  	s14 =	sand.u32 $0x780, s16  }
0x17e: {  	[tilespmem:s14+$0x18A80] =	vst v15  }
0x17f: {  	v15 =	vld.idx.msk [tilespmem:v16+s6+$0x0], $0xffff  }
0x180: {  	v63 =	vadd.s32 v9, v14;
	_ =	sdelay $0x3  }
0x181: {  	[tilespmem:s14+$0x18A90] =	vst v15  }
0x182: {  	v15 =	vld.idx.msk [tilespmem:v63+s6+$0x0], $0xffff  }
0x183: {  	v14 =	vadd.s32 v10, v14;
	_ =	sdelay $0x3  }
0x184: {  	[tilespmem:s14+$0x18AA0] =	vst v15  }
0x185: {  	v14 =	vld.idx.msk [tilespmem:v14+s6+$0x0], $0xffff;
	_ =	sdelay $0x2  }
0x186: {  	s17 =	sshll.u32 s17, $0x3  }
0x187: {  	s17 =	sand.u32 $0x1FFF8, s17  }
0x188: {  	s20 =	sadd.s32 $0x1, s20;
	s17 =	sadd.s32 s8, s17;
	s15 =	sadd.s32 $0x18A80, s14;
	[tilespmem:s14+$0x18AB0] =	vst v14  }
0x189: {  	[hbm4b:s17+s7] =	stream.linear.scatter [tilespmem:s15], [sflag:$0x5], $0x40, $0x38;
	[tilespmem:$0x19280] =	vst v63  }
0x18a: {  	s15 =	sand.u32 $0xF, s20  }
0x18b: {  	p1 =	sne.s32 s15, $0x0  }
0x18c: {  	s14 =	simm.s32 @!p1 $0x5  }
0x18d: {  	_ =	swait.ge @!p1 [sflag:s14], $0x40  }
0x18e: {  	[sflag:s14] =	ssyncset.done @!p1 $0x0  }
0x18f: {  	[sflag:s14] =	ssyncadd.s32 @!p1 $0xFFFFFFC0  }
0x190: {  	_ =	swait.ge @!p1 [sflag:s14], $0x40  }
0x191: {  	[sflag:s14] =	ssyncset.done @!p1 $0x0  }
0x192: {  	[sflag:s14] =	ssyncadd.s32 @!p1 $0xFFFFFFC0  }
0x193: {  	_ =	swait.ge @!p1 [sflag:s14], $0x40  }
0x194: {  	[sflag:s14] =	ssyncset.done @!p1 $0x0  }
0x195: {  	[sflag:s14] =	ssyncadd.s32 @!p1 $0xFFFFFFC0  }
0x196: {  	_ =	swait.ge @!p1 [sflag:s14], $0x40  }
0x197: {  	[sflag:s14] =	ssyncset.done @!p1 $0x0  }
0x198: {  	[sflag:s14] =	ssyncadd.s32 @!p1 $0xFFFFFFC0  }
0x199: {  	_ =	swait.ge @!p1 [sflag:s14], $0x40  }
0x19a: {  	[sflag:s14] =	ssyncset.done @!p1 $0x0  }
0x19b: {  	[sflag:s14] =	ssyncadd.s32 @!p1 $0xFFFFFFC0  }
0x19c: {  	_ =	swait.ge @!p1 [sflag:s14], $0x40  }
0x19d: {  	[sflag:s14] =	ssyncset.done @!p1 $0x0  }
0x19e: {  	[sflag:s14] =	ssyncadd.s32 @!p1 $0xFFFFFFC0  }
0x19f: {  	_ =	swait.ge @!p1 [sflag:s14], $0x40  }
0x1a0: {  	[sflag:s14] =	ssyncset.done @!p1 $0x0  }
0x1a1: {  	[sflag:s14] =	ssyncadd.s32 @!p1 $0xFFFFFFC0  }
0x1a2: {  	_ =	swait.ge @!p1 [sflag:s14], $0x40  }
0x1a3: {  	[sflag:s14] =	ssyncset.done @!p1 $0x0  }
0x1a4: {  	[sflag:s14] =	ssyncadd.s32 @!p1 $0xFFFFFFC0  }
0x1a5: {  	_ =	swait.ge @!p1 [sflag:s14], $0x40  }
0x1a6: {  	[sflag:s14] =	ssyncset.done @!p1 $0x0  }
0x1a7: {  	[sflag:s14] =	ssyncadd.s32 @!p1 $0xFFFFFFC0  }
0x1a8: {  	_ =	swait.ge @!p1 [sflag:s14], $0x40  }
0x1a9: {  	[sflag:s14] =	ssyncset.done @!p1 $0x0  }
0x1aa: {  	[sflag:s14] =	ssyncadd.s32 @!p1 $0xFFFFFFC0  }
0x1ab: {  	_ =	swait.ge @!p1 [sflag:s14], $0x40  }
0x1ac: {  	[sflag:s14] =	ssyncset.done @!p1 $0x0  }
0x1ad: {  	[sflag:s14] =	ssyncadd.s32 @!p1 $0xFFFFFFC0  }
0x1ae: {  	_ =	swait.ge @!p1 [sflag:s14], $0x40  }
0x1af: {  	[sflag:s14] =	ssyncset.done @!p1 $0x0  }
0x1b0: {  	[sflag:s14] =	ssyncadd.s32 @!p1 $0xFFFFFFC0  }
0x1b1: {  	_ =	swait.ge @!p1 [sflag:s14], $0x40  }
0x1b2: {  	[sflag:s14] =	ssyncset.done @!p1 $0x0  }
0x1b3: {  	[sflag:s14] =	ssyncadd.s32 @!p1 $0xFFFFFFC0  }
0x1b4: {  	_ =	swait.ge @!p1 [sflag:s14], $0x40  }
0x1b5: {  	[sflag:s14] =	ssyncset.done @!p1 $0x0  }
0x1b6: {  	[sflag:s14] =	ssyncadd.s32 @!p1 $0xFFFFFFC0  }
0x1b7: {  	_ =	swait.ge @!p1 [sflag:s14], $0x40  }
0x1b8: {  	vm1 =	vne.s32 v13, v3;
	[sflag:s14] =	ssyncset.done @!p1 $0x0  }
0x1b9: {  	vm0 =	vmand vm0, vm1;
	[sflag:s14] =	ssyncadd.s32 @!p1 $0xFFFFFFC0  }
0x1ba: {  	v13 =	vsel vm0, $0x3F800000, v7;
	_ =	swait.ge @!p1 [sflag:s14], $0x40  }
0x1bb: {  	(xrf0) =	vmax.scan.msk.f32 $0xffff, v13;
	_ =	sdelay $0x5  }
0x1bc: {  	v13, _, _ =	vpop (xrf0)  }
0x1bd: {  	(v2sf) =	vpush v13, $0xF;
	_ =	sdelay $0xe  }
0x1be: {  	s17 =	spop (v2sf)  }
0x1bf: {  	p2 =	sgt.f32 s17, $0.0e+00  }
.Ltmp20:
0x1c0: {  	_ = 	snop;
	(pc) =	sbr.rel @p2 .LBB2_23-.Ltmp20, $3  }
0x1c1: {  	_ =	sdelay $0x1  }
0x1c2: {  	[sflag:s14] =	ssyncset.done @!p1 $0x0  }
0x1c3: {  	s16 =	sadd.s32 $0x80, s16;
	[sflag:s14] =	ssyncadd.s32 @!p1 $0xFFFFFFC0  }
.Ltmp21:
0x1c4: {  	_ = 	snop;
	(pc) =	sbr.rel .LBB2_24-.Ltmp21, $1  }
0x1c5: {  	_ =	sdelay $0x3  }
.LBB2_25:
0x1c6: {  	s4 =	rddreg [dreg:$0xb]  }
0x1c7: {  	s5 =	sadd.s32 @!p0 s22, s4;
	s4 =	sor.u32 @!p0 $0x2, s19  }
0x1c8: {  	s14 =	rddreg [dreg:$0x2];
	s5 =	smin.u32 @!p0 s5, $0xF4180;
	s4 =	simm.s32 @p0 $0x7A  }
0x1c9: {  	s5 =	sadd.s32 @!p0 s14, s5;
	s14 =	simm.s32 @!p0 $0xCA80;
	v11 =	vor.u32 s4, v5  }
0x1ca: {  	[tilespmem:s14], [sflag:$0x2] =	stream.strided.gather @!p0 [hbm4b:s5+s2], $0x4000, s3, s2, $0x38;
	[tilespmem:$0x19280] =	vst v63  }
0x1cb: {  	_ =	swait.ge [sflag:s13], $0x4000  }
0x1cc: {  	[sflag:s13] =	ssyncset.done $0x0  }
0x1cd: {  	[sflag:s13] =	ssyncadd.s32 $0xFFFFC000  }
0x1ce: {  	v11 =	vld.idx.msk [tilespmem:v11+s11+$0x0], $0xffff;
	_ =	sdelay $0x4  }
0x1cf: {  	(v2sf) =	vpush v11, $0x0  }
0x1d0: {  	(v2sf) =	vpush v11, $0x1;
	_ =	sdelay $0xd  }
0x1d1: {  	s2 =	spop (v2sf)  }
0x1d2: {  	s3 =	spop (v2sf)  }
0x1d3: {  	p1 =	sge.s32 s2, s3  }
.Ltmp22:
0x1d4: {  	_ = 	snop;
	(pc) =	sbr.rel @p1 .LBB2_31-.Ltmp22, $1  }
0x1d5: {  	_ =	sdelay $0x3  }
.Ltmp23:
0x1d6: {  	(pc) =	sbr.rel .LBB2_27-.Ltmp23, $4  }
0x1d7: {  	s4 =	sshll.u32 s4, $0x8  }
0x1d8: {  	s4 =	sadd.s32 s1, s4  }
0x1d9: {  	s4 =	smin.u32 s4, $0xF4180  }
0x1da: {  	v11 =	vbroadcast v11, $0x1;
	s4 =	ssub.s32 s1, s4  }
.LBB2_30:
0x1db: {  	s2 =	sadd.s32 $0x10, s2  }
0x1dc: {  	p1 =	slt.s32 s2, s3  }
.Ltmp24:
0x1dd: {  	_ = 	snop;
	(pc) =	sbr.rel @!p1 .LBB2_31-.Ltmp24, $1  }
0x1de: {  	_ =	sdelay $0x3  }
.LBB2_27:
0x1df: {  	v12 =	vadd.s32 s2, v3  }
0x1e0: {  	vm0 =	vlt.s32 v12, v11  }
0x1e1: {  	v13 =	vsel vm0, $0x3F800000, v7  }
0x1e2: {  	(xrf0) =	vmax.scan.msk.f32 $0xffff, v13;
	_ =	sdelay $0x5  }
0x1e3: {  	v13, _, _ =	vpop (xrf0)  }
0x1e4: {  	(v2sf) =	vpush v13, $0xF;
	_ =	sdelay $0xe  }
0x1e5: {  	s5 =	spop (v2sf)  }
0x1e6: {  	p1 =	sgt.f32 s5, $0.0e+00  }
.Ltmp25:
0x1e7: {  	_ = 	snop;
	(pc) =	sbr.rel @!p1 .LBB2_30-.Ltmp25, $2  }
0x1e8: {  	_ =	sdelay $0x2  }
0x1e9: {  	v12 =	vld.idx.msk [tilespmem:v12+s29+$0x0], $0xffff  }
0x1ea: {  	s5 =	sshll.u32 s20, $0x7  }
.LBB2_29:
0x1eb: {  	v13 =	vmctz.xlane vm0;
	_ =	sdelay $0x1  }
0x1ec: {  	v14 =	vbroadcast v13, $0x0;
	_ =	sdelay $0x1  }
0x1ed: {  	v14 =	vperm.xlane v12, v14;
	_ =	sdelay $0x1  }
0x1ee: {  	(v2sf) =	vpush v14, $0x0;
	_ =	sdelay $0xe  }
0x1ef: {  	s14 =	spop (v2sf)  }
0x1f0: {  	s15 =	sshra.s32 s14, $0xE  }
0x1f1: {  	s15 =	sadd.s32 s15, s4  }
0x1f2: {  	v14 =	vmov s15  }
0x1f3: {  	v15 =	vshll.u32 v14, $0x3  }
0x1f4: {  	v14 =	vand.u32 $0x7F, v14;
	v15 =	vand.u32 $0xFFFFFC00, v15  }
0x1f5: {  	v14 =	vor.u32 v14, v15  }
0x1f6: {  	v15 =	vadd.s32 v6, v14;
	_ =	sdelay $0x4  }
0x1f7: {  	v15 =	vld.idx.msk [tilespmem:v15+s0+$0x0], $0xffff  }
0x1f8: {  	v16 =	vadd.s32 v8, v14;
	_ =	sdelay $0x2  }
0x1f9: {  	s30 =	sand.u32 $0x780, s5  }
0x1fa: {  	[tilespmem:s30+$0x18A80] =	vst v15  }
0x1fb: {  	v15 =	vld.idx.msk [tilespmem:v16+s0+$0x0], $0xffff  }
0x1fc: {  	v63 =	vadd.s32 v9, v14;
	_ =	sdelay $0x3  }
0x1fd: {  	[tilespmem:s30+$0x18A90] =	vst v15  }
0x1fe: {  	v15 =	vld.idx.msk [tilespmem:v63+s0+$0x0], $0xffff  }
0x1ff: {  	v14 =	vadd.s32 v10, v14;
	_ =	sdelay $0x3  }
0x200: {  	[tilespmem:s30+$0x18AA0] =	vst v15  }
0x201: {  	v14 =	vld.idx.msk [tilespmem:v14+s0+$0x0], $0xffff;
	_ =	sdelay $0x2  }
0x202: {  	s20 =	sadd.s32 $0x1, s20;
	s14 =	sshll.u32 s14, $0x3  }
0x203: {  	s17 =	sand.u32 $0xF, s20;
	s14 =	sand.u32 $0x1FFF8, s14  }
0x204: {  	s16 =	sadd.s32 $0x18A80, s30;
	p1 =	sne.s32 s17, $0x0;
	s14 =	sadd.s32 s8, s14;
	[tilespmem:s30+$0x18AB0] =	vst v14  }
0x205: {  	[hbm4b:s14+s7] =	stream.linear.scatter [tilespmem:s16], [sflag:$0x5], $0x40, $0x38;
	[tilespmem:$0x19280] =	vst v63  }
0x206: {  	s14 =	simm.s32 @!p1 $0x5  }
0x207: {  	_ =	swait.ge @!p1 [sflag:s14], $0x40  }
0x208: {  	[sflag:s14] =	ssyncset.done @!p1 $0x0  }
0x209: {  	[sflag:s14] =	ssyncadd.s32 @!p1 $0xFFFFFFC0  }
0x20a: {  	_ =	swait.ge @!p1 [sflag:s14], $0x40  }
0x20b: {  	[sflag:s14] =	ssyncset.done @!p1 $0x0  }
0x20c: {  	[sflag:s14] =	ssyncadd.s32 @!p1 $0xFFFFFFC0  }
0x20d: {  	_ =	swait.ge @!p1 [sflag:s14], $0x40  }
0x20e: {  	[sflag:s14] =	ssyncset.done @!p1 $0x0  }
0x20f: {  	[sflag:s14] =	ssyncadd.s32 @!p1 $0xFFFFFFC0  }
0x210: {  	_ =	swait.ge @!p1 [sflag:s14], $0x40  }
0x211: {  	[sflag:s14] =	ssyncset.done @!p1 $0x0  }
0x212: {  	[sflag:s14] =	ssyncadd.s32 @!p1 $0xFFFFFFC0  }
0x213: {  	_ =	swait.ge @!p1 [sflag:s14], $0x40  }
0x214: {  	[sflag:s14] =	ssyncset.done @!p1 $0x0  }
0x215: {  	[sflag:s14] =	ssyncadd.s32 @!p1 $0xFFFFFFC0  }
0x216: {  	_ =	swait.ge @!p1 [sflag:s14], $0x40  }
0x217: {  	[sflag:s14] =	ssyncset.done @!p1 $0x0  }
0x218: {  	[sflag:s14] =	ssyncadd.s32 @!p1 $0xFFFFFFC0  }
0x219: {  	_ =	swait.ge @!p1 [sflag:s14], $0x40  }
0x21a: {  	[sflag:s14] =	ssyncset.done @!p1 $0x0  }
0x21b: {  	[sflag:s14] =	ssyncadd.s32 @!p1 $0xFFFFFFC0  }
0x21c: {  	_ =	swait.ge @!p1 [sflag:s14], $0x40  }
0x21d: {  	[sflag:s14] =	ssyncset.done @!p1 $0x0  }
0x21e: {  	[sflag:s14] =	ssyncadd.s32 @!p1 $0xFFFFFFC0  }
0x21f: {  	_ =	swait.ge @!p1 [sflag:s14], $0x40  }
0x220: {  	[sflag:s14] =	ssyncset.done @!p1 $0x0  }
0x221: {  	[sflag:s14] =	ssyncadd.s32 @!p1 $0xFFFFFFC0  }
0x222: {  	_ =	swait.ge @!p1 [sflag:s14], $0x40  }
0x223: {  	[sflag:s14] =	ssyncset.done @!p1 $0x0  }
0x224: {  	[sflag:s14] =	ssyncadd.s32 @!p1 $0xFFFFFFC0  }
0x225: {  	_ =	swait.ge @!p1 [sflag:s14], $0x40  }
0x226: {  	[sflag:s14] =	ssyncset.done @!p1 $0x0  }
0x227: {  	[sflag:s14] =	ssyncadd.s32 @!p1 $0xFFFFFFC0  }
0x228: {  	_ =	swait.ge @!p1 [sflag:s14], $0x40  }
0x229: {  	[sflag:s14] =	ssyncset.done @!p1 $0x0  }
0x22a: {  	[sflag:s14] =	ssyncadd.s32 @!p1 $0xFFFFFFC0  }
0x22b: {  	_ =	swait.ge @!p1 [sflag:s14], $0x40  }
0x22c: {  	[sflag:s14] =	ssyncset.done @!p1 $0x0  }
0x22d: {  	[sflag:s14] =	ssyncadd.s32 @!p1 $0xFFFFFFC0  }
0x22e: {  	_ =	swait.ge @!p1 [sflag:s14], $0x40  }
0x22f: {  	[sflag:s14] =	ssyncset.done @!p1 $0x0  }
0x230: {  	[sflag:s14] =	ssyncadd.s32 @!p1 $0xFFFFFFC0  }
0x231: {  	_ =	swait.ge @!p1 [sflag:s14], $0x40  }
0x232: {  	vm1 =	vne.s32 v13, v3;
	[sflag:s14] =	ssyncset.done @!p1 $0x0  }
0x233: {  	vm0 =	vmand vm0, vm1;
	[sflag:s14] =	ssyncadd.s32 @!p1 $0xFFFFFFC0  }
0x234: {  	v13 =	vsel vm0, $0x3F800000, v7;
	_ =	swait.ge @!p1 [sflag:s14], $0x40  }
0x235: {  	(xrf0) =	vmax.scan.msk.f32 $0xffff, v13;
	_ =	sdelay $0x5  }
0x236: {  	v13, _, _ =	vpop (xrf0)  }
0x237: {  	(v2sf) =	vpush v13, $0xF;
	_ =	sdelay $0xe  }
0x238: {  	s30 =	spop (v2sf)  }
0x239: {  	p2 =	sgt.f32 s30, $0.0e+00  }
.Ltmp26:
0x23a: {  	_ = 	snop;
	(pc) =	sbr.rel @p2 .LBB2_29-.Ltmp26, $3  }
0x23b: {  	_ =	sdelay $0x1  }
0x23c: {  	[sflag:s14] =	ssyncset.done @!p1 $0x0  }
0x23d: {  	s5 =	sadd.s32 $0x80, s5;
	[sflag:s14] =	ssyncadd.s32 @!p1 $0xFFFFFFC0  }
.Ltmp27:
0x23e: {  	_ = 	snop;
	(pc) =	sbr.rel .LBB2_30-.Ltmp27, $1  }
0x23f: {  	_ =	sdelay $0x3  }
.LBB2_31:
.Ltmp28:
0x240: {  	(pc) =	sbr.rel @p0 .LBB2_40-.Ltmp28, $1  }
0x241: {  	_ =	sdelay $0x3  }
0x242: {  	s4 =	sor.u32 $0x3, s19;
	s2 =	rddreg [dreg:$0xc]  }
0x243: {  	s2 =	sadd.s32 s22, s2;
	p0 =	sgt.u32 s4, $0x7A  }
0x244: {  	s3 =	rddreg [dreg:$0x2];
	s2 =	smin.u32 s2, $0xF4180;
	v11 =	vimm.s32 @!p0 $0x1;
	vm0 =	vcmask @!p0 $0x300  }
0x245: {  	s30 =	simm.s32 $0x7A1400;
	s2 =	sadd.s32 s3, s2;
	v11 =	vsel @!p0 vm0, $0x0, v11  }
0x246: {  	[tilespmem:s0], [sflag:$0x3] =	stream.strided.gather [hbm4b:s2+s24], $0x4000, s30, s24, $0x38;
	v11 =	vadd.s32 @!p0 s4, v11;
	[tilespmem:$0x19280] =	vst v63  }
0x247: {  	s2 =	simm.s32 @!p0 $0x4  }
0x248: {  	_ =	swait.ge @!p0 [sflag:s2], $0x4000  }
0x249: {  	[sflag:s2] =	ssyncset.done @!p0 $0x0  }
0x24a: {  	[sflag:s2] =	ssyncadd.s32 @!p0 $0xFFFFC000;
	s2 =	simm.s32 @!p0 $0x8980  }
0x24b: {  	v11 =	vld.idx.msk @!p0 [tilespmem:v11+s2+$0x0], $0xffff;
	_ =	sdelay $0x4  }
0x24c: {  	(v2sf) =	vpush @!p0 v11, $0x0  }
0x24d: {  	(v2sf) =	vpush @!p0 v11, $0x1;
	_ =	sdelay $0xd  }
0x24e: {  	s2 =	spop @!p0 (v2sf)  }
0x24f: {  	s3 =	spop @!p0 (v2sf)  }
0x250: {  	p1 =	sge.s32 @!p0 s2, s3  }
0x251: {  	p1 =	por p0, p1  }
.Ltmp29:
0x252: {  	_ = 	snop;
	(pc) =	sbr.rel @p1 .LBB2_33-.Ltmp29, $1  }
0x253: {  	_ =	sdelay $0x3  }
.Ltmp30:
0x254: {  	(pc) =	sbr.rel .LBB2_35-.Ltmp30, $4  }
0x255: {  	s4 =	sshll.u32 s4, $0x8  }
0x256: {  	s4 =	sadd.s32 s1, s4  }
0x257: {  	s4 =	smin.u32 s4, $0xF4180  }
0x258: {  	v11 =	vbroadcast v11, $0x1;
	s4 =	ssub.s32 s1, s4  }
.LBB2_38:
0x259: {  	s2 =	sadd.s32 $0x10, s2  }
0x25a: {  	p0 =	slt.s32 s2, s3  }
.Ltmp31:
0x25b: {  	_ = 	snop;
	(pc) =	sbr.rel @!p0 .LBB2_39-.Ltmp31, $1  }
0x25c: {  	_ =	sdelay $0x3  }
.LBB2_35:
0x25d: {  	v12 =	vadd.s32 s2, v3  }
0x25e: {  	vm0 =	vlt.s32 v12, v11  }
0x25f: {  	v13 =	vsel vm0, $0x3F800000, v7  }
0x260: {  	(xrf0) =	vmax.scan.msk.f32 $0xffff, v13;
	_ =	sdelay $0x5  }
0x261: {  	v13, _, _ =	vpop (xrf0)  }
0x262: {  	(v2sf) =	vpush v13, $0xF;
	_ =	sdelay $0xe  }
0x263: {  	s5 =	spop (v2sf)  }
0x264: {  	p0 =	sgt.f32 s5, $0.0e+00  }
.Ltmp32:
0x265: {  	_ = 	snop;
	(pc) =	sbr.rel @!p0 .LBB2_38-.Ltmp32, $2  }
0x266: {  	_ =	sdelay $0x2  }
0x267: {  	v12 =	vld.idx.msk [tilespmem:v12+s29+$0x0], $0xffff  }
0x268: {  	s5 =	sshll.u32 s20, $0x7  }
.LBB2_37:
0x269: {  	v13 =	vmctz.xlane vm0;
	_ =	sdelay $0x1  }
0x26a: {  	v14 =	vbroadcast v13, $0x0;
	_ =	sdelay $0x1  }
0x26b: {  	v14 =	vperm.xlane v12, v14;
	_ =	sdelay $0x1  }
0x26c: {  	(v2sf) =	vpush v14, $0x0;
	_ =	sdelay $0xe  }
0x26d: {  	s14 =	spop (v2sf)  }
0x26e: {  	s15 =	sshra.s32 s14, $0xE  }
0x26f: {  	s15 =	sadd.s32 s15, s4  }
0x270: {  	v14 =	vmov s15  }
0x271: {  	v15 =	vshll.u32 v14, $0x3  }
0x272: {  	v14 =	vand.u32 $0x7F, v14;
	v15 =	vand.u32 $0xFFFFFC00, v15  }
0x273: {  	v14 =	vor.u32 v14, v15  }
0x274: {  	v15 =	vadd.s32 v6, v14;
	_ =	sdelay $0x4  }
0x275: {  	v15 =	vld.idx.msk [tilespmem:v15+s10+$0x0], $0xffff  }
0x276: {  	v16 =	vadd.s32 v8, v14;
	_ =	sdelay $0x2  }
0x277: {  	s17 =	sand.u32 $0x780, s5  }
0x278: {  	[tilespmem:s17+$0x18A80] =	vst v15  }
0x279: {  	v15 =	vld.idx.msk [tilespmem:v16+s10+$0x0], $0xffff  }
0x27a: {  	v63 =	vadd.s32 v9, v14;
	_ =	sdelay $0x3  }
0x27b: {  	[tilespmem:s17+$0x18A90] =	vst v15  }
0x27c: {  	v15 =	vld.idx.msk [tilespmem:v63+s10+$0x0], $0xffff  }
0x27d: {  	v14 =	vadd.s32 v10, v14;
	_ =	sdelay $0x3  }
0x27e: {  	[tilespmem:s17+$0x18AA0] =	vst v15  }
0x27f: {  	v14 =	vld.idx.msk [tilespmem:v14+s10+$0x0], $0xffff;
	_ =	sdelay $0x2  }
0x280: {  	s20 =	sadd.s32 $0x1, s20;
	s14 =	sshll.u32 s14, $0x3  }
0x281: {  	s19 =	sand.u32 $0xF, s20;
	s14 =	sand.u32 $0x1FFF8, s14  }
0x282: {  	s16 =	sadd.s32 $0x18A80, s17;
	p0 =	sne.s32 s19, $0x0;
	s14 =	sadd.s32 s8, s14;
	[tilespmem:s17+$0x18AB0] =	vst v14  }
0x283: {  	[hbm4b:s14+s7] =	stream.linear.scatter [tilespmem:s16], [sflag:$0x5], $0x40, $0x38;
	[tilespmem:$0x19280] =	vst v63  }
0x284: {  	s14 =	simm.s32 @!p0 $0x5  }
0x285: {  	_ =	swait.ge @!p0 [sflag:s14], $0x40  }
0x286: {  	[sflag:s14] =	ssyncset.done @!p0 $0x0  }
0x287: {  	[sflag:s14] =	ssyncadd.s32 @!p0 $0xFFFFFFC0  }
0x288: {  	_ =	swait.ge @!p0 [sflag:s14], $0x40  }
0x289: {  	[sflag:s14] =	ssyncset.done @!p0 $0x0  }
0x28a: {  	[sflag:s14] =	ssyncadd.s32 @!p0 $0xFFFFFFC0  }
0x28b: {  	_ =	swait.ge @!p0 [sflag:s14], $0x40  }
0x28c: {  	[sflag:s14] =	ssyncset.done @!p0 $0x0  }
0x28d: {  	[sflag:s14] =	ssyncadd.s32 @!p0 $0xFFFFFFC0  }
0x28e: {  	_ =	swait.ge @!p0 [sflag:s14], $0x40  }
0x28f: {  	[sflag:s14] =	ssyncset.done @!p0 $0x0  }
0x290: {  	[sflag:s14] =	ssyncadd.s32 @!p0 $0xFFFFFFC0  }
0x291: {  	_ =	swait.ge @!p0 [sflag:s14], $0x40  }
0x292: {  	[sflag:s14] =	ssyncset.done @!p0 $0x0  }
0x293: {  	[sflag:s14] =	ssyncadd.s32 @!p0 $0xFFFFFFC0  }
0x294: {  	_ =	swait.ge @!p0 [sflag:s14], $0x40  }
0x295: {  	[sflag:s14] =	ssyncset.done @!p0 $0x0  }
0x296: {  	[sflag:s14] =	ssyncadd.s32 @!p0 $0xFFFFFFC0  }
0x297: {  	_ =	swait.ge @!p0 [sflag:s14], $0x40  }
0x298: {  	[sflag:s14] =	ssyncset.done @!p0 $0x0  }
0x299: {  	[sflag:s14] =	ssyncadd.s32 @!p0 $0xFFFFFFC0  }
0x29a: {  	_ =	swait.ge @!p0 [sflag:s14], $0x40  }
0x29b: {  	[sflag:s14] =	ssyncset.done @!p0 $0x0  }
0x29c: {  	[sflag:s14] =	ssyncadd.s32 @!p0 $0xFFFFFFC0  }
0x29d: {  	_ =	swait.ge @!p0 [sflag:s14], $0x40  }
0x29e: {  	[sflag:s14] =	ssyncset.done @!p0 $0x0  }
0x29f: {  	[sflag:s14] =	ssyncadd.s32 @!p0 $0xFFFFFFC0  }
0x2a0: {  	_ =	swait.ge @!p0 [sflag:s14], $0x40  }
0x2a1: {  	[sflag:s14] =	ssyncset.done @!p0 $0x0  }
0x2a2: {  	[sflag:s14] =	ssyncadd.s32 @!p0 $0xFFFFFFC0  }
0x2a3: {  	_ =	swait.ge @!p0 [sflag:s14], $0x40  }
0x2a4: {  	[sflag:s14] =	ssyncset.done @!p0 $0x0  }
0x2a5: {  	[sflag:s14] =	ssyncadd.s32 @!p0 $0xFFFFFFC0  }
0x2a6: {  	_ =	swait.ge @!p0 [sflag:s14], $0x40  }
0x2a7: {  	[sflag:s14] =	ssyncset.done @!p0 $0x0  }
0x2a8: {  	[sflag:s14] =	ssyncadd.s32 @!p0 $0xFFFFFFC0  }
0x2a9: {  	_ =	swait.ge @!p0 [sflag:s14], $0x40  }
0x2aa: {  	[sflag:s14] =	ssyncset.done @!p0 $0x0  }
0x2ab: {  	[sflag:s14] =	ssyncadd.s32 @!p0 $0xFFFFFFC0  }
0x2ac: {  	_ =	swait.ge @!p0 [sflag:s14], $0x40  }
0x2ad: {  	[sflag:s14] =	ssyncset.done @!p0 $0x0  }
0x2ae: {  	[sflag:s14] =	ssyncadd.s32 @!p0 $0xFFFFFFC0  }
0x2af: {  	_ =	swait.ge @!p0 [sflag:s14], $0x40  }
0x2b0: {  	vm1 =	vne.s32 v13, v3;
	[sflag:s14] =	ssyncset.done @!p0 $0x0  }
0x2b1: {  	vm0 =	vmand vm0, vm1;
	[sflag:s14] =	ssyncadd.s32 @!p0 $0xFFFFFFC0  }
0x2b2: {  	v13 =	vsel vm0, $0x3F800000, v7;
	_ =	swait.ge @!p0 [sflag:s14], $0x40  }
0x2b3: {  	(xrf0) =	vmax.scan.msk.f32 $0xffff, v13;
	_ =	sdelay $0x5  }
0x2b4: {  	v13, _, _ =	vpop (xrf0)  }
0x2b5: {  	(v2sf) =	vpush v13, $0xF;
	_ =	sdelay $0xe  }
0x2b6: {  	s30 =	spop (v2sf)  }
0x2b7: {  	p1 =	sgt.f32 s30, $0.0e+00  }
.Ltmp33:
0x2b8: {  	_ = 	snop;
	(pc) =	sbr.rel @p1 .LBB2_37-.Ltmp33, $3  }
0x2b9: {  	_ =	sdelay $0x1  }
0x2ba: {  	[sflag:s14] =	ssyncset.done @!p0 $0x0  }
0x2bb: {  	s5 =	sadd.s32 $0x80, s5;
	[sflag:s14] =	ssyncadd.s32 @!p0 $0xFFFFFFC0  }
.Ltmp34:
0x2bc: {  	_ = 	snop;
	(pc) =	sbr.rel .LBB2_38-.Ltmp34, $1  }
0x2bd: {  	_ =	sdelay $0x3  }
.LBB2_40:
0x2be: {  	s2 =	sand.u32 $0xF, s20  }
0x2bf: {  	p0 =	seq.s32 s2, $0x0  }
.Ltmp35:
0x2c0: {  	_ = 	snop;
	(pc) =	sbr.rel @p0 .LBB2_44-.Ltmp35, $2  }
0x2c1: {  	_ =	sdelay $0x2  }
0x2c2: {  	s15 =	rddreg [dreg:$0x1]  }
0x2c3: {  	p0 =	sne.s32 s2, $0x1  }
.Ltmp36:
0x2c4: {  	_ = 	snop;
	(pc) =	sbr.rel @!p0 .LBB2_43-.Ltmp36, $3  }
0x2c5: {  	_ =	sdelay $0x1  }
0x2c6: {  	_ =	swait.ge [sflag:s18], $0x40  }
0x2c7: {  	s2 =	sadd.s32 $0xFFFFFFFF, s2;
	[sflag:s18] =	ssyncset.done $0x0  }
.LBB2_42:
0x2c8: {  	p0 =	sne.s32 s2, $0x1;
	s2 =	sadd.s32 $0xFFFFFFFF, s2;
	[sflag:s18] =	ssyncadd.s32 $0xFFFFFFC0  }
.Ltmp37:
0x2c9: {  	(pc) =	sbr.rel @p0 .LBB2_42-.Ltmp37, $3  }
0x2ca: {  	_ =	sdelay $0x1  }
0x2cb: {  	_ =	swait.ge [sflag:s18], $0x40  }
0x2cc: {  	[sflag:s18] =	ssyncset.done $0x0  }
.LBB2_43:
0x2cd: {  	[sflag:s18] =	ssyncadd.s32 $0xFFFFFFC0  }
.LBB2_44:
0x2ce: {  	[tilespmem:$0x8900] =	vst v2  }
0x2cf: {  	[tilespmem:$0x8910] =	vst v2  }
0x2d0: {  	[tilespmem:$0x8920] =	vst v2  }
0x2d1: {  	[tilespmem:$0x8930] =	vst v2  }
0x2d2: {  	[tilespmem:$0x8940] =	vst v2  }
0x2d3: {  	[tilespmem:$0x8950] =	vst v2  }
0x2d4: {  	[tilespmem:$0x8960] =	vst v2;
	s2 =	simm.s32 $0x0  }
0x2d5: {  	[tilespmem:$0x8970] =	vst v2;
	s3 =	simm.s32 $0x0;
	s19 =	simm.s32 $0x0;
	s20 =	simm.s32 $0x0  }
.LBB2_45:
0x2d6: {  	s4 =	sshll.u32 s20, $0x8  }
0x2d7: {  	s4 =	sadd.s32 s15, s4  }
0x2d8: {  	[tilespmem:s2], [sflag:$0x6] =	stream.linear.gather [hbm4b:s4+s2], $0x800, $0x38;
	[tilespmem:$0x19280] =	vst v63  }
0x2d9: {  	_ =	swait.ge [sflag:s23], $0x800  }
0x2da: {  	[sflag:s23] =	ssyncset.done $0x0  }
0x2db: {  	s30 =	simm.s32 $0x0;
	[sflag:s23] =	ssyncadd.s32 $0xFFFFF800  }
0x2dc: {  	v11 =	vld [tilespmem:s30+$0x0];
	_ =	sdelay $0x4  }
0x2dd: {  	vm0 =	vge.s32 v11, v0;
	vm1 =	vlt.s32 v11, v1  }
0x2de: {  	vm0 =	vmand vm0, vm1  }
0x2df: {  	v12 =	vsel vm0, $0x1, v2  }
0x2e0: {  	(xrf0) =	vadd.scan.msk.s32 $0xffff, v12;
	_ =	sdelay $0x2  }
0x2e1: {  	v63 =	vmov s19  }
0x2e2: {  	v12 =	vadd.s32 $0xFFFFFFFF, v63  }
0x2e3: {  	v12 =	vbroadcast v12, $0x0  }
0x2e4: {  	v11 =	vsub.s32 v11, v0;
	v13, _, _ =	vpop (xrf0)  }
0x2e5: {  	v14 =	vshra.s32 v11, $0x8;
	v12 =	vadd.s32 v13, v12;
	(v2sf) =	vpush v13, $0xF  }
0x2e6: {  	vm2 =	vgt.s32 v14, $0x0;
	vm15 =	vgt.s32 v12, $0x0  }
0x2e7: {  	v14 =	vnsel vm2, $0x0, v14;
	v12 =	vnsel vm15, $0x0, v12  }
0x2e8: {  	v14 =	vmin.u32 v14, $0x7F  }
0x2e9: {  	v11 =	vshll.u32 v11, $0xE  }
0x2ea: {  	v11 =	vadd.s32 s3, v11  }
0x2eb: {  	v11 =	vadd.s32 v3, v11  }
0x2ec: {  	[tilespmem:v12+s24+$0x0] =	vst.idx.msk vm0, v11  }
0x2ed: {  	s16 =	simm.s32 $0x10;
	s5 =	simm.s32 $0x80;
	s4 =	smov.u32 s3;
	[tilespmem:v14+s25+$0x0] =	vst.idx.add.s32.msk vm0, v4  }
.LBB2_46:
0x2ee: {  	p0 =	sne.s32 s5, $0x1FC0;
	v11 =	vld [tilespmem:s16+$0x0];
	_ =	sdelay $0x4  }
0x2ef: {  	vm0 =	vge.s32 v11, v0;
	vm1 =	vlt.s32 v11, v1;
	v11 =	vsub.s32 v11, v0  }
0x2f0: {  	vm0 =	vmand vm0, vm1;
	v12 =	vshra.s32 v11, $0x8;
	s14 =	spop (v2sf)  }
0x2f1: {  	v13 =	vsel vm0, $0x1, v2;
	s19 =	sadd.s32 s19, s14  }
0x2f2: {  	v14 =	vmov s19;
	(xrf0) =	vadd.scan.msk.s32 $0xffff, v13  }
0x2f3: {  	v13 =	vadd.s32 $0xFFFFFFFF, v14  }
0x2f4: {  	v13 =	vbroadcast v13, $0x0;
	_ =	sdelay $0x3  }
0x2f5: {  	v14, _, _ =	vpop (xrf0)  }
0x2f6: {  	v13 =	vadd.s32 v14, v13;
	(v2sf) =	vpush v14, $0xF  }
0x2f7: {  	vm2 =	vgt.s32 v12, $0x0;
	vm1 =	vgt.s32 v13, $0x0  }
0x2f8: {  	v12 =	vnsel vm2, $0x0, v12;
	v13 =	vnsel vm1, $0x0, v13  }
0x2f9: {  	v12 =	vmin.u32 v12, $0x7F  }
.Ltmp38:
0x2fa: {  	s4 =	sadd.s32 $0x10, s4;
	v11 =	vshll.u32 v11, $0xE;
	(pc) =	sbr.rel @p0 .LBB2_46-.Ltmp38, $4  }
0x2fb: {  	v11 =	vadd.s32 s4, v11  }
0x2fc: {  	v11 =	vadd.s32 v3, v11  }
0x2fd: {  	[tilespmem:v13+s24+$0x0] =	vst.idx.msk vm0, v11  }
0x2fe: {  	s16 =	sshra.s32 s5, $0x2;
	s5 =	sadd.s32 $0x40, s5;
	[tilespmem:v12+s25+$0x0] =	vst.idx.add.s32.msk vm0, v4  }
0x2ff: {  	v11 =	vld [tilespmem:s16+$0x0];
	_ =	sdelay $0x4  }
0x300: {  	vm0 =	vge.s32 v11, v0;
	vm1 =	vlt.s32 v11, v1  }
0x301: {  	vm0 =	vmand vm0, vm1  }
0x302: {  	v12 =	vsel vm0, $0x1, v2  }
0x303: {  	(xrf0) =	vadd.scan.msk.s32 $0xffff, v12;
	_ =	sdelay $0x5  }
0x304: {  	v12, _, _ =	vpop (xrf0)  }
0x305: {  	(v2sf) =	vpush v12, $0xF;
	_ =	sdelay $0x1  }
0x306: {  	s5 =	spop (v2sf)  }
0x307: {  	s5 =	sadd.s32 s19, s5  }
0x308: {  	v13 =	vmov s5  }
0x309: {  	v13 =	vadd.s32 $0xFFFFFFFF, v13  }
0x30a: {  	v13 =	vbroadcast v13, $0x0  }
0x30b: {  	v11 =	vsub.s32 v11, v0  }
0x30c: {  	v14 =	vshra.s32 v11, $0x8;
	v12 =	vadd.s32 v12, v13  }
0x30d: {  	vm2 =	vgt.s32 v14, $0x0;
	vm15 =	vgt.s32 v12, $0x0  }
0x30e: {  	s20 =	sadd.s32 $0x1, s20;
	v63 =	vnsel vm2, $0x0, v14;
	v12 =	vnsel vm15, $0x0, v12  }
0x30f: {  	p0 =	sne.s32 s20, $0x8;
	v13 =	vmin.u32 v63, $0x7F  }
.Ltmp39:
0x310: {  	s4 =	sadd.s32 $0x10, s4;
	v11 =	vshll.u32 v11, $0xE;
	(pc) =	sbr.rel @p0 .LBB2_45-.Ltmp39, $4  }
0x311: {  	v11 =	vadd.s32 s4, v11  }
0x312: {  	v11 =	vadd.s32 v3, v11  }
0x313: {  	[tilespmem:v12+s24+$0x0] =	vst.idx.msk vm0, v11;
	s30 =	spop (v2sf)  }
0x314: {  	s3 =	sadd.s32 $0x800, s3;
	[tilespmem:v13+s25+$0x0] =	vst.idx.add.s32.msk vm0, v4;
	s19 =	sadd.s32 s5, s30  }
0x315: {  	v11 =	vld [tilespmem:$0x8900]  }
0x316: {  	v12 =	vld [tilespmem:$0x8910];
	_ =	sdelay $0x1  }
0x317: {  	v13 =	vld [tilespmem:$0x8920];
	_ =	sdelay $0x1  }
0x318: {  	v14 =	vld [tilespmem:$0x8930];
	(xrf0) =	vadd.scan.msk.s32 $0xffff, v11  }
0x319: {  	(xrf0) =	vadd.scan.msk.s32 $0xffff, v12  }
0x31a: {  	v15 =	vld [tilespmem:$0x8940]  }
0x31b: {  	v16 =	vld [tilespmem:$0x8950];
	(xrf0) =	vadd.scan.msk.s32 $0xffff, v13;
	_ =	sdelay $0x1  }
0x31c: {  	v17 =	vld [tilespmem:$0x8960];
	(xrf0) =	vadd.scan.msk.s32 $0xffff, v14  }
0x31d: {  	v18, _, _ =	vpop (xrf0)  }
0x31e: {  	(xrf0) =	vadd.scan.msk.s32 $0xffff, v15;
	(v2sf) =	vpush v18, $0xF;
	v19, _, _ =	vpop (xrf0)  }
0x31f: {  	(xrf0) =	vadd.scan.msk.s32 $0xffff, v16;
	(v2sf) =	vpush v19, $0xF  }
0x320: {  	v20, _, _ =	vpop (xrf0)  }
0x321: {  	(xrf0) =	vadd.scan.msk.s32 $0xffff, v17;
	(v2sf) =	vpush v20, $0xF  }
0x322: {  	v21, _, _ =	vpop (xrf0)  }
0x323: {  	(v2sf) =	vpush v21, $0xF  }
0x324: {  	v22, _, _ =	vpop (xrf0)  }
0x325: {  	v23, _, _ =	vpop (xrf0);
	(v2sf) =	vpush v22, $0xF  }
0x326: {  	(v2sf) =	vpush v23, $0xF  }
0x327: {  	v24, _, _ =	vpop (xrf0)  }
0x328: {  	(v2sf) =	vpush v24, $0xF;
	_ =	sdelay $0x3  }
0x329: {  	v57 =	vld [tilespmem:$0x8970];
	v11 =	vsub.s32 v18, v11;
	v18 =	vbroadcast v18, $0xF  }
0x32a: {  	[tilespmem:$0x8980] =	vst v11;
	v12 =	vsub.s32 v19, v12;
	s2 =	spop (v2sf)  }
0x32b: {  	[tilespmem:$0x8A00] =	vst v11;
	v11 =	vadd.s32 v18, v12;
	s3 =	spop (v2sf)  }
0x32c: {  	v58 =	vsub.s32 v20, v13;
	[tilespmem:$0x8990] =	vst v11;
	s2 =	sadd.s32 s2, s3  }
0x32d: {  	[tilespmem:$0x8A10] =	vst v11;
	s16 =	spop (v2sf);
	v11 =	vadd.s32 s2, v58  }
0x32e: {  	v59 =	vsub.s32 v21, v14;
	(xrf0) =	vadd.scan.msk.s32 $0xffff, v57;
	s2 =	sadd.s32 s2, s16;
	[tilespmem:$0x89A0] =	vst v11  }
0x32f: {  	s21 =	sadd.s32 $0xF, s19;
	s17 =	spop (v2sf);
	[tilespmem:$0x8A20] =	vst v11;
	v11 =	vadd.s32 s2, v59  }
0x330: {  	s5 =	sand.u32 $0xF, s21;
	s22 =	sshra.s32 s21, $0x1F;
	v60 =	vsub.s32 v22, v15;
	s2 =	sadd.s32 s2, s17;
	[tilespmem:$0x89B0] =	vst v11  }
0x331: {  	p0 =	slt.s32 s21, $0x1;
	p1 =	sne.s32 s5, $0x0;
	[tilespmem:$0x8A30] =	vst v11;
	v11 =	vadd.s32 s2, v60;
	s4 =	spop (v2sf)  }
0x332: {  	p0 =	por !p0, !p1;
	v61 =	vsub.s32 v23, v16;
	[tilespmem:$0x89C0] =	vst v11;
	s20 =	spop (v2sf);
	s2 =	sadd.s32 s2, s4  }
0x333: {  	p0 =	por !p0, !p0;
	[tilespmem:$0x8A40] =	vst v11;
	s3 =	sadd.s32 s2, s20;
	v11 =	vadd.s32 s2, v61;
	s2 =	sshrl.u32 s22, $0x1C  }
0x334: {  	v62 =	vsub.s32 v24, v17;
	v63, _, _ =	vpop (xrf0);
	s4 =	simm.s32 $0x1;
	s30 =	spop (v2sf);
	[tilespmem:$0x89D0] =	vst v11;
	s2 =	sadd.s32 s2, s21  }
0x335: {  	v12 =	vsub.s32 v63, v57;
	s4 =	simm.s32 @!p0 $0x0;
	[tilespmem:$0x8A50] =	vst v11;
	v11 =	vadd.s32 s3, v62;
	s3 =	sadd.s32 s3, s30;
	s2 =	sshra.s32 s2, $0x4  }
0x336: {  	v12 =	vadd.s32 s3, v12;
	s3 =	ssub.s32 s2, s4  }
0x337: {  	p0 =	slt.s32 s3, $0x1  }
.Ltmp40:
0x338: {  	_ = 	snop;
	(pc) =	sbr.rel @p0 .LBB2_55-.Ltmp40, $4  }
0x339: {  	[tilespmem:$0x89E0] =	vst v11  }
0x33a: {  	[tilespmem:$0x8A60] =	vst v11  }
0x33b: {  	[tilespmem:$0x89F0] =	vst v12  }
0x33c: {  	[tilespmem:$0x8A70] =	vst v12  }
0x33d: {  	p1 =	sne.s32 s3, $0x1  }
.Ltmp41:
0x33e: {  	_ = 	snop;
	(pc) =	sbr.rel @!p1 .LBB2_50-.Ltmp41, $3  }
0x33f: {  	_ =	sdelay $0x1  }
0x340: {  	s4 =	simm.s32 $0x800  }
0x341: {  	v11 =	vmov s19;
	s2 =	simm.s32 $0x0;
	s3 =	sadd.s32 $0xFFFFFFFF, s3;
	p0 =	por $0x0, $0x0;
	v12 =	vld [tilespmem:s4+$0x0]  }
0x342: {  	_ =	sdelay $0x3  }
0x343: {  	v13 =	vshra.s32 v12, $0x16  }
0x344: {  	vm0 =	vgt.s32 v13, $0x0  }
0x345: {  	v14 =	vor.u32 s2, v3;
	v13 =	vnsel vm0, $0x0, v13  }
0x346: {  	vm15 =	vlt.s32 v14, v11;
	v13 =	vmin.u32 v13, $0x7F  }
0x347: {  	(xrf1) =	vunique.msk.u32 vm15, v13;
	_ =	sdelay $0x9  }
0x348: {  	v14 =	vld.idx.msk [tilespmem:v13+s28+$0x0], $0xffff;
	_ =	sdelay $0x3  }
0x349: {  	_, v15, _ =	vpop (xrf1)  }
0x34a: {  	v14 =	vadd.s32 v15, v14  }
0x34b: {  	v14 =	vadd.s32 $0xFFFFFFFF, v14;
	_ =	sdelay $0x2  }
0x34c: {  	p1 =	sne.s32 s3, $0x1  }
.Ltmp42:
0x34d: {  	_ = 	snop;
	(pc) =	sbr.rel @!p1 .LBB2_52-.Ltmp42, $4  }
0x34e: {  	[tilespmem:v14+s29+$0x0] =	vst.idx.msk vm15, v12  }
0x34f: {  	s4 =	simm.s32 $0x810;
	[tilespmem:v13+s28+$0x0] =	vst.idx.add.s32.msk vm15, v4  }
0x350: {  	v12 =	vld [tilespmem:s4+$0x0]  }
0x351: {  	s5 =	sadd.s32 $0xFFFFFFFF, s3;
	p0 =	por $0x1, $0x1;
	s3 =	simm.s32 $0x0  }
.LBB2_53:
0x352: {  	p1 =	sne.s32 s5, $0x1;
	_ =	sdelay $0x2  }
0x353: {  	v13 =	vshra.s32 v12, $0x16  }
0x354: {  	s3 =	sadd.s32 $0x10, s3;
	vm0 =	vgt.s32 v13, $0x0  }
0x355: {  	v14 =	vor.u32 s3, v3;
	v13 =	vnsel vm0, $0x0, v13  }
0x356: {  	vm0 =	vlt.s32 v14, v11;
	v13 =	vmin.u32 v13, $0x7F  }
0x357: {  	(xrf1) =	vunique.msk.u32 vm0, v13;
	_ =	sdelay $0x8  }
0x358: {  	v14 =	vld.idx.msk [tilespmem:v13+s28+$0x0], $0xffff;
	_ =	sdelay $0x4  }
0x359: {  	_, v15, _ =	vpop (xrf1)  }
0x35a: {  	v14 =	vadd.s32 v15, v14  }
0x35b: {  	v14 =	vadd.s32 $0xFFFFFFFF, v14;
	_ =	sdelay $0x3  }
.Ltmp43:
0x35c: {  	(pc) =	sbr.rel @p1 .LBB2_53-.Ltmp43, $4  }
0x35d: {  	[tilespmem:v14+s29+$0x0] =	vst.idx.msk vm0, v12  }
0x35e: {  	s4 =	sadd.s32 $0x10, s4;
	[tilespmem:v13+s28+$0x0] =	vst.idx.add.s32.msk vm0, v4  }
0x35f: {  	v12 =	vld [tilespmem:s4+$0x0]  }
0x360: {  	s5 =	sadd.s32 $0xFFFFFFFF, s5  }
.LBB2_54:
0x361: {  	_ =	sdelay $0x2  }
0x362: {  	s3 =	sadd.s32 @p0 $0x10, s3;
	v13 =	vshra.s32 v12, $0x16  }
0x363: {  	s2 =	smov.u32 @p0 s3;
	vm0 =	vgt.s32 v13, $0x0  }
0x364: {  	v14 =	vor.u32 s2, v3;
	v13 =	vnsel vm0, $0x0, v13  }
0x365: {  	vm15 =	vlt.s32 v14, v11;
	v11 =	vmin.u32 v13, $0x7F  }
0x366: {  	(xrf1) =	vunique.msk.u32 vm15, v11;
	_ =	sdelay $0x9  }
0x367: {  	v13 =	vld.idx.msk [tilespmem:v11+s28+$0x0], $0xffff;
	_ =	sdelay $0x3  }
0x368: {  	_, v63, _ =	vpop (xrf1)  }
0x369: {  	v13 =	vadd.s32 v63, v13  }
0x36a: {  	v13 =	vadd.s32 $0xFFFFFFFF, v13;
	_ =	sdelay $0x4  }
0x36b: {  	[tilespmem:v13+s29+$0x0] =	vst.idx.msk vm15, v12  }
0x36c: {  	[tilespmem:v11+s28+$0x0] =	vst.idx.add.s32.msk vm15, v4  }
.LBB2_55:
0x36d: {  	s2 =	rddreg [dreg:$0xe];
	s3 =	simm.s32 $0x7A1400  }
0x36e: {  	[tilespmem:s31], [sflag:$0x1] =	stream.strided.gather [hbm4b:s2+s24], $0x4000, s3, s24, $0x38;
	[tilespmem:$0x19280] =	vst v63  }
0x36f: {  	s21 =	rddreg [dreg:$0xf]  }
0x370: {  	[tilespmem:s6], [sflag:$0x2] =	stream.strided.gather [hbm4b:s21+s24], $0x4000, s3, s24, $0x38;
	[tilespmem:$0x19280] =	vst v63  }
.Ltmp44:
0x371: {  	_ = 	snop;
	(pc) =	sbr.rel .LBB2_56-.Ltmp44, $4  }
0x372: {  	s22 =	rddreg [dreg:$0x10]  }
0x373: {  	[tilespmem:s0], [sflag:$0x3] =	stream.strided.gather [hbm4b:s22+s24], $0x4000, s3, s24, $0x38;
	[tilespmem:$0x19280] =	vst v63  }
0x374: {  	s30 =	rddreg [dreg:$0x11];
	s20 =	simm.s32 $0x0;
	s21 =	simm.s32 $0x0  }
0x375: {  	[tilespmem:s10], [sflag:$0x4] =	stream.strided.gather [hbm4b:s30+s24], $0x4000, s3, s24, $0x38;
	[tilespmem:$0x19280] =	vst v63  }
.LBB2_76:
0x376: {  	s20 =	smov.u32 @p0 s20  }
.LBB2_82:
0x377: {  	p0 =	sgt.u32 s21, $0x1C;
	s2 =	rddreg [dreg:$0xd]  }
0x378: {  	s3 =	rddreg [dreg:$0x3];
	s2 =	sadd.s32 @!p0 s22, s2  }
0x379: {  	s21 =	sadd.s32 $0x1, s21;
	s4 =	simm.s32 @!p0 $0x7A1400;
	s2 =	smin.u32 @!p0 s2, $0xF4180  }
0x37a: {  	s5 =	simm.s32 @!p0 $0x14A80;
	s2 =	sadd.s32 @!p0 s3, s2;
	s3 =	simm.s32 @!p0 $0x800  }
0x37b: {  	[tilespmem:s5], [sflag:$0x4] =	stream.strided.gather @!p0 [hbm4b:s2+s3], $0x4000, s4, s3, $0x38;
	[tilespmem:$0x19280] =	vst v63  }
0x37c: {  	p0 =	sne.s32 s21, $0x1F  }
.Ltmp45:
0x37d: {  	_ = 	snop;
	(pc) =	sbr.rel @!p0 .LBB2_83-.Ltmp45, $1  }
0x37e: {  	_ =	sdelay $0x3  }
.LBB2_56:
0x37f: {  	s19 =	sshll.u32 s21, $0x2  }
0x380: {  	v11 =	vor.u32 s19, v5;
	_ =	sdelay $0x1  }
0x381: {  	_ =	swait.ge [sflag:s26], $0x4000  }
0x382: {  	[sflag:s26] =	ssyncset.done $0x0  }
0x383: {  	[sflag:s26] =	ssyncadd.s32 $0xFFFFC000  }
0x384: {  	v11 =	vld.idx.msk [tilespmem:v11+s11+$0x0], $0xffff;
	_ =	sdelay $0x4  }
0x385: {  	(v2sf) =	vpush v11, $0x0  }
0x386: {  	(v2sf) =	vpush v11, $0x1;
	_ =	sdelay $0xd  }
0x387: {  	s2 =	spop (v2sf)  }
0x388: {  	s3 =	spop (v2sf)  }
0x389: {  	p0 =	sge.s32 s2, s3  }
.Ltmp46:
0x38a: {  	_ = 	snop;
	(pc) =	sbr.rel @p0 .LBB2_62-.Ltmp46, $2  }
0x38b: {  	_ =	sdelay $0x2  }
0x38c: {  	s22 =	sshll.u32 s21, $0xA  }
.Ltmp47:
0x38d: {  	(pc) =	sbr.rel .LBB2_58-.Ltmp47, $2  }
0x38e: {  	_ =	sdelay $0x2  }
0x38f: {  	v11 =	vbroadcast v11, $0x1  }
.LBB2_61:
0x390: {  	s2 =	sadd.s32 $0x10, s2  }
0x391: {  	p0 =	slt.s32 s2, s3  }
.Ltmp48:
0x392: {  	_ = 	snop;
	(pc) =	sbr.rel @!p0 .LBB2_62-.Ltmp48, $1  }
0x393: {  	_ =	sdelay $0x3  }
.LBB2_58:
0x394: {  	v12 =	vadd.s32 s2, v3  }
0x395: {  	vm0 =	vlt.s32 v12, v11  }
0x396: {  	v13 =	vsel vm0, $0x3F800000, v7  }
0x397: {  	(xrf0) =	vmax.scan.msk.f32 $0xffff, v13;
	_ =	sdelay $0x5  }
0x398: {  	v13, _, _ =	vpop (xrf0)  }
0x399: {  	(v2sf) =	vpush v13, $0xF;
	_ =	sdelay $0xe  }
0x39a: {  	s4 =	spop (v2sf)  }
0x39b: {  	p0 =	sgt.f32 s4, $0.0e+00  }
.Ltmp49:
0x39c: {  	_ = 	snop;
	(pc) =	sbr.rel @!p0 .LBB2_61-.Ltmp49, $2  }
0x39d: {  	_ =	sdelay $0x2  }
0x39e: {  	v12 =	vld.idx.msk [tilespmem:v12+s29+$0x0], $0xffff  }
0x39f: {  	s4 =	sshll.u32 s20, $0x7  }
.LBB2_60:
0x3a0: {  	v13 =	vmctz.xlane vm0;
	_ =	sdelay $0x1  }
0x3a1: {  	v14 =	vbroadcast v13, $0x0;
	_ =	sdelay $0x1  }
0x3a2: {  	v14 =	vperm.xlane v12, v14;
	_ =	sdelay $0x1  }
0x3a3: {  	(v2sf) =	vpush v14, $0x0;
	_ =	sdelay $0xe  }
0x3a4: {  	s5 =	spop (v2sf)  }
0x3a5: {  	s14 =	sshra.s32 s5, $0xE  }
0x3a6: {  	s14 =	ssub.s32 s14, s22  }
0x3a7: {  	v14 =	vmov s14  }
0x3a8: {  	v15 =	vshll.u32 v14, $0x3  }
0x3a9: {  	v14 =	vand.u32 $0x7F, v14;
	v15 =	vand.u32 $0xFFFFFC00, v15  }
0x3aa: {  	v14 =	vor.u32 v14, v15  }
0x3ab: {  	v15 =	vadd.s32 v6, v14;
	_ =	sdelay $0x4  }
0x3ac: {  	v15 =	vld.idx.msk [tilespmem:v15+s31+$0x0], $0xffff  }
0x3ad: {  	v16 =	vadd.s32 v8, v14;
	_ =	sdelay $0x2  }
0x3ae: {  	s16 =	sand.u32 $0x780, s4  }
0x3af: {  	[tilespmem:s16+$0x18A80] =	vst v15  }
0x3b0: {  	v15 =	vld.idx.msk [tilespmem:v16+s31+$0x0], $0xffff  }
0x3b1: {  	v63 =	vadd.s32 v9, v14;
	_ =	sdelay $0x3  }
0x3b2: {  	[tilespmem:s16+$0x18A90] =	vst v15  }
0x3b3: {  	v15 =	vld.idx.msk [tilespmem:v63+s31+$0x0], $0xffff  }
0x3b4: {  	v14 =	vadd.s32 v10, v14;
	_ =	sdelay $0x3  }
0x3b5: {  	[tilespmem:s16+$0x18AA0] =	vst v15  }
0x3b6: {  	v14 =	vld.idx.msk [tilespmem:v14+s31+$0x0], $0xffff;
	_ =	sdelay $0x2  }
0x3b7: {  	s20 =	sadd.s32 $0x1, s20;
	s5 =	sshll.u32 s5, $0x3  }
0x3b8: {  	s17 =	sand.u32 $0xF, s20;
	s5 =	sand.u32 $0x1FFF8, s5  }
0x3b9: {  	s15 =	sadd.s32 $0x18A80, s16;
	p0 =	sne.s32 s17, $0x0;
	s5 =	sadd.s32 s9, s5;
	[tilespmem:s16+$0x18AB0] =	vst v14  }
0x3ba: {  	[hbm4b:s5+s7] =	stream.linear.scatter [tilespmem:s15], [sflag:$0x5], $0x40, $0x38;
	[tilespmem:$0x19280] =	vst v63  }
0x3bb: {  	s5 =	simm.s32 @!p0 $0x5  }
0x3bc: {  	_ =	swait.ge @!p0 [sflag:s5], $0x40  }
0x3bd: {  	[sflag:s5] =	ssyncset.done @!p0 $0x0  }
0x3be: {  	[sflag:s5] =	ssyncadd.s32 @!p0 $0xFFFFFFC0  }
0x3bf: {  	_ =	swait.ge @!p0 [sflag:s5], $0x40  }
0x3c0: {  	[sflag:s5] =	ssyncset.done @!p0 $0x0  }
0x3c1: {  	[sflag:s5] =	ssyncadd.s32 @!p0 $0xFFFFFFC0  }
0x3c2: {  	_ =	swait.ge @!p0 [sflag:s5], $0x40  }
0x3c3: {  	[sflag:s5] =	ssyncset.done @!p0 $0x0  }
0x3c4: {  	[sflag:s5] =	ssyncadd.s32 @!p0 $0xFFFFFFC0  }
0x3c5: {  	_ =	swait.ge @!p0 [sflag:s5], $0x40  }
0x3c6: {  	[sflag:s5] =	ssyncset.done @!p0 $0x0  }
0x3c7: {  	[sflag:s5] =	ssyncadd.s32 @!p0 $0xFFFFFFC0  }
0x3c8: {  	_ =	swait.ge @!p0 [sflag:s5], $0x40  }
0x3c9: {  	[sflag:s5] =	ssyncset.done @!p0 $0x0  }
0x3ca: {  	[sflag:s5] =	ssyncadd.s32 @!p0 $0xFFFFFFC0  }
0x3cb: {  	_ =	swait.ge @!p0 [sflag:s5], $0x40  }
0x3cc: {  	[sflag:s5] =	ssyncset.done @!p0 $0x0  }
0x3cd: {  	[sflag:s5] =	ssyncadd.s32 @!p0 $0xFFFFFFC0  }
0x3ce: {  	_ =	swait.ge @!p0 [sflag:s5], $0x40  }
0x3cf: {  	[sflag:s5] =	ssyncset.done @!p0 $0x0  }
0x3d0: {  	[sflag:s5] =	ssyncadd.s32 @!p0 $0xFFFFFFC0  }
0x3d1: {  	_ =	swait.ge @!p0 [sflag:s5], $0x40  }
0x3d2: {  	[sflag:s5] =	ssyncset.done @!p0 $0x0  }
0x3d3: {  	[sflag:s5] =	ssyncadd.s32 @!p0 $0xFFFFFFC0  }
0x3d4: {  	_ =	swait.ge @!p0 [sflag:s5], $0x40  }
0x3d5: {  	[sflag:s5] =	ssyncset.done @!p0 $0x0  }
0x3d6: {  	[sflag:s5] =	ssyncadd.s32 @!p0 $0xFFFFFFC0  }
0x3d7: {  	_ =	swait.ge @!p0 [sflag:s5], $0x40  }
0x3d8: {  	[sflag:s5] =	ssyncset.done @!p0 $0x0  }
0x3d9: {  	[sflag:s5] =	ssyncadd.s32 @!p0 $0xFFFFFFC0  }
0x3da: {  	_ =	swait.ge @!p0 [sflag:s5], $0x40  }
0x3db: {  	[sflag:s5] =	ssyncset.done @!p0 $0x0  }
0x3dc: {  	[sflag:s5] =	ssyncadd.s32 @!p0 $0xFFFFFFC0  }
0x3dd: {  	_ =	swait.ge @!p0 [sflag:s5], $0x40  }
0x3de: {  	[sflag:s5] =	ssyncset.done @!p0 $0x0  }
0x3df: {  	[sflag:s5] =	ssyncadd.s32 @!p0 $0xFFFFFFC0  }
0x3e0: {  	_ =	swait.ge @!p0 [sflag:s5], $0x40  }
0x3e1: {  	[sflag:s5] =	ssyncset.done @!p0 $0x0  }
0x3e2: {  	[sflag:s5] =	ssyncadd.s32 @!p0 $0xFFFFFFC0  }
0x3e3: {  	_ =	swait.ge @!p0 [sflag:s5], $0x40  }
0x3e4: {  	[sflag:s5] =	ssyncset.done @!p0 $0x0  }
0x3e5: {  	[sflag:s5] =	ssyncadd.s32 @!p0 $0xFFFFFFC0  }
0x3e6: {  	_ =	swait.ge @!p0 [sflag:s5], $0x40  }
0x3e7: {  	vm1 =	vne.s32 v13, v3;
	[sflag:s5] =	ssyncset.done @!p0 $0x0  }
0x3e8: {  	vm0 =	vmand vm0, vm1;
	[sflag:s5] =	ssyncadd.s32 @!p0 $0xFFFFFFC0  }
0x3e9: {  	v13 =	vsel vm0, $0x3F800000, v7;
	_ =	swait.ge @!p0 [sflag:s5], $0x40  }
0x3ea: {  	(xrf0) =	vmax.scan.msk.f32 $0xffff, v13;
	_ =	sdelay $0x5  }
0x3eb: {  	v13, _, _ =	vpop (xrf0)  }
0x3ec: {  	(v2sf) =	vpush v13, $0xF;
	_ =	sdelay $0xe  }
0x3ed: {  	s30 =	spop (v2sf)  }
0x3ee: {  	p1 =	sgt.f32 s30, $0.0e+00  }
.Ltmp50:
0x3ef: {  	_ = 	snop;
	(pc) =	sbr.rel @p1 .LBB2_60-.Ltmp50, $3  }
0x3f0: {  	_ =	sdelay $0x1  }
0x3f1: {  	[sflag:s5] =	ssyncset.done @!p0 $0x0  }
0x3f2: {  	s4 =	sadd.s32 $0x80, s4;
	[sflag:s5] =	ssyncadd.s32 @!p0 $0xFFFFFFC0  }
.Ltmp51:
0x3f3: {  	_ = 	snop;
	(pc) =	sbr.rel .LBB2_61-.Ltmp51, $1  }
0x3f4: {  	_ =	sdelay $0x3  }
.LBB2_62:
0x3f5: {  	p0 =	seq.s32 s21, $0x1E;
	s2 =	rddreg [dreg:$0xa]  }
0x3f6: {  	s3 =	rddreg [dreg:$0x3];
	s2 =	sadd.s32 @!p0 s22, s2;
	s5 =	sor.u32 @!p0 $0x1, s19  }
0x3f7: {  	s14 =	simm.s32 @!p0 $0x8A80;
	s2 =	smin.u32 @!p0 s2, $0xF4180;
	s5 =	simm.s32 @p0 $0x79  }
0x3f8: {  	s4 =	sadd.s32 @!p0 s3, s2;
	s2 =	simm.s32 @!p0 $0x800;
	s3 =	simm.s32 @!p0 $0x7A1400;
	v11 =	vadd.s32 s5, v5  }
0x3f9: {  	[tilespmem:s14], [sflag:$0x1] =	stream.strided.gather @!p0 [hbm4b:s4+s2], $0x4000, s3, s2, $0x38;
	[tilespmem:$0x19280] =	vst v63  }
0x3fa: {  	_ =	swait.ge [sflag:s12], $0x4000  }
0x3fb: {  	[sflag:s12] =	ssyncset.done $0x0  }
0x3fc: {  	[sflag:s12] =	ssyncadd.s32 $0xFFFFC000  }
0x3fd: {  	v11 =	vld.idx.msk [tilespmem:v11+s11+$0x0], $0xffff;
	_ =	sdelay $0x4  }
0x3fe: {  	(v2sf) =	vpush v11, $0x0  }
0x3ff: {  	(v2sf) =	vpush v11, $0x1;
	_ =	sdelay $0xd  }
0x400: {  	s30 =	spop (v2sf)  }
0x401: {  	s4 =	spop (v2sf)  }
0x402: {  	p1 =	sge.s32 s30, s4  }
.Ltmp52:
0x403: {  	_ = 	snop;
	(pc) =	sbr.rel @p1 .LBB2_68-.Ltmp52, $1  }
0x404: {  	_ =	sdelay $0x3  }
.Ltmp53:
0x405: {  	(pc) =	sbr.rel .LBB2_64-.Ltmp53, $4  }
0x406: {  	s5 =	sshll.u32 s5, $0x8  }
0x407: {  	s5 =	sadd.s32 s1, s5  }
0x408: {  	s5 =	smin.u32 s5, $0xF4180  }
0x409: {  	v11 =	vbroadcast v11, $0x1;
	s5 =	ssub.s32 s1, s5  }
.LBB2_67:
0x40a: {  	s30 =	sadd.s32 $0x10, s30  }
0x40b: {  	p1 =	slt.s32 s30, s4  }
.Ltmp54:
0x40c: {  	_ = 	snop;
	(pc) =	sbr.rel @!p1 .LBB2_68-.Ltmp54, $1  }
0x40d: {  	_ =	sdelay $0x3  }
.LBB2_64:
0x40e: {  	v12 =	vadd.s32 s30, v3  }
0x40f: {  	vm0 =	vlt.s32 v12, v11  }
0x410: {  	v13 =	vsel vm0, $0x3F800000, v7  }
0x411: {  	(xrf0) =	vmax.scan.msk.f32 $0xffff, v13;
	_ =	sdelay $0x5  }
0x412: {  	v13, _, _ =	vpop (xrf0)  }
0x413: {  	(v2sf) =	vpush v13, $0xF;
	_ =	sdelay $0xe  }
0x414: {  	s14 =	spop (v2sf)  }
0x415: {  	p1 =	sgt.f32 s14, $0.0e+00  }
.Ltmp55:
0x416: {  	_ = 	snop;
	(pc) =	sbr.rel @!p1 .LBB2_67-.Ltmp55, $2  }
0x417: {  	_ =	sdelay $0x2  }
0x418: {  	v12 =	vld.idx.msk [tilespmem:v12+s29+$0x0], $0xffff  }
0x419: {  	s16 =	sshll.u32 s20, $0x7  }
.LBB2_66:
0x41a: {  	v13 =	vmctz.xlane vm0;
	_ =	sdelay $0x1  }
0x41b: {  	v14 =	vbroadcast v13, $0x0;
	_ =	sdelay $0x1  }
0x41c: {  	v14 =	vperm.xlane v12, v14;
	_ =	sdelay $0x1  }
0x41d: {  	(v2sf) =	vpush v14, $0x0;
	_ =	sdelay $0xe  }
0x41e: {  	s14 =	spop (v2sf)  }
0x41f: {  	s15 =	sshra.s32 s14, $0xE  }
0x420: {  	s15 =	sadd.s32 s15, s5  }
0x421: {  	v14 =	vmov s15  }
0x422: {  	v15 =	vshll.u32 v14, $0x3  }
0x423: {  	v14 =	vand.u32 $0x7F, v14;
	v15 =	vand.u32 $0xFFFFFC00, v15  }
0x424: {  	v14 =	vor.u32 v14, v15  }
0x425: {  	v15 =	vadd.s32 v6, v14;
	_ =	sdelay $0x4  }
0x426: {  	v15 =	vld.idx.msk [tilespmem:v15+s6+$0x0], $0xffff  }
0x427: {  	v16 =	vadd.s32 v8, v14;
	_ =	sdelay $0x2  }
0x428: {  	s15 =	sand.u32 $0x780, s16  }
0x429: {  	[tilespmem:s15+$0x18A80] =	vst v15  }
0x42a: {  	v15 =	vld.idx.msk [tilespmem:v16+s6+$0x0], $0xffff  }
0x42b: {  	v63 =	vadd.s32 v9, v14;
	_ =	sdelay $0x3  }
0x42c: {  	[tilespmem:s15+$0x18A90] =	vst v15  }
0x42d: {  	v15 =	vld.idx.msk [tilespmem:v63+s6+$0x0], $0xffff  }
0x42e: {  	v14 =	vadd.s32 v10, v14;
	_ =	sdelay $0x3  }
0x42f: {  	[tilespmem:s15+$0x18AA0] =	vst v15  }
0x430: {  	v14 =	vld.idx.msk [tilespmem:v14+s6+$0x0], $0xffff;
	_ =	sdelay $0x2  }
0x431: {  	s14 =	sshll.u32 s14, $0x3  }
0x432: {  	s20 =	sadd.s32 $0x1, s20;
	s14 =	sand.u32 $0x1FFF8, s14  }
0x433: {  	s14 =	sadd.s32 s9, s14;
	s17 =	sadd.s32 $0x18A80, s15;
	[tilespmem:s15+$0x18AB0] =	vst v14;
	s15 =	sand.u32 $0xF, s20  }
0x434: {  	[hbm4b:s14+s7] =	stream.linear.scatter [tilespmem:s17], [sflag:$0x5], $0x40, $0x38;
	[tilespmem:$0x19280] =	vst v63  }
0x435: {  	p1 =	sne.s32 s15, $0x0  }
0x436: {  	s14 =	simm.s32 @!p1 $0x5  }
0x437: {  	_ =	swait.ge @!p1 [sflag:s14], $0x40  }
0x438: {  	[sflag:s14] =	ssyncset.done @!p1 $0x0  }
0x439: {  	[sflag:s14] =	ssyncadd.s32 @!p1 $0xFFFFFFC0  }
0x43a: {  	_ =	swait.ge @!p1 [sflag:s14], $0x40  }
0x43b: {  	[sflag:s14] =	ssyncset.done @!p1 $0x0  }
0x43c: {  	[sflag:s14] =	ssyncadd.s32 @!p1 $0xFFFFFFC0  }
0x43d: {  	_ =	swait.ge @!p1 [sflag:s14], $0x40  }
0x43e: {  	[sflag:s14] =	ssyncset.done @!p1 $0x0  }
0x43f: {  	[sflag:s14] =	ssyncadd.s32 @!p1 $0xFFFFFFC0  }
0x440: {  	_ =	swait.ge @!p1 [sflag:s14], $0x40  }
0x441: {  	[sflag:s14] =	ssyncset.done @!p1 $0x0  }
0x442: {  	[sflag:s14] =	ssyncadd.s32 @!p1 $0xFFFFFFC0  }
0x443: {  	_ =	swait.ge @!p1 [sflag:s14], $0x40  }
0x444: {  	[sflag:s14] =	ssyncset.done @!p1 $0x0  }
0x445: {  	[sflag:s14] =	ssyncadd.s32 @!p1 $0xFFFFFFC0  }
0x446: {  	_ =	swait.ge @!p1 [sflag:s14], $0x40  }
0x447: {  	[sflag:s14] =	ssyncset.done @!p1 $0x0  }
0x448: {  	[sflag:s14] =	ssyncadd.s32 @!p1 $0xFFFFFFC0  }
0x449: {  	_ =	swait.ge @!p1 [sflag:s14], $0x40  }
0x44a: {  	[sflag:s14] =	ssyncset.done @!p1 $0x0  }
0x44b: {  	[sflag:s14] =	ssyncadd.s32 @!p1 $0xFFFFFFC0  }
0x44c: {  	_ =	swait.ge @!p1 [sflag:s14], $0x40  }
0x44d: {  	[sflag:s14] =	ssyncset.done @!p1 $0x0  }
0x44e: {  	[sflag:s14] =	ssyncadd.s32 @!p1 $0xFFFFFFC0  }
0x44f: {  	_ =	swait.ge @!p1 [sflag:s14], $0x40  }
0x450: {  	[sflag:s14] =	ssyncset.done @!p1 $0x0  }
0x451: {  	[sflag:s14] =	ssyncadd.s32 @!p1 $0xFFFFFFC0  }
0x452: {  	_ =	swait.ge @!p1 [sflag:s14], $0x40  }
0x453: {  	[sflag:s14] =	ssyncset.done @!p1 $0x0  }
0x454: {  	[sflag:s14] =	ssyncadd.s32 @!p1 $0xFFFFFFC0  }
0x455: {  	_ =	swait.ge @!p1 [sflag:s14], $0x40  }
0x456: {  	[sflag:s14] =	ssyncset.done @!p1 $0x0  }
0x457: {  	[sflag:s14] =	ssyncadd.s32 @!p1 $0xFFFFFFC0  }
0x458: {  	_ =	swait.ge @!p1 [sflag:s14], $0x40  }
0x459: {  	[sflag:s14] =	ssyncset.done @!p1 $0x0  }
0x45a: {  	[sflag:s14] =	ssyncadd.s32 @!p1 $0xFFFFFFC0  }
0x45b: {  	_ =	swait.ge @!p1 [sflag:s14], $0x40  }
0x45c: {  	[sflag:s14] =	ssyncset.done @!p1 $0x0  }
0x45d: {  	[sflag:s14] =	ssyncadd.s32 @!p1 $0xFFFFFFC0  }
0x45e: {  	_ =	swait.ge @!p1 [sflag:s14], $0x40  }
0x45f: {  	[sflag:s14] =	ssyncset.done @!p1 $0x0  }
0x460: {  	[sflag:s14] =	ssyncadd.s32 @!p1 $0xFFFFFFC0  }
0x461: {  	_ =	swait.ge @!p1 [sflag:s14], $0x40  }
0x462: {  	vm1 =	vne.s32 v13, v3;
	[sflag:s14] =	ssyncset.done @!p1 $0x0  }
0x463: {  	vm0 =	vmand vm0, vm1;
	[sflag:s14] =	ssyncadd.s32 @!p1 $0xFFFFFFC0  }
0x464: {  	v13 =	vsel vm0, $0x3F800000, v7;
	_ =	swait.ge @!p1 [sflag:s14], $0x40  }
0x465: {  	(xrf0) =	vmax.scan.msk.f32 $0xffff, v13;
	_ =	sdelay $0x5  }
0x466: {  	v13, _, _ =	vpop (xrf0)  }
0x467: {  	(v2sf) =	vpush v13, $0xF;
	_ =	sdelay $0xe  }
0x468: {  	s17 =	spop (v2sf)  }
0x469: {  	p2 =	sgt.f32 s17, $0.0e+00  }
.Ltmp56:
0x46a: {  	_ = 	snop;
	(pc) =	sbr.rel @p2 .LBB2_66-.Ltmp56, $3  }
0x46b: {  	_ =	sdelay $0x1  }
0x46c: {  	[sflag:s14] =	ssyncset.done @!p1 $0x0  }
0x46d: {  	s16 =	sadd.s32 $0x80, s16;
	[sflag:s14] =	ssyncadd.s32 @!p1 $0xFFFFFFC0  }
.Ltmp57:
0x46e: {  	_ = 	snop;
	(pc) =	sbr.rel .LBB2_67-.Ltmp57, $1  }
0x46f: {  	_ =	sdelay $0x3  }
.LBB2_68:
0x470: {  	s4 =	rddreg [dreg:$0xb]  }
0x471: {  	s5 =	sadd.s32 @!p0 s22, s4;
	s4 =	sor.u32 @!p0 $0x2, s19  }
0x472: {  	s14 =	rddreg [dreg:$0x3];
	s5 =	smin.u32 @!p0 s5, $0xF4180;
	s4 =	simm.s32 @p0 $0x7A  }
0x473: {  	s5 =	sadd.s32 @!p0 s14, s5;
	s14 =	simm.s32 @!p0 $0xCA80;
	v11 =	vor.u32 s4, v5  }
0x474: {  	[tilespmem:s14], [sflag:$0x2] =	stream.strided.gather @!p0 [hbm4b:s5+s2], $0x4000, s3, s2, $0x38;
	[tilespmem:$0x19280] =	vst v63  }
0x475: {  	_ =	swait.ge [sflag:s13], $0x4000  }
0x476: {  	[sflag:s13] =	ssyncset.done $0x0  }
0x477: {  	[sflag:s13] =	ssyncadd.s32 $0xFFFFC000  }
0x478: {  	v11 =	vld.idx.msk [tilespmem:v11+s11+$0x0], $0xffff;
	_ =	sdelay $0x4  }
0x479: {  	(v2sf) =	vpush v11, $0x0  }
0x47a: {  	(v2sf) =	vpush v11, $0x1;
	_ =	sdelay $0xd  }
0x47b: {  	s2 =	spop (v2sf)  }
0x47c: {  	s3 =	spop (v2sf)  }
0x47d: {  	p1 =	sge.s32 s2, s3  }
.Ltmp58:
0x47e: {  	_ = 	snop;
	(pc) =	sbr.rel @p1 .LBB2_74-.Ltmp58, $1  }
0x47f: {  	_ =	sdelay $0x3  }
.Ltmp59:
0x480: {  	(pc) =	sbr.rel .LBB2_70-.Ltmp59, $4  }
0x481: {  	s4 =	sshll.u32 s4, $0x8  }
0x482: {  	s4 =	sadd.s32 s1, s4  }
0x483: {  	s4 =	smin.u32 s4, $0xF4180  }
0x484: {  	v11 =	vbroadcast v11, $0x1;
	s4 =	ssub.s32 s1, s4  }
.LBB2_73:
0x485: {  	s2 =	sadd.s32 $0x10, s2  }
0x486: {  	p1 =	slt.s32 s2, s3  }
.Ltmp60:
0x487: {  	_ = 	snop;
	(pc) =	sbr.rel @!p1 .LBB2_74-.Ltmp60, $1  }
0x488: {  	_ =	sdelay $0x3  }
.LBB2_70:
0x489: {  	v12 =	vadd.s32 s2, v3  }
0x48a: {  	vm0 =	vlt.s32 v12, v11  }
0x48b: {  	v13 =	vsel vm0, $0x3F800000, v7  }
0x48c: {  	(xrf0) =	vmax.scan.msk.f32 $0xffff, v13;
	_ =	sdelay $0x5  }
0x48d: {  	v13, _, _ =	vpop (xrf0)  }
0x48e: {  	(v2sf) =	vpush v13, $0xF;
	_ =	sdelay $0xe  }
0x48f: {  	s5 =	spop (v2sf)  }
0x490: {  	p1 =	sgt.f32 s5, $0.0e+00  }
.Ltmp61:
0x491: {  	_ = 	snop;
	(pc) =	sbr.rel @!p1 .LBB2_73-.Ltmp61, $2  }
0x492: {  	_ =	sdelay $0x2  }
0x493: {  	v12 =	vld.idx.msk [tilespmem:v12+s29+$0x0], $0xffff  }
0x494: {  	s5 =	sshll.u32 s20, $0x7  }
.LBB2_72:
0x495: {  	v13 =	vmctz.xlane vm0;
	_ =	sdelay $0x1  }
0x496: {  	v14 =	vbroadcast v13, $0x0;
	_ =	sdelay $0x1  }
0x497: {  	v14 =	vperm.xlane v12, v14;
	_ =	sdelay $0x1  }
0x498: {  	(v2sf) =	vpush v14, $0x0;
	_ =	sdelay $0xe  }
0x499: {  	s14 =	spop (v2sf)  }
0x49a: {  	s15 =	sshra.s32 s14, $0xE  }
0x49b: {  	s15 =	sadd.s32 s15, s4  }
0x49c: {  	v14 =	vmov s15  }
0x49d: {  	v15 =	vshll.u32 v14, $0x3  }
0x49e: {  	v14 =	vand.u32 $0x7F, v14;
	v15 =	vand.u32 $0xFFFFFC00, v15  }
0x49f: {  	v14 =	vor.u32 v14, v15  }
0x4a0: {  	v15 =	vadd.s32 v6, v14;
	_ =	sdelay $0x4  }
0x4a1: {  	v15 =	vld.idx.msk [tilespmem:v15+s0+$0x0], $0xffff  }
0x4a2: {  	v16 =	vadd.s32 v8, v14;
	_ =	sdelay $0x2  }
0x4a3: {  	s30 =	sand.u32 $0x780, s5  }
0x4a4: {  	[tilespmem:s30+$0x18A80] =	vst v15  }
0x4a5: {  	v15 =	vld.idx.msk [tilespmem:v16+s0+$0x0], $0xffff  }
0x4a6: {  	v63 =	vadd.s32 v9, v14;
	_ =	sdelay $0x3  }
0x4a7: {  	[tilespmem:s30+$0x18A90] =	vst v15  }
0x4a8: {  	v15 =	vld.idx.msk [tilespmem:v63+s0+$0x0], $0xffff  }
0x4a9: {  	v14 =	vadd.s32 v10, v14;
	_ =	sdelay $0x3  }
0x4aa: {  	[tilespmem:s30+$0x18AA0] =	vst v15  }
0x4ab: {  	v14 =	vld.idx.msk [tilespmem:v14+s0+$0x0], $0xffff;
	_ =	sdelay $0x2  }
0x4ac: {  	s20 =	sadd.s32 $0x1, s20;
	s14 =	sshll.u32 s14, $0x3  }
0x4ad: {  	s17 =	sand.u32 $0xF, s20;
	s14 =	sand.u32 $0x1FFF8, s14  }
0x4ae: {  	s16 =	sadd.s32 $0x18A80, s30;
	p1 =	sne.s32 s17, $0x0;
	s14 =	sadd.s32 s9, s14;
	[tilespmem:s30+$0x18AB0] =	vst v14  }
0x4af: {  	[hbm4b:s14+s7] =	stream.linear.scatter [tilespmem:s16], [sflag:$0x5], $0x40, $0x38;
	[tilespmem:$0x19280] =	vst v63  }
0x4b0: {  	s14 =	simm.s32 @!p1 $0x5  }
0x4b1: {  	_ =	swait.ge @!p1 [sflag:s14], $0x40  }
0x4b2: {  	[sflag:s14] =	ssyncset.done @!p1 $0x0  }
0x4b3: {  	[sflag:s14] =	ssyncadd.s32 @!p1 $0xFFFFFFC0  }
0x4b4: {  	_ =	swait.ge @!p1 [sflag:s14], $0x40  }
0x4b5: {  	[sflag:s14] =	ssyncset.done @!p1 $0x0  }
0x4b6: {  	[sflag:s14] =	ssyncadd.s32 @!p1 $0xFFFFFFC0  }
0x4b7: {  	_ =	swait.ge @!p1 [sflag:s14], $0x40  }
0x4b8: {  	[sflag:s14] =	ssyncset.done @!p1 $0x0  }
0x4b9: {  	[sflag:s14] =	ssyncadd.s32 @!p1 $0xFFFFFFC0  }
0x4ba: {  	_ =	swait.ge @!p1 [sflag:s14], $0x40  }
0x4bb: {  	[sflag:s14] =	ssyncset.done @!p1 $0x0  }
0x4bc: {  	[sflag:s14] =	ssyncadd.s32 @!p1 $0xFFFFFFC0  }
0x4bd: {  	_ =	swait.ge @!p1 [sflag:s14], $0x40  }
0x4be: {  	[sflag:s14] =	ssyncset.done @!p1 $0x0  }
0x4bf: {  	[sflag:s14] =	ssyncadd.s32 @!p1 $0xFFFFFFC0  }
0x4c0: {  	_ =	swait.ge @!p1 [sflag:s14], $0x40  }
0x4c1: {  	[sflag:s14] =	ssyncset.done @!p1 $0x0  }
0x4c2: {  	[sflag:s14] =	ssyncadd.s32 @!p1 $0xFFFFFFC0  }
0x4c3: {  	_ =	swait.ge @!p1 [sflag:s14], $0x40  }
0x4c4: {  	[sflag:s14] =	ssyncset.done @!p1 $0x0  }
0x4c5: {  	[sflag:s14] =	ssyncadd.s32 @!p1 $0xFFFFFFC0  }
0x4c6: {  	_ =	swait.ge @!p1 [sflag:s14], $0x40  }
0x4c7: {  	[sflag:s14] =	ssyncset.done @!p1 $0x0  }
0x4c8: {  	[sflag:s14] =	ssyncadd.s32 @!p1 $0xFFFFFFC0  }
0x4c9: {  	_ =	swait.ge @!p1 [sflag:s14], $0x40  }
0x4ca: {  	[sflag:s14] =	ssyncset.done @!p1 $0x0  }
0x4cb: {  	[sflag:s14] =	ssyncadd.s32 @!p1 $0xFFFFFFC0  }
0x4cc: {  	_ =	swait.ge @!p1 [sflag:s14], $0x40  }
0x4cd: {  	[sflag:s14] =	ssyncset.done @!p1 $0x0  }
0x4ce: {  	[sflag:s14] =	ssyncadd.s32 @!p1 $0xFFFFFFC0  }
0x4cf: {  	_ =	swait.ge @!p1 [sflag:s14], $0x40  }
0x4d0: {  	[sflag:s14] =	ssyncset.done @!p1 $0x0  }
0x4d1: {  	[sflag:s14] =	ssyncadd.s32 @!p1 $0xFFFFFFC0  }
0x4d2: {  	_ =	swait.ge @!p1 [sflag:s14], $0x40  }
0x4d3: {  	[sflag:s14] =	ssyncset.done @!p1 $0x0  }
0x4d4: {  	[sflag:s14] =	ssyncadd.s32 @!p1 $0xFFFFFFC0  }
0x4d5: {  	_ =	swait.ge @!p1 [sflag:s14], $0x40  }
0x4d6: {  	[sflag:s14] =	ssyncset.done @!p1 $0x0  }
0x4d7: {  	[sflag:s14] =	ssyncadd.s32 @!p1 $0xFFFFFFC0  }
0x4d8: {  	_ =	swait.ge @!p1 [sflag:s14], $0x40  }
0x4d9: {  	[sflag:s14] =	ssyncset.done @!p1 $0x0  }
0x4da: {  	[sflag:s14] =	ssyncadd.s32 @!p1 $0xFFFFFFC0  }
0x4db: {  	_ =	swait.ge @!p1 [sflag:s14], $0x40  }
0x4dc: {  	vm1 =	vne.s32 v13, v3;
	[sflag:s14] =	ssyncset.done @!p1 $0x0  }
0x4dd: {  	vm0 =	vmand vm0, vm1;
	[sflag:s14] =	ssyncadd.s32 @!p1 $0xFFFFFFC0  }
0x4de: {  	v13 =	vsel vm0, $0x3F800000, v7;
	_ =	swait.ge @!p1 [sflag:s14], $0x40  }
0x4df: {  	(xrf0) =	vmax.scan.msk.f32 $0xffff, v13;
	_ =	sdelay $0x5  }
0x4e0: {  	v13, _, _ =	vpop (xrf0)  }
0x4e1: {  	(v2sf) =	vpush v13, $0xF;
	_ =	sdelay $0xe  }
0x4e2: {  	s30 =	spop (v2sf)  }
0x4e3: {  	p2 =	sgt.f32 s30, $0.0e+00  }
.Ltmp62:
0x4e4: {  	_ = 	snop;
	(pc) =	sbr.rel @p2 .LBB2_72-.Ltmp62, $3  }
0x4e5: {  	_ =	sdelay $0x1  }
0x4e6: {  	[sflag:s14] =	ssyncset.done @!p1 $0x0  }
0x4e7: {  	s5 =	sadd.s32 $0x80, s5;
	[sflag:s14] =	ssyncadd.s32 @!p1 $0xFFFFFFC0  }
.Ltmp63:
0x4e8: {  	_ = 	snop;
	(pc) =	sbr.rel .LBB2_73-.Ltmp63, $1  }
0x4e9: {  	_ =	sdelay $0x3  }
.LBB2_74:
.Ltmp64:
0x4ea: {  	(pc) =	sbr.rel @p0 .LBB2_83-.Ltmp64, $1  }
0x4eb: {  	_ =	sdelay $0x3  }
0x4ec: {  	s4 =	sor.u32 $0x3, s19;
	s2 =	rddreg [dreg:$0xc]  }
0x4ed: {  	s2 =	sadd.s32 s22, s2;
	p0 =	sgt.u32 s4, $0x7A  }
0x4ee: {  	s3 =	rddreg [dreg:$0x3];
	s2 =	smin.u32 s2, $0xF4180;
	v11 =	vimm.s32 @!p0 $0x1;
	vm0 =	vcmask @!p0 $0x300  }
0x4ef: {  	s30 =	simm.s32 $0x7A1400;
	s2 =	sadd.s32 s3, s2;
	v11 =	vsel @!p0 vm0, $0x0, v11  }
0x4f0: {  	[tilespmem:s0], [sflag:$0x3] =	stream.strided.gather [hbm4b:s2+s24], $0x4000, s30, s24, $0x38;
	v11 =	vadd.s32 @!p0 s4, v11;
	[tilespmem:$0x19280] =	vst v63  }
0x4f1: {  	s2 =	simm.s32 @!p0 $0x4  }
0x4f2: {  	_ =	swait.ge @!p0 [sflag:s2], $0x4000  }
0x4f3: {  	[sflag:s2] =	ssyncset.done @!p0 $0x0  }
0x4f4: {  	[sflag:s2] =	ssyncadd.s32 @!p0 $0xFFFFC000;
	s2 =	simm.s32 @!p0 $0x8980  }
0x4f5: {  	v11 =	vld.idx.msk @!p0 [tilespmem:v11+s2+$0x0], $0xffff;
	_ =	sdelay $0x4  }
0x4f6: {  	(v2sf) =	vpush @!p0 v11, $0x0  }
0x4f7: {  	(v2sf) =	vpush @!p0 v11, $0x1;
	_ =	sdelay $0xd  }
0x4f8: {  	s2 =	spop @!p0 (v2sf)  }
0x4f9: {  	s3 =	spop @!p0 (v2sf)  }
0x4fa: {  	p1 =	sge.s32 @!p0 s2, s3  }
0x4fb: {  	p1 =	por p0, p1  }
.Ltmp65:
0x4fc: {  	_ = 	snop;
	(pc) =	sbr.rel @p1 .LBB2_76-.Ltmp65, $1  }
0x4fd: {  	_ =	sdelay $0x3  }
.Ltmp66:
0x4fe: {  	(pc) =	sbr.rel .LBB2_78-.Ltmp66, $4  }
0x4ff: {  	s4 =	sshll.u32 s4, $0x8  }
0x500: {  	s4 =	sadd.s32 s1, s4  }
0x501: {  	s4 =	smin.u32 s4, $0xF4180  }
0x502: {  	v11 =	vbroadcast v11, $0x1;
	s4 =	ssub.s32 s1, s4  }
.LBB2_81:
0x503: {  	s2 =	sadd.s32 $0x10, s2  }
0x504: {  	p0 =	slt.s32 s2, s3  }
.Ltmp67:
0x505: {  	_ = 	snop;
	(pc) =	sbr.rel @!p0 .LBB2_82-.Ltmp67, $1  }
0x506: {  	_ =	sdelay $0x3  }
.LBB2_78:
0x507: {  	v12 =	vadd.s32 s2, v3  }
0x508: {  	vm0 =	vlt.s32 v12, v11  }
0x509: {  	v13 =	vsel vm0, $0x3F800000, v7  }
0x50a: {  	(xrf0) =	vmax.scan.msk.f32 $0xffff, v13;
	_ =	sdelay $0x5  }
0x50b: {  	v13, _, _ =	vpop (xrf0)  }
0x50c: {  	(v2sf) =	vpush v13, $0xF;
	_ =	sdelay $0xe  }
0x50d: {  	s5 =	spop (v2sf)  }
0x50e: {  	p0 =	sgt.f32 s5, $0.0e+00  }
.Ltmp68:
0x50f: {  	_ = 	snop;
	(pc) =	sbr.rel @!p0 .LBB2_81-.Ltmp68, $2  }
0x510: {  	_ =	sdelay $0x2  }
0x511: {  	v12 =	vld.idx.msk [tilespmem:v12+s29+$0x0], $0xffff  }
0x512: {  	s5 =	sshll.u32 s20, $0x7  }
.LBB2_80:
0x513: {  	v13 =	vmctz.xlane vm0;
	_ =	sdelay $0x1  }
0x514: {  	v14 =	vbroadcast v13, $0x0;
	_ =	sdelay $0x1  }
0x515: {  	v14 =	vperm.xlane v12, v14;
	_ =	sdelay $0x1  }
0x516: {  	(v2sf) =	vpush v14, $0x0;
	_ =	sdelay $0xe  }
0x517: {  	s14 =	spop (v2sf)  }
0x518: {  	s15 =	sshra.s32 s14, $0xE  }
0x519: {  	s15 =	sadd.s32 s15, s4  }
0x51a: {  	v14 =	vmov s15  }
0x51b: {  	v15 =	vshll.u32 v14, $0x3  }
0x51c: {  	v14 =	vand.u32 $0x7F, v14;
	v15 =	vand.u32 $0xFFFFFC00, v15  }
0x51d: {  	v14 =	vor.u32 v14, v15  }
0x51e: {  	v15 =	vadd.s32 v6, v14;
	_ =	sdelay $0x4  }
0x51f: {  	v15 =	vld.idx.msk [tilespmem:v15+s10+$0x0], $0xffff  }
0x520: {  	v16 =	vadd.s32 v8, v14;
	_ =	sdelay $0x2  }
0x521: {  	s17 =	sand.u32 $0x780, s5  }
0x522: {  	[tilespmem:s17+$0x18A80] =	vst v15  }
0x523: {  	v15 =	vld.idx.msk [tilespmem:v16+s10+$0x0], $0xffff  }
0x524: {  	v63 =	vadd.s32 v9, v14;
	_ =	sdelay $0x3  }
0x525: {  	[tilespmem:s17+$0x18A90] =	vst v15  }
0x526: {  	v15 =	vld.idx.msk [tilespmem:v63+s10+$0x0], $0xffff  }
0x527: {  	v14 =	vadd.s32 v10, v14;
	_ =	sdelay $0x3  }
0x528: {  	[tilespmem:s17+$0x18AA0] =	vst v15  }
0x529: {  	v14 =	vld.idx.msk [tilespmem:v14+s10+$0x0], $0xffff;
	_ =	sdelay $0x2  }
0x52a: {  	s20 =	sadd.s32 $0x1, s20;
	s14 =	sshll.u32 s14, $0x3  }
0x52b: {  	s19 =	sand.u32 $0xF, s20;
	s14 =	sand.u32 $0x1FFF8, s14  }
0x52c: {  	s16 =	sadd.s32 $0x18A80, s17;
	p0 =	sne.s32 s19, $0x0;
	s14 =	sadd.s32 s9, s14;
	[tilespmem:s17+$0x18AB0] =	vst v14  }
0x52d: {  	[hbm4b:s14+s7] =	stream.linear.scatter [tilespmem:s16], [sflag:$0x5], $0x40, $0x38;
	[tilespmem:$0x19280] =	vst v63  }
0x52e: {  	s14 =	simm.s32 @!p0 $0x5  }
0x52f: {  	_ =	swait.ge @!p0 [sflag:s14], $0x40  }
0x530: {  	[sflag:s14] =	ssyncset.done @!p0 $0x0  }
0x531: {  	[sflag:s14] =	ssyncadd.s32 @!p0 $0xFFFFFFC0  }
0x532: {  	_ =	swait.ge @!p0 [sflag:s14], $0x40  }
0x533: {  	[sflag:s14] =	ssyncset.done @!p0 $0x0  }
0x534: {  	[sflag:s14] =	ssyncadd.s32 @!p0 $0xFFFFFFC0  }
0x535: {  	_ =	swait.ge @!p0 [sflag:s14], $0x40  }
0x536: {  	[sflag:s14] =	ssyncset.done @!p0 $0x0  }
0x537: {  	[sflag:s14] =	ssyncadd.s32 @!p0 $0xFFFFFFC0  }
0x538: {  	_ =	swait.ge @!p0 [sflag:s14], $0x40  }
0x539: {  	[sflag:s14] =	ssyncset.done @!p0 $0x0  }
0x53a: {  	[sflag:s14] =	ssyncadd.s32 @!p0 $0xFFFFFFC0  }
0x53b: {  	_ =	swait.ge @!p0 [sflag:s14], $0x40  }
0x53c: {  	[sflag:s14] =	ssyncset.done @!p0 $0x0  }
0x53d: {  	[sflag:s14] =	ssyncadd.s32 @!p0 $0xFFFFFFC0  }
0x53e: {  	_ =	swait.ge @!p0 [sflag:s14], $0x40  }
0x53f: {  	[sflag:s14] =	ssyncset.done @!p0 $0x0  }
0x540: {  	[sflag:s14] =	ssyncadd.s32 @!p0 $0xFFFFFFC0  }
0x541: {  	_ =	swait.ge @!p0 [sflag:s14], $0x40  }
0x542: {  	[sflag:s14] =	ssyncset.done @!p0 $0x0  }
0x543: {  	[sflag:s14] =	ssyncadd.s32 @!p0 $0xFFFFFFC0  }
0x544: {  	_ =	swait.ge @!p0 [sflag:s14], $0x40  }
0x545: {  	[sflag:s14] =	ssyncset.done @!p0 $0x0  }
0x546: {  	[sflag:s14] =	ssyncadd.s32 @!p0 $0xFFFFFFC0  }
0x547: {  	_ =	swait.ge @!p0 [sflag:s14], $0x40  }
0x548: {  	[sflag:s14] =	ssyncset.done @!p0 $0x0  }
0x549: {  	[sflag:s14] =	ssyncadd.s32 @!p0 $0xFFFFFFC0  }
0x54a: {  	_ =	swait.ge @!p0 [sflag:s14], $0x40  }
0x54b: {  	[sflag:s14] =	ssyncset.done @!p0 $0x0  }
0x54c: {  	[sflag:s14] =	ssyncadd.s32 @!p0 $0xFFFFFFC0  }
0x54d: {  	_ =	swait.ge @!p0 [sflag:s14], $0x40  }
0x54e: {  	[sflag:s14] =	ssyncset.done @!p0 $0x0  }
0x54f: {  	[sflag:s14] =	ssyncadd.s32 @!p0 $0xFFFFFFC0  }
0x550: {  	_ =	swait.ge @!p0 [sflag:s14], $0x40  }
0x551: {  	[sflag:s14] =	ssyncset.done @!p0 $0x0  }
0x552: {  	[sflag:s14] =	ssyncadd.s32 @!p0 $0xFFFFFFC0  }
0x553: {  	_ =	swait.ge @!p0 [sflag:s14], $0x40  }
0x554: {  	[sflag:s14] =	ssyncset.done @!p0 $0x0  }
0x555: {  	[sflag:s14] =	ssyncadd.s32 @!p0 $0xFFFFFFC0  }
0x556: {  	_ =	swait.ge @!p0 [sflag:s14], $0x40  }
0x557: {  	[sflag:s14] =	ssyncset.done @!p0 $0x0  }
0x558: {  	[sflag:s14] =	ssyncadd.s32 @!p0 $0xFFFFFFC0  }
0x559: {  	_ =	swait.ge @!p0 [sflag:s14], $0x40  }
0x55a: {  	vm1 =	vne.s32 v13, v3;
	[sflag:s14] =	ssyncset.done @!p0 $0x0  }
0x55b: {  	vm0 =	vmand vm0, vm1;
	[sflag:s14] =	ssyncadd.s32 @!p0 $0xFFFFFFC0  }
0x55c: {  	v13 =	vsel vm0, $0x3F800000, v7;
	_ =	swait.ge @!p0 [sflag:s14], $0x40  }
0x55d: {  	(xrf0) =	vmax.scan.msk.f32 $0xffff, v13;
	_ =	sdelay $0x5  }
0x55e: {  	v13, _, _ =	vpop (xrf0)  }
0x55f: {  	(v2sf) =	vpush v13, $0xF;
	_ =	sdelay $0xe  }
0x560: {  	s30 =	spop (v2sf)  }
0x561: {  	p1 =	sgt.f32 s30, $0.0e+00  }
.Ltmp69:
0x562: {  	_ = 	snop;
	(pc) =	sbr.rel @p1 .LBB2_80-.Ltmp69, $3  }
0x563: {  	_ =	sdelay $0x1  }
0x564: {  	[sflag:s14] =	ssyncset.done @!p0 $0x0  }
0x565: {  	s5 =	sadd.s32 $0x80, s5;
	[sflag:s14] =	ssyncadd.s32 @!p0 $0xFFFFFFC0  }
.Ltmp70:
0x566: {  	_ = 	snop;
	(pc) =	sbr.rel .LBB2_81-.Ltmp70, $1  }
0x567: {  	_ =	sdelay $0x3  }
.LBB2_83:
0x568: {  	s2 =	sand.u32 $0xF, s20  }
0x569: {  	p0 =	seq.s32 s2, $0x0  }
.Ltmp71:
0x56a: {  	_ = 	snop;
	(pc) =	sbr.rel @p0 .LBB2_87-.Ltmp71, $3  }
0x56b: {  	_ =	sdelay $0x1  }
0x56c: {  	s14 =	rddreg [dreg:$0x0]  }
0x56d: {  	s3 =	rddreg [dreg:$0x13]  }
0x56e: {  	p0 =	sne.s32 s2, $0x1  }
.Ltmp72:
0x56f: {  	_ = 	snop;
	(pc) =	sbr.rel @!p0 .LBB2_86-.Ltmp72, $3  }
0x570: {  	_ =	sdelay $0x1  }
0x571: {  	_ =	swait.ge [sflag:s18], $0x40  }
0x572: {  	s2 =	sadd.s32 $0xFFFFFFFF, s2;
	[sflag:s18] =	ssyncset.done $0x0  }
.LBB2_85:
0x573: {  	p0 =	sne.s32 s2, $0x1;
	s2 =	sadd.s32 $0xFFFFFFFF, s2;
	[sflag:s18] =	ssyncadd.s32 $0xFFFFFFC0  }
.Ltmp73:
0x574: {  	(pc) =	sbr.rel @p0 .LBB2_85-.Ltmp73, $3  }
0x575: {  	_ =	sdelay $0x1  }
0x576: {  	_ =	swait.ge [sflag:s18], $0x40  }
0x577: {  	[sflag:s18] =	ssyncset.done $0x0  }
.Ltmp74:
0x578: {  	_ = 	snop;
	(pc) =	sbr.rel .LBB2_86-.Ltmp74, $1  }
0x579: {  	_ =	sdelay $0x3  }
.LBB2_7:
.Ltmp75:
0x57a: {  	(pc) =	sbr.rel .LBB2_11-.Ltmp75, $2  }
0x57b: {  	_ =	sdelay $0x2  }
0x57c: {  	s3 =	simm.s32 $0x0  }
.LBB2_50:
.Ltmp76:
0x57d: {  	(pc) =	sbr.rel .LBB2_54-.Ltmp76, $2  }
0x57e: {  	_ =	sdelay $0x2  }
0x57f: {  	s3 =	simm.s32 $0x0  }
.LBB2_9:
.Ltmp77:
0x580: {  	(pc) =	sbr.rel .LBB2_11-.Ltmp77, $2  }
0x581: {  	_ =	sdelay $0x2  }
0x582: {  	s3 =	simm.s32 $0x0  }
.LBB2_52:
.Ltmp78:
0x583: {  	(pc) =	sbr.rel .LBB2_54-.Ltmp78, $2  }
0x584: {  	_ =	sdelay $0x2  }
0x585: {  	s3 =	simm.s32 $0x0  }
.LBB2_88:
0x586: {  	_ =	sfence.sel $0x180000  }
0x587: {  	[bflag:$0x0] =	sbarrier.arrive $0xFFFF  }
0x588: {  	_ =	strace $0x90000047  }
0x589: {  	s0 =	stileid.u32;
	[bflag:$0x2] =	sbarrier.arrive $0xFFFF  }
0x58a: {  	p0 =	sne.s32 s0, $0x0;
	s0 =	rddreg [dreg:$0x5]  }
0x58b: {  	s0 =	sadd.s32 @!p0 $0x100000, s0  }
0x58c: {  	[sflag:s0] =	ssyncadd.tile.s32 @!p0 $0x1;
	_ =	shalt  }
.Lfunc_end2:
_tile_overlayer_lowered:
.L_overlay_start_2:
0x58d: {  	(tag) =	ssettag $0x2  }
0x58e: {  	s0 =	rddreg [dreg:$0x0];
	s2 =	stileid.u32  }
0x58f: {  	s1 =	rddreg [dreg:$0x1];
	p0 =	sne.s32 s2, $0x0  }
0x590: {  	s3 =	rddreg [dreg:$0x2];
	[bflag:$0x3] =	sbarrier.arrive $0xFFFF;
	s2 =	simm.s32 @!p0 $0x1C07  }
0x591: {  	[timem:s3], [sflag:s2] =	dma.local @!p0 [hbm:s0], s1  }
0x592: {  	s0 =	simm.s32 @!p0 $0x7  }
0x593: {  	_ =	swait.ge @!p0 [sflag:s0], s1  }
0x594: {  	s1 =	ssub.s32 @!p0 $0x0, s1;
	[sflag:s0] =	ssyncset.done @!p0 $0x0  }
0x595: {  	[sflag:s0] =	ssyncadd.s32 @!p0 s1  }
0x596: {  	[bflag:$0x3] =	sbarrier.arrive $0xFFFF  }
0x597: {  	_ =	shalt  }

// kernel: kernel.7.cloned.1.call-start
scs
__scs_entry_jumppad:
0x0: {  	(pc) =	sbr.rel $0x88, $3  }
0x1: {  	(tag) =	ssettag $0x0;
	lr =	simm.s32 $0x1  }
0x2: {  	[smem:$0x3F9D] =	sst lr;
	_ =	strace $0xD0000000  }
0x3: {  	_ = 	snop  }
0x4: {  	_ = 	snop  }
0x5: {  	_ = 	snop  }
0x6: {  	_ = 	snop  }
0x7: {  	_ = 	snop  }
__scs_overlays_trampoline_lowered:
0x8: {  	[smem:$0x3FAC] =	sst s0  }
0x9: {  	[smem:$0x3FAD] =	sst s1  }
0xa: {  	[smem:$0x3FAE] =	sst s2  }
0xb: {  	[smem:$0x3FAF] =	sst s3  }
0xc: {  	[smem:$0x3FB0] =	sst s4  }
0xd: {  	[smem:$0x3FB1] =	sst s5  }
0xe: {  	[smem:$0x3FB2] =	sst s6  }
0xf: {  	[smem:$0x3FB3] =	sst s7  }
0x10: {  	[smem:$0x3FB4] =	sst s8  }
0x11: {  	[smem:$0x3FB5] =	sst s9;
	s0 =	simm.s32 @!p0 $0x0  }
0x12: {  	s1 =	sld [smem:$0x3F9B];
	s0 =	simm.s32 @p0 $0x1  }
0x13: {  	[smem:$0x3FB6] =	sst s0;
	s0 =	simm.s32 @!p1 $0x0  }
0x14: {  	s2 =	sld [smem:$0x3F9A];
	s0 =	simm.s32 @p1 $0x1  }
0x15: {  	[smem:$0x3FB7] =	sst s0;
	s0 =	simm.s32 @!p2 $0x0  }
0x16: {  	s3 =	sld [smem:$0x3FDB];
	s0 =	simm.s32 @p2 $0x1  }
0x17: {  	s4 =	simm.s32 $0x1BF5;
	[smem:$0x3FB9] =	sst s0  }
0x18: {  	s0 =	sld [smem:$0x3F9C];
	_ =	swait.ge [sflag:s4], $0x0  }
0x19: {  	s7 =	sld [smem:$0x3F9D]  }
0x1a: {  	s8 =	sadd.s32 $0xFFFFE003, lr  }
0x1b: {  	s9 =	sadd.s32 $0xFFFFFEF7, lr;
	s5 =	simm.s32 $0xFFFFFFFF;
	p2 =	slt.u32 s8, $0xFFFFF086  }
0x1c: {  	p1 =	slt.u32 s9, $0xF7A;
	s5 =	simm.s32 @!p2 $0x0  }
0x1d: {  	s5 =	simm.s32 @p1 $0x1;
	p0 =	seq.s32 s7, s2  }
0x1e: {  	s7 =	smul.u32 @!p0 $0xF7A, s2;
	p2 =	seq.s32 @!p0 s5, $0x0  }
0x1f: {  	s9 =	smul.u32 $0xF7A, s1;
	s8 =	simm.s32 @!p0 $0x1BF5;
	p2 =	por !p2, p0  }
0x20: {  	[sflag:s8] =	ssyncset.s32 @!p0 $0xFFFFF086;
	s6 =	sadd.s32 @!p0 s3, s7;
	s7 =	simm.s32 @!p0 $0x108  }
0x21: {  	s3 =	sadd.s32 s3, s9;
	s6 =	sadd.s32 @!p0 $0x88, s6;
	s7 =	simm.s32 @p2 $0x1082  }
0x22: {  	[simem:s7], [sflag:s8] =	dma.local @!p0 [hbm:s6], $0xF7A  }
0x23: {  	s9 =	sor.u32 $0xD0000000, s2;
	s6 =	simm.s32 $0x108;
	_ =	swait.ge @!p0 [sflag:s8], $0x0  }
0x24: {  	s3 =	sadd.s32 $0x88, s3;
	s6 =	simm.s32 @!p1 $0x1082;
	[sflag:s4] =	ssyncset.s32 $0xFFFFF086  }
0x25: {  	[simem:s6], [sflag:s4] =	dma.local [hbm:s3], $0xF7A  }
0x26: {  	[smem:$0x3F9D] =	sst s1;
	(tag) =	ssettag s2;
	_ =	strace s9  }
0x27: {  	s1 =	sld [smem:$0x3FAD]  }
0x28: {  	s2 =	sld [smem:$0x3FAE]  }
0x29: {  	s4 =	sld [smem:$0x3FB0]  }
0x2a: {  	p0 =	seq.s32 s5, $0x0;
	s5 =	sld [smem:$0x3FB1]  }
0x2b: {  	s6 =	sld [smem:$0x3FB2]  }
0x2c: {  	s7 =	sld [smem:$0x3FB3]  }
0x2d: {  	s3 =	simm.s32 $0x108;
	s8 =	sld [smem:$0x3FB4]  }
0x2e: {  	s3 =	simm.s32 @!p0 $0x1082;
	s9 =	sld [smem:$0x3FB5]  }
0x2f: {  	lr =	sadd.s32 s0, s3;
	s0 =	sld [smem:$0x3FAC]  }
0x30: {  	s3 =	sld [smem:$0x3FAF]  }
0x31: {  	[smem:$0x3FB8] =	sst s10  }
0x32: {  	s10 =	sld [smem:$0x3FB6];
	_ =	sdelay $0x3  }
0x33: {  	p0 =	seq.s32 s10, $0x1;
	s10 =	sld [smem:$0x3FB8];
	_ =	sdelay $0x3  }
0x34: {  	[smem:$0x3FB8] =	sst s10  }
0x35: {  	s10 =	sld [smem:$0x3FB7];
	_ =	sdelay $0x3  }
0x36: {  	p1 =	seq.s32 s10, $0x1;
	s10 =	sld [smem:$0x3FB8];
	_ =	sdelay $0x3  }
0x37: {  	[smem:$0x3FB8] =	sst s10  }
0x38: {  	s10 =	sld [smem:$0x3FB9]  }
0x39: {  	_ = 	snop;
	(pc) =	sbr.ind lr, $3  }
0x3a: {  	_ = 	snop  }
0x3b: {  	_ = 	snop  }
0x3c: {  	p2 =	seq.s32 s10, $0x1;
	s10 =	sld [smem:$0x3FB8]  }
0x3d: {  	_ =	shalt  }
0x3e: {  	_ =	shalt  }
0x3f: {  	_ =	shalt  }
0x40: {  	_ =	shalt  }
0x41: {  	_ =	shalt  }
0x42: {  	_ =	shalt  }
0x43: {  	_ =	shalt  }
0x44: {  	_ =	shalt  }
0x45: {  	_ =	shalt  }
0x46: {  	_ =	shalt  }
0x47: {  	_ =	shalt  }
0x48: {  	_ =	shalt  }
0x49: {  	_ =	shalt  }
0x4a: {  	_ =	shalt  }
0x4b: {  	_ =	shalt  }
0x4c: {  	_ =	shalt  }
0x4d: {  	_ =	shalt  }
0x4e: {  	_ =	shalt  }
0x4f: {  	_ =	shalt  }
0x50: {  	_ =	shalt  }
0x51: {  	_ =	shalt  }
0x52: {  	_ =	shalt  }
0x53: {  	_ =	shalt  }
0x54: {  	_ =	shalt  }
0x55: {  	_ =	shalt  }
0x56: {  	_ =	shalt  }
0x57: {  	_ =	shalt  }
0x58: {  	_ =	shalt  }
0x59: {  	_ =	shalt  }
0x5a: {  	_ =	shalt  }
0x5b: {  	_ =	shalt  }
0x5c: {  	_ =	shalt  }
0x5d: {  	_ =	shalt  }
0x5e: {  	_ =	shalt  }
0x5f: {  	_ =	shalt  }
0x60: {  	_ =	shalt  }
0x61: {  	_ =	shalt  }
0x62: {  	_ =	shalt  }
0x63: {  	_ =	shalt  }
0x64: {  	_ =	shalt  }
0x65: {  	_ =	shalt  }
0x66: {  	_ =	shalt  }
0x67: {  	_ =	shalt  }
0x68: {  	_ =	shalt  }
0x69: {  	_ =	shalt  }
0x6a: {  	_ =	shalt  }
0x6b: {  	_ =	shalt  }
0x6c: {  	_ =	shalt  }
0x6d: {  	_ =	shalt  }
0x6e: {  	_ =	shalt  }
0x6f: {  	_ =	shalt  }
0x70: {  	_ =	shalt  }
0x71: {  	_ =	shalt  }
0x72: {  	_ =	shalt  }
0x73: {  	_ =	shalt  }
0x74: {  	_ =	shalt  }
0x75: {  	_ =	shalt  }
0x76: {  	_ =	shalt  }
0x77: {  	_ =	shalt  }
0x78: {  	_ =	shalt  }
0x79: {  	_ =	shalt  }
0x7a: {  	_ =	shalt  }
0x7b: {  	_ =	shalt  }
0x7c: {  	_ =	shalt  }
0x7d: {  	_ =	shalt  }
0x7e: {  	_ =	shalt  }
0x7f: {  	_ =	shalt  }
0x80: {  	_ =	shalt  }
0x81: {  	_ =	shalt  }
0x82: {  	_ =	shalt  }
0x83: {  	_ =	shalt  }
0x84: {  	_ =	shalt  }
0x85: {  	_ =	shalt  }
0x86: {  	_ =	shalt  }
0x87: {  	_ =	shalt  }
.Lfunc_end0:
.L_simem_size_0:
called_computation.1_lowered:
.L_overlay_start_0:
0x88: {  	s2 =	sld [smem:$0x3FD9]  }
0x89: {  	s3 =	sld [smem:$0x3FFE];
	_ =	sdelay $0x1  }
0x8a: {  	s1 =	srdreg.scid  }
0x8b: {  	s0 =	sand.u32 $0x1, s1  }
0x8c: {  	s17 =	sshll.u32 s0, $0xA;
	s2 =	sadd.s32 s3, s2  }
0x8d: {  	s2 =	sadd.s32 s2, s17  }
0x8e: {  	[smem:$0x3FC4] =	sst s2  }
0x8f: {  	_ = 	snop  }
0x90: {  	s2 =	sld [smem:$0x3FD0];
	(tm) =	ssettm $0x1  }
0x91: {  	s18 =	sld [smem:$0x3FFB];
	_ =	sdelay $0x3  }
0x92: {  	_ =	strace s18  }
0x93: {  	s3 =	sld [smem:$0x3FFC];
	_ =	sdelay $0x3  }
0x94: {  	_ =	strace s3  }
0x95: {  	s3 =	sld [smem:$0x3FFD];
	_ =	sdelay $0x3  }
0x96: {  	_ =	strace s3  }
0x97: {  	_ =	strace $0x8FFFFFFF  }
0x98: {  	s19 =	sld [smem:$0x3FDB];
	_ =	sdelay $0x1  }
0x99: {  	s4 =	simm.s32 $_scs_section_size  }
0x9a: {  	s5 =	simm.s32 $_size__tile_overlayer_lowered;
	s6 =	simm.s32 $_tile_overlayer_lowered  }
0x9b: {  	s22 =	simm.s32 $0x1BFF;
	s21 =	sshll.u32 s6, $0x1;
	s3 =	sadd.s32 s4, s19  }
0x9c: {  	s7 =	simm.s32 $0x0;
	s20 =	sshll.u32 s5, $0x1;
	s5 =	sadd.s32 s21, s3  }
0x9d: {  	[timem:s7], [sflag:s22] =	dma.local [hbm:s5], s20  }
0x9e: {  	_ =	swait.ge [sflag:s22], s20  }
0x9f: {  	s4 =	ssub.s32 $0x0, s20;
	[sflag:s22] =	ssyncset.done $0x0  }
0xa0: {  	[sflag:s22] =	ssyncadd.s32 s4;
	_ =	sdelay $0x1  }
0xa1: {  	s23 =	simm.s32 $0x1B8B  }
0xa2: {  	_ =	swait.ge [sflag:s23], $0x1  }
0xa3: {  	[sflag:s23] =	ssyncset.done $0x0  }
0xa4: {  	s25 =	simm.s32 $0x1B8E;
	s24 =	sld [smem:$0x3FFE];
	[sflag:s23] =	ssyncadd.s32 $0xFFFFFFFF  }
0xa5: {  	s26 =	simm.s32 $execute0_lowered;
	[smem:$0x3FD2] =	sst s25  }
0xa6: {  	s5 =	sshll.u32 s26, $0x1;
	_ =	strace $0x80000049;
	[dreg:$0x1] =	wrdreg $0xFFFFFFFF  }
0xa7: {  	s28 =	simm.s32 $_size_execute0_lowered;
	s3 =	sadd.s32 s3, s5;
	[dreg:$0x0] =	wrdreg $0x0  }
0xa8: {  	s5 =	sshll.u32 s28, $0x1;
	[dreg:$0x2] =	wrdreg s3  }
0xa9: {  	[dreg:$0x3] =	wrdreg s5  }
0xaa: {  	[dreg:$0x4] =	wrdreg $0xC0  }
0xab: {  	_ =	task [dreg:s7], $0x5FFFF  }
0xac: {  	[dreg:$0x1] =	wrdreg $0xFFFFFFFF  }
0xad: {  	[dreg:$0x0] =	wrdreg $0x60  }
0xae: {  	[dreg:$0x2] =	wrdreg s24  }
0xaf: {  	[dreg:$0x3] =	wrdreg s2  }
0xb0: {  	[dreg:$0x4] =	wrdreg $0x9  }
0xb1: {  	_ =	task.clear_ibuf [dreg:s7], $0x5FFFF;
	_ =	strace $0x90000049  }
0xb2: {  	s29 =	simm.s32 $0x9;
	_ =	strace $0x8000004B  }
0xb3: {  	_ =	swait.ge [sflag:s29], $0x1  }
0xb4: {  	[sflag:s29] =	ssyncadd.s32 $0xFFFFFFFF  }
0xb5: {  	_ =	strace $0x9000004B  }
0xb6: {  	_ =	sfence  }
0xb7: {  	s30 =	sld [smem:$0x0];
	_ =	sdelay $0x2  }
0xb8: {  	s31 =	sshll.u32 s1, $0xD;
	s1 =	sshrl.u32 s1, $0x2  }
0xb9: {  	s3 =	sand.u32 $0x4000, s31;
	s1 =	sadd.s32 s1, s30  }
0xba: {  	s0 =	sor.u32 s3, s0;
	s1 =	sshll.u32 s1, $0x11  }
0xbb: {  	s0 =	sor.u32 s1, s0  }
0xbc: {  	s0 =	sadd.s32 $0x8F2B, s0  }
0xbd: {  	[sflag:s0] =	ssyncadd.remote.s32 $0x1  }
0xbe: {  	_ =	sfence.sel $0xFFFF  }
0xbf: {  	[dreg:$0x0] =	wrdreg $0xFFFFFFFF;
	(pc) =	sbr.abs _section_cstart, $3  }
0xc0: {  	[dreg:$0x1] =	wrdreg $0xFFFFFFFF  }
0xc1: {  	_ =	task.clear_ibuf [dreg:s7], $0x2FFFF;
	_ =	strace $0x9FFFFFFF  }
0xc2: {  	(tm) =	ssettm $0x7FFFFFFF  }
0xc3: {  	_ =	shalt  }
tec
execute0_lowered:
.L_overlay_start_1:
0x0: {  	(tag) =	ssettag $0x1  }
0x1: {  	s3 =	rddreg [dreg:$0x0]  }
0x2: {  	s1 =	srdreg.scid;
	s0 =	stileid.u32  }
0x3: {  	s5 =	rddreg [dreg:$0x1];
	s2 =	simm.s32 $0x0;
	s9 =	simm.s32 $0x2  }
0x4: {  	s10 =	simm.s32 $0x10000;
	s11 =	simm.s32 $0x3;
	s12 =	simm.s32 $0x0  }
0x5: {  	s4 =	sand.u32 $0x1, s1;
	s6 =	sshll.u32 s0, $0x1;
	s1 =	rddreg [dreg:$0x2]  }
0x6: {  	[smem:$0x7FF] =	sst s2;
	s6 =	sor.u32 s4, s6;
	s4 =	ssub.s32 $0x2, s4  }
0x7: {  	_ =	strace $0x8000004A;
	s7 =	sshll.u32 s6, $0xC;
	s31 =	sshrl.u32 s4, $0x1  }
0x8: {  	s6 =	sshll.u32 s6, $0x6;
	s7 =	sadd.s32 s7, s3;
	s8 =	ssub.s32 s4, s31  }
0x9: {  	s5 =	sadd.s32 s5, s6;
	s3 =	sadd.s32 $0xC00, s7;
	s4 =	sadd.s32 $0x20C00, s7  }
0xa: {  	s6 =	smax.u32 s8, $0x1;
	s7 =	simm.s32 $0x8000;
	s8 =	simm.s32 $0x1  }
.LBB2_1:
0xb: {  	[tilespmem:s2], [sflag:$0x1] =	stream.linear.gather [hbm4b:s3+s2], $0x8000, $0x38;
	[tilespmem:$0x10200] =	vst v63  }
0xc: {  	_ = 	snop  }
0xd: {  	[tilespmem:s7], [sflag:$0x2] =	stream.linear.gather [hbm4b:s4+s2], $0x8000, $0x38;
	[tilespmem:$0x10200] =	vst v63  }
0xe: {  	_ =	swait.ge [sflag:s8], $0x8000  }
0xf: {  	[sflag:s8] =	ssyncset.done $0x0  }
0x10: {  	[sflag:s8] =	ssyncadd.s32 $0xFFFF8000  }
0x11: {  	_ =	swait.ge [sflag:s9], $0x8000  }
0x12: {  	[sflag:s9] =	ssyncset.done $0x0  }
0x13: {  	s14 =	simm.s32 $0x8020;
	[sflag:s9] =	ssyncadd.s32 $0xFFFF8000  }
0x14: {  	s15 =	simm.s32 $0x20;
	v0 =	vld [tilespmem:s14+$0xFFFFFFE0]  }
0x15: {  	s16 =	simm.s32 $0x1;
	s13 =	simm.s32 $0x0;
	v1 =	vld [tilespmem:s15+$0xFFFFFFE0]  }
.LBB2_2:
0x16: {  	p0 =	sne.s32 s16, $0x1FF;
	v2 =	vld [tilespmem:s15+$0xFFFFFFF0]  }
0x17: {  	v3 =	vld [tilespmem:s14+$0xFFFFFFF0]  }
0x18: {  	v4 =	vld [tilespmem:s15+$0x0]  }
0x19: {  	v5 =	vld [tilespmem:s14+$0x0]  }
0x1a: {  	v0 =	vmul.f32 v0, v1;
	v1 =	vld [tilespmem:s15+$0x10]  }
0x1b: {  	v6 =	vld [tilespmem:s14+$0x10]  }
0x1c: {  	v0 =	vadd.f32 $0.0e+00, v0;
	v2 =	vmul.f32 v3, v2;
	_ =	sdelay $0x1  }
0x1d: {  	v0 =	vadd.f32 v2, v0;
	v2 =	vmul.f32 v5, v4;
	_ =	sdelay $0x1  }
0x1e: {  	v0 =	vadd.f32 v2, v0;
	v1 =	vmul.f32 v6, v1;
	_ =	sdelay $0x1  }
0x1f: {  	v0 =	vadd.f32 v1, v0;
	_ =	sdelay $0x1  }
0x20: {  	(xrf2) =	vadd.scan.msk.f32 $0xffff, v0;
	_ =	sdelay $0x7  }
0x21: {  	v0 =	vmov s13;
	s13 =	smov.u32 s16;
	_ =	sdelay $0x1  }
0x22: {  	v1, _, _ =	vpop (xrf2)  }
.Ltmp0:
0x23: {  	v1 =	vbroadcast v1, $0xF;
	(pc) =	sbr.rel @p0 .LBB2_2-.Ltmp0, $4  }
0x24: {  	_ = 	snop  }
0x25: {  	s14 =	sadd.s32 $0x40, s14;
	[tilespmem:v0+s10+$0x0] =	vst.idx.msk $0x1, v1  }
0x26: {  	s15 =	sadd.s32 $0x40, s15;
	v0 =	vld [tilespmem:s14+$0xFFFFFFE0]  }
0x27: {  	s16 =	sadd.s32 $0x1, s16;
	v1 =	vld [tilespmem:s15+$0xFFFFFFE0]  }
0x28: {  	v2 =	vld [tilespmem:s15+$0xFFFFFFF0]  }
0x29: {  	v3 =	vld [tilespmem:s14+$0xFFFFFFF0]  }
0x2a: {  	v4 =	vld [tilespmem:s15+$0x0]  }
0x2b: {  	v5 =	vld [tilespmem:s14+$0x0]  }
0x2c: {  	v60 =	vld [tilespmem:s15+$0x10];
	v0 =	vmul.f32 v0, v1  }
0x2d: {  	v6 =	vld [tilespmem:s14+$0x10]  }
0x2e: {  	v2 =	vmul.f32 v3, v2;
	v0 =	vadd.f32 $0.0e+00, v0;
	_ =	sdelay $0x1  }
0x2f: {  	v61 =	vmul.f32 v5, v4;
	v0 =	vadd.f32 v2, v0;
	_ =	sdelay $0x1  }
0x30: {  	v1 =	vmul.f32 v6, v60;
	v0 =	vadd.f32 v61, v0;
	_ =	sdelay $0x1  }
0x31: {  	v0 =	vadd.f32 v1, v0;
	_ =	sdelay $0x1  }
0x32: {  	(xrf2) =	vadd.scan.msk.f32 $0xffff, v0;
	_ =	sdelay $0x7  }
0x33: {  	v62 =	vmov s13;
	_ =	sdelay $0x1  }
0x34: {  	v63, _, _ =	vpop (xrf2)  }
0x35: {  	s12 =	sadd.s32 $0x1, s12;
	v1 =	vbroadcast v63, $0xF  }
0x36: {  	p0 =	sne.s32 s12, s6  }
.Ltmp1:
0x37: {  	[tilespmem:v62+s10+$0x0] =	vst.idx.msk $0x1, v1;
	(pc) =	sbr.rel @p0 .LBB2_1-.Ltmp1, $4  }
0x38: {  	[hbm4b:s5+s2] =	stream.linear.scatter [tilespmem:s10], [sflag:$0x3], $0x200, $0x38;
	[tilespmem:$0x10200] =	vst v63  }
0x39: {  	_ =	swait.ge [sflag:s11], $0x200  }
0x3a: {  	[sflag:s11] =	ssyncset.done $0x0  }
0x3b: {  	[sflag:s11] =	ssyncadd.s32 $0xFFFFFE00  }
0x3c: {  	_ =	sfence.sel $0x180000  }
0x3d: {  	[bflag:$0x0] =	sbarrier.arrive $0xFFFF  }
0x3e: {  	p0 =	sne.s32 s0, $0x0;
	_ =	strace $0x9000004A  }
0x3f: {  	s0 =	sadd.s32 @!p0 $0x100000, s1;
	[bflag:$0x2] =	sbarrier.arrive $0xFFFF  }
0x40: {  	[sflag:s0] =	ssyncadd.tile.s32 @!p0 $0x1;
	_ =	shalt  }
.Lfunc_end2:
_tile_overlayer_lowered:
.L_overlay_start_2:
0x41: {  	(tag) =	ssettag $0x2  }
0x42: {  	s0 =	rddreg [dreg:$0x0];
	s2 =	stileid.u32  }
0x43: {  	s1 =	rddreg [dreg:$0x1];
	p0 =	sne.s32 s2, $0x0  }
0x44: {  	s3 =	rddreg [dreg:$0x2];
	[bflag:$0x3] =	sbarrier.arrive $0xFFFF;
	s2 =	simm.s32 @!p0 $0x1C03  }
0x45: {  	[timem:s3], [sflag:s2] =	dma.local @!p0 [hbm:s0], s1  }
0x46: {  	s0 =	simm.s32 @!p0 $0x3  }
0x47: {  	_ =	swait.ge @!p0 [sflag:s0], s1  }
0x48: {  	s1 =	ssub.s32 @!p0 $0x0, s1;
	[sflag:s0] =	ssyncset.done @!p0 $0x0  }
0x49: {  	[sflag:s0] =	ssyncadd.s32 @!p0 s1  }
0x4a: {  	[bflag:$0x3] =	sbarrier.arrive $0xFFFF  }
0x4b: {  	_ =	shalt  }

</sc_bundles>
